<compile_context>
chip_gen: v7x
topology: tpu7x:2x2x1
jax: 0.10.2.dev20260603
libtpu: 0.0.44.dev20260713+nightly
codegen_flags: <defaults>
</compile_context>

<pallas_src>
import functools

import jax
import jax.numpy as jnp
from jax import lax
from jax.experimental import pallas as pl
from jax.experimental.pallas import tpu as pltpu
from jax.experimental.pallas import tpu_sc as plsc

NC, NS, LANES = 2, 16, 16
NW = NC * NS
IROW = 128


SLAB = 256


def _make_transpose_kernel(v: int, d: int):
    nblk = v // SLAB
    per_w = nblk // NW
    extra = nblk - per_w * NW
    tail_rows = v - nblk * SLAB
    out_sds = jax.ShapeDtypeStruct((v * d,), jnp.float32)

    @functools.partial(
        pl.kernel,
        out_type=out_sds,
        mesh=plsc.VectorSubcoreMesh(
            core_axis_name="c", subcore_axis_name="s",
            num_cores=NC, num_subcores=NS),
        scratch_types=[
            pltpu.VMEM((d, SLAB), jnp.float32),
            pltpu.VMEM((d, SLAB), jnp.float32),
            pltpu.VMEM((d, SLAB), jnp.float32),
            pltpu.VMEM((d, SLAB), jnp.float32),
            pltpu.VMEM((d * SLAB,), jnp.float32),
            pltpu.VMEM((d * SLAB,), jnp.float32),
            pltpu.VMEM((tail_rows * d or 128,), jnp.float32),
            pltpu.SemaphoreType.DMA,
            pltpu.SemaphoreType.DMA,
            pltpu.SemaphoreType.DMA,
            pltpu.SemaphoreType.DMA,
        ],
        compiler_params=pltpu.CompilerParams(
            use_tc_tiling_on_sc=True, needs_layout_passes=False),
    )
    def k(ett_hbm, gtt_hbm, tail_hbm, out_hbm,
          ein0, ein1, gin0, gin1, ob0, ob1, tbuf,
          gs0, gs1, os0, os1):
        wid = lax.axis_index("s") * NC + lax.axis_index("c")
        base = wid * per_w
        inb = ((ein0, gin0), (ein1, gin1))
        outb = (ob0, ob1)
        gsem = (gs0, gs1)
        osem = (os0, os1)
        srcs = (ett_hbm, gtt_hbm)
        owords = d * SLAB

        def fire_in(blk, slot):
            for t in range(2):
                pltpu.async_copy(
                    srcs[t].at[:, pl.ds(blk * SLAB, SLAB)], inb[slot][t],
                    gsem[slot])

        def wait_in(slot):
            for t in range(2):
                pltpu.make_async_copy(
                    srcs[t].at[:, pl.ds(0, SLAB)], inb[slot][t],
                    gsem[slot]).wait()

        def transpose(slot):
            iot = lax.iota(jnp.int32, LANES)

            def diag(c0, carry):
                cvec = c0 + iot
                cvec = jnp.where(cvec < d, cvec, cvec - d)
                sbase = iot * d + cvec
                rs = list(range(0, SLAB, LANES))
                es = [plsc.load_gather(inb[slot][0], [cvec, r0 + iot])
                      for r0 in rs]
                gs = [plsc.load_gather(inb[slot][1], [cvec, r0 + iot])
                      for r0 in rs]
                for i, r0 in enumerate(rs):
                    val = jnp.where(gs[i] >= 0.5, es[i], 0.0)
                    plsc.store_scatter(outb[slot], [sbase + r0 * d], val)
                return carry

            lax.fori_loop(0, d, diag, 0, unroll=2)

        def fire_out(blk, slot):
            pltpu.async_copy(
                outb[slot], out_hbm.at[pl.ds(blk * owords, owords)],
                osem[slot])

        def wait_out(slot):
            pltpu.make_async_copy(
                outb[slot], out_hbm.at[pl.ds(0, owords)],
                osem[slot]).wait()

        @pl.when(wid < extra)
        def _():
            blk = per_w * NW + wid
            fire_in(blk, 0)
            wait_in(0)
            transpose(0)
            fire_out(blk, 0)
            wait_out(0)

        if tail_rows:
            tw = tail_rows * d

            @pl.when(wid == extra)
            def _():
                pltpu.sync_copy(tail_hbm, tbuf)
                pltpu.sync_copy(tbuf,
                                out_hbm.at[pl.ds(nblk * owords, tw)])

        fire_in(base, 0)

        def loop_body(j, carry):
            for s in range(2):
                blk = base + j + s
                nxt = j + s + 1
                nslot = 1 - s

                @pl.when(nxt < per_w)
                def _():
                    @pl.when(j + s >= 1)
                    def _():
                        wait_out(nslot)
                    fire_in(base + nxt, nslot)

                wait_in(s)
                transpose(s)
                fire_out(blk, s)
            return carry

        lax.fori_loop(0, per_w // 2, lambda i, c: loop_body(2 * i, c), 0)
        wait_out(0)
        wait_out(1)

    return k


def _make_gather_kernel(b: int, f: int, d: int):
    bpw = b // NW
    b4 = bpw // IROW
    d8 = d // 8
    plane = (b // 128) * 8 * 128

    @functools.partial(
        pl.kernel,
        out_type=jax.ShapeDtypeStruct((f, d8, plane), jnp.float32),
        mesh=plsc.VectorSubcoreMesh(
            core_axis_name="c", subcore_axis_name="s",
            num_cores=NC, num_subcores=NS),
        scratch_types=[
            pltpu.VMEM((f, b4, IROW), jnp.int32),
            pltpu.VMEM((bpw, d), jnp.float32),
            pltpu.VMEM((bpw, d), jnp.float32),
            pltpu.VMEM((bpw * d,), jnp.float32),
            pltpu.VMEM((bpw * d,), jnp.float32),
            pltpu.SemaphoreType.DMA,
            pltpu.SemaphoreType.DMA,
            pltpu.SemaphoreType.DMA,
            pltpu.SemaphoreType.DMA,
        ],
        compiler_params=pltpu.CompilerParams(
            use_tc_tiling_on_sc=False, needs_layout_passes=False),
    )
    def k(idx_hbm, emb_hbm, out_hbm,
          idx_v, emb0, emb1, ob0, ob1, gs0, gs1, os0, os1):
        wid = lax.axis_index("s") * NC + lax.axis_index("c")
        ebuf = (emb0, emb1)
        obuf = (ob0, ob1)
        gsem = (gs0, gs1)
        osem = (os0, os1)
        qw = b4 * 1024

        pltpu.sync_copy(idx_hbm.at[:, pl.ds(wid * b4, b4)], idx_v)

        def fire_gathers(fch, slot):
            for q in range(b4):
                row = idx_v.at[fch, q]
                dst = pl.ds(q * IROW, IROW)
                pltpu.async_copy(emb_hbm.at[row], ebuf[slot].at[dst], gsem[slot])

        def wait_gathers(slot):
            row = idx_v.at[0, 0]
            pltpu.make_async_copy(emb_hbm.at[row], ebuf[slot], gsem[slot]).wait()

        def compute_chunk(slot):
            iot = lax.iota(jnp.int32, LANES)

            def diag(c0, carry):
                cvec = c0 + iot
                cvec = jnp.where(cvec < d, cvec, cvec - d)
                cdst = ((cvec >> 3) * (b4 * 1024) + (cvec & 7) * 128 + iot)
                rs = list(range(0, bpw, LANES))
                vals = [plsc.load_gather(ebuf[slot], [r0 + iot, cvec])
                        for r0 in rs]
                for i, r0 in enumerate(rs):
                    off = (r0 // 128) * 1024 + (r0 % 128)
                    plsc.store_scatter(obuf[slot], [cdst + off], vals[i])
                return carry

            lax.fori_loop(0, d, diag, 0, unroll=2)

        def fire_out(fch, slot):
            for q in range(d8):
                pltpu.async_copy(
                    obuf[slot].at[pl.ds(q * qw, qw)],
                    out_hbm.at[fch, q, pl.ds(wid * qw, qw)],
                    osem[slot])

        def wait_out(slot):
            pltpu.make_async_copy(
                obuf[slot], out_hbm.at[0, 0, pl.ds(0, bpw * d)],
                osem[slot]).wait()

        fire_gathers(0, 0)

        def loop_body(j, carry):
            for s in range(2):
                fch = j + s
                nxt = fch + 1
                nslot = 1 - s

                @pl.when(nxt < f)
                def _():
                    fire_gathers(nxt, nslot)

                wait_gathers(s)

                @pl.when(fch >= 2)
                def _():
                    wait_out(s)
                compute_chunk(s)
                fire_out(fch, s)
            return carry

        lax.fori_loop(0, f // 2, lambda i, c: loop_body(2 * i, c), 0)
        wait_out(0)
        wait_out(1)

    return k


def kernel(indices, emb_table, gate_table):
    b, f = indices.shape
    v, d = emb_table.shape
    assert b % (NW * IROW) == 0 and d % LANES == 0 and f % 2 == 0
    assert (v % 128) * d % 128 == 0 and v * d % 128 == 0
    tail_rows = v % SLAB

    if tail_rows:
        te = emb_table[v - tail_rows:, :]
        tg = gate_table[v - tail_rows:, :]
        tail = jnp.where(tg >= 0.5, te, 0.0).reshape(tail_rows * d)
    else:
        tail = jnp.zeros((128,), jnp.float32)

    gated = _make_transpose_kernel(v, d)(emb_table.T, gate_table.T, tail)
    idx = indices.astype(jnp.int32).T.reshape(f, b // IROW, IROW)
    o3 = _make_gather_kernel(b, f, d)(idx, gated.reshape(v, d))
    o5 = o3.reshape(f, d // 8, b // 128, 8, 128)
    return o5.transpose(2, 4, 0, 1, 3).reshape(b, f, d)

# --- scband reference (transcript-rebuilt; emitter-appended) ---
"""Pipeline reference for scband-differentiable-embedding-72335839199510 (READ-ONLY COPY).

The authoritative reference and input builder live on the scoring server;
editing this copy changes nothing except your own understanding.
"""

import jax, jax.numpy as jnp
import numpy as np

L = 1000000.0

def gate_func(x):
    x_ = x - 0.5
    b = (x >= 0.5).astype(jnp.float32)
    return b + (L * x_ - jnp.floor(L * x_)) / L

def setup_inputs(seed: int = 0) -> dict:
    key = jax.random.key(seed)
    k1, k2, k3 = jax.random.split(key, 3)
    V, D = 1000000, 32
    B, F = 16384, 26
    indices = jax.random.randint(k1, (B, F), 0, V, dtype=jnp.int64) if jax.config.jax_enable_x64 else jax.random.randint(k1, (B, F), 0, V, dtype=jnp.int32)
    emb_table = jax.random.normal(k2, (V, D), dtype=jnp.float32)
    gate_table = jax.random.uniform(k3, (V, D), dtype=jnp.float32, minval=0.001, maxval=1.0)
    return {"indices": indices, "emb_table": emb_table, "gate_table": gate_table}

def reference(indices, emb_table, gate_table):
    # data = self.embedding(input)
    data = jnp.take(emb_table, indices, axis=0)
    # gates = gate_func(self.gates(input))
    g = jnp.take(gate_table, indices, axis=0)
    gates = gate_func(g)
    return data * gates

if __name__ == "__main__":
    import jax
    _d = setup_inputs()
    print(jax.jit(kernel)(*tuple(_d.values())))

</pallas_src>

<mosaic_0001>
#map = affine_map<(d0, d1) -> (0, 0, 0)>
#map1 = affine_map<(d0, d1) -> (0, 0)>
module attributes {stable_mosaic.version = 14 : i64} {
  func.func @k(%arg0: i32, %arg1: i32, %arg2: memref<26x128x128xi32, #tpu.memory_space<hbm>>, %arg3: memref<1000000x32xf32, #tpu.memory_space<hbm>>, %arg4: memref<26x4x131072xf32, #tpu.memory_space<hbm>>, %arg5: memref<26x4x128xi32, #tpu.memory_space<vmem>>, %arg6: memref<512x32xf32, #tpu.memory_space<vmem>>, %arg7: memref<512x32xf32, #tpu.memory_space<vmem>>, %arg8: memref<16384xf32, #tpu.memory_space<vmem>>, %arg9: memref<16384xf32, #tpu.memory_space<vmem>>, %arg10: memref<!tpu.dma_semaphore, #tpu.memory_space<semaphore_mem>>, %arg11: memref<!tpu.dma_semaphore, #tpu.memory_space<semaphore_mem>>, %arg12: memref<!tpu.dma_semaphore, #tpu.memory_space<semaphore_mem>>, %arg13: memref<!tpu.dma_semaphore, #tpu.memory_space<semaphore_mem>>) attributes {dimension_semantics = [#tpu.dimension_semantics<core_parallel>, #tpu.dimension_semantics<subcore_parallel>], iteration_bounds = array<i64: 2, 16>, scalar_prefetch = 0 : i64, scratch_operands = 9 : i64, tpu.core_type = #tpu.core_type<sc_vector_subcore>, window_params = [{transform_indices = #map}, {transform_indices = #map1}, {transform_indices = #map}]} {
    %mul3A = arith.constant 2 : i32
    %mul3A_0 = arith.muli %arg1, %mul3A : i32
    %add3A = arith.addi %mul3A_0, %arg0 : i32
    %mul3A_1 = arith.constant 4 : i32
    %mul3A_2 = arith.muli %add3A, %mul3A_1 : i32
    "tpu.region"() ({
      %run_scoped3A = tpu.sem_alloc : memref<!tpu.dma_semaphore, #tpu.memory_space<semaphore_mem>>
      %dma_start3A_66 = arith.constant 0 : i32
      %dma_start3A_67 = arith.constant 0 : i32
      %dma_start3A_68 = tpu.memref_slice %arg2[%dma_start3A_66, %mul3A_2, %dma_start3A_67] : memref<26x128x128xi32, #tpu.memory_space<hbm>> -> memref<26x4x128xi32, #tpu.memory_space<hbm>>
      %dma_start3A_69 = arith.constant 0 : i32
      %dma_start3A_70 = arith.constant 0 : i32
      %dma_start3A_71 = tpu.memref_slice %arg2[%dma_start3A_69, %mul3A_2, %dma_start3A_70] : memref<26x128x128xi32, #tpu.memory_space<hbm>> -> memref<26x4x128xi32, #tpu.memory_space<hbm>>
      tpu.enqueue_dma source(%dma_start3A_71 : memref<26x4x128xi32, #tpu.memory_space<hbm>>) target(%arg5 : memref<26x4x128xi32, #tpu.memory_space<vmem>>) target_semaphore(%run_scoped3A : memref<!tpu.dma_semaphore, #tpu.memory_space<semaphore_mem>>)
      %dma_wait3A_72 = arith.constant 0 : i32
      %dma_wait3A_73 = arith.constant 0 : i32
      %dma_wait3A_74 = tpu.memref_slice %arg2[%dma_wait3A_72, %mul3A_2, %dma_wait3A_73] : memref<26x128x128xi32, #tpu.memory_space<hbm>> -> memref<26x4x128xi32, #tpu.memory_space<hbm>>
      %dma_wait3A_75 = arith.constant 0 : i32
      %dma_wait3A_76 = arith.constant 0 : i32
      %dma_wait3A_77 = tpu.memref_slice %arg2[%dma_wait3A_75, %mul3A_2, %dma_wait3A_76] : memref<26x128x128xi32, #tpu.memory_space<hbm>> -> memref<26x4x128xi32, #tpu.memory_space<hbm>>
      tpu.wait_dma2 semaphore(%run_scoped3A : memref<!tpu.dma_semaphore, #tpu.memory_space<semaphore_mem>>) src(%dma_wait3A_77 : memref<26x4x128xi32, #tpu.memory_space<hbm>>) dst(%arg5 : memref<26x4x128xi32, #tpu.memory_space<vmem>>)
      tpu.yield
    }) : () -> ()
    %dma_start3A = arith.constant 0 : i32
    %dma_start3A_3 = arith.constant 0 : i32
    %dma_start3A_4 = arith.constant 0 : i32
    %dma_start3A_5 = arith.constant 0 : i32
    %dma_start3A_6 = tpu.memref_slice %arg6[%dma_start3A_4, %dma_start3A_5] : memref<512x32xf32, #tpu.memory_space<vmem>> -> memref<128x32xf32, #tpu.memory_space<vmem>>
    %dma_start3A_7 = arith.constant 0 : i32
    %dma_start3A_8 = tpu.memref_slice %arg5[%dma_start3A, %dma_start3A_3, %dma_start3A_7] : memref<26x4x128xi32, #tpu.memory_space<vmem>> -> memref<1x1x128xi32, #tpu.memory_space<vmem>>
    %dma_start3A_9 = tpu.memref_squeeze %dma_start3A_8 : memref<1x1x128xi32, #tpu.memory_space<vmem>> -> memref<128xi32, #tpu.memory_space<vmem>>
    %dma_start3A_10 = arith.constant 0 : i32
    %dma_start3A_11 = arith.constant 0 : i32
    %dma_start3A_12 = tpu.memref_slice %arg3[%dma_start3A_10, %dma_start3A_11] : memref<1000000x32xf32, #tpu.memory_space<hbm>> -> memref<1000000x32xf32, #tpu.memory_space<hbm>>
    tpu.enqueue_indirect_dma source(%dma_start3A_12 : memref<1000000x32xf32, #tpu.memory_space<hbm>>) target(%dma_start3A_6 : memref<128x32xf32, #tpu.memory_space<vmem>>) offsets(%dma_start3A_9 : memref<128xi32, #tpu.memory_space<vmem>>) semaphore(%arg10 : memref<!tpu.dma_semaphore, #tpu.memory_space<semaphore_mem>>)
    %dma_start3A_13 = arith.constant 0 : i32
    %dma_start3A_14 = arith.constant 1 : i32
    %dma_start3A_15 = arith.constant 128 : i32
    %dma_start3A_16 = arith.constant 0 : i32
    %dma_start3A_17 = tpu.memref_slice %arg6[%dma_start3A_15, %dma_start3A_16] : memref<512x32xf32, #tpu.memory_space<vmem>> -> memref<128x32xf32, #tpu.memory_space<vmem>>
    %dma_start3A_18 = arith.constant 0 : i32
    %dma_start3A_19 = tpu.memref_slice %arg5[%dma_start3A_13, %dma_start3A_14, %dma_start3A_18] : memref<26x4x128xi32, #tpu.memory_space<vmem>> -> memref<1x1x128xi32, #tpu.memory_space<vmem>>
    %dma_start3A_20 = tpu.memref_squeeze %dma_start3A_19 : memref<1x1x128xi32, #tpu.memory_space<vmem>> -> memref<128xi32, #tpu.memory_space<vmem>>
    %dma_start3A_21 = arith.constant 0 : i32
    %dma_start3A_22 = arith.constant 0 : i32
    %dma_start3A_23 = tpu.memref_slice %arg3[%dma_start3A_21, %dma_start3A_22] : memref<1000000x32xf32, #tpu.memory_space<hbm>> -> memref<1000000x32xf32, #tpu.memory_space<hbm>>
    tpu.enqueue_indirect_dma source(%dma_start3A_23 : memref<1000000x32xf32, #tpu.memory_space<hbm>>) target(%dma_start3A_17 : memref<128x32xf32, #tpu.memory_space<vmem>>) offsets(%dma_start3A_20 : memref<128xi32, #tpu.memory_space<vmem>>) semaphore(%arg10 : memref<!tpu.dma_semaphore, #tpu.memory_space<semaphore_mem>>)
    %dma_start3A_24 = arith.constant 0 : i32
    %dma_start3A_25 = arith.constant 2 : i32
    %dma_start3A_26 = arith.constant 256 : i32
    %dma_start3A_27 = arith.constant 0 : i32
    %dma_start3A_28 = tpu.memref_slice %arg6[%dma_start3A_26, %dma_start3A_27] : memref<512x32xf32, #tpu.memory_space<vmem>> -> memref<128x32xf32, #tpu.memory_space<vmem>>
    %dma_start3A_29 = arith.constant 0 : i32
    %dma_start3A_30 = tpu.memref_slice %arg5[%dma_start3A_24, %dma_start3A_25, %dma_start3A_29] : memref<26x4x128xi32, #tpu.memory_space<vmem>> -> memref<1x1x128xi32, #tpu.memory_space<vmem>>
    %dma_start3A_31 = tpu.memref_squeeze %dma_start3A_30 : memref<1x1x128xi32, #tpu.memory_space<vmem>> -> memref<128xi32, #tpu.memory_space<vmem>>
    %dma_start3A_32 = arith.constant 0 : i32
    %dma_start3A_33 = arith.constant 0 : i32
    %dma_start3A_34 = tpu.memref_slice %arg3[%dma_start3A_32, %dma_start3A_33] : memref<1000000x32xf32, #tpu.memory_space<hbm>> -> memref<1000000x32xf32, #tpu.memory_space<hbm>>
    tpu.enqueue_indirect_dma source(%dma_start3A_34 : memref<1000000x32xf32, #tpu.memory_space<hbm>>) target(%dma_start3A_28 : memref<128x32xf32, #tpu.memory_space<vmem>>) offsets(%dma_start3A_31 : memref<128xi32, #tpu.memory_space<vmem>>) semaphore(%arg10 : memref<!tpu.dma_semaphore, #tpu.memory_space<semaphore_mem>>)
    %dma_start3A_35 = arith.constant 0 : i32
    %dma_start3A_36 = arith.constant 3 : i32
    %dma_start3A_37 = arith.constant 384 : i32
    %dma_start3A_38 = arith.constant 0 : i32
    %dma_start3A_39 = tpu.memref_slice %arg6[%dma_start3A_37, %dma_start3A_38] : memref<512x32xf32, #tpu.memory_space<vmem>> -> memref<128x32xf32, #tpu.memory_space<vmem>>
    %dma_start3A_40 = arith.constant 0 : i32
    %dma_start3A_41 = tpu.memref_slice %arg5[%dma_start3A_35, %dma_start3A_36, %dma_start3A_40] : memref<26x4x128xi32, #tpu.memory_space<vmem>> -> memref<1x1x128xi32, #tpu.memory_space<vmem>>
    %dma_start3A_42 = tpu.memref_squeeze %dma_start3A_41 : memref<1x1x128xi32, #tpu.memory_space<vmem>> -> memref<128xi32, #tpu.memory_space<vmem>>
    %dma_start3A_43 = arith.constant 0 : i32
    %dma_start3A_44 = arith.constant 0 : i32
    %dma_start3A_45 = tpu.memref_slice %arg3[%dma_start3A_43, %dma_start3A_44] : memref<1000000x32xf32, #tpu.memory_space<hbm>> -> memref<1000000x32xf32, #tpu.memory_space<hbm>>
    tpu.enqueue_indirect_dma source(%dma_start3A_45 : memref<1000000x32xf32, #tpu.memory_space<hbm>>) target(%dma_start3A_39 : memref<128x32xf32, #tpu.memory_space<vmem>>) offsets(%dma_start3A_42 : memref<128xi32, #tpu.memory_space<vmem>>) semaphore(%arg10 : memref<!tpu.dma_semaphore, #tpu.memory_space<semaphore_mem>>)
    %scan3A = arith.constant 0 : i32
    %scan3A_46 = arith.constant 0 : i32
    %scan3A_47 = arith.constant 13 : i32
    %scan3A_48 = arith.addi %scan3A_46, %scan3A_47 : i32
    %scan3A_49 = arith.constant 1 : i32
    scf.for %scan3A_66 = %scan3A_46 to %scan3A_48 step %scan3A_49  : i32 {
      %mul3A_67 = arith.constant 2 : i32
      %mul3A_68 = arith.muli %mul3A_67, %scan3A_66 : i32
      %add3A_69 = arith.constant 0 : i32
      %add3A_70 = arith.addi %mul3A_68, %add3A_69 : i32
      %add3A_71 = arith.constant 1 : i32
      %add3A_72 = arith.addi %add3A_70, %add3A_71 : i32
      %lt3A = arith.constant 26 : i32
      %lt3A_73 = arith.cmpi slt, %add3A_72, %lt3A : i32
      %convert_element_type3A = arith.extui %lt3A_73 : i1 to i32
      %cond3A = arith.constant 0 : i32
      %cond3A_74 = arith.cmpi ne, %convert_element_type3A, %cond3A : i32
      scf.if %cond3A_74 {
        %dma_start3A_210 = arith.constant 0 : i32
        %dma_start3A_211 = arith.constant 0 : i32
        %dma_start3A_212 = arith.constant 0 : i32
        %dma_start3A_213 = tpu.memref_slice %arg7[%dma_start3A_211, %dma_start3A_212] : memref<512x32xf32, #tpu.memory_space<vmem>> -> memref<128x32xf32, #tpu.memory_space<vmem>>
        %dma_start3A_214 = arith.constant 0 : i32
        %dma_start3A_215 = tpu.memref_slice %arg5[%add3A_72, %dma_start3A_210, %dma_start3A_214] : memref<26x4x128xi32, #tpu.memory_space<vmem>> -> memref<1x1x128xi32, #tpu.memory_space<vmem>>
        %dma_start3A_216 = tpu.memref_squeeze %dma_start3A_215 : memref<1x1x128xi32, #tpu.memory_space<vmem>> -> memref<128xi32, #tpu.memory_space<vmem>>
        %dma_start3A_217 = arith.constant 0 : i32
        %dma_start3A_218 = arith.constant 0 : i32
        %dma_start3A_219 = tpu.memref_slice %arg3[%dma_start3A_217, %dma_start3A_218] : memref<1000000x32xf32, #tpu.memory_space<hbm>> -> memref<1000000x32xf32, #tpu.memory_space<hbm>>
        tpu.enqueue_indirect_dma source(%dma_start3A_219 : memref<1000000x32xf32, #tpu.memory_space<hbm>>) target(%dma_start3A_213 : memref<128x32xf32, #tpu.memory_space<vmem>>) offsets(%dma_start3A_216 : memref<128xi32, #tpu.memory_space<vmem>>) semaphore(%arg11 : memref<!tpu.dma_semaphore, #tpu.memory_space<semaphore_mem>>)
        %dma_start3A_220 = arith.constant 1 : i32
        %dma_start3A_221 = arith.constant 128 : i32
        %dma_start3A_222 = arith.constant 0 : i32
        %dma_start3A_223 = tpu.memref_slice %arg7[%dma_start3A_221, %dma_start3A_222] : memref<512x32xf32, #tpu.memory_space<vmem>> -> memref<128x32xf32, #tpu.memory_space<vmem>>
        %dma_start3A_224 = arith.constant 0 : i32
        %dma_start3A_225 = tpu.memref_slice %arg5[%add3A_72, %dma_start3A_220, %dma_start3A_224] : memref<26x4x128xi32, #tpu.memory_space<vmem>> -> memref<1x1x128xi32, #tpu.memory_space<vmem>>
        %dma_start3A_226 = tpu.memref_squeeze %dma_start3A_225 : memref<1x1x128xi32, #tpu.memory_space<vmem>> -> memref<128xi32, #tpu.memory_space<vmem>>
        %dma_start3A_227 = arith.constant 0 : i32
        %dma_start3A_228 = arith.constant 0 : i32
        %dma_start3A_229 = tpu.memref_slice %arg3[%dma_start3A_227, %dma_start3A_228] : memref<1000000x32xf32, #tpu.memory_space<hbm>> -> memref<1000000x32xf32, #tpu.memory_space<hbm>>
        tpu.enqueue_indirect_dma source(%dma_start3A_229 : memref<1000000x32xf32, #tpu.memory_space<hbm>>) target(%dma_start3A_223 : memref<128x32xf32, #tpu.memory_space<vmem>>) offsets(%dma_start3A_226 : memref<128xi32, #tpu.memory_space<vmem>>) semaphore(%arg11 : memref<!tpu.dma_semaphore, #tpu.memory_space<semaphore_mem>>)
        %dma_start3A_230 = arith.constant 2 : i32
        %dma_start3A_231 = arith.constant 256 : i32
        %dma_start3A_232 = arith.constant 0 : i32
        %dma_start3A_233 = tpu.memref_slice %arg7[%dma_start3A_231, %dma_start3A_232] : memref<512x32xf32, #tpu.memory_space<vmem>> -> memref<128x32xf32, #tpu.memory_space<vmem>>
        %dma_start3A_234 = arith.constant 0 : i32
        %dma_start3A_235 = tpu.memref_slice %arg5[%add3A_72, %dma_start3A_230, %dma_start3A_234] : memref<26x4x128xi32, #tpu.memory_space<vmem>> -> memref<1x1x128xi32, #tpu.memory_space<vmem>>
        %dma_start3A_236 = tpu.memref_squeeze %dma_start3A_235 : memref<1x1x128xi32, #tpu.memory_space<vmem>> -> memref<128xi32, #tpu.memory_space<vmem>>
        %dma_start3A_237 = arith.constant 0 : i32
        %dma_start3A_238 = arith.constant 0 : i32
        %dma_start3A_239 = tpu.memref_slice %arg3[%dma_start3A_237, %dma_start3A_238] : memref<1000000x32xf32, #tpu.memory_space<hbm>> -> memref<1000000x32xf32, #tpu.memory_space<hbm>>
        tpu.enqueue_indirect_dma source(%dma_start3A_239 : memref<1000000x32xf32, #tpu.memory_space<hbm>>) target(%dma_start3A_233 : memref<128x32xf32, #tpu.memory_space<vmem>>) offsets(%dma_start3A_236 : memref<128xi32, #tpu.memory_space<vmem>>) semaphore(%arg11 : memref<!tpu.dma_semaphore, #tpu.memory_space<semaphore_mem>>)
        %dma_start3A_240 = arith.constant 3 : i32
        %dma_start3A_241 = arith.constant 384 : i32
        %dma_start3A_242 = arith.constant 0 : i32
        %dma_start3A_243 = tpu.memref_slice %arg7[%dma_start3A_241, %dma_start3A_242] : memref<512x32xf32, #tpu.memory_space<vmem>> -> memref<128x32xf32, #tpu.memory_space<vmem>>
        %dma_start3A_244 = arith.constant 0 : i32
        %dma_start3A_245 = tpu.memref_slice %arg5[%add3A_72, %dma_start3A_240, %dma_start3A_244] : memref<26x4x128xi32, #tpu.memory_space<vmem>> -> memref<1x1x128xi32, #tpu.memory_space<vmem>>
        %dma_start3A_246 = tpu.memref_squeeze %dma_start3A_245 : memref<1x1x128xi32, #tpu.memory_space<vmem>> -> memref<128xi32, #tpu.memory_space<vmem>>
        %dma_start3A_247 = arith.constant 0 : i32
        %dma_start3A_248 = arith.constant 0 : i32
        %dma_start3A_249 = tpu.memref_slice %arg3[%dma_start3A_247, %dma_start3A_248] : memref<1000000x32xf32, #tpu.memory_space<hbm>> -> memref<1000000x32xf32, #tpu.memory_space<hbm>>
        tpu.enqueue_indirect_dma source(%dma_start3A_249 : memref<1000000x32xf32, #tpu.memory_space<hbm>>) target(%dma_start3A_243 : memref<128x32xf32, #tpu.memory_space<vmem>>) offsets(%dma_start3A_246 : memref<128xi32, #tpu.memory_space<vmem>>) semaphore(%arg11 : memref<!tpu.dma_semaphore, #tpu.memory_space<semaphore_mem>>)
      } else {
      }
      %dma_wait3A_75 = arith.constant 0 : i32
      %dma_wait3A_76 = arith.constant 0 : i32
      %dma_wait3A_77 = arith.constant 0 : i32
      %dma_wait3A_78 = tpu.memref_slice %arg5[%dma_wait3A_75, %dma_wait3A_76, %dma_wait3A_77] : memref<26x4x128xi32, #tpu.memory_space<vmem>> -> memref<1x1x128xi32, #tpu.memory_space<vmem>>
      %dma_wait3A_79 = tpu.memref_squeeze %dma_wait3A_78 : memref<1x1x128xi32, #tpu.memory_space<vmem>> -> memref<128xi32, #tpu.memory_space<vmem>>
      %dma_wait3A_80 = arith.constant 0 : i32
      %dma_wait3A_81 = arith.constant 0 : i32
      %dma_wait3A_82 = tpu.memref_slice %arg3[%dma_wait3A_80, %dma_wait3A_81] : memref<1000000x32xf32, #tpu.memory_space<hbm>> -> memref<1000000x32xf32, #tpu.memory_space<hbm>>
      tpu.wait_indirect_dma semaphore(%arg10 : memref<!tpu.dma_semaphore, #tpu.memory_space<semaphore_mem>>) src(%dma_wait3A_82 : memref<1000000x32xf32, #tpu.memory_space<hbm>>) dst(%arg6 : memref<512x32xf32, #tpu.memory_space<vmem>>)
      %ge3A = arith.constant 2 : i32
      %ge3A_83 = arith.cmpi sge, %add3A_70, %ge3A : i32
      %convert_element_type3A_84 = arith.extui %ge3A_83 : i1 to i32
      %cond3A_85 = arith.constant 0 : i32
      %cond3A_86 = arith.cmpi ne, %convert_element_type3A_84, %cond3A_85 : i32
      scf.if %cond3A_86 {
        %dma_wait3A_210 = arith.constant 0 : i32
        %dma_wait3A_211 = arith.constant 0 : i32
        %dma_wait3A_212 = arith.constant 0 : i32
        %dma_wait3A_213 = tpu.memref_slice %arg4[%dma_wait3A_210, %dma_wait3A_211, %dma_wait3A_212] : memref<26x4x131072xf32, #tpu.memory_space<hbm>> -> memref<1x1x16384xf32, #tpu.memory_space<hbm>>
        %dma_wait3A_214 = tpu.memref_squeeze %dma_wait3A_213 : memref<1x1x16384xf32, #tpu.memory_space<hbm>> -> memref<16384xf32, #tpu.memory_space<hbm>>
        %dma_wait3A_215 = arith.constant 0 : i32
        %dma_wait3A_216 = tpu.memref_slice %arg4[%dma_wait3A_210, %dma_wait3A_211, %dma_wait3A_215] : memref<26x4x131072xf32, #tpu.memory_space<hbm>> -> memref<1x1x16384xf32, #tpu.memory_space<hbm>>
        %dma_wait3A_217 = tpu.memref_squeeze %dma_wait3A_216 : memref<1x1x16384xf32, #tpu.memory_space<hbm>> -> memref<16384xf32, #tpu.memory_space<hbm>>
        tpu.wait_dma2 semaphore(%arg12 : memref<!tpu.dma_semaphore, #tpu.memory_space<semaphore_mem>>) src(%arg8 : memref<16384xf32, #tpu.memory_space<vmem>>) dst(%dma_wait3A_217 : memref<16384xf32, #tpu.memory_space<hbm>>)
      } else {
      }
      %iota3A = tpu.iota {dimensions = array<i32: 0>} : vector<16xi32>
      %scan3A_87 = arith.constant 0 : i32
      %scan3A_88 = arith.constant 0 : i32
      %scan3A_89 = arith.constant 32 : i32
      %scan3A_90 = arith.addi %scan3A_88, %scan3A_89 : i32
      %scan3A_91 = arith.constant 2 : i32
      scf.for %scan3A_210 = %scan3A_88 to %scan3A_90 step %scan3A_91  : i32 {
        %add3A_211 = vector.broadcast %scan3A_210 : i32 to vector<16xi32>
        %add3A_212 = arith.addi %add3A_211, %iota3A : vector<16xi32>
        %lt3A_213 = arith.constant 32 : i32
        %lt3A_214 = vector.broadcast %lt3A_213 : i32 to vector<16xi32>
        %lt3A_215 = arith.cmpi slt, %add3A_212, %lt3A_214 : vector<16xi32>
        %sub3A = arith.constant 32 : i32
        %sub3A_216 = vector.broadcast %sub3A : i32 to vector<16xi32>
        %sub3A_217 = arith.subi %add3A_212, %sub3A_216 : vector<16xi32>
        %select_n3A = arith.select %lt3A_215, %add3A_212, %sub3A_217 : vector<16xi1>, vector<16xi32>
        %shift_right_arithmetic3A = arith.constant 3 : i32
        %shift_right_arithmetic3A_218 = vector.broadcast %shift_right_arithmetic3A : i32 to vector<16xi32>
        %shift_right_arithmetic3A_219 = arith.shrsi %select_n3A, %shift_right_arithmetic3A_218 : vector<16xi32>
        %mul3A_220 = arith.constant 4096 : i32
        %mul3A_221 = vector.broadcast %mul3A_220 : i32 to vector<16xi32>
        %mul3A_222 = arith.muli %shift_right_arithmetic3A_219, %mul3A_221 : vector<16xi32>
        %and3A = arith.constant 7 : i32
        %and3A_223 = vector.broadcast %and3A : i32 to vector<16xi32>
        %and3A_224 = arith.andi %select_n3A, %and3A_223 : vector<16xi32>
        %mul3A_225 = arith.constant 128 : i32
        %mul3A_226 = vector.broadcast %mul3A_225 : i32 to vector<16xi32>
        %mul3A_227 = arith.muli %and3A_224, %mul3A_226 : vector<16xi32>
        %add3A_228 = arith.addi %mul3A_222, %mul3A_227 : vector<16xi32>
        %add3A_229 = arith.addi %add3A_228, %iota3A : vector<16xi32>
        %add3A_230 = arith.constant 0 : i32
        %add3A_231 = vector.broadcast %add3A_230 : i32 to vector<16xi32>
        %add3A_232 = arith.addi %add3A_231, %iota3A : vector<16xi32>
        %gather3A = tpu.vector_load_idx %arg6[%add3A_232, %select_n3A] : memref<512x32xf32, #tpu.memory_space<vmem>>[vector<16xi32>, vector<16xi32>], vector<16xf32>,
        %add3A_233 = arith.constant 16 : i32
        %add3A_234 = vector.broadcast %add3A_233 : i32 to vector<16xi32>
        %add3A_235 = arith.addi %add3A_234, %iota3A : vector<16xi32>
        %gather3A_236 = tpu.vector_load_idx %arg6[%add3A_235, %select_n3A] : memref<512x32xf32, #tpu.memory_space<vmem>>[vector<16xi32>, vector<16xi32>], vector<16xf32>,
        %add3A_237 = arith.constant 32 : i32
        %add3A_238 = vector.broadcast %add3A_237 : i32 to vector<16xi32>
        %add3A_239 = arith.addi %add3A_238, %iota3A : vector<16xi32>
        %gather3A_240 = tpu.vector_load_idx %arg6[%add3A_239, %select_n3A] : memref<512x32xf32, #tpu.memory_space<vmem>>[vector<16xi32>, vector<16xi32>], vector<16xf32>,
        %add3A_241 = arith.constant 48 : i32
        %add3A_242 = vector.broadcast %add3A_241 : i32 to vector<16xi32>
        %add3A_243 = arith.addi %add3A_242, %iota3A : vector<16xi32>
        %gather3A_244 = tpu.vector_load_idx %arg6[%add3A_243, %select_n3A] : memref<512x32xf32, #tpu.memory_space<vmem>>[vector<16xi32>, vector<16xi32>], vector<16xf32>,
        %add3A_245 = arith.constant 64 : i32
        %add3A_246 = vector.broadcast %add3A_245 : i32 to vector<16xi32>
        %add3A_247 = arith.addi %add3A_246, %iota3A : vector<16xi32>
        %gather3A_248 = tpu.vector_load_idx %arg6[%add3A_247, %select_n3A] : memref<512x32xf32, #tpu.memory_space<vmem>>[vector<16xi32>, vector<16xi32>], vector<16xf32>,
        %add3A_249 = arith.constant 80 : i32
        %add3A_250 = vector.broadcast %add3A_249 : i32 to vector<16xi32>
        %add3A_251 = arith.addi %add3A_250, %iota3A : vector<16xi32>
        %gather3A_252 = tpu.vector_load_idx %arg6[%add3A_251, %select_n3A] : memref<512x32xf32, #tpu.memory_space<vmem>>[vector<16xi32>, vector<16xi32>], vector<16xf32>,
        %add3A_253 = arith.constant 96 : i32
        %add3A_254 = vector.broadcast %add3A_253 : i32 to vector<16xi32>
        %add3A_255 = arith.addi %add3A_254, %iota3A : vector<16xi32>
        %gather3A_256 = tpu.vector_load_idx %arg6[%add3A_255, %select_n3A] : memref<512x32xf32, #tpu.memory_space<vmem>>[vector<16xi32>, vector<16xi32>], vector<16xf32>,
        %add3A_257 = arith.constant 112 : i32
        %add3A_258 = vector.broadcast %add3A_257 : i32 to vector<16xi32>
        %add3A_259 = arith.addi %add3A_258, %iota3A : vector<16xi32>
        %gather3A_260 = tpu.vector_load_idx %arg6[%add3A_259, %select_n3A] : memref<512x32xf32, #tpu.memory_space<vmem>>[vector<16xi32>, vector<16xi32>], vector<16xf32>,
        %add3A_261 = arith.constant 128 : i32
        %add3A_262 = vector.broadcast %add3A_261 : i32 to vector<16xi32>
        %add3A_263 = arith.addi %add3A_262, %iota3A : vector<16xi32>
        %gather3A_264 = tpu.vector_load_idx %arg6[%add3A_263, %select_n3A] : memref<512x32xf32, #tpu.memory_space<vmem>>[vector<16xi32>, vector<16xi32>], vector<16xf32>,
        %add3A_265 = arith.constant 144 : i32
        %add3A_266 = vector.broadcast %add3A_265 : i32 to vector<16xi32>
        %add3A_267 = arith.addi %add3A_266, %iota3A : vector<16xi32>
        %gather3A_268 = tpu.vector_load_idx %arg6[%add3A_267, %select_n3A] : memref<512x32xf32, #tpu.memory_space<vmem>>[vector<16xi32>, vector<16xi32>], vector<16xf32>,
        %add3A_269 = arith.constant 160 : i32
        %add3A_270 = vector.broadcast %add3A_269 : i32 to vector<16xi32>
        %add3A_271 = arith.addi %add3A_270, %iota3A : vector<16xi32>
        %gather3A_272 = tpu.vector_load_idx %arg6[%add3A_271, %select_n3A] : memref<512x32xf32, #tpu.memory_space<vmem>>[vector<16xi32>, vector<16xi32>], vector<16xf32>,
        %add3A_273 = arith.constant 176 : i32
        %add3A_274 = vector.broadcast %add3A_273 : i32 to vector<16xi32>
        %add3A_275 = arith.addi %add3A_274, %iota3A : vector<16xi32>
        %gather3A_276 = tpu.vector_load_idx %arg6[%add3A_275, %select_n3A] : memref<512x32xf32, #tpu.memory_space<vmem>>[vector<16xi32>, vector<16xi32>], vector<16xf32>,
        %add3A_277 = arith.constant 192 : i32
        %add3A_278 = vector.broadcast %add3A_277 : i32 to vector<16xi32>
        %add3A_279 = arith.addi %add3A_278, %iota3A : vector<16xi32>
        %gather3A_280 = tpu.vector_load_idx %arg6[%add3A_279, %select_n3A] : memref<512x32xf32, #tpu.memory_space<vmem>>[vector<16xi32>, vector<16xi32>], vector<16xf32>,
        %add3A_281 = arith.constant 208 : i32
        %add3A_282 = vector.broadcast %add3A_281 : i32 to vector<16xi32>
        %add3A_283 = arith.addi %add3A_282, %iota3A : vector<16xi32>
        %gather3A_284 = tpu.vector_load_idx %arg6[%add3A_283, %select_n3A] : memref<512x32xf32, #tpu.memory_space<vmem>>[vector<16xi32>, vector<16xi32>], vector<16xf32>,
        %add3A_285 = arith.constant 224 : i32
        %add3A_286 = vector.broadcast %add3A_285 : i32 to vector<16xi32>
        %add3A_287 = arith.addi %add3A_286, %iota3A : vector<16xi32>
        %gather3A_288 = tpu.vector_load_idx %arg6[%add3A_287, %select_n3A] : memref<512x32xf32, #tpu.memory_space<vmem>>[vector<16xi32>, vector<16xi32>], vector<16xf32>,
        %add3A_289 = arith.constant 240 : i32
        %add3A_290 = vector.broadcast %add3A_289 : i32 to vector<16xi32>
        %add3A_291 = arith.addi %add3A_290, %iota3A : vector<16xi32>
        %gather3A_292 = tpu.vector_load_idx %arg6[%add3A_291, %select_n3A] : memref<512x32xf32, #tpu.memory_space<vmem>>[vector<16xi32>, vector<16xi32>], vector<16xf32>,
        %add3A_293 = arith.constant 256 : i32
        %add3A_294 = vector.broadcast %add3A_293 : i32 to vector<16xi32>
        %add3A_295 = arith.addi %add3A_294, %iota3A : vector<16xi32>
        %gather3A_296 = tpu.vector_load_idx %arg6[%add3A_295, %select_n3A] : memref<512x32xf32, #tpu.memory_space<vmem>>[vector<16xi32>, vector<16xi32>], vector<16xf32>,
        %add3A_297 = arith.constant 272 : i32
        %add3A_298 = vector.broadcast %add3A_297 : i32 to vector<16xi32>
        %add3A_299 = arith.addi %add3A_298, %iota3A : vector<16xi32>
        %gather3A_300 = tpu.vector_load_idx %arg6[%add3A_299, %select_n3A] : memref<512x32xf32, #tpu.memory_space<vmem>>[vector<16xi32>, vector<16xi32>], vector<16xf32>,
        %add3A_301 = arith.constant 288 : i32
        %add3A_302 = vector.broadcast %add3A_301 : i32 to vector<16xi32>
        %add3A_303 = arith.addi %add3A_302, %iota3A : vector<16xi32>
        %gather3A_304 = tpu.vector_load_idx %arg6[%add3A_303, %select_n3A] : memref<512x32xf32, #tpu.memory_space<vmem>>[vector<16xi32>, vector<16xi32>], vector<16xf32>,
        %add3A_305 = arith.constant 304 : i32
        %add3A_306 = vector.broadcast %add3A_305 : i32 to vector<16xi32>
        %add3A_307 = arith.addi %add3A_306, %iota3A : vector<16xi32>
        %gather3A_308 = tpu.vector_load_idx %arg6[%add3A_307, %select_n3A] : memref<512x32xf32, #tpu.memory_space<vmem>>[vector<16xi32>, vector<16xi32>], vector<16xf32>,
        %add3A_309 = arith.constant 320 : i32
        %add3A_310 = vector.broadcast %add3A_309 : i32 to vector<16xi32>
        %add3A_311 = arith.addi %add3A_310, %iota3A : vector<16xi32>
        %gather3A_312 = tpu.vector_load_idx %arg6[%add3A_311, %select_n3A] : memref<512x32xf32, #tpu.memory_space<vmem>>[vector<16xi32>, vector<16xi32>], vector<16xf32>,
        %add3A_313 = arith.constant 336 : i32
        %add3A_314 = vector.broadcast %add3A_313 : i32 to vector<16xi32>
        %add3A_315 = arith.addi %add3A_314, %iota3A : vector<16xi32>
        %gather3A_316 = tpu.vector_load_idx %arg6[%add3A_315, %select_n3A] : memref<512x32xf32, #tpu.memory_space<vmem>>[vector<16xi32>, vector<16xi32>], vector<16xf32>,
        %add3A_317 = arith.constant 352 : i32
        %add3A_318 = vector.broadcast %add3A_317 : i32 to vector<16xi32>
        %add3A_319 = arith.addi %add3A_318, %iota3A : vector<16xi32>
        %gather3A_320 = tpu.vector_load_idx %arg6[%add3A_319, %select_n3A] : memref<512x32xf32, #tpu.memory_space<vmem>>[vector<16xi32>, vector<16xi32>], vector<16xf32>,
        %add3A_321 = arith.constant 368 : i32
        %add3A_322 = vector.broadcast %add3A_321 : i32 to vector<16xi32>
        %add3A_323 = arith.addi %add3A_322, %iota3A : vector<16xi32>
        %gather3A_324 = tpu.vector_load_idx %arg6[%add3A_323, %select_n3A] : memref<512x32xf32, #tpu.memory_space<vmem>>[vector<16xi32>, vector<16xi32>], vector<16xf32>,
        %add3A_325 = arith.constant 384 : i32
        %add3A_326 = vector.broadcast %add3A_325 : i32 to vector<16xi32>
        %add3A_327 = arith.addi %add3A_326, %iota3A : vector<16xi32>
        %gather3A_328 = tpu.vector_load_idx %arg6[%add3A_327, %select_n3A] : memref<512x32xf32, #tpu.memory_space<vmem>>[vector<16xi32>, vector<16xi32>], vector<16xf32>,
        %add3A_329 = arith.constant 400 : i32
        %add3A_330 = vector.broadcast %add3A_329 : i32 to vector<16xi32>
        %add3A_331 = arith.addi %add3A_330, %iota3A : vector<16xi32>
        %gather3A_332 = tpu.vector_load_idx %arg6[%add3A_331, %select_n3A] : memref<512x32xf32, #tpu.memory_space<vmem>>[vector<16xi32>, vector<16xi32>], vector<16xf32>,
        %add3A_333 = arith.constant 416 : i32
        %add3A_334 = vector.broadcast %add3A_333 : i32 to vector<16xi32>
        %add3A_335 = arith.addi %add3A_334, %iota3A : vector<16xi32>
        %gather3A_336 = tpu.vector_load_idx %arg6[%add3A_335, %select_n3A] : memref<512x32xf32, #tpu.memory_space<vmem>>[vector<16xi32>, vector<16xi32>], vector<16xf32>,
        %add3A_337 = arith.constant 432 : i32
        %add3A_338 = vector.broadcast %add3A_337 : i32 to vector<16xi32>
        %add3A_339 = arith.addi %add3A_338, %iota3A : vector<16xi32>
        %gather3A_340 = tpu.vector_load_idx %arg6[%add3A_339, %select_n3A] : memref<512x32xf32, #tpu.memory_space<vmem>>[vector<16xi32>, vector<16xi32>], vector<16xf32>,
        %add3A_341 = arith.constant 448 : i32
        %add3A_342 = vector.broadcast %add3A_341 : i32 to vector<16xi32>
        %add3A_343 = arith.addi %add3A_342, %iota3A : vector<16xi32>
        %gather3A_344 = tpu.vector_load_idx %arg6[%add3A_343, %select_n3A] : memref<512x32xf32, #tpu.memory_space<vmem>>[vector<16xi32>, vector<16xi32>], vector<16xf32>,
        %add3A_345 = arith.constant 464 : i32
        %add3A_346 = vector.broadcast %add3A_345 : i32 to vector<16xi32>
        %add3A_347 = arith.addi %add3A_346, %iota3A : vector<16xi32>
        %gather3A_348 = tpu.vector_load_idx %arg6[%add3A_347, %select_n3A] : memref<512x32xf32, #tpu.memory_space<vmem>>[vector<16xi32>, vector<16xi32>], vector<16xf32>,
        %add3A_349 = arith.constant 480 : i32
        %add3A_350 = vector.broadcast %add3A_349 : i32 to vector<16xi32>
        %add3A_351 = arith.addi %add3A_350, %iota3A : vector<16xi32>
        %gather3A_352 = tpu.vector_load_idx %arg6[%add3A_351, %select_n3A] : memref<512x32xf32, #tpu.memory_space<vmem>>[vector<16xi32>, vector<16xi32>], vector<16xf32>,
        %add3A_353 = arith.constant 496 : i32
        %add3A_354 = vector.broadcast %add3A_353 : i32 to vector<16xi32>
        %add3A_355 = arith.addi %add3A_354, %iota3A : vector<16xi32>
        %gather3A_356 = tpu.vector_load_idx %arg6[%add3A_355, %select_n3A] : memref<512x32xf32, #tpu.memory_space<vmem>>[vector<16xi32>, vector<16xi32>], vector<16xf32>,
        %add3A_357 = arith.constant 0 : i32
        %add3A_358 = vector.broadcast %add3A_357 : i32 to vector<16xi32>
        %add3A_359 = arith.addi %add3A_229, %add3A_358 : vector<16xi32>
        tpu.vector_store_idx %arg8[%add3A_359], %gather3A : memref<16384xf32, #tpu.memory_space<vmem>>[vector<16xi32>], vector<16xf32>,
        %add3A_360 = arith.constant 16 : i32
        %add3A_361 = vector.broadcast %add3A_360 : i32 to vector<16xi32>
        %add3A_362 = arith.addi %add3A_229, %add3A_361 : vector<16xi32>
        tpu.vector_store_idx %arg8[%add3A_362], %gather3A_236 : memref<16384xf32, #tpu.memory_space<vmem>>[vector<16xi32>], vector<16xf32>,
        %add3A_363 = arith.constant 32 : i32
        %add3A_364 = vector.broadcast %add3A_363 : i32 to vector<16xi32>
        %add3A_365 = arith.addi %add3A_229, %add3A_364 : vector<16xi32>
        tpu.vector_store_idx %arg8[%add3A_365], %gather3A_240 : memref<16384xf32, #tpu.memory_space<vmem>>[vector<16xi32>], vector<16xf32>,
        %add3A_366 = arith.constant 48 : i32
        %add3A_367 = vector.broadcast %add3A_366 : i32 to vector<16xi32>
        %add3A_368 = arith.addi %add3A_229, %add3A_367 : vector<16xi32>
        tpu.vector_store_idx %arg8[%add3A_368], %gather3A_244 : memref<16384xf32, #tpu.memory_space<vmem>>[vector<16xi32>], vector<16xf32>,
        %add3A_369 = arith.constant 64 : i32
        %add3A_370 = vector.broadcast %add3A_369 : i32 to vector<16xi32>
        %add3A_371 = arith.addi %add3A_229, %add3A_370 : vector<16xi32>
        tpu.vector_store_idx %arg8[%add3A_371], %gather3A_248 : memref<16384xf32, #tpu.memory_space<vmem>>[vector<16xi32>], vector<16xf32>,
        %add3A_372 = arith.constant 80 : i32
        %add3A_373 = vector.broadcast %add3A_372 : i32 to vector<16xi32>
        %add3A_374 = arith.addi %add3A_229, %add3A_373 : vector<16xi32>
        tpu.vector_store_idx %arg8[%add3A_374], %gather3A_252 : memref<16384xf32, #tpu.memory_space<vmem>>[vector<16xi32>], vector<16xf32>,
        %add3A_375 = arith.constant 96 : i32
        %add3A_376 = vector.broadcast %add3A_375 : i32 to vector<16xi32>
        %add3A_377 = arith.addi %add3A_229, %add3A_376 : vector<16xi32>
        tpu.vector_store_idx %arg8[%add3A_377], %gather3A_256 : memref<16384xf32, #tpu.memory_space<vmem>>[vector<16xi32>], vector<16xf32>,
        %add3A_378 = arith.constant 112 : i32
        %add3A_379 = vector.broadcast %add3A_378 : i32 to vector<16xi32>
        %add3A_380 = arith.addi %add3A_229, %add3A_379 : vector<16xi32>
        tpu.vector_store_idx %arg8[%add3A_380], %gather3A_260 : memref<16384xf32, #tpu.memory_space<vmem>>[vector<16xi32>], vector<16xf32>,
        %add3A_381 = arith.constant 1024 : i32
        %add3A_382 = vector.broadcast %add3A_381 : i32 to vector<16xi32>
        %add3A_383 = arith.addi %add3A_229, %add3A_382 : vector<16xi32>
        tpu.vector_store_idx %arg8[%add3A_383], %gather3A_264 : memref<16384xf32, #tpu.memory_space<vmem>>[vector<16xi32>], vector<16xf32>,
        %add3A_384 = arith.constant 1040 : i32
        %add3A_385 = vector.broadcast %add3A_384 : i32 to vector<16xi32>
        %add3A_386 = arith.addi %add3A_229, %add3A_385 : vector<16xi32>
        tpu.vector_store_idx %arg8[%add3A_386], %gather3A_268 : memref<16384xf32, #tpu.memory_space<vmem>>[vector<16xi32>], vector<16xf32>,
        %add3A_387 = arith.constant 1056 : i32
        %add3A_388 = vector.broadcast %add3A_387 : i32 to vector<16xi32>
        %add3A_389 = arith.addi %add3A_229, %add3A_388 : vector<16xi32>
        tpu.vector_store_idx %arg8[%add3A_389], %gather3A_272 : memref<16384xf32, #tpu.memory_space<vmem>>[vector<16xi32>], vector<16xf32>,
        %add3A_390 = arith.constant 1072 : i32
        %add3A_391 = vector.broadcast %add3A_390 : i32 to vector<16xi32>
        %add3A_392 = arith.addi %add3A_229, %add3A_391 : vector<16xi32>
        tpu.vector_store_idx %arg8[%add3A_392], %gather3A_276 : memref<16384xf32, #tpu.memory_space<vmem>>[vector<16xi32>], vector<16xf32>,
        %add3A_393 = arith.constant 1088 : i32
        %add3A_394 = vector.broadcast %add3A_393 : i32 to vector<16xi32>
        %add3A_395 = arith.addi %add3A_229, %add3A_394 : vector<16xi32>
        tpu.vector_store_idx %arg8[%add3A_395], %gather3A_280 : memref<16384xf32, #tpu.memory_space<vmem>>[vector<16xi32>], vector<16xf32>,
        %add3A_396 = arith.constant 1104 : i32
        %add3A_397 = vector.broadcast %add3A_396 : i32 to vector<16xi32>
        %add3A_398 = arith.addi %add3A_229, %add3A_397 : vector<16xi32>
        tpu.vector_store_idx %arg8[%add3A_398], %gather3A_284 : memref<16384xf32, #tpu.memory_space<vmem>>[vector<16xi32>], vector<16xf32>,
        %add3A_399 = arith.constant 1120 : i32
        %add3A_400 = vector.broadcast %add3A_399 : i32 to vector<16xi32>
        %add3A_401 = arith.addi %add3A_229, %add3A_400 : vector<16xi32>
        tpu.vector_store_idx %arg8[%add3A_401], %gather3A_288 : memref<16384xf32, #tpu.memory_space<vmem>>[vector<16xi32>], vector<16xf32>,
        %add3A_402 = arith.constant 1136 : i32
        %add3A_403 = vector.broadcast %add3A_402 : i32 to vector<16xi32>
        %add3A_404 = arith.addi %add3A_229, %add3A_403 : vector<16xi32>
        tpu.vector_store_idx %arg8[%add3A_404], %gather3A_292 : memref<16384xf32, #tpu.memory_space<vmem>>[vector<16xi32>], vector<16xf32>,
        %add3A_405 = arith.constant 2048 : i32
        %add3A_406 = vector.broadcast %add3A_405 : i32 to vector<16xi32>
        %add3A_407 = arith.addi %add3A_229, %add3A_406 : vector<16xi32>
        tpu.vector_store_idx %arg8[%add3A_407], %gather3A_296 : memref<16384xf32, #tpu.memory_space<vmem>>[vector<16xi32>], vector<16xf32>,
        %add3A_408 = arith.constant 2064 : i32
        %add3A_409 = vector.broadcast %add3A_408 : i32 to vector<16xi32>
        %add3A_410 = arith.addi %add3A_229, %add3A_409 : vector<16xi32>
        tpu.vector_store_idx %arg8[%add3A_410], %gather3A_300 : memref<16384xf32, #tpu.memory_space<vmem>>[vector<16xi32>], vector<16xf32>,
        %add3A_411 = arith.constant 2080 : i32
        %add3A_412 = vector.broadcast %add3A_411 : i32 to vector<16xi32>
        %add3A_413 = arith.addi %add3A_229, %add3A_412 : vector<16xi32>
        tpu.vector_store_idx %arg8[%add3A_413], %gather3A_304 : memref<16384xf32, #tpu.memory_space<vmem>>[vector<16xi32>], vector<16xf32>,
        %add3A_414 = arith.constant 2096 : i32
        %add3A_415 = vector.broadcast %add3A_414 : i32 to vector<16xi32>
        %add3A_416 = arith.addi %add3A_229, %add3A_415 : vector<16xi32>
        tpu.vector_store_idx %arg8[%add3A_416], %gather3A_308 : memref<16384xf32, #tpu.memory_space<vmem>>[vector<16xi32>], vector<16xf32>,
        %add3A_417 = arith.constant 2112 : i32
        %add3A_418 = vector.broadcast %add3A_417 : i32 to vector<16xi32>
        %add3A_419 = arith.addi %add3A_229, %add3A_418 : vector<16xi32>
        tpu.vector_store_idx %arg8[%add3A_419], %gather3A_312 : memref<16384xf32, #tpu.memory_space<vmem>>[vector<16xi32>], vector<16xf32>,
        %add3A_420 = arith.constant 2128 : i32
        %add3A_421 = vector.broadcast %add3A_420 : i32 to vector<16xi32>
        %add3A_422 = arith.addi %add3A_229, %add3A_421 : vector<16xi32>
        tpu.vector_store_idx %arg8[%add3A_422], %gather3A_316 : memref<16384xf32, #tpu.memory_space<vmem>>[vector<16xi32>], vector<16xf32>,
        %add3A_423 = arith.constant 2144 : i32
        %add3A_424 = vector.broadcast %add3A_423 : i32 to vector<16xi32>
        %add3A_425 = arith.addi %add3A_229, %add3A_424 : vector<16xi32>
        tpu.vector_store_idx %arg8[%add3A_425], %gather3A_320 : memref<16384xf32, #tpu.memory_space<vmem>>[vector<16xi32>], vector<16xf32>,
        %add3A_426 = arith.constant 2160 : i32
        %add3A_427 = vector.broadcast %add3A_426 : i32 to vector<16xi32>
        %add3A_428 = arith.addi %add3A_229, %add3A_427 : vector<16xi32>
        tpu.vector_store_idx %arg8[%add3A_428], %gather3A_324 : memref<16384xf32, #tpu.memory_space<vmem>>[vector<16xi32>], vector<16xf32>,
        %add3A_429 = arith.constant 3072 : i32
        %add3A_430 = vector.broadcast %add3A_429 : i32 to vector<16xi32>
        %add3A_431 = arith.addi %add3A_229, %add3A_430 : vector<16xi32>
        tpu.vector_store_idx %arg8[%add3A_431], %gather3A_328 : memref<16384xf32, #tpu.memory_space<vmem>>[vector<16xi32>], vector<16xf32>,
        %add3A_432 = arith.constant 3088 : i32
        %add3A_433 = vector.broadcast %add3A_432 : i32 to vector<16xi32>
        %add3A_434 = arith.addi %add3A_229, %add3A_433 : vector<16xi32>
        tpu.vector_store_idx %arg8[%add3A_434], %gather3A_332 : memref<16384xf32, #tpu.memory_space<vmem>>[vector<16xi32>], vector<16xf32>,
        %add3A_435 = arith.constant 3104 : i32
        %add3A_436 = vector.broadcast %add3A_435 : i32 to vector<16xi32>
        %add3A_437 = arith.addi %add3A_229, %add3A_436 : vector<16xi32>
        tpu.vector_store_idx %arg8[%add3A_437], %gather3A_336 : memref<16384xf32, #tpu.memory_space<vmem>>[vector<16xi32>], vector<16xf32>,
        %add3A_438 = arith.constant 3120 : i32
        %add3A_439 = vector.broadcast %add3A_438 : i32 to vector<16xi32>
        %add3A_440 = arith.addi %add3A_229, %add3A_439 : vector<16xi32>
        tpu.vector_store_idx %arg8[%add3A_440], %gather3A_340 : memref<16384xf32, #tpu.memory_space<vmem>>[vector<16xi32>], vector<16xf32>,
        %add3A_441 = arith.constant 3136 : i32
        %add3A_442 = vector.broadcast %add3A_441 : i32 to vector<16xi32>
        %add3A_443 = arith.addi %add3A_229, %add3A_442 : vector<16xi32>
        tpu.vector_store_idx %arg8[%add3A_443], %gather3A_344 : memref<16384xf32, #tpu.memory_space<vmem>>[vector<16xi32>], vector<16xf32>,
        %add3A_444 = arith.constant 3152 : i32
        %add3A_445 = vector.broadcast %add3A_444 : i32 to vector<16xi32>
        %add3A_446 = arith.addi %add3A_229, %add3A_445 : vector<16xi32>
        tpu.vector_store_idx %arg8[%add3A_446], %gather3A_348 : memref<16384xf32, #tpu.memory_space<vmem>>[vector<16xi32>], vector<16xf32>,
        %add3A_447 = arith.constant 3168 : i32
        %add3A_448 = vector.broadcast %add3A_447 : i32 to vector<16xi32>
        %add3A_449 = arith.addi %add3A_229, %add3A_448 : vector<16xi32>
        tpu.vector_store_idx %arg8[%add3A_449], %gather3A_352 : memref<16384xf32, #tpu.memory_space<vmem>>[vector<16xi32>], vector<16xf32>,
        %add3A_450 = arith.constant 3184 : i32
        %add3A_451 = vector.broadcast %add3A_450 : i32 to vector<16xi32>
        %add3A_452 = arith.addi %add3A_229, %add3A_451 : vector<16xi32>
        tpu.vector_store_idx %arg8[%add3A_452], %gather3A_356 : memref<16384xf32, #tpu.memory_space<vmem>>[vector<16xi32>], vector<16xf32>,
        %scan3A_453 = arith.constant 1 : i32
        %scan3A_454 = arith.addi %scan3A_210, %scan3A_453 : i32
        %add3A_455 = vector.broadcast %scan3A_454 : i32 to vector<16xi32>
        %add3A_456 = arith.addi %add3A_455, %iota3A : vector<16xi32>
        %lt3A_457 = arith.constant 32 : i32
        %lt3A_458 = vector.broadcast %lt3A_457 : i32 to vector<16xi32>
        %lt3A_459 = arith.cmpi slt, %add3A_456, %lt3A_458 : vector<16xi32>
        %sub3A_460 = arith.constant 32 : i32
        %sub3A_461 = vector.broadcast %sub3A_460 : i32 to vector<16xi32>
        %sub3A_462 = arith.subi %add3A_456, %sub3A_461 : vector<16xi32>
        %select_n3A_463 = arith.select %lt3A_459, %add3A_456, %sub3A_462 : vector<16xi1>, vector<16xi32>
        %shift_right_arithmetic3A_464 = arith.constant 3 : i32
        %shift_right_arithmetic3A_465 = vector.broadcast %shift_right_arithmetic3A_464 : i32 to vector<16xi32>
        %shift_right_arithmetic3A_466 = arith.shrsi %select_n3A_463, %shift_right_arithmetic3A_465 : vector<16xi32>
        %mul3A_467 = arith.constant 4096 : i32
        %mul3A_468 = vector.broadcast %mul3A_467 : i32 to vector<16xi32>
        %mul3A_469 = arith.muli %shift_right_arithmetic3A_466, %mul3A_468 : vector<16xi32>
        %and3A_470 = arith.constant 7 : i32
        %and3A_471 = vector.broadcast %and3A_470 : i32 to vector<16xi32>
        %and3A_472 = arith.andi %select_n3A_463, %and3A_471 : vector<16xi32>
        %mul3A_473 = arith.constant 128 : i32
        %mul3A_474 = vector.broadcast %mul3A_473 : i32 to vector<16xi32>
        %mul3A_475 = arith.muli %and3A_472, %mul3A_474 : vector<16xi32>
        %add3A_476 = arith.addi %mul3A_469, %mul3A_475 : vector<16xi32>
        %add3A_477 = arith.addi %add3A_476, %iota3A : vector<16xi32>
        %add3A_478 = arith.constant 0 : i32
        %add3A_479 = vector.broadcast %add3A_478 : i32 to vector<16xi32>
        %add3A_480 = arith.addi %add3A_479, %iota3A : vector<16xi32>
        %gather3A_481 = tpu.vector_load_idx %arg6[%add3A_480, %select_n3A_463] : memref<512x32xf32, #tpu.memory_space<vmem>>[vector<16xi32>, vector<16xi32>], vector<16xf32>,
        %add3A_482 = arith.constant 16 : i32
        %add3A_483 = vector.broadcast %add3A_482 : i32 to vector<16xi32>
        %add3A_484 = arith.addi %add3A_483, %iota3A : vector<16xi32>
        %gather3A_485 = tpu.vector_load_idx %arg6[%add3A_484, %select_n3A_463] : memref<512x32xf32, #tpu.memory_space<vmem>>[vector<16xi32>, vector<16xi32>], vector<16xf32>,
        %add3A_486 = arith.constant 32 : i32
        %add3A_487 = vector.broadcast %add3A_486 : i32 to vector<16xi32>
        %add3A_488 = arith.addi %add3A_487, %iota3A : vector<16xi32>
        %gather3A_489 = tpu.vector_load_idx %arg6[%add3A_488, %select_n3A_463] : memref<512x32xf32, #tpu.memory_space<vmem>>[vector<16xi32>, vector<16xi32>], vector<16xf32>,
        %add3A_490 = arith.constant 48 : i32
        %add3A_491 = vector.broadcast %add3A_490 : i32 to vector<16xi32>
        %add3A_492 = arith.addi %add3A_491, %iota3A : vector<16xi32>
        %gather3A_493 = tpu.vector_load_idx %arg6[%add3A_492, %select_n3A_463] : memref<512x32xf32, #tpu.memory_space<vmem>>[vector<16xi32>, vector<16xi32>], vector<16xf32>,
        %add3A_494 = arith.constant 64 : i32
        %add3A_495 = vector.broadcast %add3A_494 : i32 to vector<16xi32>
        %add3A_496 = arith.addi %add3A_495, %iota3A : vector<16xi32>
        %gather3A_497 = tpu.vector_load_idx %arg6[%add3A_496, %select_n3A_463] : memref<512x32xf32, #tpu.memory_space<vmem>>[vector<16xi32>, vector<16xi32>], vector<16xf32>,
        %add3A_498 = arith.constant 80 : i32
        %add3A_499 = vector.broadcast %add3A_498 : i32 to vector<16xi32>
        %add3A_500 = arith.addi %add3A_499, %iota3A : vector<16xi32>
        %gather3A_501 = tpu.vector_load_idx %arg6[%add3A_500, %select_n3A_463] : memref<512x32xf32, #tpu.memory_space<vmem>>[vector<16xi32>, vector<16xi32>], vector<16xf32>,
        %add3A_502 = arith.constant 96 : i32
        %add3A_503 = vector.broadcast %add3A_502 : i32 to vector<16xi32>
        %add3A_504 = arith.addi %add3A_503, %iota3A : vector<16xi32>
        %gather3A_505 = tpu.vector_load_idx %arg6[%add3A_504, %select_n3A_463] : memref<512x32xf32, #tpu.memory_space<vmem>>[vector<16xi32>, vector<16xi32>], vector<16xf32>,
        %add3A_506 = arith.constant 112 : i32
        %add3A_507 = vector.broadcast %add3A_506 : i32 to vector<16xi32>
        %add3A_508 = arith.addi %add3A_507, %iota3A : vector<16xi32>
        %gather3A_509 = tpu.vector_load_idx %arg6[%add3A_508, %select_n3A_463] : memref<512x32xf32, #tpu.memory_space<vmem>>[vector<16xi32>, vector<16xi32>], vector<16xf32>,
        %add3A_510 = arith.constant 128 : i32
        %add3A_511 = vector.broadcast %add3A_510 : i32 to vector<16xi32>
        %add3A_512 = arith.addi %add3A_511, %iota3A : vector<16xi32>
        %gather3A_513 = tpu.vector_load_idx %arg6[%add3A_512, %select_n3A_463] : memref<512x32xf32, #tpu.memory_space<vmem>>[vector<16xi32>, vector<16xi32>], vector<16xf32>,
        %add3A_514 = arith.constant 144 : i32
        %add3A_515 = vector.broadcast %add3A_514 : i32 to vector<16xi32>
        %add3A_516 = arith.addi %add3A_515, %iota3A : vector<16xi32>
        %gather3A_517 = tpu.vector_load_idx %arg6[%add3A_516, %select_n3A_463] : memref<512x32xf32, #tpu.memory_space<vmem>>[vector<16xi32>, vector<16xi32>], vector<16xf32>,
        %add3A_518 = arith.constant 160 : i32
        %add3A_519 = vector.broadcast %add3A_518 : i32 to vector<16xi32>
        %add3A_520 = arith.addi %add3A_519, %iota3A : vector<16xi32>
        %gather3A_521 = tpu.vector_load_idx %arg6[%add3A_520, %select_n3A_463] : memref<512x32xf32, #tpu.memory_space<vmem>>[vector<16xi32>, vector<16xi32>], vector<16xf32>,
        %add3A_522 = arith.constant 176 : i32
        %add3A_523 = vector.broadcast %add3A_522 : i32 to vector<16xi32>
        %add3A_524 = arith.addi %add3A_523, %iota3A : vector<16xi32>
        %gather3A_525 = tpu.vector_load_idx %arg6[%add3A_524, %select_n3A_463] : memref<512x32xf32, #tpu.memory_space<vmem>>[vector<16xi32>, vector<16xi32>], vector<16xf32>,
        %add3A_526 = arith.constant 192 : i32
        %add3A_527 = vector.broadcast %add3A_526 : i32 to vector<16xi32>
        %add3A_528 = arith.addi %add3A_527, %iota3A : vector<16xi32>
        %gather3A_529 = tpu.vector_load_idx %arg6[%add3A_528, %select_n3A_463] : memref<512x32xf32, #tpu.memory_space<vmem>>[vector<16xi32>, vector<16xi32>], vector<16xf32>,
        %add3A_530 = arith.constant 208 : i32
        %add3A_531 = vector.broadcast %add3A_530 : i32 to vector<16xi32>
        %add3A_532 = arith.addi %add3A_531, %iota3A : vector<16xi32>
        %gather3A_533 = tpu.vector_load_idx %arg6[%add3A_532, %select_n3A_463] : memref<512x32xf32, #tpu.memory_space<vmem>>[vector<16xi32>, vector<16xi32>], vector<16xf32>,
        %add3A_534 = arith.constant 224 : i32
        %add3A_535 = vector.broadcast %add3A_534 : i32 to vector<16xi32>
        %add3A_536 = arith.addi %add3A_535, %iota3A : vector<16xi32>
        %gather3A_537 = tpu.vector_load_idx %arg6[%add3A_536, %select_n3A_463] : memref<512x32xf32, #tpu.memory_space<vmem>>[vector<16xi32>, vector<16xi32>], vector<16xf32>,
        %add3A_538 = arith.constant 240 : i32
        %add3A_539 = vector.broadcast %add3A_538 : i32 to vector<16xi32>
        %add3A_540 = arith.addi %add3A_539, %iota3A : vector<16xi32>
        %gather3A_541 = tpu.vector_load_idx %arg6[%add3A_540, %select_n3A_463] : memref<512x32xf32, #tpu.memory_space<vmem>>[vector<16xi32>, vector<16xi32>], vector<16xf32>,
        %add3A_542 = arith.constant 256 : i32
        %add3A_543 = vector.broadcast %add3A_542 : i32 to vector<16xi32>
        %add3A_544 = arith.addi %add3A_543, %iota3A : vector<16xi32>
        %gather3A_545 = tpu.vector_load_idx %arg6[%add3A_544, %select_n3A_463] : memref<512x32xf32, #tpu.memory_space<vmem>>[vector<16xi32>, vector<16xi32>], vector<16xf32>,
        %add3A_546 = arith.constant 272 : i32
        %add3A_547 = vector.broadcast %add3A_546 : i32 to vector<16xi32>
        %add3A_548 = arith.addi %add3A_547, %iota3A : vector<16xi32>
        %gather3A_549 = tpu.vector_load_idx %arg6[%add3A_548, %select_n3A_463] : memref<512x32xf32, #tpu.memory_space<vmem>>[vector<16xi32>, vector<16xi32>], vector<16xf32>,
        %add3A_550 = arith.constant 288 : i32
        %add3A_551 = vector.broadcast %add3A_550 : i32 to vector<16xi32>
        %add3A_552 = arith.addi %add3A_551, %iota3A : vector<16xi32>
        %gather3A_553 = tpu.vector_load_idx %arg6[%add3A_552, %select_n3A_463] : memref<512x32xf32, #tpu.memory_space<vmem>>[vector<16xi32>, vector<16xi32>], vector<16xf32>,
        %add3A_554 = arith.constant 304 : i32
        %add3A_555 = vector.broadcast %add3A_554 : i32 to vector<16xi32>
        %add3A_556 = arith.addi %add3A_555, %iota3A : vector<16xi32>
        %gather3A_557 = tpu.vector_load_idx %arg6[%add3A_556, %select_n3A_463] : memref<512x32xf32, #tpu.memory_space<vmem>>[vector<16xi32>, vector<16xi32>], vector<16xf32>,
        %add3A_558 = arith.constant 320 : i32
        %add3A_559 = vector.broadcast %add3A_558 : i32 to vector<16xi32>
        %add3A_560 = arith.addi %add3A_559, %iota3A : vector<16xi32>
        %gather3A_561 = tpu.vector_load_idx %arg6[%add3A_560, %select_n3A_463] : memref<512x32xf32, #tpu.memory_space<vmem>>[vector<16xi32>, vector<16xi32>], vector<16xf32>,
        %add3A_562 = arith.constant 336 : i32
        %add3A_563 = vector.broadcast %add3A_562 : i32 to vector<16xi32>
        %add3A_564 = arith.addi %add3A_563, %iota3A : vector<16xi32>
        %gather3A_565 = tpu.vector_load_idx %arg6[%add3A_564, %select_n3A_463] : memref<512x32xf32, #tpu.memory_space<vmem>>[vector<16xi32>, vector<16xi32>], vector<16xf32>,
        %add3A_566 = arith.constant 352 : i32
        %add3A_567 = vector.broadcast %add3A_566 : i32 to vector<16xi32>
        %add3A_568 = arith.addi %add3A_567, %iota3A : vector<16xi32>
        %gather3A_569 = tpu.vector_load_idx %arg6[%add3A_568, %select_n3A_463] : memref<512x32xf32, #tpu.memory_space<vmem>>[vector<16xi32>, vector<16xi32>], vector<16xf32>,
        %add3A_570 = arith.constant 368 : i32
        %add3A_571 = vector.broadcast %add3A_570 : i32 to vector<16xi32>
        %add3A_572 = arith.addi %add3A_571, %iota3A : vector<16xi32>
        %gather3A_573 = tpu.vector_load_idx %arg6[%add3A_572, %select_n3A_463] : memref<512x32xf32, #tpu.memory_space<vmem>>[vector<16xi32>, vector<16xi32>], vector<16xf32>,
        %add3A_574 = arith.constant 384 : i32
        %add3A_575 = vector.broadcast %add3A_574 : i32 to vector<16xi32>
        %add3A_576 = arith.addi %add3A_575, %iota3A : vector<16xi32>
        %gather3A_577 = tpu.vector_load_idx %arg6[%add3A_576, %select_n3A_463] : memref<512x32xf32, #tpu.memory_space<vmem>>[vector<16xi32>, vector<16xi32>], vector<16xf32>,
        %add3A_578 = arith.constant 400 : i32
        %add3A_579 = vector.broadcast %add3A_578 : i32 to vector<16xi32>
        %add3A_580 = arith.addi %add3A_579, %iota3A : vector<16xi32>
        %gather3A_581 = tpu.vector_load_idx %arg6[%add3A_580, %select_n3A_463] : memref<512x32xf32, #tpu.memory_space<vmem>>[vector<16xi32>, vector<16xi32>], vector<16xf32>,
        %add3A_582 = arith.constant 416 : i32
        %add3A_583 = vector.broadcast %add3A_582 : i32 to vector<16xi32>
        %add3A_584 = arith.addi %add3A_583, %iota3A : vector<16xi32>
        %gather3A_585 = tpu.vector_load_idx %arg6[%add3A_584, %select_n3A_463] : memref<512x32xf32, #tpu.memory_space<vmem>>[vector<16xi32>, vector<16xi32>], vector<16xf32>,
        %add3A_586 = arith.constant 432 : i32
        %add3A_587 = vector.broadcast %add3A_586 : i32 to vector<16xi32>
        %add3A_588 = arith.addi %add3A_587, %iota3A : vector<16xi32>
        %gather3A_589 = tpu.vector_load_idx %arg6[%add3A_588, %select_n3A_463] : memref<512x32xf32, #tpu.memory_space<vmem>>[vector<16xi32>, vector<16xi32>], vector<16xf32>,
        %add3A_590 = arith.constant 448 : i32
        %add3A_591 = vector.broadcast %add3A_590 : i32 to vector<16xi32>
        %add3A_592 = arith.addi %add3A_591, %iota3A : vector<16xi32>
        %gather3A_593 = tpu.vector_load_idx %arg6[%add3A_592, %select_n3A_463] : memref<512x32xf32, #tpu.memory_space<vmem>>[vector<16xi32>, vector<16xi32>], vector<16xf32>,
        %add3A_594 = arith.constant 464 : i32
        %add3A_595 = vector.broadcast %add3A_594 : i32 to vector<16xi32>
        %add3A_596 = arith.addi %add3A_595, %iota3A : vector<16xi32>
        %gather3A_597 = tpu.vector_load_idx %arg6[%add3A_596, %select_n3A_463] : memref<512x32xf32, #tpu.memory_space<vmem>>[vector<16xi32>, vector<16xi32>], vector<16xf32>,
        %add3A_598 = arith.constant 480 : i32
        %add3A_599 = vector.broadcast %add3A_598 : i32 to vector<16xi32>
        %add3A_600 = arith.addi %add3A_599, %iota3A : vector<16xi32>
        %gather3A_601 = tpu.vector_load_idx %arg6[%add3A_600, %select_n3A_463] : memref<512x32xf32, #tpu.memory_space<vmem>>[vector<16xi32>, vector<16xi32>], vector<16xf32>,
        %add3A_602 = arith.constant 496 : i32
        %add3A_603 = vector.broadcast %add3A_602 : i32 to vector<16xi32>
        %add3A_604 = arith.addi %add3A_603, %iota3A : vector<16xi32>
        %gather3A_605 = tpu.vector_load_idx %arg6[%add3A_604, %select_n3A_463] : memref<512x32xf32, #tpu.memory_space<vmem>>[vector<16xi32>, vector<16xi32>], vector<16xf32>,
        %add3A_606 = arith.constant 0 : i32
        %add3A_607 = vector.broadcast %add3A_606 : i32 to vector<16xi32>
        %add3A_608 = arith.addi %add3A_477, %add3A_607 : vector<16xi32>
        tpu.vector_store_idx %arg8[%add3A_608], %gather3A_481 : memref<16384xf32, #tpu.memory_space<vmem>>[vector<16xi32>], vector<16xf32>,
        %add3A_609 = arith.constant 16 : i32
        %add3A_610 = vector.broadcast %add3A_609 : i32 to vector<16xi32>
        %add3A_611 = arith.addi %add3A_477, %add3A_610 : vector<16xi32>
        tpu.vector_store_idx %arg8[%add3A_611], %gather3A_485 : memref<16384xf32, #tpu.memory_space<vmem>>[vector<16xi32>], vector<16xf32>,
        %add3A_612 = arith.constant 32 : i32
        %add3A_613 = vector.broadcast %add3A_612 : i32 to vector<16xi32>
        %add3A_614 = arith.addi %add3A_477, %add3A_613 : vector<16xi32>
        tpu.vector_store_idx %arg8[%add3A_614], %gather3A_489 : memref<16384xf32, #tpu.memory_space<vmem>>[vector<16xi32>], vector<16xf32>,
        %add3A_615 = arith.constant 48 : i32
        %add3A_616 = vector.broadcast %add3A_615 : i32 to vector<16xi32>
        %add3A_617 = arith.addi %add3A_477, %add3A_616 : vector<16xi32>
        tpu.vector_store_idx %arg8[%add3A_617], %gather3A_493 : memref<16384xf32, #tpu.memory_space<vmem>>[vector<16xi32>], vector<16xf32>,
        %add3A_618 = arith.constant 64 : i32
        %add3A_619 = vector.broadcast %add3A_618 : i32 to vector<16xi32>
        %add3A_620 = arith.addi %add3A_477, %add3A_619 : vector<16xi32>
        tpu.vector_store_idx %arg8[%add3A_620], %gather3A_497 : memref<16384xf32, #tpu.memory_space<vmem>>[vector<16xi32>], vector<16xf32>,
        %add3A_621 = arith.constant 80 : i32
        %add3A_622 = vector.broadcast %add3A_621 : i32 to vector<16xi32>
        %add3A_623 = arith.addi %add3A_477, %add3A_622 : vector<16xi32>
        tpu.vector_store_idx %arg8[%add3A_623], %gather3A_501 : memref<16384xf32, #tpu.memory_space<vmem>>[vector<16xi32>], vector<16xf32>,
        %add3A_624 = arith.constant 96 : i32
        %add3A_625 = vector.broadcast %add3A_624 : i32 to vector<16xi32>
        %add3A_626 = arith.addi %add3A_477, %add3A_625 : vector<16xi32>
        tpu.vector_store_idx %arg8[%add3A_626], %gather3A_505 : memref<16384xf32, #tpu.memory_space<vmem>>[vector<16xi32>], vector<16xf32>,
        %add3A_627 = arith.constant 112 : i32
        %add3A_628 = vector.broadcast %add3A_627 : i32 to vector<16xi32>
        %add3A_629 = arith.addi %add3A_477, %add3A_628 : vector<16xi32>
        tpu.vector_store_idx %arg8[%add3A_629], %gather3A_509 : memref<16384xf32, #tpu.memory_space<vmem>>[vector<16xi32>], vector<16xf32>,
        %add3A_630 = arith.constant 1024 : i32
        %add3A_631 = vector.broadcast %add3A_630 : i32 to vector<16xi32>
        %add3A_632 = arith.addi %add3A_477, %add3A_631 : vector<16xi32>
        tpu.vector_store_idx %arg8[%add3A_632], %gather3A_513 : memref<16384xf32, #tpu.memory_space<vmem>>[vector<16xi32>], vector<16xf32>,
        %add3A_633 = arith.constant 1040 : i32
        %add3A_634 = vector.broadcast %add3A_633 : i32 to vector<16xi32>
        %add3A_635 = arith.addi %add3A_477, %add3A_634 : vector<16xi32>
        tpu.vector_store_idx %arg8[%add3A_635], %gather3A_517 : memref<16384xf32, #tpu.memory_space<vmem>>[vector<16xi32>], vector<16xf32>,
        %add3A_636 = arith.constant 1056 : i32
        %add3A_637 = vector.broadcast %add3A_636 : i32 to vector<16xi32>
        %add3A_638 = arith.addi %add3A_477, %add3A_637 : vector<16xi32>
        tpu.vector_store_idx %arg8[%add3A_638], %gather3A_521 : memref<16384xf32, #tpu.memory_space<vmem>>[vector<16xi32>], vector<16xf32>,
        %add3A_639 = arith.constant 1072 : i32
        %add3A_640 = vector.broadcast %add3A_639 : i32 to vector<16xi32>
        %add3A_641 = arith.addi %add3A_477, %add3A_640 : vector<16xi32>
        tpu.vector_store_idx %arg8[%add3A_641], %gather3A_525 : memref<16384xf32, #tpu.memory_space<vmem>>[vector<16xi32>], vector<16xf32>,
        %add3A_642 = arith.constant 1088 : i32
        %add3A_643 = vector.broadcast %add3A_642 : i32 to vector<16xi32>
        %add3A_644 = arith.addi %add3A_477, %add3A_643 : vector<16xi32>
        tpu.vector_store_idx %arg8[%add3A_644], %gather3A_529 : memref<16384xf32, #tpu.memory_space<vmem>>[vector<16xi32>], vector<16xf32>,
        %add3A_645 = arith.constant 1104 : i32
        %add3A_646 = vector.broadcast %add3A_645 : i32 to vector<16xi32>
        %add3A_647 = arith.addi %add3A_477, %add3A_646 : vector<16xi32>
        tpu.vector_store_idx %arg8[%add3A_647], %gather3A_533 : memref<16384xf32, #tpu.memory_space<vmem>>[vector<16xi32>], vector<16xf32>,
        %add3A_648 = arith.constant 1120 : i32
        %add3A_649 = vector.broadcast %add3A_648 : i32 to vector<16xi32>
        %add3A_650 = arith.addi %add3A_477, %add3A_649 : vector<16xi32>
        tpu.vector_store_idx %arg8[%add3A_650], %gather3A_537 : memref<16384xf32, #tpu.memory_space<vmem>>[vector<16xi32>], vector<16xf32>,
        %add3A_651 = arith.constant 1136 : i32
        %add3A_652 = vector.broadcast %add3A_651 : i32 to vector<16xi32>
        %add3A_653 = arith.addi %add3A_477, %add3A_652 : vector<16xi32>
        tpu.vector_store_idx %arg8[%add3A_653], %gather3A_541 : memref<16384xf32, #tpu.memory_space<vmem>>[vector<16xi32>], vector<16xf32>,
        %add3A_654 = arith.constant 2048 : i32
        %add3A_655 = vector.broadcast %add3A_654 : i32 to vector<16xi32>
        %add3A_656 = arith.addi %add3A_477, %add3A_655 : vector<16xi32>
        tpu.vector_store_idx %arg8[%add3A_656], %gather3A_545 : memref<16384xf32, #tpu.memory_space<vmem>>[vector<16xi32>], vector<16xf32>,
        %add3A_657 = arith.constant 2064 : i32
        %add3A_658 = vector.broadcast %add3A_657 : i32 to vector<16xi32>
        %add3A_659 = arith.addi %add3A_477, %add3A_658 : vector<16xi32>
        tpu.vector_store_idx %arg8[%add3A_659], %gather3A_549 : memref<16384xf32, #tpu.memory_space<vmem>>[vector<16xi32>], vector<16xf32>,
        %add3A_660 = arith.constant 2080 : i32
        %add3A_661 = vector.broadcast %add3A_660 : i32 to vector<16xi32>
        %add3A_662 = arith.addi %add3A_477, %add3A_661 : vector<16xi32>
        tpu.vector_store_idx %arg8[%add3A_662], %gather3A_553 : memref<16384xf32, #tpu.memory_space<vmem>>[vector<16xi32>], vector<16xf32>,
        %add3A_663 = arith.constant 2096 : i32
        %add3A_664 = vector.broadcast %add3A_663 : i32 to vector<16xi32>
        %add3A_665 = arith.addi %add3A_477, %add3A_664 : vector<16xi32>
        tpu.vector_store_idx %arg8[%add3A_665], %gather3A_557 : memref<16384xf32, #tpu.memory_space<vmem>>[vector<16xi32>], vector<16xf32>,
        %add3A_666 = arith.constant 2112 : i32
        %add3A_667 = vector.broadcast %add3A_666 : i32 to vector<16xi32>
        %add3A_668 = arith.addi %add3A_477, %add3A_667 : vector<16xi32>
        tpu.vector_store_idx %arg8[%add3A_668], %gather3A_561 : memref<16384xf32, #tpu.memory_space<vmem>>[vector<16xi32>], vector<16xf32>,
        %add3A_669 = arith.constant 2128 : i32
        %add3A_670 = vector.broadcast %add3A_669 : i32 to vector<16xi32>
        %add3A_671 = arith.addi %add3A_477, %add3A_670 : vector<16xi32>
        tpu.vector_store_idx %arg8[%add3A_671], %gather3A_565 : memref<16384xf32, #tpu.memory_space<vmem>>[vector<16xi32>], vector<16xf32>,
        %add3A_672 = arith.constant 2144 : i32
        %add3A_673 = vector.broadcast %add3A_672 : i32 to vector<16xi32>
        %add3A_674 = arith.addi %add3A_477, %add3A_673 : vector<16xi32>
        tpu.vector_store_idx %arg8[%add3A_674], %gather3A_569 : memref<16384xf32, #tpu.memory_space<vmem>>[vector<16xi32>], vector<16xf32>,
        %add3A_675 = arith.constant 2160 : i32
        %add3A_676 = vector.broadcast %add3A_675 : i32 to vector<16xi32>
        %add3A_677 = arith.addi %add3A_477, %add3A_676 : vector<16xi32>
        tpu.vector_store_idx %arg8[%add3A_677], %gather3A_573 : memref<16384xf32, #tpu.memory_space<vmem>>[vector<16xi32>], vector<16xf32>,
        %add3A_678 = arith.constant 3072 : i32
        %add3A_679 = vector.broadcast %add3A_678 : i32 to vector<16xi32>
        %add3A_680 = arith.addi %add3A_477, %add3A_679 : vector<16xi32>
        tpu.vector_store_idx %arg8[%add3A_680], %gather3A_577 : memref<16384xf32, #tpu.memory_space<vmem>>[vector<16xi32>], vector<16xf32>,
        %add3A_681 = arith.constant 3088 : i32
        %add3A_682 = vector.broadcast %add3A_681 : i32 to vector<16xi32>
        %add3A_683 = arith.addi %add3A_477, %add3A_682 : vector<16xi32>
        tpu.vector_store_idx %arg8[%add3A_683], %gather3A_581 : memref<16384xf32, #tpu.memory_space<vmem>>[vector<16xi32>], vector<16xf32>,
        %add3A_684 = arith.constant 3104 : i32
        %add3A_685 = vector.broadcast %add3A_684 : i32 to vector<16xi32>
        %add3A_686 = arith.addi %add3A_477, %add3A_685 : vector<16xi32>
        tpu.vector_store_idx %arg8[%add3A_686], %gather3A_585 : memref<16384xf32, #tpu.memory_space<vmem>>[vector<16xi32>], vector<16xf32>,
        %add3A_687 = arith.constant 3120 : i32
        %add3A_688 = vector.broadcast %add3A_687 : i32 to vector<16xi32>
        %add3A_689 = arith.addi %add3A_477, %add3A_688 : vector<16xi32>
        tpu.vector_store_idx %arg8[%add3A_689], %gather3A_589 : memref<16384xf32, #tpu.memory_space<vmem>>[vector<16xi32>], vector<16xf32>,
        %add3A_690 = arith.constant 3136 : i32
        %add3A_691 = vector.broadcast %add3A_690 : i32 to vector<16xi32>
        %add3A_692 = arith.addi %add3A_477, %add3A_691 : vector<16xi32>
        tpu.vector_store_idx %arg8[%add3A_692], %gather3A_593 : memref<16384xf32, #tpu.memory_space<vmem>>[vector<16xi32>], vector<16xf32>,
        %add3A_693 = arith.constant 3152 : i32
        %add3A_694 = vector.broadcast %add3A_693 : i32 to vector<16xi32>
        %add3A_695 = arith.addi %add3A_477, %add3A_694 : vector<16xi32>
        tpu.vector_store_idx %arg8[%add3A_695], %gather3A_597 : memref<16384xf32, #tpu.memory_space<vmem>>[vector<16xi32>], vector<16xf32>,
        %add3A_696 = arith.constant 3168 : i32
        %add3A_697 = vector.broadcast %add3A_696 : i32 to vector<16xi32>
        %add3A_698 = arith.addi %add3A_477, %add3A_697 : vector<16xi32>
        tpu.vector_store_idx %arg8[%add3A_698], %gather3A_601 : memref<16384xf32, #tpu.memory_space<vmem>>[vector<16xi32>], vector<16xf32>,
        %add3A_699 = arith.constant 3184 : i32
        %add3A_700 = vector.broadcast %add3A_699 : i32 to vector<16xi32>
        %add3A_701 = arith.addi %add3A_477, %add3A_700 : vector<16xi32>
        tpu.vector_store_idx %arg8[%add3A_701], %gather3A_605 : memref<16384xf32, #tpu.memory_space<vmem>>[vector<16xi32>], vector<16xf32>,
      }
      %scan3A_92 = arith.constant 32 : i32
      %mul3A_93 = arith.constant 4096 : i32
      %mul3A_94 = arith.muli %add3A, %mul3A_93 : i32
      %dma_start3A_95 = arith.constant 0 : i32
      %dma_start3A_96 = arith.constant 0 : i32
      %dma_start3A_97 = tpu.memref_slice %arg8[%dma_start3A_96] : memref<16384xf32, #tpu.memory_space<vmem>> -> memref<4096xf32, #tpu.memory_space<vmem>>
      %dma_start3A_98 = tpu.memref_slice %arg4[%add3A_70, %dma_start3A_95, %mul3A_94] : memref<26x4x131072xf32, #tpu.memory_space<hbm>> -> memref<1x1x4096xf32, #tpu.memory_space<hbm>>
      %dma_start3A_99 = tpu.memref_squeeze %dma_start3A_98 : memref<1x1x4096xf32, #tpu.memory_space<hbm>> -> memref<4096xf32, #tpu.memory_space<hbm>>
      %dma_start3A_100 = tpu.memref_slice %arg4[%add3A_70, %dma_start3A_95, %mul3A_94] : memref<26x4x131072xf32, #tpu.memory_space<hbm>> -> memref<1x1x4096xf32, #tpu.memory_space<hbm>>
      %dma_start3A_101 = tpu.memref_squeeze %dma_start3A_100 : memref<1x1x4096xf32, #tpu.memory_space<hbm>> -> memref<4096xf32, #tpu.memory_space<hbm>>
      %dma_start3A_102 = arith.constant 0 : i32
      %dma_start3A_103 = tpu.memref_slice %arg8[%dma_start3A_102] : memref<16384xf32, #tpu.memory_space<vmem>> -> memref<4096xf32, #tpu.memory_space<vmem>>
      tpu.enqueue_dma source(%dma_start3A_103 : memref<4096xf32, #tpu.memory_space<vmem>>) target(%dma_start3A_101 : memref<4096xf32, #tpu.memory_space<hbm>>) target_semaphore(%arg12 : memref<!tpu.dma_semaphore, #tpu.memory_space<semaphore_mem>>)
      %mul3A_104 = arith.constant 4096 : i32
      %mul3A_105 = arith.muli %add3A, %mul3A_104 : i32
      %dma_start3A_106 = arith.constant 1 : i32
      %dma_start3A_107 = arith.constant 4096 : i32
      %dma_start3A_108 = tpu.memref_slice %arg8[%dma_start3A_107] : memref<16384xf32, #tpu.memory_space<vmem>> -> memref<4096xf32, #tpu.memory_space<vmem>>
      %dma_start3A_109 = tpu.memref_slice %arg4[%add3A_70, %dma_start3A_106, %mul3A_105] : memref<26x4x131072xf32, #tpu.memory_space<hbm>> -> memref<1x1x4096xf32, #tpu.memory_space<hbm>>
      %dma_start3A_110 = tpu.memref_squeeze %dma_start3A_109 : memref<1x1x4096xf32, #tpu.memory_space<hbm>> -> memref<4096xf32, #tpu.memory_space<hbm>>
      %dma_start3A_111 = tpu.memref_slice %arg4[%add3A_70, %dma_start3A_106, %mul3A_105] : memref<26x4x131072xf32, #tpu.memory_space<hbm>> -> memref<1x1x4096xf32, #tpu.memory_space<hbm>>
      %dma_start3A_112 = tpu.memref_squeeze %dma_start3A_111 : memref<1x1x4096xf32, #tpu.memory_space<hbm>> -> memref<4096xf32, #tpu.memory_space<hbm>>
      %dma_start3A_113 = arith.constant 4096 : i32
      %dma_start3A_114 = tpu.memref_slice %arg8[%dma_start3A_113] : memref<16384xf32, #tpu.memory_space<vmem>> -> memref<4096xf32, #tpu.memory_space<vmem>>
      tpu.enqueue_dma source(%dma_start3A_114 : memref<4096xf32, #tpu.memory_space<vmem>>) target(%dma_start3A_112 : memref<4096xf32, #tpu.memory_space<hbm>>) target_semaphore(%arg12 : memref<!tpu.dma_semaphore, #tpu.memory_space<semaphore_mem>>)
      %mul3A_115 = arith.constant 4096 : i32
      %mul3A_116 = arith.muli %add3A, %mul3A_115 : i32
      %dma_start3A_117 = arith.constant 2 : i32
      %dma_start3A_118 = arith.constant 8192 : i32
      %dma_start3A_119 = tpu.memref_slice %arg8[%dma_start3A_118] : memref<16384xf32, #tpu.memory_space<vmem>> -> memref<4096xf32, #tpu.memory_space<vmem>>
      %dma_start3A_120 = tpu.memref_slice %arg4[%add3A_70, %dma_start3A_117, %mul3A_116] : memref<26x4x131072xf32, #tpu.memory_space<hbm>> -> memref<1x1x4096xf32, #tpu.memory_space<hbm>>
      %dma_start3A_121 = tpu.memref_squeeze %dma_start3A_120 : memref<1x1x4096xf32, #tpu.memory_space<hbm>> -> memref<4096xf32, #tpu.memory_space<hbm>>
      %dma_start3A_122 = tpu.memref_slice %arg4[%add3A_70, %dma_start3A_117, %mul3A_116] : memref<26x4x131072xf32, #tpu.memory_space<hbm>> -> memref<1x1x4096xf32, #tpu.memory_space<hbm>>
      %dma_start3A_123 = tpu.memref_squeeze %dma_start3A_122 : memref<1x1x4096xf32, #tpu.memory_space<hbm>> -> memref<4096xf32, #tpu.memory_space<hbm>>
      %dma_start3A_124 = arith.constant 8192 : i32
      %dma_start3A_125 = tpu.memref_slice %arg8[%dma_start3A_124] : memref<16384xf32, #tpu.memory_space<vmem>> -> memref<4096xf32, #tpu.memory_space<vmem>>
      tpu.enqueue_dma source(%dma_start3A_125 : memref<4096xf32, #tpu.memory_space<vmem>>) target(%dma_start3A_123 : memref<4096xf32, #tpu.memory_space<hbm>>) target_semaphore(%arg12 : memref<!tpu.dma_semaphore, #tpu.memory_space<semaphore_mem>>)
      %mul3A_126 = arith.constant 4096 : i32
      %mul3A_127 = arith.muli %add3A, %mul3A_126 : i32
      %dma_start3A_128 = arith.constant 3 : i32
      %dma_start3A_129 = arith.constant 12288 : i32
      %dma_start3A_130 = tpu.memref_slice %arg8[%dma_start3A_129] : memref<16384xf32, #tpu.memory_space<vmem>> -> memref<4096xf32, #tpu.memory_space<vmem>>
      %dma_start3A_131 = tpu.memref_slice %arg4[%add3A_70, %dma_start3A_128, %mul3A_127] : memref<26x4x131072xf32, #tpu.memory_space<hbm>> -> memref<1x1x4096xf32, #tpu.memory_space<hbm>>
      %dma_start3A_132 = tpu.memref_squeeze %dma_start3A_131 : memref<1x1x4096xf32, #tpu.memory_space<hbm>> -> memref<4096xf32, #tpu.memory_space<hbm>>
      %dma_start3A_133 = tpu.memref_slice %arg4[%add3A_70, %dma_start3A_128, %mul3A_127] : memref<26x4x131072xf32, #tpu.memory_space<hbm>> -> memref<1x1x4096xf32, #tpu.memory_space<hbm>>
      %dma_start3A_134 = tpu.memref_squeeze %dma_start3A_133 : memref<1x1x4096xf32, #tpu.memory_space<hbm>> -> memref<4096xf32, #tpu.memory_space<hbm>>
      %dma_start3A_135 = arith.constant 12288 : i32
      %dma_start3A_136 = tpu.memref_slice %arg8[%dma_start3A_135] : memref<16384xf32, #tpu.memory_space<vmem>> -> memref<4096xf32, #tpu.memory_space<vmem>>
      tpu.enqueue_dma source(%dma_start3A_136 : memref<4096xf32, #tpu.memory_space<vmem>>) target(%dma_start3A_134 : memref<4096xf32, #tpu.memory_space<hbm>>) target_semaphore(%arg12 : memref<!tpu.dma_semaphore, #tpu.memory_space<semaphore_mem>>)
      %add3A_137 = arith.constant 1 : i32
      %add3A_138 = arith.addi %mul3A_68, %add3A_137 : i32
      %add3A_139 = arith.constant 1 : i32
      %add3A_140 = arith.addi %add3A_138, %add3A_139 : i32
      %lt3A_141 = arith.constant 26 : i32
      %lt3A_142 = arith.cmpi slt, %add3A_140, %lt3A_141 : i32
      %convert_element_type3A_143 = arith.extui %lt3A_142 : i1 to i32
      %cond3A_144 = arith.constant 0 : i32
      %cond3A_145 = arith.cmpi ne, %convert_element_type3A_143, %cond3A_144 : i32
      scf.if %cond3A_145 {
        %dma_start3A_210 = arith.constant 0 : i32
        %dma_start3A_211 = arith.constant 0 : i32
        %dma_start3A_212 = arith.constant 0 : i32
        %dma_start3A_213 = tpu.memref_slice %arg6[%dma_start3A_211, %dma_start3A_212] : memref<512x32xf32, #tpu.memory_space<vmem>> -> memref<128x32xf32, #tpu.memory_space<vmem>>
        %dma_start3A_214 = arith.constant 0 : i32
        %dma_start3A_215 = tpu.memref_slice %arg5[%add3A_140, %dma_start3A_210, %dma_start3A_214] : memref<26x4x128xi32, #tpu.memory_space<vmem>> -> memref<1x1x128xi32, #tpu.memory_space<vmem>>
        %dma_start3A_216 = tpu.memref_squeeze %dma_start3A_215 : memref<1x1x128xi32, #tpu.memory_space<vmem>> -> memref<128xi32, #tpu.memory_space<vmem>>
        %dma_start3A_217 = arith.constant 0 : i32
        %dma_start3A_218 = arith.constant 0 : i32
        %dma_start3A_219 = tpu.memref_slice %arg3[%dma_start3A_217, %dma_start3A_218] : memref<1000000x32xf32, #tpu.memory_space<hbm>> -> memref<1000000x32xf32, #tpu.memory_space<hbm>>
        tpu.enqueue_indirect_dma source(%dma_start3A_219 : memref<1000000x32xf32, #tpu.memory_space<hbm>>) target(%dma_start3A_213 : memref<128x32xf32, #tpu.memory_space<vmem>>) offsets(%dma_start3A_216 : memref<128xi32, #tpu.memory_space<vmem>>) semaphore(%arg10 : memref<!tpu.dma_semaphore, #tpu.memory_space<semaphore_mem>>)
        %dma_start3A_220 = arith.constant 1 : i32
        %dma_start3A_221 = arith.constant 128 : i32
        %dma_start3A_222 = arith.constant 0 : i32
        %dma_start3A_223 = tpu.memref_slice %arg6[%dma_start3A_221, %dma_start3A_222] : memref<512x32xf32, #tpu.memory_space<vmem>> -> memref<128x32xf32, #tpu.memory_space<vmem>>
        %dma_start3A_224 = arith.constant 0 : i32
        %dma_start3A_225 = tpu.memref_slice %arg5[%add3A_140, %dma_start3A_220, %dma_start3A_224] : memref<26x4x128xi32, #tpu.memory_space<vmem>> -> memref<1x1x128xi32, #tpu.memory_space<vmem>>
        %dma_start3A_226 = tpu.memref_squeeze %dma_start3A_225 : memref<1x1x128xi32, #tpu.memory_space<vmem>> -> memref<128xi32, #tpu.memory_space<vmem>>
        %dma_start3A_227 = arith.constant 0 : i32
        %dma_start3A_228 = arith.constant 0 : i32
        %dma_start3A_229 = tpu.memref_slice %arg3[%dma_start3A_227, %dma_start3A_228] : memref<1000000x32xf32, #tpu.memory_space<hbm>> -> memref<1000000x32xf32, #tpu.memory_space<hbm>>
        tpu.enqueue_indirect_dma source(%dma_start3A_229 : memref<1000000x32xf32, #tpu.memory_space<hbm>>) target(%dma_start3A_223 : memref<128x32xf32, #tpu.memory_space<vmem>>) offsets(%dma_start3A_226 : memref<128xi32, #tpu.memory_space<vmem>>) semaphore(%arg10 : memref<!tpu.dma_semaphore, #tpu.memory_space<semaphore_mem>>)
        %dma_start3A_230 = arith.constant 2 : i32
        %dma_start3A_231 = arith.constant 256 : i32
        %dma_start3A_232 = arith.constant 0 : i32
        %dma_start3A_233 = tpu.memref_slice %arg6[%dma_start3A_231, %dma_start3A_232] : memref<512x32xf32, #tpu.memory_space<vmem>> -> memref<128x32xf32, #tpu.memory_space<vmem>>
        %dma_start3A_234 = arith.constant 0 : i32
        %dma_start3A_235 = tpu.memref_slice %arg5[%add3A_140, %dma_start3A_230, %dma_start3A_234] : memref<26x4x128xi32, #tpu.memory_space<vmem>> -> memref<1x1x128xi32, #tpu.memory_space<vmem>>
        %dma_start3A_236 = tpu.memref_squeeze %dma_start3A_235 : memref<1x1x128xi32, #tpu.memory_space<vmem>> -> memref<128xi32, #tpu.memory_space<vmem>>
        %dma_start3A_237 = arith.constant 0 : i32
        %dma_start3A_238 = arith.constant 0 : i32
        %dma_start3A_239 = tpu.memref_slice %arg3[%dma_start3A_237, %dma_start3A_238] : memref<1000000x32xf32, #tpu.memory_space<hbm>> -> memref<1000000x32xf32, #tpu.memory_space<hbm>>
        tpu.enqueue_indirect_dma source(%dma_start3A_239 : memref<1000000x32xf32, #tpu.memory_space<hbm>>) target(%dma_start3A_233 : memref<128x32xf32, #tpu.memory_space<vmem>>) offsets(%dma_start3A_236 : memref<128xi32, #tpu.memory_space<vmem>>) semaphore(%arg10 : memref<!tpu.dma_semaphore, #tpu.memory_space<semaphore_mem>>)
        %dma_start3A_240 = arith.constant 3 : i32
        %dma_start3A_241 = arith.constant 384 : i32
        %dma_start3A_242 = arith.constant 0 : i32
        %dma_start3A_243 = tpu.memref_slice %arg6[%dma_start3A_241, %dma_start3A_242] : memref<512x32xf32, #tpu.memory_space<vmem>> -> memref<128x32xf32, #tpu.memory_space<vmem>>
        %dma_start3A_244 = arith.constant 0 : i32
        %dma_start3A_245 = tpu.memref_slice %arg5[%add3A_140, %dma_start3A_240, %dma_start3A_244] : memref<26x4x128xi32, #tpu.memory_space<vmem>> -> memref<1x1x128xi32, #tpu.memory_space<vmem>>
        %dma_start3A_246 = tpu.memref_squeeze %dma_start3A_245 : memref<1x1x128xi32, #tpu.memory_space<vmem>> -> memref<128xi32, #tpu.memory_space<vmem>>
        %dma_start3A_247 = arith.constant 0 : i32
        %dma_start3A_248 = arith.constant 0 : i32
        %dma_start3A_249 = tpu.memref_slice %arg3[%dma_start3A_247, %dma_start3A_248] : memref<1000000x32xf32, #tpu.memory_space<hbm>> -> memref<1000000x32xf32, #tpu.memory_space<hbm>>
        tpu.enqueue_indirect_dma source(%dma_start3A_249 : memref<1000000x32xf32, #tpu.memory_space<hbm>>) target(%dma_start3A_243 : memref<128x32xf32, #tpu.memory_space<vmem>>) offsets(%dma_start3A_246 : memref<128xi32, #tpu.memory_space<vmem>>) semaphore(%arg10 : memref<!tpu.dma_semaphore, #tpu.memory_space<semaphore_mem>>)
      } else {
      }
      %dma_wait3A_146 = arith.constant 0 : i32
      %dma_wait3A_147 = arith.constant 0 : i32
      %dma_wait3A_148 = arith.constant 0 : i32
      %dma_wait3A_149 = tpu.memref_slice %arg5[%dma_wait3A_146, %dma_wait3A_147, %dma_wait3A_148] : memref<26x4x128xi32, #tpu.memory_space<vmem>> -> memref<1x1x128xi32, #tpu.memory_space<vmem>>
      %dma_wait3A_150 = tpu.memref_squeeze %dma_wait3A_149 : memref<1x1x128xi32, #tpu.memory_space<vmem>> -> memref<128xi32, #tpu.memory_space<vmem>>
      %dma_wait3A_151 = arith.constant 0 : i32
      %dma_wait3A_152 = arith.constant 0 : i32
      %dma_wait3A_153 = tpu.memref_slice %arg3[%dma_wait3A_151, %dma_wait3A_152] : memref<1000000x32xf32, #tpu.memory_space<hbm>> -> memref<1000000x32xf32, #tpu.memory_space<hbm>>
      tpu.wait_indirect_dma semaphore(%arg11 : memref<!tpu.dma_semaphore, #tpu.memory_space<semaphore_mem>>) src(%dma_wait3A_153 : memref<1000000x32xf32, #tpu.memory_space<hbm>>) dst(%arg7 : memref<512x32xf32, #tpu.memory_space<vmem>>)
      %ge3A_154 = arith.constant 2 : i32
      %ge3A_155 = arith.cmpi sge, %add3A_138, %ge3A_154 : i32
      %convert_element_type3A_156 = arith.extui %ge3A_155 : i1 to i32
      %cond3A_157 = arith.constant 0 : i32
      %cond3A_158 = arith.cmpi ne, %convert_element_type3A_156, %cond3A_157 : i32
      scf.if %cond3A_158 {
        %dma_wait3A_210 = arith.constant 0 : i32
        %dma_wait3A_211 = arith.constant 0 : i32
        %dma_wait3A_212 = arith.constant 0 : i32
        %dma_wait3A_213 = tpu.memref_slice %arg4[%dma_wait3A_210, %dma_wait3A_211, %dma_wait3A_212] : memref<26x4x131072xf32, #tpu.memory_space<hbm>> -> memref<1x1x16384xf32, #tpu.memory_space<hbm>>
        %dma_wait3A_214 = tpu.memref_squeeze %dma_wait3A_213 : memref<1x1x16384xf32, #tpu.memory_space<hbm>> -> memref<16384xf32, #tpu.memory_space<hbm>>
        %dma_wait3A_215 = arith.constant 0 : i32
        %dma_wait3A_216 = tpu.memref_slice %arg4[%dma_wait3A_210, %dma_wait3A_211, %dma_wait3A_215] : memref<26x4x131072xf32, #tpu.memory_space<hbm>> -> memref<1x1x16384xf32, #tpu.memory_space<hbm>>
        %dma_wait3A_217 = tpu.memref_squeeze %dma_wait3A_216 : memref<1x1x16384xf32, #tpu.memory_space<hbm>> -> memref<16384xf32, #tpu.memory_space<hbm>>
        tpu.wait_dma2 semaphore(%arg13 : memref<!tpu.dma_semaphore, #tpu.memory_space<semaphore_mem>>) src(%arg9 : memref<16384xf32, #tpu.memory_space<vmem>>) dst(%dma_wait3A_217 : memref<16384xf32, #tpu.memory_space<hbm>>)
      } else {
      }
      %iota3A_159 = tpu.iota {dimensions = array<i32: 0>} : vector<16xi32>
      %scan3A_160 = arith.constant 0 : i32
      %scan3A_161 = arith.constant 0 : i32
      %scan3A_162 = arith.constant 32 : i32
      %scan3A_163 = arith.addi %scan3A_161, %scan3A_162 : i32
      %scan3A_164 = arith.constant 2 : i32
      scf.for %scan3A_210 = %scan3A_161 to %scan3A_163 step %scan3A_164  : i32 {
        %add3A_211 = vector.broadcast %scan3A_210 : i32 to vector<16xi32>
        %add3A_212 = arith.addi %add3A_211, %iota3A_159 : vector<16xi32>
        %lt3A_213 = arith.constant 32 : i32
        %lt3A_214 = vector.broadcast %lt3A_213 : i32 to vector<16xi32>
        %lt3A_215 = arith.cmpi slt, %add3A_212, %lt3A_214 : vector<16xi32>
        %sub3A = arith.constant 32 : i32
        %sub3A_216 = vector.broadcast %sub3A : i32 to vector<16xi32>
        %sub3A_217 = arith.subi %add3A_212, %sub3A_216 : vector<16xi32>
        %select_n3A = arith.select %lt3A_215, %add3A_212, %sub3A_217 : vector<16xi1>, vector<16xi32>
        %shift_right_arithmetic3A = arith.constant 3 : i32
        %shift_right_arithmetic3A_218 = vector.broadcast %shift_right_arithmetic3A : i32 to vector<16xi32>
        %shift_right_arithmetic3A_219 = arith.shrsi %select_n3A, %shift_right_arithmetic3A_218 : vector<16xi32>
        %mul3A_220 = arith.constant 4096 : i32
        %mul3A_221 = vector.broadcast %mul3A_220 : i32 to vector<16xi32>
        %mul3A_222 = arith.muli %shift_right_arithmetic3A_219, %mul3A_221 : vector<16xi32>
        %and3A = arith.constant 7 : i32
        %and3A_223 = vector.broadcast %and3A : i32 to vector<16xi32>
        %and3A_224 = arith.andi %select_n3A, %and3A_223 : vector<16xi32>
        %mul3A_225 = arith.constant 128 : i32
        %mul3A_226 = vector.broadcast %mul3A_225 : i32 to vector<16xi32>
        %mul3A_227 = arith.muli %and3A_224, %mul3A_226 : vector<16xi32>
        %add3A_228 = arith.addi %mul3A_222, %mul3A_227 : vector<16xi32>
        %add3A_229 = arith.addi %add3A_228, %iota3A_159 : vector<16xi32>
        %add3A_230 = arith.constant 0 : i32
        %add3A_231 = vector.broadcast %add3A_230 : i32 to vector<16xi32>
        %add3A_232 = arith.addi %add3A_231, %iota3A_159 : vector<16xi32>
        %gather3A = tpu.vector_load_idx %arg7[%add3A_232, %select_n3A] : memref<512x32xf32, #tpu.memory_space<vmem>>[vector<16xi32>, vector<16xi32>], vector<16xf32>,
        %add3A_233 = arith.constant 16 : i32
        %add3A_234 = vector.broadcast %add3A_233 : i32 to vector<16xi32>
        %add3A_235 = arith.addi %add3A_234, %iota3A_159 : vector<16xi32>
        %gather3A_236 = tpu.vector_load_idx %arg7[%add3A_235, %select_n3A] : memref<512x32xf32, #tpu.memory_space<vmem>>[vector<16xi32>, vector<16xi32>], vector<16xf32>,
        %add3A_237 = arith.constant 32 : i32
        %add3A_238 = vector.broadcast %add3A_237 : i32 to vector<16xi32>
        %add3A_239 = arith.addi %add3A_238, %iota3A_159 : vector<16xi32>
        %gather3A_240 = tpu.vector_load_idx %arg7[%add3A_239, %select_n3A] : memref<512x32xf32, #tpu.memory_space<vmem>>[vector<16xi32>, vector<16xi32>], vector<16xf32>,
        %add3A_241 = arith.constant 48 : i32
        %add3A_242 = vector.broadcast %add3A_241 : i32 to vector<16xi32>
        %add3A_243 = arith.addi %add3A_242, %iota3A_159 : vector<16xi32>
        %gather3A_244 = tpu.vector_load_idx %arg7[%add3A_243, %select_n3A] : memref<512x32xf32, #tpu.memory_space<vmem>>[vector<16xi32>, vector<16xi32>], vector<16xf32>,
        %add3A_245 = arith.constant 64 : i32
        %add3A_246 = vector.broadcast %add3A_245 : i32 to vector<16xi32>
        %add3A_247 = arith.addi %add3A_246, %iota3A_159 : vector<16xi32>
        %gather3A_248 = tpu.vector_load_idx %arg7[%add3A_247, %select_n3A] : memref<512x32xf32, #tpu.memory_space<vmem>>[vector<16xi32>, vector<16xi32>], vector<16xf32>,
        %add3A_249 = arith.constant 80 : i32
        %add3A_250 = vector.broadcast %add3A_249 : i32 to vector<16xi32>
        %add3A_251 = arith.addi %add3A_250, %iota3A_159 : vector<16xi32>
        %gather3A_252 = tpu.vector_load_idx %arg7[%add3A_251, %select_n3A] : memref<512x32xf32, #tpu.memory_space<vmem>>[vector<16xi32>, vector<16xi32>], vector<16xf32>,
        %add3A_253 = arith.constant 96 : i32
        %add3A_254 = vector.broadcast %add3A_253 : i32 to vector<16xi32>
        %add3A_255 = arith.addi %add3A_254, %iota3A_159 : vector<16xi32>
        %gather3A_256 = tpu.vector_load_idx %arg7[%add3A_255, %select_n3A] : memref<512x32xf32, #tpu.memory_space<vmem>>[vector<16xi32>, vector<16xi32>], vector<16xf32>,
        %add3A_257 = arith.constant 112 : i32
        %add3A_258 = vector.broadcast %add3A_257 : i32 to vector<16xi32>
        %add3A_259 = arith.addi %add3A_258, %iota3A_159 : vector<16xi32>
        %gather3A_260 = tpu.vector_load_idx %arg7[%add3A_259, %select_n3A] : memref<512x32xf32, #tpu.memory_space<vmem>>[vector<16xi32>, vector<16xi32>], vector<16xf32>,
        %add3A_261 = arith.constant 128 : i32
        %add3A_262 = vector.broadcast %add3A_261 : i32 to vector<16xi32>
        %add3A_263 = arith.addi %add3A_262, %iota3A_159 : vector<16xi32>
        %gather3A_264 = tpu.vector_load_idx %arg7[%add3A_263, %select_n3A] : memref<512x32xf32, #tpu.memory_space<vmem>>[vector<16xi32>, vector<16xi32>], vector<16xf32>,
        %add3A_265 = arith.constant 144 : i32
        %add3A_266 = vector.broadcast %add3A_265 : i32 to vector<16xi32>
        %add3A_267 = arith.addi %add3A_266, %iota3A_159 : vector<16xi32>
        %gather3A_268 = tpu.vector_load_idx %arg7[%add3A_267, %select_n3A] : memref<512x32xf32, #tpu.memory_space<vmem>>[vector<16xi32>, vector<16xi32>], vector<16xf32>,
        %add3A_269 = arith.constant 160 : i32
        %add3A_270 = vector.broadcast %add3A_269 : i32 to vector<16xi32>
        %add3A_271 = arith.addi %add3A_270, %iota3A_159 : vector<16xi32>
        %gather3A_272 = tpu.vector_load_idx %arg7[%add3A_271, %select_n3A] : memref<512x32xf32, #tpu.memory_space<vmem>>[vector<16xi32>, vector<16xi32>], vector<16xf32>,
        %add3A_273 = arith.constant 176 : i32
        %add3A_274 = vector.broadcast %add3A_273 : i32 to vector<16xi32>
        %add3A_275 = arith.addi %add3A_274, %iota3A_159 : vector<16xi32>
        %gather3A_276 = tpu.vector_load_idx %arg7[%add3A_275, %select_n3A] : memref<512x32xf32, #tpu.memory_space<vmem>>[vector<16xi32>, vector<16xi32>], vector<16xf32>,
        %add3A_277 = arith.constant 192 : i32
        %add3A_278 = vector.broadcast %add3A_277 : i32 to vector<16xi32>
        %add3A_279 = arith.addi %add3A_278, %iota3A_159 : vector<16xi32>
        %gather3A_280 = tpu.vector_load_idx %arg7[%add3A_279, %select_n3A] : memref<512x32xf32, #tpu.memory_space<vmem>>[vector<16xi32>, vector<16xi32>], vector<16xf32>,
        %add3A_281 = arith.constant 208 : i32
        %add3A_282 = vector.broadcast %add3A_281 : i32 to vector<16xi32>
        %add3A_283 = arith.addi %add3A_282, %iota3A_159 : vector<16xi32>
        %gather3A_284 = tpu.vector_load_idx %arg7[%add3A_283, %select_n3A] : memref<512x32xf32, #tpu.memory_space<vmem>>[vector<16xi32>, vector<16xi32>], vector<16xf32>,
        %add3A_285 = arith.constant 224 : i32
        %add3A_286 = vector.broadcast %add3A_285 : i32 to vector<16xi32>
        %add3A_287 = arith.addi %add3A_286, %iota3A_159 : vector<16xi32>
        %gather3A_288 = tpu.vector_load_idx %arg7[%add3A_287, %select_n3A] : memref<512x32xf32, #tpu.memory_space<vmem>>[vector<16xi32>, vector<16xi32>], vector<16xf32>,
        %add3A_289 = arith.constant 240 : i32
        %add3A_290 = vector.broadcast %add3A_289 : i32 to vector<16xi32>
        %add3A_291 = arith.addi %add3A_290, %iota3A_159 : vector<16xi32>
        %gather3A_292 = tpu.vector_load_idx %arg7[%add3A_291, %select_n3A] : memref<512x32xf32, #tpu.memory_space<vmem>>[vector<16xi32>, vector<16xi32>], vector<16xf32>,
        %add3A_293 = arith.constant 256 : i32
        %add3A_294 = vector.broadcast %add3A_293 : i32 to vector<16xi32>
        %add3A_295 = arith.addi %add3A_294, %iota3A_159 : vector<16xi32>
        %gather3A_296 = tpu.vector_load_idx %arg7[%add3A_295, %select_n3A] : memref<512x32xf32, #tpu.memory_space<vmem>>[vector<16xi32>, vector<16xi32>], vector<16xf32>,
        %add3A_297 = arith.constant 272 : i32
        %add3A_298 = vector.broadcast %add3A_297 : i32 to vector<16xi32>
        %add3A_299 = arith.addi %add3A_298, %iota3A_159 : vector<16xi32>
        %gather3A_300 = tpu.vector_load_idx %arg7[%add3A_299, %select_n3A] : memref<512x32xf32, #tpu.memory_space<vmem>>[vector<16xi32>, vector<16xi32>], vector<16xf32>,
        %add3A_301 = arith.constant 288 : i32
        %add3A_302 = vector.broadcast %add3A_301 : i32 to vector<16xi32>
        %add3A_303 = arith.addi %add3A_302, %iota3A_159 : vector<16xi32>
        %gather3A_304 = tpu.vector_load_idx %arg7[%add3A_303, %select_n3A] : memref<512x32xf32, #tpu.memory_space<vmem>>[vector<16xi32>, vector<16xi32>], vector<16xf32>,
        %add3A_305 = arith.constant 304 : i32
        %add3A_306 = vector.broadcast %add3A_305 : i32 to vector<16xi32>
        %add3A_307 = arith.addi %add3A_306, %iota3A_159 : vector<16xi32>
        %gather3A_308 = tpu.vector_load_idx %arg7[%add3A_307, %select_n3A] : memref<512x32xf32, #tpu.memory_space<vmem>>[vector<16xi32>, vector<16xi32>], vector<16xf32>,
        %add3A_309 = arith.constant 320 : i32
        %add3A_310 = vector.broadcast %add3A_309 : i32 to vector<16xi32>
        %add3A_311 = arith.addi %add3A_310, %iota3A_159 : vector<16xi32>
        %gather3A_312 = tpu.vector_load_idx %arg7[%add3A_311, %select_n3A] : memref<512x32xf32, #tpu.memory_space<vmem>>[vector<16xi32>, vector<16xi32>], vector<16xf32>,
        %add3A_313 = arith.constant 336 : i32
        %add3A_314 = vector.broadcast %add3A_313 : i32 to vector<16xi32>
        %add3A_315 = arith.addi %add3A_314, %iota3A_159 : vector<16xi32>
        %gather3A_316 = tpu.vector_load_idx %arg7[%add3A_315, %select_n3A] : memref<512x32xf32, #tpu.memory_space<vmem>>[vector<16xi32>, vector<16xi32>], vector<16xf32>,
        %add3A_317 = arith.constant 352 : i32
        %add3A_318 = vector.broadcast %add3A_317 : i32 to vector<16xi32>
        %add3A_319 = arith.addi %add3A_318, %iota3A_159 : vector<16xi32>
        %gather3A_320 = tpu.vector_load_idx %arg7[%add3A_319, %select_n3A] : memref<512x32xf32, #tpu.memory_space<vmem>>[vector<16xi32>, vector<16xi32>], vector<16xf32>,
        %add3A_321 = arith.constant 368 : i32
        %add3A_322 = vector.broadcast %add3A_321 : i32 to vector<16xi32>
        %add3A_323 = arith.addi %add3A_322, %iota3A_159 : vector<16xi32>
        %gather3A_324 = tpu.vector_load_idx %arg7[%add3A_323, %select_n3A] : memref<512x32xf32, #tpu.memory_space<vmem>>[vector<16xi32>, vector<16xi32>], vector<16xf32>,
        %add3A_325 = arith.constant 384 : i32
        %add3A_326 = vector.broadcast %add3A_325 : i32 to vector<16xi32>
        %add3A_327 = arith.addi %add3A_326, %iota3A_159 : vector<16xi32>
        %gather3A_328 = tpu.vector_load_idx %arg7[%add3A_327, %select_n3A] : memref<512x32xf32, #tpu.memory_space<vmem>>[vector<16xi32>, vector<16xi32>], vector<16xf32>,
        %add3A_329 = arith.constant 400 : i32
        %add3A_330 = vector.broadcast %add3A_329 : i32 to vector<16xi32>
        %add3A_331 = arith.addi %add3A_330, %iota3A_159 : vector<16xi32>
        %gather3A_332 = tpu.vector_load_idx %arg7[%add3A_331, %select_n3A] : memref<512x32xf32, #tpu.memory_space<vmem>>[vector<16xi32>, vector<16xi32>], vector<16xf32>,
        %add3A_333 = arith.constant 416 : i32
        %add3A_334 = vector.broadcast %add3A_333 : i32 to vector<16xi32>
        %add3A_335 = arith.addi %add3A_334, %iota3A_159 : vector<16xi32>
        %gather3A_336 = tpu.vector_load_idx %arg7[%add3A_335, %select_n3A] : memref<512x32xf32, #tpu.memory_space<vmem>>[vector<16xi32>, vector<16xi32>], vector<16xf32>,
        %add3A_337 = arith.constant 432 : i32
        %add3A_338 = vector.broadcast %add3A_337 : i32 to vector<16xi32>
        %add3A_339 = arith.addi %add3A_338, %iota3A_159 : vector<16xi32>
        %gather3A_340 = tpu.vector_load_idx %arg7[%add3A_339, %select_n3A] : memref<512x32xf32, #tpu.memory_space<vmem>>[vector<16xi32>, vector<16xi32>], vector<16xf32>,
        %add3A_341 = arith.constant 448 : i32
        %add3A_342 = vector.broadcast %add3A_341 : i32 to vector<16xi32>
        %add3A_343 = arith.addi %add3A_342, %iota3A_159 : vector<16xi32>
        %gather3A_344 = tpu.vector_load_idx %arg7[%add3A_343, %select_n3A] : memref<512x32xf32, #tpu.memory_space<vmem>>[vector<16xi32>, vector<16xi32>], vector<16xf32>,
        %add3A_345 = arith.constant 464 : i32
        %add3A_346 = vector.broadcast %add3A_345 : i32 to vector<16xi32>
        %add3A_347 = arith.addi %add3A_346, %iota3A_159 : vector<16xi32>
        %gather3A_348 = tpu.vector_load_idx %arg7[%add3A_347, %select_n3A] : memref<512x32xf32, #tpu.memory_space<vmem>>[vector<16xi32>, vector<16xi32>], vector<16xf32>,
        %add3A_349 = arith.constant 480 : i32
        %add3A_350 = vector.broadcast %add3A_349 : i32 to vector<16xi32>
        %add3A_351 = arith.addi %add3A_350, %iota3A_159 : vector<16xi32>
        %gather3A_352 = tpu.vector_load_idx %arg7[%add3A_351, %select_n3A] : memref<512x32xf32, #tpu.memory_space<vmem>>[vector<16xi32>, vector<16xi32>], vector<16xf32>,
        %add3A_353 = arith.constant 496 : i32
        %add3A_354 = vector.broadcast %add3A_353 : i32 to vector<16xi32>
        %add3A_355 = arith.addi %add3A_354, %iota3A_159 : vector<16xi32>
        %gather3A_356 = tpu.vector_load_idx %arg7[%add3A_355, %select_n3A] : memref<512x32xf32, #tpu.memory_space<vmem>>[vector<16xi32>, vector<16xi32>], vector<16xf32>,
        %add3A_357 = arith.constant 0 : i32
        %add3A_358 = vector.broadcast %add3A_357 : i32 to vector<16xi32>
        %add3A_359 = arith.addi %add3A_229, %add3A_358 : vector<16xi32>
        tpu.vector_store_idx %arg9[%add3A_359], %gather3A : memref<16384xf32, #tpu.memory_space<vmem>>[vector<16xi32>], vector<16xf32>,
        %add3A_360 = arith.constant 16 : i32
        %add3A_361 = vector.broadcast %add3A_360 : i32 to vector<16xi32>
        %add3A_362 = arith.addi %add3A_229, %add3A_361 : vector<16xi32>
        tpu.vector_store_idx %arg9[%add3A_362], %gather3A_236 : memref<16384xf32, #tpu.memory_space<vmem>>[vector<16xi32>], vector<16xf32>,
        %add3A_363 = arith.constant 32 : i32
        %add3A_364 = vector.broadcast %add3A_363 : i32 to vector<16xi32>
        %add3A_365 = arith.addi %add3A_229, %add3A_364 : vector<16xi32>
        tpu.vector_store_idx %arg9[%add3A_365], %gather3A_240 : memref<16384xf32, #tpu.memory_space<vmem>>[vector<16xi32>], vector<16xf32>,
        %add3A_366 = arith.constant 48 : i32
        %add3A_367 = vector.broadcast %add3A_366 : i32 to vector<16xi32>
        %add3A_368 = arith.addi %add3A_229, %add3A_367 : vector<16xi32>
        tpu.vector_store_idx %arg9[%add3A_368], %gather3A_244 : memref<16384xf32, #tpu.memory_space<vmem>>[vector<16xi32>], vector<16xf32>,
        %add3A_369 = arith.constant 64 : i32
        %add3A_370 = vector.broadcast %add3A_369 : i32 to vector<16xi32>
        %add3A_371 = arith.addi %add3A_229, %add3A_370 : vector<16xi32>
        tpu.vector_store_idx %arg9[%add3A_371], %gather3A_248 : memref<16384xf32, #tpu.memory_space<vmem>>[vector<16xi32>], vector<16xf32>,
        %add3A_372 = arith.constant 80 : i32
        %add3A_373 = vector.broadcast %add3A_372 : i32 to vector<16xi32>
        %add3A_374 = arith.addi %add3A_229, %add3A_373 : vector<16xi32>
        tpu.vector_store_idx %arg9[%add3A_374], %gather3A_252 : memref<16384xf32, #tpu.memory_space<vmem>>[vector<16xi32>], vector<16xf32>,
        %add3A_375 = arith.constant 96 : i32
        %add3A_376 = vector.broadcast %add3A_375 : i32 to vector<16xi32>
        %add3A_377 = arith.addi %add3A_229, %add3A_376 : vector<16xi32>
        tpu.vector_store_idx %arg9[%add3A_377], %gather3A_256 : memref<16384xf32, #tpu.memory_space<vmem>>[vector<16xi32>], vector<16xf32>,
        %add3A_378 = arith.constant 112 : i32
        %add3A_379 = vector.broadcast %add3A_378 : i32 to vector<16xi32>
        %add3A_380 = arith.addi %add3A_229, %add3A_379 : vector<16xi32>
        tpu.vector_store_idx %arg9[%add3A_380], %gather3A_260 : memref<16384xf32, #tpu.memory_space<vmem>>[vector<16xi32>], vector<16xf32>,
        %add3A_381 = arith.constant 1024 : i32
        %add3A_382 = vector.broadcast %add3A_381 : i32 to vector<16xi32>
        %add3A_383 = arith.addi %add3A_229, %add3A_382 : vector<16xi32>
        tpu.vector_store_idx %arg9[%add3A_383], %gather3A_264 : memref<16384xf32, #tpu.memory_space<vmem>>[vector<16xi32>], vector<16xf32>,
        %add3A_384 = arith.constant 1040 : i32
        %add3A_385 = vector.broadcast %add3A_384 : i32 to vector<16xi32>
        %add3A_386 = arith.addi %add3A_229, %add3A_385 : vector<16xi32>
        tpu.vector_store_idx %arg9[%add3A_386], %gather3A_268 : memref<16384xf32, #tpu.memory_space<vmem>>[vector<16xi32>], vector<16xf32>,
        %add3A_387 = arith.constant 1056 : i32
        %add3A_388 = vector.broadcast %add3A_387 : i32 to vector<16xi32>
        %add3A_389 = arith.addi %add3A_229, %add3A_388 : vector<16xi32>
        tpu.vector_store_idx %arg9[%add3A_389], %gather3A_272 : memref<16384xf32, #tpu.memory_space<vmem>>[vector<16xi32>], vector<16xf32>,
        %add3A_390 = arith.constant 1072 : i32
        %add3A_391 = vector.broadcast %add3A_390 : i32 to vector<16xi32>
        %add3A_392 = arith.addi %add3A_229, %add3A_391 : vector<16xi32>
        tpu.vector_store_idx %arg9[%add3A_392], %gather3A_276 : memref<16384xf32, #tpu.memory_space<vmem>>[vector<16xi32>], vector<16xf32>,
        %add3A_393 = arith.constant 1088 : i32
        %add3A_394 = vector.broadcast %add3A_393 : i32 to vector<16xi32>
        %add3A_395 = arith.addi %add3A_229, %add3A_394 : vector<16xi32>
        tpu.vector_store_idx %arg9[%add3A_395], %gather3A_280 : memref<16384xf32, #tpu.memory_space<vmem>>[vector<16xi32>], vector<16xf32>,
        %add3A_396 = arith.constant 1104 : i32
        %add3A_397 = vector.broadcast %add3A_396 : i32 to vector<16xi32>
        %add3A_398 = arith.addi %add3A_229, %add3A_397 : vector<16xi32>
        tpu.vector_store_idx %arg9[%add3A_398], %gather3A_284 : memref<16384xf32, #tpu.memory_space<vmem>>[vector<16xi32>], vector<16xf32>,
        %add3A_399 = arith.constant 1120 : i32
        %add3A_400 = vector.broadcast %add3A_399 : i32 to vector<16xi32>
        %add3A_401 = arith.addi %add3A_229, %add3A_400 : vector<16xi32>
        tpu.vector_store_idx %arg9[%add3A_401], %gather3A_288 : memref<16384xf32, #tpu.memory_space<vmem>>[vector<16xi32>], vector<16xf32>,
        %add3A_402 = arith.constant 1136 : i32
        %add3A_403 = vector.broadcast %add3A_402 : i32 to vector<16xi32>
        %add3A_404 = arith.addi %add3A_229, %add3A_403 : vector<16xi32>
        tpu.vector_store_idx %arg9[%add3A_404], %gather3A_292 : memref<16384xf32, #tpu.memory_space<vmem>>[vector<16xi32>], vector<16xf32>,
        %add3A_405 = arith.constant 2048 : i32
        %add3A_406 = vector.broadcast %add3A_405 : i32 to vector<16xi32>
        %add3A_407 = arith.addi %add3A_229, %add3A_406 : vector<16xi32>
        tpu.vector_store_idx %arg9[%add3A_407], %gather3A_296 : memref<16384xf32, #tpu.memory_space<vmem>>[vector<16xi32>], vector<16xf32>,
        %add3A_408 = arith.constant 2064 : i32
        %add3A_409 = vector.broadcast %add3A_408 : i32 to vector<16xi32>
        %add3A_410 = arith.addi %add3A_229, %add3A_409 : vector<16xi32>
        tpu.vector_store_idx %arg9[%add3A_410], %gather3A_300 : memref<16384xf32, #tpu.memory_space<vmem>>[vector<16xi32>], vector<16xf32>,
        %add3A_411 = arith.constant 2080 : i32
        %add3A_412 = vector.broadcast %add3A_411 : i32 to vector<16xi32>
        %add3A_413 = arith.addi %add3A_229, %add3A_412 : vector<16xi32>
        tpu.vector_store_idx %arg9[%add3A_413], %gather3A_304 : memref<16384xf32, #tpu.memory_space<vmem>>[vector<16xi32>], vector<16xf32>,
        %add3A_414 = arith.constant 2096 : i32
        %add3A_415 = vector.broadcast %add3A_414 : i32 to vector<16xi32>
        %add3A_416 = arith.addi %add3A_229, %add3A_415 : vector<16xi32>
        tpu.vector_store_idx %arg9[%add3A_416], %gather3A_308 : memref<16384xf32, #tpu.memory_space<vmem>>[vector<16xi32>], vector<16xf32>,
        %add3A_417 = arith.constant 2112 : i32
        %add3A_418 = vector.broadcast %add3A_417 : i32 to vector<16xi32>
        %add3A_419 = arith.addi %add3A_229, %add3A_418 : vector<16xi32>
        tpu.vector_store_idx %arg9[%add3A_419], %gather3A_312 : memref<16384xf32, #tpu.memory_space<vmem>>[vector<16xi32>], vector<16xf32>,
        %add3A_420 = arith.constant 2128 : i32
        %add3A_421 = vector.broadcast %add3A_420 : i32 to vector<16xi32>
        %add3A_422 = arith.addi %add3A_229, %add3A_421 : vector<16xi32>
        tpu.vector_store_idx %arg9[%add3A_422], %gather3A_316 : memref<16384xf32, #tpu.memory_space<vmem>>[vector<16xi32>], vector<16xf32>,
        %add3A_423 = arith.constant 2144 : i32
        %add3A_424 = vector.broadcast %add3A_423 : i32 to vector<16xi32>
        %add3A_425 = arith.addi %add3A_229, %add3A_424 : vector<16xi32>
        tpu.vector_store_idx %arg9[%add3A_425], %gather3A_320 : memref<16384xf32, #tpu.memory_space<vmem>>[vector<16xi32>], vector<16xf32>,
        %add3A_426 = arith.constant 2160 : i32
        %add3A_427 = vector.broadcast %add3A_426 : i32 to vector<16xi32>
        %add3A_428 = arith.addi %add3A_229, %add3A_427 : vector<16xi32>
        tpu.vector_store_idx %arg9[%add3A_428], %gather3A_324 : memref<16384xf32, #tpu.memory_space<vmem>>[vector<16xi32>], vector<16xf32>,
        %add3A_429 = arith.constant 3072 : i32
        %add3A_430 = vector.broadcast %add3A_429 : i32 to vector<16xi32>
        %add3A_431 = arith.addi %add3A_229, %add3A_430 : vector<16xi32>
        tpu.vector_store_idx %arg9[%add3A_431], %gather3A_328 : memref<16384xf32, #tpu.memory_space<vmem>>[vector<16xi32>], vector<16xf32>,
        %add3A_432 = arith.constant 3088 : i32
        %add3A_433 = vector.broadcast %add3A_432 : i32 to vector<16xi32>
        %add3A_434 = arith.addi %add3A_229, %add3A_433 : vector<16xi32>
        tpu.vector_store_idx %arg9[%add3A_434], %gather3A_332 : memref<16384xf32, #tpu.memory_space<vmem>>[vector<16xi32>], vector<16xf32>,
        %add3A_435 = arith.constant 3104 : i32
        %add3A_436 = vector.broadcast %add3A_435 : i32 to vector<16xi32>
        %add3A_437 = arith.addi %add3A_229, %add3A_436 : vector<16xi32>
        tpu.vector_store_idx %arg9[%add3A_437], %gather3A_336 : memref<16384xf32, #tpu.memory_space<vmem>>[vector<16xi32>], vector<16xf32>,
        %add3A_438 = arith.constant 3120 : i32
        %add3A_439 = vector.broadcast %add3A_438 : i32 to vector<16xi32>
        %add3A_440 = arith.addi %add3A_229, %add3A_439 : vector<16xi32>
        tpu.vector_store_idx %arg9[%add3A_440], %gather3A_340 : memref<16384xf32, #tpu.memory_space<vmem>>[vector<16xi32>], vector<16xf32>,
        %add3A_441 = arith.constant 3136 : i32
        %add3A_442 = vector.broadcast %add3A_441 : i32 to vector<16xi32>
        %add3A_443 = arith.addi %add3A_229, %add3A_442 : vector<16xi32>
        tpu.vector_store_idx %arg9[%add3A_443], %gather3A_344 : memref<16384xf32, #tpu.memory_space<vmem>>[vector<16xi32>], vector<16xf32>,
        %add3A_444 = arith.constant 3152 : i32
        %add3A_445 = vector.broadcast %add3A_444 : i32 to vector<16xi32>
        %add3A_446 = arith.addi %add3A_229, %add3A_445 : vector<16xi32>
        tpu.vector_store_idx %arg9[%add3A_446], %gather3A_348 : memref<16384xf32, #tpu.memory_space<vmem>>[vector<16xi32>], vector<16xf32>,
        %add3A_447 = arith.constant 3168 : i32
        %add3A_448 = vector.broadcast %add3A_447 : i32 to vector<16xi32>
        %add3A_449 = arith.addi %add3A_229, %add3A_448 : vector<16xi32>
        tpu.vector_store_idx %arg9[%add3A_449], %gather3A_352 : memref<16384xf32, #tpu.memory_space<vmem>>[vector<16xi32>], vector<16xf32>,
        %add3A_450 = arith.constant 3184 : i32
        %add3A_451 = vector.broadcast %add3A_450 : i32 to vector<16xi32>
        %add3A_452 = arith.addi %add3A_229, %add3A_451 : vector<16xi32>
        tpu.vector_store_idx %arg9[%add3A_452], %gather3A_356 : memref<16384xf32, #tpu.memory_space<vmem>>[vector<16xi32>], vector<16xf32>,
        %scan3A_453 = arith.constant 1 : i32
        %scan3A_454 = arith.addi %scan3A_210, %scan3A_453 : i32
        %add3A_455 = vector.broadcast %scan3A_454 : i32 to vector<16xi32>
        %add3A_456 = arith.addi %add3A_455, %iota3A_159 : vector<16xi32>
        %lt3A_457 = arith.constant 32 : i32
        %lt3A_458 = vector.broadcast %lt3A_457 : i32 to vector<16xi32>
        %lt3A_459 = arith.cmpi slt, %add3A_456, %lt3A_458 : vector<16xi32>
        %sub3A_460 = arith.constant 32 : i32
        %sub3A_461 = vector.broadcast %sub3A_460 : i32 to vector<16xi32>
        %sub3A_462 = arith.subi %add3A_456, %sub3A_461 : vector<16xi32>
        %select_n3A_463 = arith.select %lt3A_459, %add3A_456, %sub3A_462 : vector<16xi1>, vector<16xi32>
        %shift_right_arithmetic3A_464 = arith.constant 3 : i32
        %shift_right_arithmetic3A_465 = vector.broadcast %shift_right_arithmetic3A_464 : i32 to vector<16xi32>
        %shift_right_arithmetic3A_466 = arith.shrsi %select_n3A_463, %shift_right_arithmetic3A_465 : vector<16xi32>
        %mul3A_467 = arith.constant 4096 : i32
        %mul3A_468 = vector.broadcast %mul3A_467 : i32 to vector<16xi32>
        %mul3A_469 = arith.muli %shift_right_arithmetic3A_466, %mul3A_468 : vector<16xi32>
        %and3A_470 = arith.constant 7 : i32
        %and3A_471 = vector.broadcast %and3A_470 : i32 to vector<16xi32>
        %and3A_472 = arith.andi %select_n3A_463, %and3A_471 : vector<16xi32>
        %mul3A_473 = arith.constant 128 : i32
        %mul3A_474 = vector.broadcast %mul3A_473 : i32 to vector<16xi32>
        %mul3A_475 = arith.muli %and3A_472, %mul3A_474 : vector<16xi32>
        %add3A_476 = arith.addi %mul3A_469, %mul3A_475 : vector<16xi32>
        %add3A_477 = arith.addi %add3A_476, %iota3A_159 : vector<16xi32>
        %add3A_478 = arith.constant 0 : i32
        %add3A_479 = vector.broadcast %add3A_478 : i32 to vector<16xi32>
        %add3A_480 = arith.addi %add3A_479, %iota3A_159 : vector<16xi32>
        %gather3A_481 = tpu.vector_load_idx %arg7[%add3A_480, %select_n3A_463] : memref<512x32xf32, #tpu.memory_space<vmem>>[vector<16xi32>, vector<16xi32>], vector<16xf32>,
        %add3A_482 = arith.constant 16 : i32
        %add3A_483 = vector.broadcast %add3A_482 : i32 to vector<16xi32>
        %add3A_484 = arith.addi %add3A_483, %iota3A_159 : vector<16xi32>
        %gather3A_485 = tpu.vector_load_idx %arg7[%add3A_484, %select_n3A_463] : memref<512x32xf32, #tpu.memory_space<vmem>>[vector<16xi32>, vector<16xi32>], vector<16xf32>,
        %add3A_486 = arith.constant 32 : i32
        %add3A_487 = vector.broadcast %add3A_486 : i32 to vector<16xi32>
        %add3A_488 = arith.addi %add3A_487, %iota3A_159 : vector<16xi32>
        %gather3A_489 = tpu.vector_load_idx %arg7[%add3A_488, %select_n3A_463] : memref<512x32xf32, #tpu.memory_space<vmem>>[vector<16xi32>, vector<16xi32>], vector<16xf32>,
        %add3A_490 = arith.constant 48 : i32
        %add3A_491 = vector.broadcast %add3A_490 : i32 to vector<16xi32>
        %add3A_492 = arith.addi %add3A_491, %iota3A_159 : vector<16xi32>
        %gather3A_493 = tpu.vector_load_idx %arg7[%add3A_492, %select_n3A_463] : memref<512x32xf32, #tpu.memory_space<vmem>>[vector<16xi32>, vector<16xi32>], vector<16xf32>,
        %add3A_494 = arith.constant 64 : i32
        %add3A_495 = vector.broadcast %add3A_494 : i32 to vector<16xi32>
        %add3A_496 = arith.addi %add3A_495, %iota3A_159 : vector<16xi32>
        %gather3A_497 = tpu.vector_load_idx %arg7[%add3A_496, %select_n3A_463] : memref<512x32xf32, #tpu.memory_space<vmem>>[vector<16xi32>, vector<16xi32>], vector<16xf32>,
        %add3A_498 = arith.constant 80 : i32
        %add3A_499 = vector.broadcast %add3A_498 : i32 to vector<16xi32>
        %add3A_500 = arith.addi %add3A_499, %iota3A_159 : vector<16xi32>
        %gather3A_501 = tpu.vector_load_idx %arg7[%add3A_500, %select_n3A_463] : memref<512x32xf32, #tpu.memory_space<vmem>>[vector<16xi32>, vector<16xi32>], vector<16xf32>,
        %add3A_502 = arith.constant 96 : i32
        %add3A_503 = vector.broadcast %add3A_502 : i32 to vector<16xi32>
        %add3A_504 = arith.addi %add3A_503, %iota3A_159 : vector<16xi32>
        %gather3A_505 = tpu.vector_load_idx %arg7[%add3A_504, %select_n3A_463] : memref<512x32xf32, #tpu.memory_space<vmem>>[vector<16xi32>, vector<16xi32>], vector<16xf32>,
        %add3A_506 = arith.constant 112 : i32
        %add3A_507 = vector.broadcast %add3A_506 : i32 to vector<16xi32>
        %add3A_508 = arith.addi %add3A_507, %iota3A_159 : vector<16xi32>
        %gather3A_509 = tpu.vector_load_idx %arg7[%add3A_508, %select_n3A_463] : memref<512x32xf32, #tpu.memory_space<vmem>>[vector<16xi32>, vector<16xi32>], vector<16xf32>,
        %add3A_510 = arith.constant 128 : i32
        %add3A_511 = vector.broadcast %add3A_510 : i32 to vector<16xi32>
        %add3A_512 = arith.addi %add3A_511, %iota3A_159 : vector<16xi32>
        %gather3A_513 = tpu.vector_load_idx %arg7[%add3A_512, %select_n3A_463] : memref<512x32xf32, #tpu.memory_space<vmem>>[vector<16xi32>, vector<16xi32>], vector<16xf32>,
        %add3A_514 = arith.constant 144 : i32
        %add3A_515 = vector.broadcast %add3A_514 : i32 to vector<16xi32>
        %add3A_516 = arith.addi %add3A_515, %iota3A_159 : vector<16xi32>
        %gather3A_517 = tpu.vector_load_idx %arg7[%add3A_516, %select_n3A_463] : memref<512x32xf32, #tpu.memory_space<vmem>>[vector<16xi32>, vector<16xi32>], vector<16xf32>,
        %add3A_518 = arith.constant 160 : i32
        %add3A_519 = vector.broadcast %add3A_518 : i32 to vector<16xi32>
        %add3A_520 = arith.addi %add3A_519, %iota3A_159 : vector<16xi32>
        %gather3A_521 = tpu.vector_load_idx %arg7[%add3A_520, %select_n3A_463] : memref<512x32xf32, #tpu.memory_space<vmem>>[vector<16xi32>, vector<16xi32>], vector<16xf32>,
        %add3A_522 = arith.constant 176 : i32
        %add3A_523 = vector.broadcast %add3A_522 : i32 to vector<16xi32>
        %add3A_524 = arith.addi %add3A_523, %iota3A_159 : vector<16xi32>
        %gather3A_525 = tpu.vector_load_idx %arg7[%add3A_524, %select_n3A_463] : memref<512x32xf32, #tpu.memory_space<vmem>>[vector<16xi32>, vector<16xi32>], vector<16xf32>,
        %add3A_526 = arith.constant 192 : i32
        %add3A_527 = vector.broadcast %add3A_526 : i32 to vector<16xi32>
        %add3A_528 = arith.addi %add3A_527, %iota3A_159 : vector<16xi32>
        %gather3A_529 = tpu.vector_load_idx %arg7[%add3A_528, %select_n3A_463] : memref<512x32xf32, #tpu.memory_space<vmem>>[vector<16xi32>, vector<16xi32>], vector<16xf32>,
        %add3A_530 = arith.constant 208 : i32
        %add3A_531 = vector.broadcast %add3A_530 : i32 to vector<16xi32>
        %add3A_532 = arith.addi %add3A_531, %iota3A_159 : vector<16xi32>
        %gather3A_533 = tpu.vector_load_idx %arg7[%add3A_532, %select_n3A_463] : memref<512x32xf32, #tpu.memory_space<vmem>>[vector<16xi32>, vector<16xi32>], vector<16xf32>,
        %add3A_534 = arith.constant 224 : i32
        %add3A_535 = vector.broadcast %add3A_534 : i32 to vector<16xi32>
        %add3A_536 = arith.addi %add3A_535, %iota3A_159 : vector<16xi32>
        %gather3A_537 = tpu.vector_load_idx %arg7[%add3A_536, %select_n3A_463] : memref<512x32xf32, #tpu.memory_space<vmem>>[vector<16xi32>, vector<16xi32>], vector<16xf32>,
        %add3A_538 = arith.constant 240 : i32
        %add3A_539 = vector.broadcast %add3A_538 : i32 to vector<16xi32>
        %add3A_540 = arith.addi %add3A_539, %iota3A_159 : vector<16xi32>
        %gather3A_541 = tpu.vector_load_idx %arg7[%add3A_540, %select_n3A_463] : memref<512x32xf32, #tpu.memory_space<vmem>>[vector<16xi32>, vector<16xi32>], vector<16xf32>,
        %add3A_542 = arith.constant 256 : i32
        %add3A_543 = vector.broadcast %add3A_542 : i32 to vector<16xi32>
        %add3A_544 = arith.addi %add3A_543, %iota3A_159 : vector<16xi32>
        %gather3A_545 = tpu.vector_load_idx %arg7[%add3A_544, %select_n3A_463] : memref<512x32xf32, #tpu.memory_space<vmem>>[vector<16xi32>, vector<16xi32>], vector<16xf32>,
        %add3A_546 = arith.constant 272 : i32
        %add3A_547 = vector.broadcast %add3A_546 : i32 to vector<16xi32>
        %add3A_548 = arith.addi %add3A_547, %iota3A_159 : vector<16xi32>
        %gather3A_549 = tpu.vector_load_idx %arg7[%add3A_548, %select_n3A_463] : memref<512x32xf32, #tpu.memory_space<vmem>>[vector<16xi32>, vector<16xi32>], vector<16xf32>,
        %add3A_550 = arith.constant 288 : i32
        %add3A_551 = vector.broadcast %add3A_550 : i32 to vector<16xi32>
        %add3A_552 = arith.addi %add3A_551, %iota3A_159 : vector<16xi32>
        %gather3A_553 = tpu.vector_load_idx %arg7[%add3A_552, %select_n3A_463] : memref<512x32xf32, #tpu.memory_space<vmem>>[vector<16xi32>, vector<16xi32>], vector<16xf32>,
        %add3A_554 = arith.constant 304 : i32
        %add3A_555 = vector.broadcast %add3A_554 : i32 to vector<16xi32>
        %add3A_556 = arith.addi %add3A_555, %iota3A_159 : vector<16xi32>
        %gather3A_557 = tpu.vector_load_idx %arg7[%add3A_556, %select_n3A_463] : memref<512x32xf32, #tpu.memory_space<vmem>>[vector<16xi32>, vector<16xi32>], vector<16xf32>,
        %add3A_558 = arith.constant 320 : i32
        %add3A_559 = vector.broadcast %add3A_558 : i32 to vector<16xi32>
        %add3A_560 = arith.addi %add3A_559, %iota3A_159 : vector<16xi32>
        %gather3A_561 = tpu.vector_load_idx %arg7[%add3A_560, %select_n3A_463] : memref<512x32xf32, #tpu.memory_space<vmem>>[vector<16xi32>, vector<16xi32>], vector<16xf32>,
        %add3A_562 = arith.constant 336 : i32
        %add3A_563 = vector.broadcast %add3A_562 : i32 to vector<16xi32>
        %add3A_564 = arith.addi %add3A_563, %iota3A_159 : vector<16xi32>
        %gather3A_565 = tpu.vector_load_idx %arg7[%add3A_564, %select_n3A_463] : memref<512x32xf32, #tpu.memory_space<vmem>>[vector<16xi32>, vector<16xi32>], vector<16xf32>,
        %add3A_566 = arith.constant 352 : i32
        %add3A_567 = vector.broadcast %add3A_566 : i32 to vector<16xi32>
        %add3A_568 = arith.addi %add3A_567, %iota3A_159 : vector<16xi32>
        %gather3A_569 = tpu.vector_load_idx %arg7[%add3A_568, %select_n3A_463] : memref<512x32xf32, #tpu.memory_space<vmem>>[vector<16xi32>, vector<16xi32>], vector<16xf32>,
        %add3A_570 = arith.constant 368 : i32
        %add3A_571 = vector.broadcast %add3A_570 : i32 to vector<16xi32>
        %add3A_572 = arith.addi %add3A_571, %iota3A_159 : vector<16xi32>
        %gather3A_573 = tpu.vector_load_idx %arg7[%add3A_572, %select_n3A_463] : memref<512x32xf32, #tpu.memory_space<vmem>>[vector<16xi32>, vector<16xi32>], vector<16xf32>,
        %add3A_574 = arith.constant 384 : i32
        %add3A_575 = vector.broadcast %add3A_574 : i32 to vector<16xi32>
        %add3A_576 = arith.addi %add3A_575, %iota3A_159 : vector<16xi32>
        %gather3A_577 = tpu.vector_load_idx %arg7[%add3A_576, %select_n3A_463] : memref<512x32xf32, #tpu.memory_space<vmem>>[vector<16xi32>, vector<16xi32>], vector<16xf32>,
        %add3A_578 = arith.constant 400 : i32
        %add3A_579 = vector.broadcast %add3A_578 : i32 to vector<16xi32>
        %add3A_580 = arith.addi %add3A_579, %iota3A_159 : vector<16xi32>
        %gather3A_581 = tpu.vector_load_idx %arg7[%add3A_580, %select_n3A_463] : memref<512x32xf32, #tpu.memory_space<vmem>>[vector<16xi32>, vector<16xi32>], vector<16xf32>,
        %add3A_582 = arith.constant 416 : i32
        %add3A_583 = vector.broadcast %add3A_582 : i32 to vector<16xi32>
        %add3A_584 = arith.addi %add3A_583, %iota3A_159 : vector<16xi32>
        %gather3A_585 = tpu.vector_load_idx %arg7[%add3A_584, %select_n3A_463] : memref<512x32xf32, #tpu.memory_space<vmem>>[vector<16xi32>, vector<16xi32>], vector<16xf32>,
        %add3A_586 = arith.constant 432 : i32
        %add3A_587 = vector.broadcast %add3A_586 : i32 to vector<16xi32>
        %add3A_588 = arith.addi %add3A_587, %iota3A_159 : vector<16xi32>
        %gather3A_589 = tpu.vector_load_idx %arg7[%add3A_588, %select_n3A_463] : memref<512x32xf32, #tpu.memory_space<vmem>>[vector<16xi32>, vector<16xi32>], vector<16xf32>,
        %add3A_590 = arith.constant 448 : i32
        %add3A_591 = vector.broadcast %add3A_590 : i32 to vector<16xi32>
        %add3A_592 = arith.addi %add3A_591, %iota3A_159 : vector<16xi32>
        %gather3A_593 = tpu.vector_load_idx %arg7[%add3A_592, %select_n3A_463] : memref<512x32xf32, #tpu.memory_space<vmem>>[vector<16xi32>, vector<16xi32>], vector<16xf32>,
        %add3A_594 = arith.constant 464 : i32
        %add3A_595 = vector.broadcast %add3A_594 : i32 to vector<16xi32>
        %add3A_596 = arith.addi %add3A_595, %iota3A_159 : vector<16xi32>
        %gather3A_597 = tpu.vector_load_idx %arg7[%add3A_596, %select_n3A_463] : memref<512x32xf32, #tpu.memory_space<vmem>>[vector<16xi32>, vector<16xi32>], vector<16xf32>,
        %add3A_598 = arith.constant 480 : i32
        %add3A_599 = vector.broadcast %add3A_598 : i32 to vector<16xi32>
        %add3A_600 = arith.addi %add3A_599, %iota3A_159 : vector<16xi32>
        %gather3A_601 = tpu.vector_load_idx %arg7[%add3A_600, %select_n3A_463] : memref<512x32xf32, #tpu.memory_space<vmem>>[vector<16xi32>, vector<16xi32>], vector<16xf32>,
        %add3A_602 = arith.constant 496 : i32
        %add3A_603 = vector.broadcast %add3A_602 : i32 to vector<16xi32>
        %add3A_604 = arith.addi %add3A_603, %iota3A_159 : vector<16xi32>
        %gather3A_605 = tpu.vector_load_idx %arg7[%add3A_604, %select_n3A_463] : memref<512x32xf32, #tpu.memory_space<vmem>>[vector<16xi32>, vector<16xi32>], vector<16xf32>,
        %add3A_606 = arith.constant 0 : i32
        %add3A_607 = vector.broadcast %add3A_606 : i32 to vector<16xi32>
        %add3A_608 = arith.addi %add3A_477, %add3A_607 : vector<16xi32>
        tpu.vector_store_idx %arg9[%add3A_608], %gather3A_481 : memref<16384xf32, #tpu.memory_space<vmem>>[vector<16xi32>], vector<16xf32>,
        %add3A_609 = arith.constant 16 : i32
        %add3A_610 = vector.broadcast %add3A_609 : i32 to vector<16xi32>
        %add3A_611 = arith.addi %add3A_477, %add3A_610 : vector<16xi32>
        tpu.vector_store_idx %arg9[%add3A_611], %gather3A_485 : memref<16384xf32, #tpu.memory_space<vmem>>[vector<16xi32>], vector<16xf32>,
        %add3A_612 = arith.constant 32 : i32
        %add3A_613 = vector.broadcast %add3A_612 : i32 to vector<16xi32>
        %add3A_614 = arith.addi %add3A_477, %add3A_613 : vector<16xi32>
        tpu.vector_store_idx %arg9[%add3A_614], %gather3A_489 : memref<16384xf32, #tpu.memory_space<vmem>>[vector<16xi32>], vector<16xf32>,
        %add3A_615 = arith.constant 48 : i32
        %add3A_616 = vector.broadcast %add3A_615 : i32 to vector<16xi32>
        %add3A_617 = arith.addi %add3A_477, %add3A_616 : vector<16xi32>
        tpu.vector_store_idx %arg9[%add3A_617], %gather3A_493 : memref<16384xf32, #tpu.memory_space<vmem>>[vector<16xi32>], vector<16xf32>,
        %add3A_618 = arith.constant 64 : i32
        %add3A_619 = vector.broadcast %add3A_618 : i32 to vector<16xi32>
        %add3A_620 = arith.addi %add3A_477, %add3A_619 : vector<16xi32>
        tpu.vector_store_idx %arg9[%add3A_620], %gather3A_497 : memref<16384xf32, #tpu.memory_space<vmem>>[vector<16xi32>], vector<16xf32>,
        %add3A_621 = arith.constant 80 : i32
        %add3A_622 = vector.broadcast %add3A_621 : i32 to vector<16xi32>
        %add3A_623 = arith.addi %add3A_477, %add3A_622 : vector<16xi32>
        tpu.vector_store_idx %arg9[%add3A_623], %gather3A_501 : memref<16384xf32, #tpu.memory_space<vmem>>[vector<16xi32>], vector<16xf32>,
        %add3A_624 = arith.constant 96 : i32
        %add3A_625 = vector.broadcast %add3A_624 : i32 to vector<16xi32>
        %add3A_626 = arith.addi %add3A_477, %add3A_625 : vector<16xi32>
        tpu.vector_store_idx %arg9[%add3A_626], %gather3A_505 : memref<16384xf32, #tpu.memory_space<vmem>>[vector<16xi32>], vector<16xf32>,
        %add3A_627 = arith.constant 112 : i32
        %add3A_628 = vector.broadcast %add3A_627 : i32 to vector<16xi32>
        %add3A_629 = arith.addi %add3A_477, %add3A_628 : vector<16xi32>
        tpu.vector_store_idx %arg9[%add3A_629], %gather3A_509 : memref<16384xf32, #tpu.memory_space<vmem>>[vector<16xi32>], vector<16xf32>,
        %add3A_630 = arith.constant 1024 : i32
        %add3A_631 = vector.broadcast %add3A_630 : i32 to vector<16xi32>
        %add3A_632 = arith.addi %add3A_477, %add3A_631 : vector<16xi32>
        tpu.vector_store_idx %arg9[%add3A_632], %gather3A_513 : memref<16384xf32, #tpu.memory_space<vmem>>[vector<16xi32>], vector<16xf32>,
        %add3A_633 = arith.constant 1040 : i32
        %add3A_634 = vector.broadcast %add3A_633 : i32 to vector<16xi32>
        %add3A_635 = arith.addi %add3A_477, %add3A_634 : vector<16xi32>
        tpu.vector_store_idx %arg9[%add3A_635], %gather3A_517 : memref<16384xf32, #tpu.memory_space<vmem>>[vector<16xi32>], vector<16xf32>,
        %add3A_636 = arith.constant 1056 : i32
        %add3A_637 = vector.broadcast %add3A_636 : i32 to vector<16xi32>
        %add3A_638 = arith.addi %add3A_477, %add3A_637 : vector<16xi32>
        tpu.vector_store_idx %arg9[%add3A_638], %gather3A_521 : memref<16384xf32, #tpu.memory_space<vmem>>[vector<16xi32>], vector<16xf32>,
        %add3A_639 = arith.constant 1072 : i32
        %add3A_640 = vector.broadcast %add3A_639 : i32 to vector<16xi32>
        %add3A_641 = arith.addi %add3A_477, %add3A_640 : vector<16xi32>
        tpu.vector_store_idx %arg9[%add3A_641], %gather3A_525 : memref<16384xf32, #tpu.memory_space<vmem>>[vector<16xi32>], vector<16xf32>,
        %add3A_642 = arith.constant 1088 : i32
        %add3A_643 = vector.broadcast %add3A_642 : i32 to vector<16xi32>
        %add3A_644 = arith.addi %add3A_477, %add3A_643 : vector<16xi32>
        tpu.vector_store_idx %arg9[%add3A_644], %gather3A_529 : memref<16384xf32, #tpu.memory_space<vmem>>[vector<16xi32>], vector<16xf32>,
        %add3A_645 = arith.constant 1104 : i32
        %add3A_646 = vector.broadcast %add3A_645 : i32 to vector<16xi32>
        %add3A_647 = arith.addi %add3A_477, %add3A_646 : vector<16xi32>
        tpu.vector_store_idx %arg9[%add3A_647], %gather3A_533 : memref<16384xf32, #tpu.memory_space<vmem>>[vector<16xi32>], vector<16xf32>,
        %add3A_648 = arith.constant 1120 : i32
        %add3A_649 = vector.broadcast %add3A_648 : i32 to vector<16xi32>
        %add3A_650 = arith.addi %add3A_477, %add3A_649 : vector<16xi32>
        tpu.vector_store_idx %arg9[%add3A_650], %gather3A_537 : memref<16384xf32, #tpu.memory_space<vmem>>[vector<16xi32>], vector<16xf32>,
        %add3A_651 = arith.constant 1136 : i32
        %add3A_652 = vector.broadcast %add3A_651 : i32 to vector<16xi32>
        %add3A_653 = arith.addi %add3A_477, %add3A_652 : vector<16xi32>
        tpu.vector_store_idx %arg9[%add3A_653], %gather3A_541 : memref<16384xf32, #tpu.memory_space<vmem>>[vector<16xi32>], vector<16xf32>,
        %add3A_654 = arith.constant 2048 : i32
        %add3A_655 = vector.broadcast %add3A_654 : i32 to vector<16xi32>
        %add3A_656 = arith.addi %add3A_477, %add3A_655 : vector<16xi32>
        tpu.vector_store_idx %arg9[%add3A_656], %gather3A_545 : memref<16384xf32, #tpu.memory_space<vmem>>[vector<16xi32>], vector<16xf32>,
        %add3A_657 = arith.constant 2064 : i32
        %add3A_658 = vector.broadcast %add3A_657 : i32 to vector<16xi32>
        %add3A_659 = arith.addi %add3A_477, %add3A_658 : vector<16xi32>
        tpu.vector_store_idx %arg9[%add3A_659], %gather3A_549 : memref<16384xf32, #tpu.memory_space<vmem>>[vector<16xi32>], vector<16xf32>,
        %add3A_660 = arith.constant 2080 : i32
        %add3A_661 = vector.broadcast %add3A_660 : i32 to vector<16xi32>
        %add3A_662 = arith.addi %add3A_477, %add3A_661 : vector<16xi32>
        tpu.vector_store_idx %arg9[%add3A_662], %gather3A_553 : memref<16384xf32, #tpu.memory_space<vmem>>[vector<16xi32>], vector<16xf32>,
        %add3A_663 = arith.constant 2096 : i32
        %add3A_664 = vector.broadcast %add3A_663 : i32 to vector<16xi32>
        %add3A_665 = arith.addi %add3A_477, %add3A_664 : vector<16xi32>
        tpu.vector_store_idx %arg9[%add3A_665], %gather3A_557 : memref<16384xf32, #tpu.memory_space<vmem>>[vector<16xi32>], vector<16xf32>,
        %add3A_666 = arith.constant 2112 : i32
        %add3A_667 = vector.broadcast %add3A_666 : i32 to vector<16xi32>
        %add3A_668 = arith.addi %add3A_477, %add3A_667 : vector<16xi32>
        tpu.vector_store_idx %arg9[%add3A_668], %gather3A_561 : memref<16384xf32, #tpu.memory_space<vmem>>[vector<16xi32>], vector<16xf32>,
        %add3A_669 = arith.constant 2128 : i32
        %add3A_670 = vector.broadcast %add3A_669 : i32 to vector<16xi32>
        %add3A_671 = arith.addi %add3A_477, %add3A_670 : vector<16xi32>
        tpu.vector_store_idx %arg9[%add3A_671], %gather3A_565 : memref<16384xf32, #tpu.memory_space<vmem>>[vector<16xi32>], vector<16xf32>,
        %add3A_672 = arith.constant 2144 : i32
        %add3A_673 = vector.broadcast %add3A_672 : i32 to vector<16xi32>
        %add3A_674 = arith.addi %add3A_477, %add3A_673 : vector<16xi32>
        tpu.vector_store_idx %arg9[%add3A_674], %gather3A_569 : memref<16384xf32, #tpu.memory_space<vmem>>[vector<16xi32>], vector<16xf32>,
        %add3A_675 = arith.constant 2160 : i32
        %add3A_676 = vector.broadcast %add3A_675 : i32 to vector<16xi32>
        %add3A_677 = arith.addi %add3A_477, %add3A_676 : vector<16xi32>
        tpu.vector_store_idx %arg9[%add3A_677], %gather3A_573 : memref<16384xf32, #tpu.memory_space<vmem>>[vector<16xi32>], vector<16xf32>,
        %add3A_678 = arith.constant 3072 : i32
        %add3A_679 = vector.broadcast %add3A_678 : i32 to vector<16xi32>
        %add3A_680 = arith.addi %add3A_477, %add3A_679 : vector<16xi32>
        tpu.vector_store_idx %arg9[%add3A_680], %gather3A_577 : memref<16384xf32, #tpu.memory_space<vmem>>[vector<16xi32>], vector<16xf32>,
        %add3A_681 = arith.constant 3088 : i32
        %add3A_682 = vector.broadcast %add3A_681 : i32 to vector<16xi32>
        %add3A_683 = arith.addi %add3A_477, %add3A_682 : vector<16xi32>
        tpu.vector_store_idx %arg9[%add3A_683], %gather3A_581 : memref<16384xf32, #tpu.memory_space<vmem>>[vector<16xi32>], vector<16xf32>,
        %add3A_684 = arith.constant 3104 : i32
        %add3A_685 = vector.broadcast %add3A_684 : i32 to vector<16xi32>
        %add3A_686 = arith.addi %add3A_477, %add3A_685 : vector<16xi32>
        tpu.vector_store_idx %arg9[%add3A_686], %gather3A_585 : memref<16384xf32, #tpu.memory_space<vmem>>[vector<16xi32>], vector<16xf32>,
        %add3A_687 = arith.constant 3120 : i32
        %add3A_688 = vector.broadcast %add3A_687 : i32 to vector<16xi32>
        %add3A_689 = arith.addi %add3A_477, %add3A_688 : vector<16xi32>
        tpu.vector_store_idx %arg9[%add3A_689], %gather3A_589 : memref<16384xf32, #tpu.memory_space<vmem>>[vector<16xi32>], vector<16xf32>,
        %add3A_690 = arith.constant 3136 : i32
        %add3A_691 = vector.broadcast %add3A_690 : i32 to vector<16xi32>
        %add3A_692 = arith.addi %add3A_477, %add3A_691 : vector<16xi32>
        tpu.vector_store_idx %arg9[%add3A_692], %gather3A_593 : memref<16384xf32, #tpu.memory_space<vmem>>[vector<16xi32>], vector<16xf32>,
        %add3A_693 = arith.constant 3152 : i32
        %add3A_694 = vector.broadcast %add3A_693 : i32 to vector<16xi32>
        %add3A_695 = arith.addi %add3A_477, %add3A_694 : vector<16xi32>
        tpu.vector_store_idx %arg9[%add3A_695], %gather3A_597 : memref<16384xf32, #tpu.memory_space<vmem>>[vector<16xi32>], vector<16xf32>,
        %add3A_696 = arith.constant 3168 : i32
        %add3A_697 = vector.broadcast %add3A_696 : i32 to vector<16xi32>
        %add3A_698 = arith.addi %add3A_477, %add3A_697 : vector<16xi32>
        tpu.vector_store_idx %arg9[%add3A_698], %gather3A_601 : memref<16384xf32, #tpu.memory_space<vmem>>[vector<16xi32>], vector<16xf32>,
        %add3A_699 = arith.constant 3184 : i32
        %add3A_700 = vector.broadcast %add3A_699 : i32 to vector<16xi32>
        %add3A_701 = arith.addi %add3A_477, %add3A_700 : vector<16xi32>
        tpu.vector_store_idx %arg9[%add3A_701], %gather3A_605 : memref<16384xf32, #tpu.memory_space<vmem>>[vector<16xi32>], vector<16xf32>,
      }
      %scan3A_165 = arith.constant 32 : i32
      %mul3A_166 = arith.constant 4096 : i32
      %mul3A_167 = arith.muli %add3A, %mul3A_166 : i32
      %dma_start3A_168 = arith.constant 0 : i32
      %dma_start3A_169 = arith.constant 0 : i32
      %dma_start3A_170 = tpu.memref_slice %arg9[%dma_start3A_169] : memref<16384xf32, #tpu.memory_space<vmem>> -> memref<4096xf32, #tpu.memory_space<vmem>>
      %dma_start3A_171 = tpu.memref_slice %arg4[%add3A_138, %dma_start3A_168, %mul3A_167] : memref<26x4x131072xf32, #tpu.memory_space<hbm>> -> memref<1x1x4096xf32, #tpu.memory_space<hbm>>
      %dma_start3A_172 = tpu.memref_squeeze %dma_start3A_171 : memref<1x1x4096xf32, #tpu.memory_space<hbm>> -> memref<4096xf32, #tpu.memory_space<hbm>>
      %dma_start3A_173 = tpu.memref_slice %arg4[%add3A_138, %dma_start3A_168, %mul3A_167] : memref<26x4x131072xf32, #tpu.memory_space<hbm>> -> memref<1x1x4096xf32, #tpu.memory_space<hbm>>
      %dma_start3A_174 = tpu.memref_squeeze %dma_start3A_173 : memref<1x1x4096xf32, #tpu.memory_space<hbm>> -> memref<4096xf32, #tpu.memory_space<hbm>>
      %dma_start3A_175 = arith.constant 0 : i32
      %dma_start3A_176 = tpu.memref_slice %arg9[%dma_start3A_175] : memref<16384xf32, #tpu.memory_space<vmem>> -> memref<4096xf32, #tpu.memory_space<vmem>>
      tpu.enqueue_dma source(%dma_start3A_176 : memref<4096xf32, #tpu.memory_space<vmem>>) target(%dma_start3A_174 : memref<4096xf32, #tpu.memory_space<hbm>>) target_semaphore(%arg13 : memref<!tpu.dma_semaphore, #tpu.memory_space<semaphore_mem>>)
      %mul3A_177 = arith.constant 4096 : i32
      %mul3A_178 = arith.muli %add3A, %mul3A_177 : i32
      %dma_start3A_179 = arith.constant 1 : i32
      %dma_start3A_180 = arith.constant 4096 : i32
      %dma_start3A_181 = tpu.memref_slice %arg9[%dma_start3A_180] : memref<16384xf32, #tpu.memory_space<vmem>> -> memref<4096xf32, #tpu.memory_space<vmem>>
      %dma_start3A_182 = tpu.memref_slice %arg4[%add3A_138, %dma_start3A_179, %mul3A_178] : memref<26x4x131072xf32, #tpu.memory_space<hbm>> -> memref<1x1x4096xf32, #tpu.memory_space<hbm>>
      %dma_start3A_183 = tpu.memref_squeeze %dma_start3A_182 : memref<1x1x4096xf32, #tpu.memory_space<hbm>> -> memref<4096xf32, #tpu.memory_space<hbm>>
      %dma_start3A_184 = tpu.memref_slice %arg4[%add3A_138, %dma_start3A_179, %mul3A_178] : memref<26x4x131072xf32, #tpu.memory_space<hbm>> -> memref<1x1x4096xf32, #tpu.memory_space<hbm>>
      %dma_start3A_185 = tpu.memref_squeeze %dma_start3A_184 : memref<1x1x4096xf32, #tpu.memory_space<hbm>> -> memref<4096xf32, #tpu.memory_space<hbm>>
      %dma_start3A_186 = arith.constant 4096 : i32
      %dma_start3A_187 = tpu.memref_slice %arg9[%dma_start3A_186] : memref<16384xf32, #tpu.memory_space<vmem>> -> memref<4096xf32, #tpu.memory_space<vmem>>
      tpu.enqueue_dma source(%dma_start3A_187 : memref<4096xf32, #tpu.memory_space<vmem>>) target(%dma_start3A_185 : memref<4096xf32, #tpu.memory_space<hbm>>) target_semaphore(%arg13 : memref<!tpu.dma_semaphore, #tpu.memory_space<semaphore_mem>>)
      %mul3A_188 = arith.constant 4096 : i32
      %mul3A_189 = arith.muli %add3A, %mul3A_188 : i32
      %dma_start3A_190 = arith.constant 2 : i32
      %dma_start3A_191 = arith.constant 8192 : i32
      %dma_start3A_192 = tpu.memref_slice %arg9[%dma_start3A_191] : memref<16384xf32, #tpu.memory_space<vmem>> -> memref<4096xf32, #tpu.memory_space<vmem>>
      %dma_start3A_193 = tpu.memref_slice %arg4[%add3A_138, %dma_start3A_190, %mul3A_189] : memref<26x4x131072xf32, #tpu.memory_space<hbm>> -> memref<1x1x4096xf32, #tpu.memory_space<hbm>>
      %dma_start3A_194 = tpu.memref_squeeze %dma_start3A_193 : memref<1x1x4096xf32, #tpu.memory_space<hbm>> -> memref<4096xf32, #tpu.memory_space<hbm>>
      %dma_start3A_195 = tpu.memref_slice %arg4[%add3A_138, %dma_start3A_190, %mul3A_189] : memref<26x4x131072xf32, #tpu.memory_space<hbm>> -> memref<1x1x4096xf32, #tpu.memory_space<hbm>>
      %dma_start3A_196 = tpu.memref_squeeze %dma_start3A_195 : memref<1x1x4096xf32, #tpu.memory_space<hbm>> -> memref<4096xf32, #tpu.memory_space<hbm>>
      %dma_start3A_197 = arith.constant 8192 : i32
      %dma_start3A_198 = tpu.memref_slice %arg9[%dma_start3A_197] : memref<16384xf32, #tpu.memory_space<vmem>> -> memref<4096xf32, #tpu.memory_space<vmem>>
      tpu.enqueue_dma source(%dma_start3A_198 : memref<4096xf32, #tpu.memory_space<vmem>>) target(%dma_start3A_196 : memref<4096xf32, #tpu.memory_space<hbm>>) target_semaphore(%arg13 : memref<!tpu.dma_semaphore, #tpu.memory_space<semaphore_mem>>)
      %mul3A_199 = arith.constant 4096 : i32
      %mul3A_200 = arith.muli %add3A, %mul3A_199 : i32
      %dma_start3A_201 = arith.constant 3 : i32
      %dma_start3A_202 = arith.constant 12288 : i32
      %dma_start3A_203 = tpu.memref_slice %arg9[%dma_start3A_202] : memref<16384xf32, #tpu.memory_space<vmem>> -> memref<4096xf32, #tpu.memory_space<vmem>>
      %dma_start3A_204 = tpu.memref_slice %arg4[%add3A_138, %dma_start3A_201, %mul3A_200] : memref<26x4x131072xf32, #tpu.memory_space<hbm>> -> memref<1x1x4096xf32, #tpu.memory_space<hbm>>
      %dma_start3A_205 = tpu.memref_squeeze %dma_start3A_204 : memref<1x1x4096xf32, #tpu.memory_space<hbm>> -> memref<4096xf32, #tpu.memory_space<hbm>>
      %dma_start3A_206 = tpu.memref_slice %arg4[%add3A_138, %dma_start3A_201, %mul3A_200] : memref<26x4x131072xf32, #tpu.memory_space<hbm>> -> memref<1x1x4096xf32, #tpu.memory_space<hbm>>
      %dma_start3A_207 = tpu.memref_squeeze %dma_start3A_206 : memref<1x1x4096xf32, #tpu.memory_space<hbm>> -> memref<4096xf32, #tpu.memory_space<hbm>>
      %dma_start3A_208 = arith.constant 12288 : i32
      %dma_start3A_209 = tpu.memref_slice %arg9[%dma_start3A_208] : memref<16384xf32, #tpu.memory_space<vmem>> -> memref<4096xf32, #tpu.memory_space<vmem>>
      tpu.enqueue_dma source(%dma_start3A_209 : memref<4096xf32, #tpu.memory_space<vmem>>) target(%dma_start3A_207 : memref<4096xf32, #tpu.memory_space<hbm>>) target_semaphore(%arg13 : memref<!tpu.dma_semaphore, #tpu.memory_space<semaphore_mem>>)
    }
    %scan3A_50 = arith.constant 13 : i32
    %dma_wait3A = arith.constant 0 : i32
    %dma_wait3A_51 = arith.constant 0 : i32
    %dma_wait3A_52 = arith.constant 0 : i32
    %dma_wait3A_53 = tpu.memref_slice %arg4[%dma_wait3A, %dma_wait3A_51, %dma_wait3A_52] : memref<26x4x131072xf32, #tpu.memory_space<hbm>> -> memref<1x1x16384xf32, #tpu.memory_space<hbm>>
    %dma_wait3A_54 = tpu.memref_squeeze %dma_wait3A_53 : memref<1x1x16384xf32, #tpu.memory_space<hbm>> -> memref<16384xf32, #tpu.memory_space<hbm>>
    %dma_wait3A_55 = arith.constant 0 : i32
    %dma_wait3A_56 = tpu.memref_slice %arg4[%dma_wait3A, %dma_wait3A_51, %dma_wait3A_55] : memref<26x4x131072xf32, #tpu.memory_space<hbm>> -> memref<1x1x16384xf32, #tpu.memory_space<hbm>>
    %dma_wait3A_57 = tpu.memref_squeeze %dma_wait3A_56 : memref<1x1x16384xf32, #tpu.memory_space<hbm>> -> memref<16384xf32, #tpu.memory_space<hbm>>
    tpu.wait_dma2 semaphore(%arg12 : memref<!tpu.dma_semaphore, #tpu.memory_space<semaphore_mem>>) src(%arg8 : memref<16384xf32, #tpu.memory_space<vmem>>) dst(%dma_wait3A_57 : memref<16384xf32, #tpu.memory_space<hbm>>)
    %dma_wait3A_58 = arith.constant 0 : i32
    %dma_wait3A_59 = arith.constant 0 : i32
    %dma_wait3A_60 = arith.constant 0 : i32
    %dma_wait3A_61 = tpu.memref_slice %arg4[%dma_wait3A_58, %dma_wait3A_59, %dma_wait3A_60] : memref<26x4x131072xf32, #tpu.memory_space<hbm>> -> memref<1x1x16384xf32, #tpu.memory_space<hbm>>
    %dma_wait3A_62 = tpu.memref_squeeze %dma_wait3A_61 : memref<1x1x16384xf32, #tpu.memory_space<hbm>> -> memref<16384xf32, #tpu.memory_space<hbm>>
    %dma_wait3A_63 = arith.constant 0 : i32
    %dma_wait3A_64 = tpu.memref_slice %arg4[%dma_wait3A_58, %dma_wait3A_59, %dma_wait3A_63] : memref<26x4x131072xf32, #tpu.memory_space<hbm>> -> memref<1x1x16384xf32, #tpu.memory_space<hbm>>
    %dma_wait3A_65 = tpu.memref_squeeze %dma_wait3A_64 : memref<1x1x16384xf32, #tpu.memory_space<hbm>> -> memref<16384xf32, #tpu.memory_space<hbm>>
    tpu.wait_dma2 semaphore(%arg13 : memref<!tpu.dma_semaphore, #tpu.memory_space<semaphore_mem>>) src(%arg9 : memref<16384xf32, #tpu.memory_space<vmem>>) dst(%dma_wait3A_65 : memref<16384xf32, #tpu.memory_space<hbm>>)
    return
  }
}

#map = affine_map<(d0, d1) -> (0, 0)>
#map1 = affine_map<(d0, d1) -> (0)>
module attributes {stable_mosaic.version = 14 : i64} {
  func.func @k(%arg0: i32, %arg1: i32, %arg2: memref<32x1000000xf32, #tpu.memory_space<hbm>>, %arg3: memref<32x1000000xf32, #tpu.memory_space<hbm>>, %arg4: memref<2048xf32, #tpu.memory_space<hbm>>, %arg5: memref<32000000xf32, #tpu.memory_space<hbm>>, %arg6: memref<32x256xf32, #tpu.memory_space<vmem>>, %arg7: memref<32x256xf32, #tpu.memory_space<vmem>>, %arg8: memref<32x256xf32, #tpu.memory_space<vmem>>, %arg9: memref<32x256xf32, #tpu.memory_space<vmem>>, %arg10: memref<8192xf32, #tpu.memory_space<vmem>>, %arg11: memref<8192xf32, #tpu.memory_space<vmem>>, %arg12: memref<2048xf32, #tpu.memory_space<vmem>>, %arg13: memref<!tpu.dma_semaphore, #tpu.memory_space<semaphore_mem>>, %arg14: memref<!tpu.dma_semaphore, #tpu.memory_space<semaphore_mem>>, %arg15: memref<!tpu.dma_semaphore, #tpu.memory_space<semaphore_mem>>, %arg16: memref<!tpu.dma_semaphore, #tpu.memory_space<semaphore_mem>>) attributes {dimension_semantics = [#tpu.dimension_semantics<core_parallel>, #tpu.dimension_semantics<subcore_parallel>], iteration_bounds = array<i64: 2, 16>, scalar_prefetch = 0 : i64, scratch_operands = 11 : i64, tpu.core_type = #tpu.core_type<sc_vector_subcore>, window_params = [{transform_indices = #map}, {transform_indices = #map}, {transform_indices = #map1}, {transform_indices = #map1}]} {
    %mul3A = arith.constant 2 : i32
    %mul3A_0 = arith.muli %arg1, %mul3A : i32
    %add3A = arith.addi %mul3A_0, %arg0 : i32
    %mul3A_1 = arith.constant 122 : i32
    %mul3A_2 = arith.muli %add3A, %mul3A_1 : i32
    %lt3A = arith.constant 2 : i32
    %lt3A_3 = arith.cmpi slt, %add3A, %lt3A : i32
    %convert_element_type3A = arith.extui %lt3A_3 : i1 to i32
    %cond3A = arith.constant 0 : i32
    %cond3A_4 = arith.cmpi ne, %convert_element_type3A, %cond3A : i32
    scf.if %cond3A_4 {
      %add3A_32 = arith.constant 3904 : i32
      %add3A_33 = arith.addi %add3A_32, %add3A : i32
      %mul3A_34 = arith.constant 256 : i32
      %mul3A_35 = arith.muli %add3A_33, %mul3A_34 : i32
      %dma_start3A_36 = arith.constant 0 : i32
      %dma_start3A_37 = tpu.memref_slice %arg2[%dma_start3A_36, %mul3A_35] : memref<32x1000000xf32, #tpu.memory_space<hbm>> -> memref<32x256xf32, #tpu.memory_space<hbm>>
      %dma_start3A_38 = arith.constant 0 : i32
      %dma_start3A_39 = tpu.memref_slice %arg2[%dma_start3A_38, %mul3A_35] : memref<32x1000000xf32, #tpu.memory_space<hbm>> -> memref<32x256xf32, #tpu.memory_space<hbm>>
      tpu.enqueue_dma source(%dma_start3A_39 : memref<32x256xf32, #tpu.memory_space<hbm>>) target(%arg6 : memref<32x256xf32, #tpu.memory_space<vmem>>) target_semaphore(%arg13 : memref<!tpu.dma_semaphore, #tpu.memory_space<semaphore_mem>>)
      %mul3A_40 = arith.constant 256 : i32
      %mul3A_41 = arith.muli %add3A_33, %mul3A_40 : i32
      %dma_start3A_42 = arith.constant 0 : i32
      %dma_start3A_43 = tpu.memref_slice %arg3[%dma_start3A_42, %mul3A_41] : memref<32x1000000xf32, #tpu.memory_space<hbm>> -> memref<32x256xf32, #tpu.memory_space<hbm>>
      %dma_start3A_44 = arith.constant 0 : i32
      %dma_start3A_45 = tpu.memref_slice %arg3[%dma_start3A_44, %mul3A_41] : memref<32x1000000xf32, #tpu.memory_space<hbm>> -> memref<32x256xf32, #tpu.memory_space<hbm>>
      tpu.enqueue_dma source(%dma_start3A_45 : memref<32x256xf32, #tpu.memory_space<hbm>>) target(%arg8 : memref<32x256xf32, #tpu.memory_space<vmem>>) target_semaphore(%arg13 : memref<!tpu.dma_semaphore, #tpu.memory_space<semaphore_mem>>)
      %dma_wait3A_46 = arith.constant 0 : i32
      %dma_wait3A_47 = arith.constant 0 : i32
      %dma_wait3A_48 = tpu.memref_slice %arg2[%dma_wait3A_46, %dma_wait3A_47] : memref<32x1000000xf32, #tpu.memory_space<hbm>> -> memref<32x256xf32, #tpu.memory_space<hbm>>
      %dma_wait3A_49 = arith.constant 0 : i32
      %dma_wait3A_50 = arith.constant 0 : i32
      %dma_wait3A_51 = tpu.memref_slice %arg2[%dma_wait3A_49, %dma_wait3A_50] : memref<32x1000000xf32, #tpu.memory_space<hbm>> -> memref<32x256xf32, #tpu.memory_space<hbm>>
      tpu.wait_dma2 semaphore(%arg13 : memref<!tpu.dma_semaphore, #tpu.memory_space<semaphore_mem>>) src(%dma_wait3A_51 : memref<32x256xf32, #tpu.memory_space<hbm>>) dst(%arg6 : memref<32x256xf32, #tpu.memory_space<vmem>>)
      %dma_wait3A_52 = arith.constant 0 : i32
      %dma_wait3A_53 = arith.constant 0 : i32
      %dma_wait3A_54 = tpu.memref_slice %arg3[%dma_wait3A_52, %dma_wait3A_53] : memref<32x1000000xf32, #tpu.memory_space<hbm>> -> memref<32x256xf32, #tpu.memory_space<hbm>>
      %dma_wait3A_55 = arith.constant 0 : i32
      %dma_wait3A_56 = arith.constant 0 : i32
      %dma_wait3A_57 = tpu.memref_slice %arg3[%dma_wait3A_55, %dma_wait3A_56] : memref<32x1000000xf32, #tpu.memory_space<hbm>> -> memref<32x256xf32, #tpu.memory_space<hbm>>
      tpu.wait_dma2 semaphore(%arg13 : memref<!tpu.dma_semaphore, #tpu.memory_space<semaphore_mem>>) src(%dma_wait3A_57 : memref<32x256xf32, #tpu.memory_space<hbm>>) dst(%arg8 : memref<32x256xf32, #tpu.memory_space<vmem>>)
      %iota3A = tpu.iota {dimensions = array<i32: 0>} : vector<16xi32>
      %scan3A_58 = arith.constant 0 : i32
      %scan3A_59 = arith.constant 0 : i32
      %scan3A_60 = arith.constant 32 : i32
      %scan3A_61 = arith.addi %scan3A_59, %scan3A_60 : i32
      %scan3A_62 = arith.constant 2 : i32
      scf.for %scan3A_72 = %scan3A_59 to %scan3A_61 step %scan3A_62  : i32 {
        %add3A_73 = vector.broadcast %scan3A_72 : i32 to vector<16xi32>
        %add3A_74 = arith.addi %add3A_73, %iota3A : vector<16xi32>
        %lt3A_75 = arith.constant 32 : i32
        %lt3A_76 = vector.broadcast %lt3A_75 : i32 to vector<16xi32>
        %lt3A_77 = arith.cmpi slt, %add3A_74, %lt3A_76 : vector<16xi32>
        %sub3A = arith.constant 32 : i32
        %sub3A_78 = vector.broadcast %sub3A : i32 to vector<16xi32>
        %sub3A_79 = arith.subi %add3A_74, %sub3A_78 : vector<16xi32>
        %select_n3A = arith.select %lt3A_77, %add3A_74, %sub3A_79 : vector<16xi1>, vector<16xi32>
        %mul3A_80 = arith.constant 32 : i32
        %mul3A_81 = vector.broadcast %mul3A_80 : i32 to vector<16xi32>
        %mul3A_82 = arith.muli %iota3A, %mul3A_81 : vector<16xi32>
        %add3A_83 = arith.addi %mul3A_82, %select_n3A : vector<16xi32>
        %add3A_84 = arith.constant 0 : i32
        %add3A_85 = vector.broadcast %add3A_84 : i32 to vector<16xi32>
        %add3A_86 = arith.addi %add3A_85, %iota3A : vector<16xi32>
        %gather3A = tpu.vector_load_idx %arg6[%select_n3A, %add3A_86] : memref<32x256xf32, #tpu.memory_space<vmem>>[vector<16xi32>, vector<16xi32>], vector<16xf32>,
        %add3A_87 = arith.constant 16 : i32
        %add3A_88 = vector.broadcast %add3A_87 : i32 to vector<16xi32>
        %add3A_89 = arith.addi %add3A_88, %iota3A : vector<16xi32>
        %gather3A_90 = tpu.vector_load_idx %arg6[%select_n3A, %add3A_89] : memref<32x256xf32, #tpu.memory_space<vmem>>[vector<16xi32>, vector<16xi32>], vector<16xf32>,
        %add3A_91 = arith.constant 32 : i32
        %add3A_92 = vector.broadcast %add3A_91 : i32 to vector<16xi32>
        %add3A_93 = arith.addi %add3A_92, %iota3A : vector<16xi32>
        %gather3A_94 = tpu.vector_load_idx %arg6[%select_n3A, %add3A_93] : memref<32x256xf32, #tpu.memory_space<vmem>>[vector<16xi32>, vector<16xi32>], vector<16xf32>,
        %add3A_95 = arith.constant 48 : i32
        %add3A_96 = vector.broadcast %add3A_95 : i32 to vector<16xi32>
        %add3A_97 = arith.addi %add3A_96, %iota3A : vector<16xi32>
        %gather3A_98 = tpu.vector_load_idx %arg6[%select_n3A, %add3A_97] : memref<32x256xf32, #tpu.memory_space<vmem>>[vector<16xi32>, vector<16xi32>], vector<16xf32>,
        %add3A_99 = arith.constant 64 : i32
        %add3A_100 = vector.broadcast %add3A_99 : i32 to vector<16xi32>
        %add3A_101 = arith.addi %add3A_100, %iota3A : vector<16xi32>
        %gather3A_102 = tpu.vector_load_idx %arg6[%select_n3A, %add3A_101] : memref<32x256xf32, #tpu.memory_space<vmem>>[vector<16xi32>, vector<16xi32>], vector<16xf32>,
        %add3A_103 = arith.constant 80 : i32
        %add3A_104 = vector.broadcast %add3A_103 : i32 to vector<16xi32>
        %add3A_105 = arith.addi %add3A_104, %iota3A : vector<16xi32>
        %gather3A_106 = tpu.vector_load_idx %arg6[%select_n3A, %add3A_105] : memref<32x256xf32, #tpu.memory_space<vmem>>[vector<16xi32>, vector<16xi32>], vector<16xf32>,
        %add3A_107 = arith.constant 96 : i32
        %add3A_108 = vector.broadcast %add3A_107 : i32 to vector<16xi32>
        %add3A_109 = arith.addi %add3A_108, %iota3A : vector<16xi32>
        %gather3A_110 = tpu.vector_load_idx %arg6[%select_n3A, %add3A_109] : memref<32x256xf32, #tpu.memory_space<vmem>>[vector<16xi32>, vector<16xi32>], vector<16xf32>,
        %add3A_111 = arith.constant 112 : i32
        %add3A_112 = vector.broadcast %add3A_111 : i32 to vector<16xi32>
        %add3A_113 = arith.addi %add3A_112, %iota3A : vector<16xi32>
        %gather3A_114 = tpu.vector_load_idx %arg6[%select_n3A, %add3A_113] : memref<32x256xf32, #tpu.memory_space<vmem>>[vector<16xi32>, vector<16xi32>], vector<16xf32>,
        %add3A_115 = arith.constant 128 : i32
        %add3A_116 = vector.broadcast %add3A_115 : i32 to vector<16xi32>
        %add3A_117 = arith.addi %add3A_116, %iota3A : vector<16xi32>
        %gather3A_118 = tpu.vector_load_idx %arg6[%select_n3A, %add3A_117] : memref<32x256xf32, #tpu.memory_space<vmem>>[vector<16xi32>, vector<16xi32>], vector<16xf32>,
        %add3A_119 = arith.constant 144 : i32
        %add3A_120 = vector.broadcast %add3A_119 : i32 to vector<16xi32>
        %add3A_121 = arith.addi %add3A_120, %iota3A : vector<16xi32>
        %gather3A_122 = tpu.vector_load_idx %arg6[%select_n3A, %add3A_121] : memref<32x256xf32, #tpu.memory_space<vmem>>[vector<16xi32>, vector<16xi32>], vector<16xf32>,
        %add3A_123 = arith.constant 160 : i32
        %add3A_124 = vector.broadcast %add3A_123 : i32 to vector<16xi32>
        %add3A_125 = arith.addi %add3A_124, %iota3A : vector<16xi32>
        %gather3A_126 = tpu.vector_load_idx %arg6[%select_n3A, %add3A_125] : memref<32x256xf32, #tpu.memory_space<vmem>>[vector<16xi32>, vector<16xi32>], vector<16xf32>,
        %add3A_127 = arith.constant 176 : i32
        %add3A_128 = vector.broadcast %add3A_127 : i32 to vector<16xi32>
        %add3A_129 = arith.addi %add3A_128, %iota3A : vector<16xi32>
        %gather3A_130 = tpu.vector_load_idx %arg6[%select_n3A, %add3A_129] : memref<32x256xf32, #tpu.memory_space<vmem>>[vector<16xi32>, vector<16xi32>], vector<16xf32>,
        %add3A_131 = arith.constant 192 : i32
        %add3A_132 = vector.broadcast %add3A_131 : i32 to vector<16xi32>
        %add3A_133 = arith.addi %add3A_132, %iota3A : vector<16xi32>
        %gather3A_134 = tpu.vector_load_idx %arg6[%select_n3A, %add3A_133] : memref<32x256xf32, #tpu.memory_space<vmem>>[vector<16xi32>, vector<16xi32>], vector<16xf32>,
        %add3A_135 = arith.constant 208 : i32
        %add3A_136 = vector.broadcast %add3A_135 : i32 to vector<16xi32>
        %add3A_137 = arith.addi %add3A_136, %iota3A : vector<16xi32>
        %gather3A_138 = tpu.vector_load_idx %arg6[%select_n3A, %add3A_137] : memref<32x256xf32, #tpu.memory_space<vmem>>[vector<16xi32>, vector<16xi32>], vector<16xf32>,
        %add3A_139 = arith.constant 224 : i32
        %add3A_140 = vector.broadcast %add3A_139 : i32 to vector<16xi32>
        %add3A_141 = arith.addi %add3A_140, %iota3A : vector<16xi32>
        %gather3A_142 = tpu.vector_load_idx %arg6[%select_n3A, %add3A_141] : memref<32x256xf32, #tpu.memory_space<vmem>>[vector<16xi32>, vector<16xi32>], vector<16xf32>,
        %add3A_143 = arith.constant 240 : i32
        %add3A_144 = vector.broadcast %add3A_143 : i32 to vector<16xi32>
        %add3A_145 = arith.addi %add3A_144, %iota3A : vector<16xi32>
        %gather3A_146 = tpu.vector_load_idx %arg6[%select_n3A, %add3A_145] : memref<32x256xf32, #tpu.memory_space<vmem>>[vector<16xi32>, vector<16xi32>], vector<16xf32>,
        %add3A_147 = arith.constant 0 : i32
        %add3A_148 = vector.broadcast %add3A_147 : i32 to vector<16xi32>
        %add3A_149 = arith.addi %add3A_148, %iota3A : vector<16xi32>
        %gather3A_150 = tpu.vector_load_idx %arg8[%select_n3A, %add3A_149] : memref<32x256xf32, #tpu.memory_space<vmem>>[vector<16xi32>, vector<16xi32>], vector<16xf32>,
        %add3A_151 = arith.constant 16 : i32
        %add3A_152 = vector.broadcast %add3A_151 : i32 to vector<16xi32>
        %add3A_153 = arith.addi %add3A_152, %iota3A : vector<16xi32>
        %gather3A_154 = tpu.vector_load_idx %arg8[%select_n3A, %add3A_153] : memref<32x256xf32, #tpu.memory_space<vmem>>[vector<16xi32>, vector<16xi32>], vector<16xf32>,
        %add3A_155 = arith.constant 32 : i32
        %add3A_156 = vector.broadcast %add3A_155 : i32 to vector<16xi32>
        %add3A_157 = arith.addi %add3A_156, %iota3A : vector<16xi32>
        %gather3A_158 = tpu.vector_load_idx %arg8[%select_n3A, %add3A_157] : memref<32x256xf32, #tpu.memory_space<vmem>>[vector<16xi32>, vector<16xi32>], vector<16xf32>,
        %add3A_159 = arith.constant 48 : i32
        %add3A_160 = vector.broadcast %add3A_159 : i32 to vector<16xi32>
        %add3A_161 = arith.addi %add3A_160, %iota3A : vector<16xi32>
        %gather3A_162 = tpu.vector_load_idx %arg8[%select_n3A, %add3A_161] : memref<32x256xf32, #tpu.memory_space<vmem>>[vector<16xi32>, vector<16xi32>], vector<16xf32>,
        %add3A_163 = arith.constant 64 : i32
        %add3A_164 = vector.broadcast %add3A_163 : i32 to vector<16xi32>
        %add3A_165 = arith.addi %add3A_164, %iota3A : vector<16xi32>
        %gather3A_166 = tpu.vector_load_idx %arg8[%select_n3A, %add3A_165] : memref<32x256xf32, #tpu.memory_space<vmem>>[vector<16xi32>, vector<16xi32>], vector<16xf32>,
        %add3A_167 = arith.constant 80 : i32
        %add3A_168 = vector.broadcast %add3A_167 : i32 to vector<16xi32>
        %add3A_169 = arith.addi %add3A_168, %iota3A : vector<16xi32>
        %gather3A_170 = tpu.vector_load_idx %arg8[%select_n3A, %add3A_169] : memref<32x256xf32, #tpu.memory_space<vmem>>[vector<16xi32>, vector<16xi32>], vector<16xf32>,
        %add3A_171 = arith.constant 96 : i32
        %add3A_172 = vector.broadcast %add3A_171 : i32 to vector<16xi32>
        %add3A_173 = arith.addi %add3A_172, %iota3A : vector<16xi32>
        %gather3A_174 = tpu.vector_load_idx %arg8[%select_n3A, %add3A_173] : memref<32x256xf32, #tpu.memory_space<vmem>>[vector<16xi32>, vector<16xi32>], vector<16xf32>,
        %add3A_175 = arith.constant 112 : i32
        %add3A_176 = vector.broadcast %add3A_175 : i32 to vector<16xi32>
        %add3A_177 = arith.addi %add3A_176, %iota3A : vector<16xi32>
        %gather3A_178 = tpu.vector_load_idx %arg8[%select_n3A, %add3A_177] : memref<32x256xf32, #tpu.memory_space<vmem>>[vector<16xi32>, vector<16xi32>], vector<16xf32>,
        %add3A_179 = arith.constant 128 : i32
        %add3A_180 = vector.broadcast %add3A_179 : i32 to vector<16xi32>
        %add3A_181 = arith.addi %add3A_180, %iota3A : vector<16xi32>
        %gather3A_182 = tpu.vector_load_idx %arg8[%select_n3A, %add3A_181] : memref<32x256xf32, #tpu.memory_space<vmem>>[vector<16xi32>, vector<16xi32>], vector<16xf32>,
        %add3A_183 = arith.constant 144 : i32
        %add3A_184 = vector.broadcast %add3A_183 : i32 to vector<16xi32>
        %add3A_185 = arith.addi %add3A_184, %iota3A : vector<16xi32>
        %gather3A_186 = tpu.vector_load_idx %arg8[%select_n3A, %add3A_185] : memref<32x256xf32, #tpu.memory_space<vmem>>[vector<16xi32>, vector<16xi32>], vector<16xf32>,
        %add3A_187 = arith.constant 160 : i32
        %add3A_188 = vector.broadcast %add3A_187 : i32 to vector<16xi32>
        %add3A_189 = arith.addi %add3A_188, %iota3A : vector<16xi32>
        %gather3A_190 = tpu.vector_load_idx %arg8[%select_n3A, %add3A_189] : memref<32x256xf32, #tpu.memory_space<vmem>>[vector<16xi32>, vector<16xi32>], vector<16xf32>,
        %add3A_191 = arith.constant 176 : i32
        %add3A_192 = vector.broadcast %add3A_191 : i32 to vector<16xi32>
        %add3A_193 = arith.addi %add3A_192, %iota3A : vector<16xi32>
        %gather3A_194 = tpu.vector_load_idx %arg8[%select_n3A, %add3A_193] : memref<32x256xf32, #tpu.memory_space<vmem>>[vector<16xi32>, vector<16xi32>], vector<16xf32>,
        %add3A_195 = arith.constant 192 : i32
        %add3A_196 = vector.broadcast %add3A_195 : i32 to vector<16xi32>
        %add3A_197 = arith.addi %add3A_196, %iota3A : vector<16xi32>
        %gather3A_198 = tpu.vector_load_idx %arg8[%select_n3A, %add3A_197] : memref<32x256xf32, #tpu.memory_space<vmem>>[vector<16xi32>, vector<16xi32>], vector<16xf32>,
        %add3A_199 = arith.constant 208 : i32
        %add3A_200 = vector.broadcast %add3A_199 : i32 to vector<16xi32>
        %add3A_201 = arith.addi %add3A_200, %iota3A : vector<16xi32>
        %gather3A_202 = tpu.vector_load_idx %arg8[%select_n3A, %add3A_201] : memref<32x256xf32, #tpu.memory_space<vmem>>[vector<16xi32>, vector<16xi32>], vector<16xf32>,
        %add3A_203 = arith.constant 224 : i32
        %add3A_204 = vector.broadcast %add3A_203 : i32 to vector<16xi32>
        %add3A_205 = arith.addi %add3A_204, %iota3A : vector<16xi32>
        %gather3A_206 = tpu.vector_load_idx %arg8[%select_n3A, %add3A_205] : memref<32x256xf32, #tpu.memory_space<vmem>>[vector<16xi32>, vector<16xi32>], vector<16xf32>,
        %add3A_207 = arith.constant 240 : i32
        %add3A_208 = vector.broadcast %add3A_207 : i32 to vector<16xi32>
        %add3A_209 = arith.addi %add3A_208, %iota3A : vector<16xi32>
        %gather3A_210 = tpu.vector_load_idx %arg8[%select_n3A, %add3A_209] : memref<32x256xf32, #tpu.memory_space<vmem>>[vector<16xi32>, vector<16xi32>], vector<16xf32>,
        %ge3A = arith.constant 5.000000e-01 : f32
        %ge3A_211 = vector.broadcast %ge3A : f32 to vector<16xf32>
        %ge3A_212 = arith.cmpf oge, %gather3A_150, %ge3A_211 : vector<16xf32>
        %jit3A = arith.constant 0.000000e+00 : f32
        %broadcast_in_dim3A = vector.broadcast %jit3A : f32 to vector<16xf32>
        %select_n3A_213 = arith.select %ge3A_212, %gather3A, %broadcast_in_dim3A : vector<16xi1>, vector<16xf32>
        %add3A_214 = arith.constant 0 : i32
        %add3A_215 = vector.broadcast %add3A_214 : i32 to vector<16xi32>
        %add3A_216 = arith.addi %add3A_83, %add3A_215 : vector<16xi32>
        tpu.vector_store_idx %arg10[%add3A_216], %select_n3A_213 : memref<8192xf32, #tpu.memory_space<vmem>>[vector<16xi32>], vector<16xf32>,
        %ge3A_217 = arith.constant 5.000000e-01 : f32
        %ge3A_218 = vector.broadcast %ge3A_217 : f32 to vector<16xf32>
        %ge3A_219 = arith.cmpf oge, %gather3A_154, %ge3A_218 : vector<16xf32>
        %jit3A_220 = arith.constant 0.000000e+00 : f32
        %broadcast_in_dim3A_221 = vector.broadcast %jit3A_220 : f32 to vector<16xf32>
        %select_n3A_222 = arith.select %ge3A_219, %gather3A_90, %broadcast_in_dim3A_221 : vector<16xi1>, vector<16xf32>
        %add3A_223 = arith.constant 512 : i32
        %add3A_224 = vector.broadcast %add3A_223 : i32 to vector<16xi32>
        %add3A_225 = arith.addi %add3A_83, %add3A_224 : vector<16xi32>
        tpu.vector_store_idx %arg10[%add3A_225], %select_n3A_222 : memref<8192xf32, #tpu.memory_space<vmem>>[vector<16xi32>], vector<16xf32>,
        %ge3A_226 = arith.constant 5.000000e-01 : f32
        %ge3A_227 = vector.broadcast %ge3A_226 : f32 to vector<16xf32>
        %ge3A_228 = arith.cmpf oge, %gather3A_158, %ge3A_227 : vector<16xf32>
        %jit3A_229 = arith.constant 0.000000e+00 : f32
        %broadcast_in_dim3A_230 = vector.broadcast %jit3A_229 : f32 to vector<16xf32>
        %select_n3A_231 = arith.select %ge3A_228, %gather3A_94, %broadcast_in_dim3A_230 : vector<16xi1>, vector<16xf32>
        %add3A_232 = arith.constant 1024 : i32
        %add3A_233 = vector.broadcast %add3A_232 : i32 to vector<16xi32>
        %add3A_234 = arith.addi %add3A_83, %add3A_233 : vector<16xi32>
        tpu.vector_store_idx %arg10[%add3A_234], %select_n3A_231 : memref<8192xf32, #tpu.memory_space<vmem>>[vector<16xi32>], vector<16xf32>,
        %ge3A_235 = arith.constant 5.000000e-01 : f32
        %ge3A_236 = vector.broadcast %ge3A_235 : f32 to vector<16xf32>
        %ge3A_237 = arith.cmpf oge, %gather3A_162, %ge3A_236 : vector<16xf32>
        %jit3A_238 = arith.constant 0.000000e+00 : f32
        %broadcast_in_dim3A_239 = vector.broadcast %jit3A_238 : f32 to vector<16xf32>
        %select_n3A_240 = arith.select %ge3A_237, %gather3A_98, %broadcast_in_dim3A_239 : vector<16xi1>, vector<16xf32>
        %add3A_241 = arith.constant 1536 : i32
        %add3A_242 = vector.broadcast %add3A_241 : i32 to vector<16xi32>
        %add3A_243 = arith.addi %add3A_83, %add3A_242 : vector<16xi32>
        tpu.vector_store_idx %arg10[%add3A_243], %select_n3A_240 : memref<8192xf32, #tpu.memory_space<vmem>>[vector<16xi32>], vector<16xf32>,
        %ge3A_244 = arith.constant 5.000000e-01 : f32
        %ge3A_245 = vector.broadcast %ge3A_244 : f32 to vector<16xf32>
        %ge3A_246 = arith.cmpf oge, %gather3A_166, %ge3A_245 : vector<16xf32>
        %jit3A_247 = arith.constant 0.000000e+00 : f32
        %broadcast_in_dim3A_248 = vector.broadcast %jit3A_247 : f32 to vector<16xf32>
        %select_n3A_249 = arith.select %ge3A_246, %gather3A_102, %broadcast_in_dim3A_248 : vector<16xi1>, vector<16xf32>
        %add3A_250 = arith.constant 2048 : i32
        %add3A_251 = vector.broadcast %add3A_250 : i32 to vector<16xi32>
        %add3A_252 = arith.addi %add3A_83, %add3A_251 : vector<16xi32>
        tpu.vector_store_idx %arg10[%add3A_252], %select_n3A_249 : memref<8192xf32, #tpu.memory_space<vmem>>[vector<16xi32>], vector<16xf32>,
        %ge3A_253 = arith.constant 5.000000e-01 : f32
        %ge3A_254 = vector.broadcast %ge3A_253 : f32 to vector<16xf32>
        %ge3A_255 = arith.cmpf oge, %gather3A_170, %ge3A_254 : vector<16xf32>
        %jit3A_256 = arith.constant 0.000000e+00 : f32
        %broadcast_in_dim3A_257 = vector.broadcast %jit3A_256 : f32 to vector<16xf32>
        %select_n3A_258 = arith.select %ge3A_255, %gather3A_106, %broadcast_in_dim3A_257 : vector<16xi1>, vector<16xf32>
        %add3A_259 = arith.constant 2560 : i32
        %add3A_260 = vector.broadcast %add3A_259 : i32 to vector<16xi32>
        %add3A_261 = arith.addi %add3A_83, %add3A_260 : vector<16xi32>
        tpu.vector_store_idx %arg10[%add3A_261], %select_n3A_258 : memref<8192xf32, #tpu.memory_space<vmem>>[vector<16xi32>], vector<16xf32>,
        %ge3A_262 = arith.constant 5.000000e-01 : f32
        %ge3A_263 = vector.broadcast %ge3A_262 : f32 to vector<16xf32>
        %ge3A_264 = arith.cmpf oge, %gather3A_174, %ge3A_263 : vector<16xf32>
        %jit3A_265 = arith.constant 0.000000e+00 : f32
        %broadcast_in_dim3A_266 = vector.broadcast %jit3A_265 : f32 to vector<16xf32>
        %select_n3A_267 = arith.select %ge3A_264, %gather3A_110, %broadcast_in_dim3A_266 : vector<16xi1>, vector<16xf32>
        %add3A_268 = arith.constant 3072 : i32
        %add3A_269 = vector.broadcast %add3A_268 : i32 to vector<16xi32>
        %add3A_270 = arith.addi %add3A_83, %add3A_269 : vector<16xi32>
        tpu.vector_store_idx %arg10[%add3A_270], %select_n3A_267 : memref<8192xf32, #tpu.memory_space<vmem>>[vector<16xi32>], vector<16xf32>,
        %ge3A_271 = arith.constant 5.000000e-01 : f32
        %ge3A_272 = vector.broadcast %ge3A_271 : f32 to vector<16xf32>
        %ge3A_273 = arith.cmpf oge, %gather3A_178, %ge3A_272 : vector<16xf32>
        %jit3A_274 = arith.constant 0.000000e+00 : f32
        %broadcast_in_dim3A_275 = vector.broadcast %jit3A_274 : f32 to vector<16xf32>
        %select_n3A_276 = arith.select %ge3A_273, %gather3A_114, %broadcast_in_dim3A_275 : vector<16xi1>, vector<16xf32>
        %add3A_277 = arith.constant 3584 : i32
        %add3A_278 = vector.broadcast %add3A_277 : i32 to vector<16xi32>
        %add3A_279 = arith.addi %add3A_83, %add3A_278 : vector<16xi32>
        tpu.vector_store_idx %arg10[%add3A_279], %select_n3A_276 : memref<8192xf32, #tpu.memory_space<vmem>>[vector<16xi32>], vector<16xf32>,
        %ge3A_280 = arith.constant 5.000000e-01 : f32
        %ge3A_281 = vector.broadcast %ge3A_280 : f32 to vector<16xf32>
        %ge3A_282 = arith.cmpf oge, %gather3A_182, %ge3A_281 : vector<16xf32>
        %jit3A_283 = arith.constant 0.000000e+00 : f32
        %broadcast_in_dim3A_284 = vector.broadcast %jit3A_283 : f32 to vector<16xf32>
        %select_n3A_285 = arith.select %ge3A_282, %gather3A_118, %broadcast_in_dim3A_284 : vector<16xi1>, vector<16xf32>
        %add3A_286 = arith.constant 4096 : i32
        %add3A_287 = vector.broadcast %add3A_286 : i32 to vector<16xi32>
        %add3A_288 = arith.addi %add3A_83, %add3A_287 : vector<16xi32>
        tpu.vector_store_idx %arg10[%add3A_288], %select_n3A_285 : memref<8192xf32, #tpu.memory_space<vmem>>[vector<16xi32>], vector<16xf32>,
        %ge3A_289 = arith.constant 5.000000e-01 : f32
        %ge3A_290 = vector.broadcast %ge3A_289 : f32 to vector<16xf32>
        %ge3A_291 = arith.cmpf oge, %gather3A_186, %ge3A_290 : vector<16xf32>
        %jit3A_292 = arith.constant 0.000000e+00 : f32
        %broadcast_in_dim3A_293 = vector.broadcast %jit3A_292 : f32 to vector<16xf32>
        %select_n3A_294 = arith.select %ge3A_291, %gather3A_122, %broadcast_in_dim3A_293 : vector<16xi1>, vector<16xf32>
        %add3A_295 = arith.constant 4608 : i32
        %add3A_296 = vector.broadcast %add3A_295 : i32 to vector<16xi32>
        %add3A_297 = arith.addi %add3A_83, %add3A_296 : vector<16xi32>
        tpu.vector_store_idx %arg10[%add3A_297], %select_n3A_294 : memref<8192xf32, #tpu.memory_space<vmem>>[vector<16xi32>], vector<16xf32>,
        %ge3A_298 = arith.constant 5.000000e-01 : f32
        %ge3A_299 = vector.broadcast %ge3A_298 : f32 to vector<16xf32>
        %ge3A_300 = arith.cmpf oge, %gather3A_190, %ge3A_299 : vector<16xf32>
        %jit3A_301 = arith.constant 0.000000e+00 : f32
        %broadcast_in_dim3A_302 = vector.broadcast %jit3A_301 : f32 to vector<16xf32>
        %select_n3A_303 = arith.select %ge3A_300, %gather3A_126, %broadcast_in_dim3A_302 : vector<16xi1>, vector<16xf32>
        %add3A_304 = arith.constant 5120 : i32
        %add3A_305 = vector.broadcast %add3A_304 : i32 to vector<16xi32>
        %add3A_306 = arith.addi %add3A_83, %add3A_305 : vector<16xi32>
        tpu.vector_store_idx %arg10[%add3A_306], %select_n3A_303 : memref<8192xf32, #tpu.memory_space<vmem>>[vector<16xi32>], vector<16xf32>,
        %ge3A_307 = arith.constant 5.000000e-01 : f32
        %ge3A_308 = vector.broadcast %ge3A_307 : f32 to vector<16xf32>
        %ge3A_309 = arith.cmpf oge, %gather3A_194, %ge3A_308 : vector<16xf32>
        %jit3A_310 = arith.constant 0.000000e+00 : f32
        %broadcast_in_dim3A_311 = vector.broadcast %jit3A_310 : f32 to vector<16xf32>
        %select_n3A_312 = arith.select %ge3A_309, %gather3A_130, %broadcast_in_dim3A_311 : vector<16xi1>, vector<16xf32>
        %add3A_313 = arith.constant 5632 : i32
        %add3A_314 = vector.broadcast %add3A_313 : i32 to vector<16xi32>
        %add3A_315 = arith.addi %add3A_83, %add3A_314 : vector<16xi32>
        tpu.vector_store_idx %arg10[%add3A_315], %select_n3A_312 : memref<8192xf32, #tpu.memory_space<vmem>>[vector<16xi32>], vector<16xf32>,
        %ge3A_316 = arith.constant 5.000000e-01 : f32
        %ge3A_317 = vector.broadcast %ge3A_316 : f32 to vector<16xf32>
        %ge3A_318 = arith.cmpf oge, %gather3A_198, %ge3A_317 : vector<16xf32>
        %jit3A_319 = arith.constant 0.000000e+00 : f32
        %broadcast_in_dim3A_320 = vector.broadcast %jit3A_319 : f32 to vector<16xf32>
        %select_n3A_321 = arith.select %ge3A_318, %gather3A_134, %broadcast_in_dim3A_320 : vector<16xi1>, vector<16xf32>
        %add3A_322 = arith.constant 6144 : i32
        %add3A_323 = vector.broadcast %add3A_322 : i32 to vector<16xi32>
        %add3A_324 = arith.addi %add3A_83, %add3A_323 : vector<16xi32>
        tpu.vector_store_idx %arg10[%add3A_324], %select_n3A_321 : memref<8192xf32, #tpu.memory_space<vmem>>[vector<16xi32>], vector<16xf32>,
        %ge3A_325 = arith.constant 5.000000e-01 : f32
        %ge3A_326 = vector.broadcast %ge3A_325 : f32 to vector<16xf32>
        %ge3A_327 = arith.cmpf oge, %gather3A_202, %ge3A_326 : vector<16xf32>
        %jit3A_328 = arith.constant 0.000000e+00 : f32
        %broadcast_in_dim3A_329 = vector.broadcast %jit3A_328 : f32 to vector<16xf32>
        %select_n3A_330 = arith.select %ge3A_327, %gather3A_138, %broadcast_in_dim3A_329 : vector<16xi1>, vector<16xf32>
        %add3A_331 = arith.constant 6656 : i32
        %add3A_332 = vector.broadcast %add3A_331 : i32 to vector<16xi32>
        %add3A_333 = arith.addi %add3A_83, %add3A_332 : vector<16xi32>
        tpu.vector_store_idx %arg10[%add3A_333], %select_n3A_330 : memref<8192xf32, #tpu.memory_space<vmem>>[vector<16xi32>], vector<16xf32>,
        %ge3A_334 = arith.constant 5.000000e-01 : f32
        %ge3A_335 = vector.broadcast %ge3A_334 : f32 to vector<16xf32>
        %ge3A_336 = arith.cmpf oge, %gather3A_206, %ge3A_335 : vector<16xf32>
        %jit3A_337 = arith.constant 0.000000e+00 : f32
        %broadcast_in_dim3A_338 = vector.broadcast %jit3A_337 : f32 to vector<16xf32>
        %select_n3A_339 = arith.select %ge3A_336, %gather3A_142, %broadcast_in_dim3A_338 : vector<16xi1>, vector<16xf32>
        %add3A_340 = arith.constant 7168 : i32
        %add3A_341 = vector.broadcast %add3A_340 : i32 to vector<16xi32>
        %add3A_342 = arith.addi %add3A_83, %add3A_341 : vector<16xi32>
        tpu.vector_store_idx %arg10[%add3A_342], %select_n3A_339 : memref<8192xf32, #tpu.memory_space<vmem>>[vector<16xi32>], vector<16xf32>,
        %ge3A_343 = arith.constant 5.000000e-01 : f32
        %ge3A_344 = vector.broadcast %ge3A_343 : f32 to vector<16xf32>
        %ge3A_345 = arith.cmpf oge, %gather3A_210, %ge3A_344 : vector<16xf32>
        %jit3A_346 = arith.constant 0.000000e+00 : f32
        %broadcast_in_dim3A_347 = vector.broadcast %jit3A_346 : f32 to vector<16xf32>
        %select_n3A_348 = arith.select %ge3A_345, %gather3A_146, %broadcast_in_dim3A_347 : vector<16xi1>, vector<16xf32>
        %add3A_349 = arith.constant 7680 : i32
        %add3A_350 = vector.broadcast %add3A_349 : i32 to vector<16xi32>
        %add3A_351 = arith.addi %add3A_83, %add3A_350 : vector<16xi32>
        tpu.vector_store_idx %arg10[%add3A_351], %select_n3A_348 : memref<8192xf32, #tpu.memory_space<vmem>>[vector<16xi32>], vector<16xf32>,
        %scan3A_352 = arith.constant 1 : i32
        %scan3A_353 = arith.addi %scan3A_72, %scan3A_352 : i32
        %add3A_354 = vector.broadcast %scan3A_353 : i32 to vector<16xi32>
        %add3A_355 = arith.addi %add3A_354, %iota3A : vector<16xi32>
        %lt3A_356 = arith.constant 32 : i32
        %lt3A_357 = vector.broadcast %lt3A_356 : i32 to vector<16xi32>
        %lt3A_358 = arith.cmpi slt, %add3A_355, %lt3A_357 : vector<16xi32>
        %sub3A_359 = arith.constant 32 : i32
        %sub3A_360 = vector.broadcast %sub3A_359 : i32 to vector<16xi32>
        %sub3A_361 = arith.subi %add3A_355, %sub3A_360 : vector<16xi32>
        %select_n3A_362 = arith.select %lt3A_358, %add3A_355, %sub3A_361 : vector<16xi1>, vector<16xi32>
        %mul3A_363 = arith.constant 32 : i32
        %mul3A_364 = vector.broadcast %mul3A_363 : i32 to vector<16xi32>
        %mul3A_365 = arith.muli %iota3A, %mul3A_364 : vector<16xi32>
        %add3A_366 = arith.addi %mul3A_365, %select_n3A_362 : vector<16xi32>
        %add3A_367 = arith.constant 0 : i32
        %add3A_368 = vector.broadcast %add3A_367 : i32 to vector<16xi32>
        %add3A_369 = arith.addi %add3A_368, %iota3A : vector<16xi32>
        %gather3A_370 = tpu.vector_load_idx %arg6[%select_n3A_362, %add3A_369] : memref<32x256xf32, #tpu.memory_space<vmem>>[vector<16xi32>, vector<16xi32>], vector<16xf32>,
        %add3A_371 = arith.constant 16 : i32
        %add3A_372 = vector.broadcast %add3A_371 : i32 to vector<16xi32>
        %add3A_373 = arith.addi %add3A_372, %iota3A : vector<16xi32>
        %gather3A_374 = tpu.vector_load_idx %arg6[%select_n3A_362, %add3A_373] : memref<32x256xf32, #tpu.memory_space<vmem>>[vector<16xi32>, vector<16xi32>], vector<16xf32>,
        %add3A_375 = arith.constant 32 : i32
        %add3A_376 = vector.broadcast %add3A_375 : i32 to vector<16xi32>
        %add3A_377 = arith.addi %add3A_376, %iota3A : vector<16xi32>
        %gather3A_378 = tpu.vector_load_idx %arg6[%select_n3A_362, %add3A_377] : memref<32x256xf32, #tpu.memory_space<vmem>>[vector<16xi32>, vector<16xi32>], vector<16xf32>,
        %add3A_379 = arith.constant 48 : i32
        %add3A_380 = vector.broadcast %add3A_379 : i32 to vector<16xi32>
        %add3A_381 = arith.addi %add3A_380, %iota3A : vector<16xi32>
        %gather3A_382 = tpu.vector_load_idx %arg6[%select_n3A_362, %add3A_381] : memref<32x256xf32, #tpu.memory_space<vmem>>[vector<16xi32>, vector<16xi32>], vector<16xf32>,
        %add3A_383 = arith.constant 64 : i32
        %add3A_384 = vector.broadcast %add3A_383 : i32 to vector<16xi32>
        %add3A_385 = arith.addi %add3A_384, %iota3A : vector<16xi32>
        %gather3A_386 = tpu.vector_load_idx %arg6[%select_n3A_362, %add3A_385] : memref<32x256xf32, #tpu.memory_space<vmem>>[vector<16xi32>, vector<16xi32>], vector<16xf32>,
        %add3A_387 = arith.constant 80 : i32
        %add3A_388 = vector.broadcast %add3A_387 : i32 to vector<16xi32>
        %add3A_389 = arith.addi %add3A_388, %iota3A : vector<16xi32>
        %gather3A_390 = tpu.vector_load_idx %arg6[%select_n3A_362, %add3A_389] : memref<32x256xf32, #tpu.memory_space<vmem>>[vector<16xi32>, vector<16xi32>], vector<16xf32>,
        %add3A_391 = arith.constant 96 : i32
        %add3A_392 = vector.broadcast %add3A_391 : i32 to vector<16xi32>
        %add3A_393 = arith.addi %add3A_392, %iota3A : vector<16xi32>
        %gather3A_394 = tpu.vector_load_idx %arg6[%select_n3A_362, %add3A_393] : memref<32x256xf32, #tpu.memory_space<vmem>>[vector<16xi32>, vector<16xi32>], vector<16xf32>,
        %add3A_395 = arith.constant 112 : i32
        %add3A_396 = vector.broadcast %add3A_395 : i32 to vector<16xi32>
        %add3A_397 = arith.addi %add3A_396, %iota3A : vector<16xi32>
        %gather3A_398 = tpu.vector_load_idx %arg6[%select_n3A_362, %add3A_397] : memref<32x256xf32, #tpu.memory_space<vmem>>[vector<16xi32>, vector<16xi32>], vector<16xf32>,
        %add3A_399 = arith.constant 128 : i32
        %add3A_400 = vector.broadcast %add3A_399 : i32 to vector<16xi32>
        %add3A_401 = arith.addi %add3A_400, %iota3A : vector<16xi32>
        %gather3A_402 = tpu.vector_load_idx %arg6[%select_n3A_362, %add3A_401] : memref<32x256xf32, #tpu.memory_space<vmem>>[vector<16xi32>, vector<16xi32>], vector<16xf32>,
        %add3A_403 = arith.constant 144 : i32
        %add3A_404 = vector.broadcast %add3A_403 : i32 to vector<16xi32>
        %add3A_405 = arith.addi %add3A_404, %iota3A : vector<16xi32>
        %gather3A_406 = tpu.vector_load_idx %arg6[%select_n3A_362, %add3A_405] : memref<32x256xf32, #tpu.memory_space<vmem>>[vector<16xi32>, vector<16xi32>], vector<16xf32>,
        %add3A_407 = arith.constant 160 : i32
        %add3A_408 = vector.broadcast %add3A_407 : i32 to vector<16xi32>
        %add3A_409 = arith.addi %add3A_408, %iota3A : vector<16xi32>
        %gather3A_410 = tpu.vector_load_idx %arg6[%select_n3A_362, %add3A_409] : memref<32x256xf32, #tpu.memory_space<vmem>>[vector<16xi32>, vector<16xi32>], vector<16xf32>,
        %add3A_411 = arith.constant 176 : i32
        %add3A_412 = vector.broadcast %add3A_411 : i32 to vector<16xi32>
        %add3A_413 = arith.addi %add3A_412, %iota3A : vector<16xi32>
        %gather3A_414 = tpu.vector_load_idx %arg6[%select_n3A_362, %add3A_413] : memref<32x256xf32, #tpu.memory_space<vmem>>[vector<16xi32>, vector<16xi32>], vector<16xf32>,
        %add3A_415 = arith.constant 192 : i32
        %add3A_416 = vector.broadcast %add3A_415 : i32 to vector<16xi32>
        %add3A_417 = arith.addi %add3A_416, %iota3A : vector<16xi32>
        %gather3A_418 = tpu.vector_load_idx %arg6[%select_n3A_362, %add3A_417] : memref<32x256xf32, #tpu.memory_space<vmem>>[vector<16xi32>, vector<16xi32>], vector<16xf32>,
        %add3A_419 = arith.constant 208 : i32
        %add3A_420 = vector.broadcast %add3A_419 : i32 to vector<16xi32>
        %add3A_421 = arith.addi %add3A_420, %iota3A : vector<16xi32>
        %gather3A_422 = tpu.vector_load_idx %arg6[%select_n3A_362, %add3A_421] : memref<32x256xf32, #tpu.memory_space<vmem>>[vector<16xi32>, vector<16xi32>], vector<16xf32>,
        %add3A_423 = arith.constant 224 : i32
        %add3A_424 = vector.broadcast %add3A_423 : i32 to vector<16xi32>
        %add3A_425 = arith.addi %add3A_424, %iota3A : vector<16xi32>
        %gather3A_426 = tpu.vector_load_idx %arg6[%select_n3A_362, %add3A_425] : memref<32x256xf32, #tpu.memory_space<vmem>>[vector<16xi32>, vector<16xi32>], vector<16xf32>,
        %add3A_427 = arith.constant 240 : i32
        %add3A_428 = vector.broadcast %add3A_427 : i32 to vector<16xi32>
        %add3A_429 = arith.addi %add3A_428, %iota3A : vector<16xi32>
        %gather3A_430 = tpu.vector_load_idx %arg6[%select_n3A_362, %add3A_429] : memref<32x256xf32, #tpu.memory_space<vmem>>[vector<16xi32>, vector<16xi32>], vector<16xf32>,
        %add3A_431 = arith.constant 0 : i32
        %add3A_432 = vector.broadcast %add3A_431 : i32 to vector<16xi32>
        %add3A_433 = arith.addi %add3A_432, %iota3A : vector<16xi32>
        %gather3A_434 = tpu.vector_load_idx %arg8[%select_n3A_362, %add3A_433] : memref<32x256xf32, #tpu.memory_space<vmem>>[vector<16xi32>, vector<16xi32>], vector<16xf32>,
        %add3A_435 = arith.constant 16 : i32
        %add3A_436 = vector.broadcast %add3A_435 : i32 to vector<16xi32>
        %add3A_437 = arith.addi %add3A_436, %iota3A : vector<16xi32>
        %gather3A_438 = tpu.vector_load_idx %arg8[%select_n3A_362, %add3A_437] : memref<32x256xf32, #tpu.memory_space<vmem>>[vector<16xi32>, vector<16xi32>], vector<16xf32>,
        %add3A_439 = arith.constant 32 : i32
        %add3A_440 = vector.broadcast %add3A_439 : i32 to vector<16xi32>
        %add3A_441 = arith.addi %add3A_440, %iota3A : vector<16xi32>
        %gather3A_442 = tpu.vector_load_idx %arg8[%select_n3A_362, %add3A_441] : memref<32x256xf32, #tpu.memory_space<vmem>>[vector<16xi32>, vector<16xi32>], vector<16xf32>,
        %add3A_443 = arith.constant 48 : i32
        %add3A_444 = vector.broadcast %add3A_443 : i32 to vector<16xi32>
        %add3A_445 = arith.addi %add3A_444, %iota3A : vector<16xi32>
        %gather3A_446 = tpu.vector_load_idx %arg8[%select_n3A_362, %add3A_445] : memref<32x256xf32, #tpu.memory_space<vmem>>[vector<16xi32>, vector<16xi32>], vector<16xf32>,
        %add3A_447 = arith.constant 64 : i32
        %add3A_448 = vector.broadcast %add3A_447 : i32 to vector<16xi32>
        %add3A_449 = arith.addi %add3A_448, %iota3A : vector<16xi32>
        %gather3A_450 = tpu.vector_load_idx %arg8[%select_n3A_362, %add3A_449] : memref<32x256xf32, #tpu.memory_space<vmem>>[vector<16xi32>, vector<16xi32>], vector<16xf32>,
        %add3A_451 = arith.constant 80 : i32
        %add3A_452 = vector.broadcast %add3A_451 : i32 to vector<16xi32>
        %add3A_453 = arith.addi %add3A_452, %iota3A : vector<16xi32>
        %gather3A_454 = tpu.vector_load_idx %arg8[%select_n3A_362, %add3A_453] : memref<32x256xf32, #tpu.memory_space<vmem>>[vector<16xi32>, vector<16xi32>], vector<16xf32>,
        %add3A_455 = arith.constant 96 : i32
        %add3A_456 = vector.broadcast %add3A_455 : i32 to vector<16xi32>
        %add3A_457 = arith.addi %add3A_456, %iota3A : vector<16xi32>
        %gather3A_458 = tpu.vector_load_idx %arg8[%select_n3A_362, %add3A_457] : memref<32x256xf32, #tpu.memory_space<vmem>>[vector<16xi32>, vector<16xi32>], vector<16xf32>,
        %add3A_459 = arith.constant 112 : i32
        %add3A_460 = vector.broadcast %add3A_459 : i32 to vector<16xi32>
        %add3A_461 = arith.addi %add3A_460, %iota3A : vector<16xi32>
        %gather3A_462 = tpu.vector_load_idx %arg8[%select_n3A_362, %add3A_461] : memref<32x256xf32, #tpu.memory_space<vmem>>[vector<16xi32>, vector<16xi32>], vector<16xf32>,
        %add3A_463 = arith.constant 128 : i32
        %add3A_464 = vector.broadcast %add3A_463 : i32 to vector<16xi32>
        %add3A_465 = arith.addi %add3A_464, %iota3A : vector<16xi32>
        %gather3A_466 = tpu.vector_load_idx %arg8[%select_n3A_362, %add3A_465] : memref<32x256xf32, #tpu.memory_space<vmem>>[vector<16xi32>, vector<16xi32>], vector<16xf32>,
        %add3A_467 = arith.constant 144 : i32
        %add3A_468 = vector.broadcast %add3A_467 : i32 to vector<16xi32>
        %add3A_469 = arith.addi %add3A_468, %iota3A : vector<16xi32>
        %gather3A_470 = tpu.vector_load_idx %arg8[%select_n3A_362, %add3A_469] : memref<32x256xf32, #tpu.memory_space<vmem>>[vector<16xi32>, vector<16xi32>], vector<16xf32>,
        %add3A_471 = arith.constant 160 : i32
        %add3A_472 = vector.broadcast %add3A_471 : i32 to vector<16xi32>
        %add3A_473 = arith.addi %add3A_472, %iota3A : vector<16xi32>
        %gather3A_474 = tpu.vector_load_idx %arg8[%select_n3A_362, %add3A_473] : memref<32x256xf32, #tpu.memory_space<vmem>>[vector<16xi32>, vector<16xi32>], vector<16xf32>,
        %add3A_475 = arith.constant 176 : i32
        %add3A_476 = vector.broadcast %add3A_475 : i32 to vector<16xi32>
        %add3A_477 = arith.addi %add3A_476, %iota3A : vector<16xi32>
        %gather3A_478 = tpu.vector_load_idx %arg8[%select_n3A_362, %add3A_477] : memref<32x256xf32, #tpu.memory_space<vmem>>[vector<16xi32>, vector<16xi32>], vector<16xf32>,
        %add3A_479 = arith.constant 192 : i32
        %add3A_480 = vector.broadcast %add3A_479 : i32 to vector<16xi32>
        %add3A_481 = arith.addi %add3A_480, %iota3A : vector<16xi32>
        %gather3A_482 = tpu.vector_load_idx %arg8[%select_n3A_362, %add3A_481] : memref<32x256xf32, #tpu.memory_space<vmem>>[vector<16xi32>, vector<16xi32>], vector<16xf32>,
        %add3A_483 = arith.constant 208 : i32
        %add3A_484 = vector.broadcast %add3A_483 : i32 to vector<16xi32>
        %add3A_485 = arith.addi %add3A_484, %iota3A : vector<16xi32>
        %gather3A_486 = tpu.vector_load_idx %arg8[%select_n3A_362, %add3A_485] : memref<32x256xf32, #tpu.memory_space<vmem>>[vector<16xi32>, vector<16xi32>], vector<16xf32>,
        %add3A_487 = arith.constant 224 : i32
        %add3A_488 = vector.broadcast %add3A_487 : i32 to vector<16xi32>
        %add3A_489 = arith.addi %add3A_488, %iota3A : vector<16xi32>
        %gather3A_490 = tpu.vector_load_idx %arg8[%select_n3A_362, %add3A_489] : memref<32x256xf32, #tpu.memory_space<vmem>>[vector<16xi32>, vector<16xi32>], vector<16xf32>,
        %add3A_491 = arith.constant 240 : i32
        %add3A_492 = vector.broadcast %add3A_491 : i32 to vector<16xi32>
        %add3A_493 = arith.addi %add3A_492, %iota3A : vector<16xi32>
        %gather3A_494 = tpu.vector_load_idx %arg8[%select_n3A_362, %add3A_493] : memref<32x256xf32, #tpu.memory_space<vmem>>[vector<16xi32>, vector<16xi32>], vector<16xf32>,
        %ge3A_495 = arith.constant 5.000000e-01 : f32
        %ge3A_496 = vector.broadcast %ge3A_495 : f32 to vector<16xf32>
        %ge3A_497 = arith.cmpf oge, %gather3A_434, %ge3A_496 : vector<16xf32>
        %jit3A_498 = arith.constant 0.000000e+00 : f32
        %broadcast_in_dim3A_499 = vector.broadcast %jit3A_498 : f32 to vector<16xf32>
        %select_n3A_500 = arith.select %ge3A_497, %gather3A_370, %broadcast_in_dim3A_499 : vector<16xi1>, vector<16xf32>
        %add3A_501 = arith.constant 0 : i32
        %add3A_502 = vector.broadcast %add3A_501 : i32 to vector<16xi32>
        %add3A_503 = arith.addi %add3A_366, %add3A_502 : vector<16xi32>
        tpu.vector_store_idx %arg10[%add3A_503], %select_n3A_500 : memref<8192xf32, #tpu.memory_space<vmem>>[vector<16xi32>], vector<16xf32>,
        %ge3A_504 = arith.constant 5.000000e-01 : f32
        %ge3A_505 = vector.broadcast %ge3A_504 : f32 to vector<16xf32>
        %ge3A_506 = arith.cmpf oge, %gather3A_438, %ge3A_505 : vector<16xf32>
        %jit3A_507 = arith.constant 0.000000e+00 : f32
        %broadcast_in_dim3A_508 = vector.broadcast %jit3A_507 : f32 to vector<16xf32>
        %select_n3A_509 = arith.select %ge3A_506, %gather3A_374, %broadcast_in_dim3A_508 : vector<16xi1>, vector<16xf32>
        %add3A_510 = arith.constant 512 : i32
        %add3A_511 = vector.broadcast %add3A_510 : i32 to vector<16xi32>
        %add3A_512 = arith.addi %add3A_366, %add3A_511 : vector<16xi32>
        tpu.vector_store_idx %arg10[%add3A_512], %select_n3A_509 : memref<8192xf32, #tpu.memory_space<vmem>>[vector<16xi32>], vector<16xf32>,
        %ge3A_513 = arith.constant 5.000000e-01 : f32
        %ge3A_514 = vector.broadcast %ge3A_513 : f32 to vector<16xf32>
        %ge3A_515 = arith.cmpf oge, %gather3A_442, %ge3A_514 : vector<16xf32>
        %jit3A_516 = arith.constant 0.000000e+00 : f32
        %broadcast_in_dim3A_517 = vector.broadcast %jit3A_516 : f32 to vector<16xf32>
        %select_n3A_518 = arith.select %ge3A_515, %gather3A_378, %broadcast_in_dim3A_517 : vector<16xi1>, vector<16xf32>
        %add3A_519 = arith.constant 1024 : i32
        %add3A_520 = vector.broadcast %add3A_519 : i32 to vector<16xi32>
        %add3A_521 = arith.addi %add3A_366, %add3A_520 : vector<16xi32>
        tpu.vector_store_idx %arg10[%add3A_521], %select_n3A_518 : memref<8192xf32, #tpu.memory_space<vmem>>[vector<16xi32>], vector<16xf32>,
        %ge3A_522 = arith.constant 5.000000e-01 : f32
        %ge3A_523 = vector.broadcast %ge3A_522 : f32 to vector<16xf32>
        %ge3A_524 = arith.cmpf oge, %gather3A_446, %ge3A_523 : vector<16xf32>
        %jit3A_525 = arith.constant 0.000000e+00 : f32
        %broadcast_in_dim3A_526 = vector.broadcast %jit3A_525 : f32 to vector<16xf32>
        %select_n3A_527 = arith.select %ge3A_524, %gather3A_382, %broadcast_in_dim3A_526 : vector<16xi1>, vector<16xf32>
        %add3A_528 = arith.constant 1536 : i32
        %add3A_529 = vector.broadcast %add3A_528 : i32 to vector<16xi32>
        %add3A_530 = arith.addi %add3A_366, %add3A_529 : vector<16xi32>
        tpu.vector_store_idx %arg10[%add3A_530], %select_n3A_527 : memref<8192xf32, #tpu.memory_space<vmem>>[vector<16xi32>], vector<16xf32>,
        %ge3A_531 = arith.constant 5.000000e-01 : f32
        %ge3A_532 = vector.broadcast %ge3A_531 : f32 to vector<16xf32>
        %ge3A_533 = arith.cmpf oge, %gather3A_450, %ge3A_532 : vector<16xf32>
        %jit3A_534 = arith.constant 0.000000e+00 : f32
        %broadcast_in_dim3A_535 = vector.broadcast %jit3A_534 : f32 to vector<16xf32>
        %select_n3A_536 = arith.select %ge3A_533, %gather3A_386, %broadcast_in_dim3A_535 : vector<16xi1>, vector<16xf32>
        %add3A_537 = arith.constant 2048 : i32
        %add3A_538 = vector.broadcast %add3A_537 : i32 to vector<16xi32>
        %add3A_539 = arith.addi %add3A_366, %add3A_538 : vector<16xi32>
        tpu.vector_store_idx %arg10[%add3A_539], %select_n3A_536 : memref<8192xf32, #tpu.memory_space<vmem>>[vector<16xi32>], vector<16xf32>,
        %ge3A_540 = arith.constant 5.000000e-01 : f32
        %ge3A_541 = vector.broadcast %ge3A_540 : f32 to vector<16xf32>
        %ge3A_542 = arith.cmpf oge, %gather3A_454, %ge3A_541 : vector<16xf32>
        %jit3A_543 = arith.constant 0.000000e+00 : f32
        %broadcast_in_dim3A_544 = vector.broadcast %jit3A_543 : f32 to vector<16xf32>
        %select_n3A_545 = arith.select %ge3A_542, %gather3A_390, %broadcast_in_dim3A_544 : vector<16xi1>, vector<16xf32>
        %add3A_546 = arith.constant 2560 : i32
        %add3A_547 = vector.broadcast %add3A_546 : i32 to vector<16xi32>
        %add3A_548 = arith.addi %add3A_366, %add3A_547 : vector<16xi32>
        tpu.vector_store_idx %arg10[%add3A_548], %select_n3A_545 : memref<8192xf32, #tpu.memory_space<vmem>>[vector<16xi32>], vector<16xf32>,
        %ge3A_549 = arith.constant 5.000000e-01 : f32
        %ge3A_550 = vector.broadcast %ge3A_549 : f32 to vector<16xf32>
        %ge3A_551 = arith.cmpf oge, %gather3A_458, %ge3A_550 : vector<16xf32>
        %jit3A_552 = arith.constant 0.000000e+00 : f32
        %broadcast_in_dim3A_553 = vector.broadcast %jit3A_552 : f32 to vector<16xf32>
        %select_n3A_554 = arith.select %ge3A_551, %gather3A_394, %broadcast_in_dim3A_553 : vector<16xi1>, vector<16xf32>
        %add3A_555 = arith.constant 3072 : i32
        %add3A_556 = vector.broadcast %add3A_555 : i32 to vector<16xi32>
        %add3A_557 = arith.addi %add3A_366, %add3A_556 : vector<16xi32>
        tpu.vector_store_idx %arg10[%add3A_557], %select_n3A_554 : memref<8192xf32, #tpu.memory_space<vmem>>[vector<16xi32>], vector<16xf32>,
        %ge3A_558 = arith.constant 5.000000e-01 : f32
        %ge3A_559 = vector.broadcast %ge3A_558 : f32 to vector<16xf32>
        %ge3A_560 = arith.cmpf oge, %gather3A_462, %ge3A_559 : vector<16xf32>
        %jit3A_561 = arith.constant 0.000000e+00 : f32
        %broadcast_in_dim3A_562 = vector.broadcast %jit3A_561 : f32 to vector<16xf32>
        %select_n3A_563 = arith.select %ge3A_560, %gather3A_398, %broadcast_in_dim3A_562 : vector<16xi1>, vector<16xf32>
        %add3A_564 = arith.constant 3584 : i32
        %add3A_565 = vector.broadcast %add3A_564 : i32 to vector<16xi32>
        %add3A_566 = arith.addi %add3A_366, %add3A_565 : vector<16xi32>
        tpu.vector_store_idx %arg10[%add3A_566], %select_n3A_563 : memref<8192xf32, #tpu.memory_space<vmem>>[vector<16xi32>], vector<16xf32>,
        %ge3A_567 = arith.constant 5.000000e-01 : f32
        %ge3A_568 = vector.broadcast %ge3A_567 : f32 to vector<16xf32>
        %ge3A_569 = arith.cmpf oge, %gather3A_466, %ge3A_568 : vector<16xf32>
        %jit3A_570 = arith.constant 0.000000e+00 : f32
        %broadcast_in_dim3A_571 = vector.broadcast %jit3A_570 : f32 to vector<16xf32>
        %select_n3A_572 = arith.select %ge3A_569, %gather3A_402, %broadcast_in_dim3A_571 : vector<16xi1>, vector<16xf32>
        %add3A_573 = arith.constant 4096 : i32
        %add3A_574 = vector.broadcast %add3A_573 : i32 to vector<16xi32>
        %add3A_575 = arith.addi %add3A_366, %add3A_574 : vector<16xi32>
        tpu.vector_store_idx %arg10[%add3A_575], %select_n3A_572 : memref<8192xf32, #tpu.memory_space<vmem>>[vector<16xi32>], vector<16xf32>,
        %ge3A_576 = arith.constant 5.000000e-01 : f32
        %ge3A_577 = vector.broadcast %ge3A_576 : f32 to vector<16xf32>
        %ge3A_578 = arith.cmpf oge, %gather3A_470, %ge3A_577 : vector<16xf32>
        %jit3A_579 = arith.constant 0.000000e+00 : f32
        %broadcast_in_dim3A_580 = vector.broadcast %jit3A_579 : f32 to vector<16xf32>
        %select_n3A_581 = arith.select %ge3A_578, %gather3A_406, %broadcast_in_dim3A_580 : vector<16xi1>, vector<16xf32>
        %add3A_582 = arith.constant 4608 : i32
        %add3A_583 = vector.broadcast %add3A_582 : i32 to vector<16xi32>
        %add3A_584 = arith.addi %add3A_366, %add3A_583 : vector<16xi32>
        tpu.vector_store_idx %arg10[%add3A_584], %select_n3A_581 : memref<8192xf32, #tpu.memory_space<vmem>>[vector<16xi32>], vector<16xf32>,
        %ge3A_585 = arith.constant 5.000000e-01 : f32
        %ge3A_586 = vector.broadcast %ge3A_585 : f32 to vector<16xf32>
        %ge3A_587 = arith.cmpf oge, %gather3A_474, %ge3A_586 : vector<16xf32>
        %jit3A_588 = arith.constant 0.000000e+00 : f32
        %broadcast_in_dim3A_589 = vector.broadcast %jit3A_588 : f32 to vector<16xf32>
        %select_n3A_590 = arith.select %ge3A_587, %gather3A_410, %broadcast_in_dim3A_589 : vector<16xi1>, vector<16xf32>
        %add3A_591 = arith.constant 5120 : i32
        %add3A_592 = vector.broadcast %add3A_591 : i32 to vector<16xi32>
        %add3A_593 = arith.addi %add3A_366, %add3A_592 : vector<16xi32>
        tpu.vector_store_idx %arg10[%add3A_593], %select_n3A_590 : memref<8192xf32, #tpu.memory_space<vmem>>[vector<16xi32>], vector<16xf32>,
        %ge3A_594 = arith.constant 5.000000e-01 : f32
        %ge3A_595 = vector.broadcast %ge3A_594 : f32 to vector<16xf32>
        %ge3A_596 = arith.cmpf oge, %gather3A_478, %ge3A_595 : vector<16xf32>
        %jit3A_597 = arith.constant 0.000000e+00 : f32
        %broadcast_in_dim3A_598 = vector.broadcast %jit3A_597 : f32 to vector<16xf32>
        %select_n3A_599 = arith.select %ge3A_596, %gather3A_414, %broadcast_in_dim3A_598 : vector<16xi1>, vector<16xf32>
        %add3A_600 = arith.constant 5632 : i32
        %add3A_601 = vector.broadcast %add3A_600 : i32 to vector<16xi32>
        %add3A_602 = arith.addi %add3A_366, %add3A_601 : vector<16xi32>
        tpu.vector_store_idx %arg10[%add3A_602], %select_n3A_599 : memref<8192xf32, #tpu.memory_space<vmem>>[vector<16xi32>], vector<16xf32>,
        %ge3A_603 = arith.constant 5.000000e-01 : f32
        %ge3A_604 = vector.broadcast %ge3A_603 : f32 to vector<16xf32>
        %ge3A_605 = arith.cmpf oge, %gather3A_482, %ge3A_604 : vector<16xf32>
        %jit3A_606 = arith.constant 0.000000e+00 : f32
        %broadcast_in_dim3A_607 = vector.broadcast %jit3A_606 : f32 to vector<16xf32>
        %select_n3A_608 = arith.select %ge3A_605, %gather3A_418, %broadcast_in_dim3A_607 : vector<16xi1>, vector<16xf32>
        %add3A_609 = arith.constant 6144 : i32
        %add3A_610 = vector.broadcast %add3A_609 : i32 to vector<16xi32>
        %add3A_611 = arith.addi %add3A_366, %add3A_610 : vector<16xi32>
        tpu.vector_store_idx %arg10[%add3A_611], %select_n3A_608 : memref<8192xf32, #tpu.memory_space<vmem>>[vector<16xi32>], vector<16xf32>,
        %ge3A_612 = arith.constant 5.000000e-01 : f32
        %ge3A_613 = vector.broadcast %ge3A_612 : f32 to vector<16xf32>
        %ge3A_614 = arith.cmpf oge, %gather3A_486, %ge3A_613 : vector<16xf32>
        %jit3A_615 = arith.constant 0.000000e+00 : f32
        %broadcast_in_dim3A_616 = vector.broadcast %jit3A_615 : f32 to vector<16xf32>
        %select_n3A_617 = arith.select %ge3A_614, %gather3A_422, %broadcast_in_dim3A_616 : vector<16xi1>, vector<16xf32>
        %add3A_618 = arith.constant 6656 : i32
        %add3A_619 = vector.broadcast %add3A_618 : i32 to vector<16xi32>
        %add3A_620 = arith.addi %add3A_366, %add3A_619 : vector<16xi32>
        tpu.vector_store_idx %arg10[%add3A_620], %select_n3A_617 : memref<8192xf32, #tpu.memory_space<vmem>>[vector<16xi32>], vector<16xf32>,
        %ge3A_621 = arith.constant 5.000000e-01 : f32
        %ge3A_622 = vector.broadcast %ge3A_621 : f32 to vector<16xf32>
        %ge3A_623 = arith.cmpf oge, %gather3A_490, %ge3A_622 : vector<16xf32>
        %jit3A_624 = arith.constant 0.000000e+00 : f32
        %broadcast_in_dim3A_625 = vector.broadcast %jit3A_624 : f32 to vector<16xf32>
        %select_n3A_626 = arith.select %ge3A_623, %gather3A_426, %broadcast_in_dim3A_625 : vector<16xi1>, vector<16xf32>
        %add3A_627 = arith.constant 7168 : i32
        %add3A_628 = vector.broadcast %add3A_627 : i32 to vector<16xi32>
        %add3A_629 = arith.addi %add3A_366, %add3A_628 : vector<16xi32>
        tpu.vector_store_idx %arg10[%add3A_629], %select_n3A_626 : memref<8192xf32, #tpu.memory_space<vmem>>[vector<16xi32>], vector<16xf32>,
        %ge3A_630 = arith.constant 5.000000e-01 : f32
        %ge3A_631 = vector.broadcast %ge3A_630 : f32 to vector<16xf32>
        %ge3A_632 = arith.cmpf oge, %gather3A_494, %ge3A_631 : vector<16xf32>
        %jit3A_633 = arith.constant 0.000000e+00 : f32
        %broadcast_in_dim3A_634 = vector.broadcast %jit3A_633 : f32 to vector<16xf32>
        %select_n3A_635 = arith.select %ge3A_632, %gather3A_430, %broadcast_in_dim3A_634 : vector<16xi1>, vector<16xf32>
        %add3A_636 = arith.constant 7680 : i32
        %add3A_637 = vector.broadcast %add3A_636 : i32 to vector<16xi32>
        %add3A_638 = arith.addi %add3A_366, %add3A_637 : vector<16xi32>
        tpu.vector_store_idx %arg10[%add3A_638], %select_n3A_635 : memref<8192xf32, #tpu.memory_space<vmem>>[vector<16xi32>], vector<16xf32>,
      }
      %scan3A_63 = arith.constant 32 : i32
      %mul3A_64 = arith.constant 8192 : i32
      %mul3A_65 = arith.muli %add3A_33, %mul3A_64 : i32
      %dma_start3A_66 = tpu.memref_slice %arg5[%mul3A_65] : memref<32000000xf32, #tpu.memory_space<hbm>> -> memref<8192xf32, #tpu.memory_space<hbm>>
      %dma_start3A_67 = tpu.memref_slice %arg5[%mul3A_65] : memref<32000000xf32, #tpu.memory_space<hbm>> -> memref<8192xf32, #tpu.memory_space<hbm>>
      tpu.enqueue_dma source(%arg10 : memref<8192xf32, #tpu.memory_space<vmem>>) target(%dma_start3A_67 : memref<8192xf32, #tpu.memory_space<hbm>>) target_semaphore(%arg15 : memref<!tpu.dma_semaphore, #tpu.memory_space<semaphore_mem>>)
      %dma_wait3A_68 = arith.constant 0 : i32
      %dma_wait3A_69 = tpu.memref_slice %arg5[%dma_wait3A_68] : memref<32000000xf32, #tpu.memory_space<hbm>> -> memref<8192xf32, #tpu.memory_space<hbm>>
      %dma_wait3A_70 = arith.constant 0 : i32
      %dma_wait3A_71 = tpu.memref_slice %arg5[%dma_wait3A_70] : memref<32000000xf32, #tpu.memory_space<hbm>> -> memref<8192xf32, #tpu.memory_space<hbm>>
      tpu.wait_dma2 semaphore(%arg15 : memref<!tpu.dma_semaphore, #tpu.memory_space<semaphore_mem>>) src(%arg10 : memref<8192xf32, #tpu.memory_space<vmem>>) dst(%dma_wait3A_71 : memref<8192xf32, #tpu.memory_space<hbm>>)
    } else {
    }
    %eq3A = arith.constant 2 : i32
    %eq3A_5 = arith.cmpi eq, %add3A, %eq3A : i32
    %convert_element_type3A_6 = arith.extui %eq3A_5 : i1 to i32
    %cond3A_7 = arith.constant 0 : i32
    %cond3A_8 = arith.cmpi ne, %convert_element_type3A_6, %cond3A_7 : i32
    scf.if %cond3A_8 {
      "tpu.region"() ({
        %run_scoped3A = tpu.sem_alloc : memref<!tpu.dma_semaphore, #tpu.memory_space<semaphore_mem>>
        tpu.enqueue_dma source(%arg4 : memref<2048xf32, #tpu.memory_space<hbm>>) target(%arg12 : memref<2048xf32, #tpu.memory_space<vmem>>) target_semaphore(%run_scoped3A : memref<!tpu.dma_semaphore, #tpu.memory_space<semaphore_mem>>)
        tpu.wait_dma2 semaphore(%run_scoped3A : memref<!tpu.dma_semaphore, #tpu.memory_space<semaphore_mem>>) src(%arg4 : memref<2048xf32, #tpu.memory_space<hbm>>) dst(%arg12 : memref<2048xf32, #tpu.memory_space<vmem>>)
        tpu.yield
      }) : () -> ()
      "tpu.region"() ({
        %run_scoped3A = tpu.sem_alloc : memref<!tpu.dma_semaphore, #tpu.memory_space<semaphore_mem>>
        %dma_start3A_32 = arith.constant 31997952 : i32
        %dma_start3A_33 = tpu.memref_slice %arg5[%dma_start3A_32] : memref<32000000xf32, #tpu.memory_space<hbm>> -> memref<2048xf32, #tpu.memory_space<hbm>>
        %dma_start3A_34 = arith.constant 31997952 : i32
        %dma_start3A_35 = tpu.memref_slice %arg5[%dma_start3A_34] : memref<32000000xf32, #tpu.memory_space<hbm>> -> memref<2048xf32, #tpu.memory_space<hbm>>
        tpu.enqueue_dma source(%arg12 : memref<2048xf32, #tpu.memory_space<vmem>>) target(%dma_start3A_35 : memref<2048xf32, #tpu.memory_space<hbm>>) target_semaphore(%run_scoped3A : memref<!tpu.dma_semaphore, #tpu.memory_space<semaphore_mem>>)
        %dma_wait3A_36 = arith.constant 31997952 : i32
        %dma_wait3A_37 = tpu.memref_slice %arg5[%dma_wait3A_36] : memref<32000000xf32, #tpu.memory_space<hbm>> -> memref<2048xf32, #tpu.memory_space<hbm>>
        %dma_wait3A_38 = arith.constant 31997952 : i32
        %dma_wait3A_39 = tpu.memref_slice %arg5[%dma_wait3A_38] : memref<32000000xf32, #tpu.memory_space<hbm>> -> memref<2048xf32, #tpu.memory_space<hbm>>
        tpu.wait_dma2 semaphore(%run_scoped3A : memref<!tpu.dma_semaphore, #tpu.memory_space<semaphore_mem>>) src(%arg12 : memref<2048xf32, #tpu.memory_space<vmem>>) dst(%dma_wait3A_39 : memref<2048xf32, #tpu.memory_space<hbm>>)
        tpu.yield
      }) : () -> ()
    } else {
    }
    %mul3A_9 = arith.constant 256 : i32
    %mul3A_10 = arith.muli %mul3A_2, %mul3A_9 : i32
    %dma_start3A = arith.constant 0 : i32
    %dma_start3A_11 = tpu.memref_slice %arg2[%dma_start3A, %mul3A_10] : memref<32x1000000xf32, #tpu.memory_space<hbm>> -> memref<32x256xf32, #tpu.memory_space<hbm>>
    %dma_start3A_12 = arith.constant 0 : i32
    %dma_start3A_13 = tpu.memref_slice %arg2[%dma_start3A_12, %mul3A_10] : memref<32x1000000xf32, #tpu.memory_space<hbm>> -> memref<32x256xf32, #tpu.memory_space<hbm>>
    tpu.enqueue_dma source(%dma_start3A_13 : memref<32x256xf32, #tpu.memory_space<hbm>>) target(%arg6 : memref<32x256xf32, #tpu.memory_space<vmem>>) target_semaphore(%arg13 : memref<!tpu.dma_semaphore, #tpu.memory_space<semaphore_mem>>)
    %mul3A_14 = arith.constant 256 : i32
    %mul3A_15 = arith.muli %mul3A_2, %mul3A_14 : i32
    %dma_start3A_16 = arith.constant 0 : i32
    %dma_start3A_17 = tpu.memref_slice %arg3[%dma_start3A_16, %mul3A_15] : memref<32x1000000xf32, #tpu.memory_space<hbm>> -> memref<32x256xf32, #tpu.memory_space<hbm>>
    %dma_start3A_18 = arith.constant 0 : i32
    %dma_start3A_19 = tpu.memref_slice %arg3[%dma_start3A_18, %mul3A_15] : memref<32x1000000xf32, #tpu.memory_space<hbm>> -> memref<32x256xf32, #tpu.memory_space<hbm>>
    tpu.enqueue_dma source(%dma_start3A_19 : memref<32x256xf32, #tpu.memory_space<hbm>>) target(%arg8 : memref<32x256xf32, #tpu.memory_space<vmem>>) target_semaphore(%arg13 : memref<!tpu.dma_semaphore, #tpu.memory_space<semaphore_mem>>)
    %scan3A = arith.constant 0 : i32
    %scan3A_20 = arith.constant 0 : i32
    %scan3A_21 = arith.constant 61 : i32
    %scan3A_22 = arith.addi %scan3A_20, %scan3A_21 : i32
    %scan3A_23 = arith.constant 1 : i32
    scf.for %scan3A_32 = %scan3A_20 to %scan3A_22 step %scan3A_23  : i32 {
      %mul3A_33 = arith.constant 2 : i32
      %mul3A_34 = arith.muli %mul3A_33, %scan3A_32 : i32
      %add3A_35 = arith.addi %mul3A_2, %mul3A_34 : i32
      %add3A_36 = arith.constant 0 : i32
      %add3A_37 = arith.addi %add3A_35, %add3A_36 : i32
      %add3A_38 = arith.constant 0 : i32
      %add3A_39 = arith.addi %mul3A_34, %add3A_38 : i32
      %add3A_40 = arith.constant 1 : i32
      %add3A_41 = arith.addi %add3A_39, %add3A_40 : i32
      %lt3A_42 = arith.constant 122 : i32
      %lt3A_43 = arith.cmpi slt, %add3A_41, %lt3A_42 : i32
      %convert_element_type3A_44 = arith.extui %lt3A_43 : i1 to i32
      %cond3A_45 = arith.constant 0 : i32
      %cond3A_46 = arith.cmpi ne, %convert_element_type3A_44, %cond3A_45 : i32
      scf.if %cond3A_46 {
        %add3A_104 = arith.constant 0 : i32
        %add3A_105 = arith.addi %mul3A_34, %add3A_104 : i32
        %ge3A = arith.constant 1 : i32
        %ge3A_106 = arith.cmpi sge, %add3A_105, %ge3A : i32
        %convert_element_type3A_107 = arith.extui %ge3A_106 : i1 to i32
        %cond3A_108 = arith.constant 0 : i32
        %cond3A_109 = arith.cmpi ne, %convert_element_type3A_107, %cond3A_108 : i32
        scf.if %cond3A_109 {
          %dma_wait3A_123 = arith.constant 0 : i32
          %dma_wait3A_124 = tpu.memref_slice %arg5[%dma_wait3A_123] : memref<32000000xf32, #tpu.memory_space<hbm>> -> memref<8192xf32, #tpu.memory_space<hbm>>
          %dma_wait3A_125 = arith.constant 0 : i32
          %dma_wait3A_126 = tpu.memref_slice %arg5[%dma_wait3A_125] : memref<32000000xf32, #tpu.memory_space<hbm>> -> memref<8192xf32, #tpu.memory_space<hbm>>
          tpu.wait_dma2 semaphore(%arg16 : memref<!tpu.dma_semaphore, #tpu.memory_space<semaphore_mem>>) src(%arg11 : memref<8192xf32, #tpu.memory_space<vmem>>) dst(%dma_wait3A_126 : memref<8192xf32, #tpu.memory_space<hbm>>)
        } else {
        }
        %add3A_110 = arith.addi %mul3A_2, %add3A_41 : i32
        %mul3A_111 = arith.constant 256 : i32
        %mul3A_112 = arith.muli %add3A_110, %mul3A_111 : i32
        %dma_start3A_113 = arith.constant 0 : i32
        %dma_start3A_114 = tpu.memref_slice %arg2[%dma_start3A_113, %mul3A_112] : memref<32x1000000xf32, #tpu.memory_space<hbm>> -> memref<32x256xf32, #tpu.memory_space<hbm>>
        %dma_start3A_115 = arith.constant 0 : i32
        %dma_start3A_116 = tpu.memref_slice %arg2[%dma_start3A_115, %mul3A_112] : memref<32x1000000xf32, #tpu.memory_space<hbm>> -> memref<32x256xf32, #tpu.memory_space<hbm>>
        tpu.enqueue_dma source(%dma_start3A_116 : memref<32x256xf32, #tpu.memory_space<hbm>>) target(%arg7 : memref<32x256xf32, #tpu.memory_space<vmem>>) target_semaphore(%arg14 : memref<!tpu.dma_semaphore, #tpu.memory_space<semaphore_mem>>)
        %mul3A_117 = arith.constant 256 : i32
        %mul3A_118 = arith.muli %add3A_110, %mul3A_117 : i32
        %dma_start3A_119 = arith.constant 0 : i32
        %dma_start3A_120 = tpu.memref_slice %arg3[%dma_start3A_119, %mul3A_118] : memref<32x1000000xf32, #tpu.memory_space<hbm>> -> memref<32x256xf32, #tpu.memory_space<hbm>>
        %dma_start3A_121 = arith.constant 0 : i32
        %dma_start3A_122 = tpu.memref_slice %arg3[%dma_start3A_121, %mul3A_118] : memref<32x1000000xf32, #tpu.memory_space<hbm>> -> memref<32x256xf32, #tpu.memory_space<hbm>>
        tpu.enqueue_dma source(%dma_start3A_122 : memref<32x256xf32, #tpu.memory_space<hbm>>) target(%arg9 : memref<32x256xf32, #tpu.memory_space<vmem>>) target_semaphore(%arg14 : memref<!tpu.dma_semaphore, #tpu.memory_space<semaphore_mem>>)
      } else {
      }
      %dma_wait3A_47 = arith.constant 0 : i32
      %dma_wait3A_48 = arith.constant 0 : i32
      %dma_wait3A_49 = tpu.memref_slice %arg2[%dma_wait3A_47, %dma_wait3A_48] : memref<32x1000000xf32, #tpu.memory_space<hbm>> -> memref<32x256xf32, #tpu.memory_space<hbm>>
      %dma_wait3A_50 = arith.constant 0 : i32
      %dma_wait3A_51 = arith.constant 0 : i32
      %dma_wait3A_52 = tpu.memref_slice %arg2[%dma_wait3A_50, %dma_wait3A_51] : memref<32x1000000xf32, #tpu.memory_space<hbm>> -> memref<32x256xf32, #tpu.memory_space<hbm>>
      tpu.wait_dma2 semaphore(%arg13 : memref<!tpu.dma_semaphore, #tpu.memory_space<semaphore_mem>>) src(%dma_wait3A_52 : memref<32x256xf32, #tpu.memory_space<hbm>>) dst(%arg6 : memref<32x256xf32, #tpu.memory_space<vmem>>)
      %dma_wait3A_53 = arith.constant 0 : i32
      %dma_wait3A_54 = arith.constant 0 : i32
      %dma_wait3A_55 = tpu.memref_slice %arg3[%dma_wait3A_53, %dma_wait3A_54] : memref<32x1000000xf32, #tpu.memory_space<hbm>> -> memref<32x256xf32, #tpu.memory_space<hbm>>
      %dma_wait3A_56 = arith.constant 0 : i32
      %dma_wait3A_57 = arith.constant 0 : i32
      %dma_wait3A_58 = tpu.memref_slice %arg3[%dma_wait3A_56, %dma_wait3A_57] : memref<32x1000000xf32, #tpu.memory_space<hbm>> -> memref<32x256xf32, #tpu.memory_space<hbm>>
      tpu.wait_dma2 semaphore(%arg13 : memref<!tpu.dma_semaphore, #tpu.memory_space<semaphore_mem>>) src(%dma_wait3A_58 : memref<32x256xf32, #tpu.memory_space<hbm>>) dst(%arg8 : memref<32x256xf32, #tpu.memory_space<vmem>>)
      %iota3A = tpu.iota {dimensions = array<i32: 0>} : vector<16xi32>
      %scan3A_59 = arith.constant 0 : i32
      %scan3A_60 = arith.constant 0 : i32
      %scan3A_61 = arith.constant 32 : i32
      %scan3A_62 = arith.addi %scan3A_60, %scan3A_61 : i32
      %scan3A_63 = arith.constant 2 : i32
      scf.for %scan3A_104 = %scan3A_60 to %scan3A_62 step %scan3A_63  : i32 {
        %add3A_105 = vector.broadcast %scan3A_104 : i32 to vector<16xi32>
        %add3A_106 = arith.addi %add3A_105, %iota3A : vector<16xi32>
        %lt3A_107 = arith.constant 32 : i32
        %lt3A_108 = vector.broadcast %lt3A_107 : i32 to vector<16xi32>
        %lt3A_109 = arith.cmpi slt, %add3A_106, %lt3A_108 : vector<16xi32>
        %sub3A = arith.constant 32 : i32
        %sub3A_110 = vector.broadcast %sub3A : i32 to vector<16xi32>
        %sub3A_111 = arith.subi %add3A_106, %sub3A_110 : vector<16xi32>
        %select_n3A = arith.select %lt3A_109, %add3A_106, %sub3A_111 : vector<16xi1>, vector<16xi32>
        %mul3A_112 = arith.constant 32 : i32
        %mul3A_113 = vector.broadcast %mul3A_112 : i32 to vector<16xi32>
        %mul3A_114 = arith.muli %iota3A, %mul3A_113 : vector<16xi32>
        %add3A_115 = arith.addi %mul3A_114, %select_n3A : vector<16xi32>
        %add3A_116 = arith.constant 0 : i32
        %add3A_117 = vector.broadcast %add3A_116 : i32 to vector<16xi32>
        %add3A_118 = arith.addi %add3A_117, %iota3A : vector<16xi32>
        %gather3A = tpu.vector_load_idx %arg6[%select_n3A, %add3A_118] : memref<32x256xf32, #tpu.memory_space<vmem>>[vector<16xi32>, vector<16xi32>], vector<16xf32>,
        %add3A_119 = arith.constant 16 : i32
        %add3A_120 = vector.broadcast %add3A_119 : i32 to vector<16xi32>
        %add3A_121 = arith.addi %add3A_120, %iota3A : vector<16xi32>
        %gather3A_122 = tpu.vector_load_idx %arg6[%select_n3A, %add3A_121] : memref<32x256xf32, #tpu.memory_space<vmem>>[vector<16xi32>, vector<16xi32>], vector<16xf32>,
        %add3A_123 = arith.constant 32 : i32
        %add3A_124 = vector.broadcast %add3A_123 : i32 to vector<16xi32>
        %add3A_125 = arith.addi %add3A_124, %iota3A : vector<16xi32>
        %gather3A_126 = tpu.vector_load_idx %arg6[%select_n3A, %add3A_125] : memref<32x256xf32, #tpu.memory_space<vmem>>[vector<16xi32>, vector<16xi32>], vector<16xf32>,
        %add3A_127 = arith.constant 48 : i32
        %add3A_128 = vector.broadcast %add3A_127 : i32 to vector<16xi32>
        %add3A_129 = arith.addi %add3A_128, %iota3A : vector<16xi32>
        %gather3A_130 = tpu.vector_load_idx %arg6[%select_n3A, %add3A_129] : memref<32x256xf32, #tpu.memory_space<vmem>>[vector<16xi32>, vector<16xi32>], vector<16xf32>,
        %add3A_131 = arith.constant 64 : i32
        %add3A_132 = vector.broadcast %add3A_131 : i32 to vector<16xi32>
        %add3A_133 = arith.addi %add3A_132, %iota3A : vector<16xi32>
        %gather3A_134 = tpu.vector_load_idx %arg6[%select_n3A, %add3A_133] : memref<32x256xf32, #tpu.memory_space<vmem>>[vector<16xi32>, vector<16xi32>], vector<16xf32>,
        %add3A_135 = arith.constant 80 : i32
        %add3A_136 = vector.broadcast %add3A_135 : i32 to vector<16xi32>
        %add3A_137 = arith.addi %add3A_136, %iota3A : vector<16xi32>
        %gather3A_138 = tpu.vector_load_idx %arg6[%select_n3A, %add3A_137] : memref<32x256xf32, #tpu.memory_space<vmem>>[vector<16xi32>, vector<16xi32>], vector<16xf32>,
        %add3A_139 = arith.constant 96 : i32
        %add3A_140 = vector.broadcast %add3A_139 : i32 to vector<16xi32>
        %add3A_141 = arith.addi %add3A_140, %iota3A : vector<16xi32>
        %gather3A_142 = tpu.vector_load_idx %arg6[%select_n3A, %add3A_141] : memref<32x256xf32, #tpu.memory_space<vmem>>[vector<16xi32>, vector<16xi32>], vector<16xf32>,
        %add3A_143 = arith.constant 112 : i32
        %add3A_144 = vector.broadcast %add3A_143 : i32 to vector<16xi32>
        %add3A_145 = arith.addi %add3A_144, %iota3A : vector<16xi32>
        %gather3A_146 = tpu.vector_load_idx %arg6[%select_n3A, %add3A_145] : memref<32x256xf32, #tpu.memory_space<vmem>>[vector<16xi32>, vector<16xi32>], vector<16xf32>,
        %add3A_147 = arith.constant 128 : i32
        %add3A_148 = vector.broadcast %add3A_147 : i32 to vector<16xi32>
        %add3A_149 = arith.addi %add3A_148, %iota3A : vector<16xi32>
        %gather3A_150 = tpu.vector_load_idx %arg6[%select_n3A, %add3A_149] : memref<32x256xf32, #tpu.memory_space<vmem>>[vector<16xi32>, vector<16xi32>], vector<16xf32>,
        %add3A_151 = arith.constant 144 : i32
        %add3A_152 = vector.broadcast %add3A_151 : i32 to vector<16xi32>
        %add3A_153 = arith.addi %add3A_152, %iota3A : vector<16xi32>
        %gather3A_154 = tpu.vector_load_idx %arg6[%select_n3A, %add3A_153] : memref<32x256xf32, #tpu.memory_space<vmem>>[vector<16xi32>, vector<16xi32>], vector<16xf32>,
        %add3A_155 = arith.constant 160 : i32
        %add3A_156 = vector.broadcast %add3A_155 : i32 to vector<16xi32>
        %add3A_157 = arith.addi %add3A_156, %iota3A : vector<16xi32>
        %gather3A_158 = tpu.vector_load_idx %arg6[%select_n3A, %add3A_157] : memref<32x256xf32, #tpu.memory_space<vmem>>[vector<16xi32>, vector<16xi32>], vector<16xf32>,
        %add3A_159 = arith.constant 176 : i32
        %add3A_160 = vector.broadcast %add3A_159 : i32 to vector<16xi32>
        %add3A_161 = arith.addi %add3A_160, %iota3A : vector<16xi32>
        %gather3A_162 = tpu.vector_load_idx %arg6[%select_n3A, %add3A_161] : memref<32x256xf32, #tpu.memory_space<vmem>>[vector<16xi32>, vector<16xi32>], vector<16xf32>,
        %add3A_163 = arith.constant 192 : i32
        %add3A_164 = vector.broadcast %add3A_163 : i32 to vector<16xi32>
        %add3A_165 = arith.addi %add3A_164, %iota3A : vector<16xi32>
        %gather3A_166 = tpu.vector_load_idx %arg6[%select_n3A, %add3A_165] : memref<32x256xf32, #tpu.memory_space<vmem>>[vector<16xi32>, vector<16xi32>], vector<16xf32>,
        %add3A_167 = arith.constant 208 : i32
        %add3A_168 = vector.broadcast %add3A_167 : i32 to vector<16xi32>
        %add3A_169 = arith.addi %add3A_168, %iota3A : vector<16xi32>
        %gather3A_170 = tpu.vector_load_idx %arg6[%select_n3A, %add3A_169] : memref<32x256xf32, #tpu.memory_space<vmem>>[vector<16xi32>, vector<16xi32>], vector<16xf32>,
        %add3A_171 = arith.constant 224 : i32
        %add3A_172 = vector.broadcast %add3A_171 : i32 to vector<16xi32>
        %add3A_173 = arith.addi %add3A_172, %iota3A : vector<16xi32>
        %gather3A_174 = tpu.vector_load_idx %arg6[%select_n3A, %add3A_173] : memref<32x256xf32, #tpu.memory_space<vmem>>[vector<16xi32>, vector<16xi32>], vector<16xf32>,
        %add3A_175 = arith.constant 240 : i32
        %add3A_176 = vector.broadcast %add3A_175 : i32 to vector<16xi32>
        %add3A_177 = arith.addi %add3A_176, %iota3A : vector<16xi32>
        %gather3A_178 = tpu.vector_load_idx %arg6[%select_n3A, %add3A_177] : memref<32x256xf32, #tpu.memory_space<vmem>>[vector<16xi32>, vector<16xi32>], vector<16xf32>,
        %add3A_179 = arith.constant 0 : i32
        %add3A_180 = vector.broadcast %add3A_179 : i32 to vector<16xi32>
        %add3A_181 = arith.addi %add3A_180, %iota3A : vector<16xi32>
        %gather3A_182 = tpu.vector_load_idx %arg8[%select_n3A, %add3A_181] : memref<32x256xf32, #tpu.memory_space<vmem>>[vector<16xi32>, vector<16xi32>], vector<16xf32>,
        %add3A_183 = arith.constant 16 : i32
        %add3A_184 = vector.broadcast %add3A_183 : i32 to vector<16xi32>
        %add3A_185 = arith.addi %add3A_184, %iota3A : vector<16xi32>
        %gather3A_186 = tpu.vector_load_idx %arg8[%select_n3A, %add3A_185] : memref<32x256xf32, #tpu.memory_space<vmem>>[vector<16xi32>, vector<16xi32>], vector<16xf32>,
        %add3A_187 = arith.constant 32 : i32
        %add3A_188 = vector.broadcast %add3A_187 : i32 to vector<16xi32>
        %add3A_189 = arith.addi %add3A_188, %iota3A : vector<16xi32>
        %gather3A_190 = tpu.vector_load_idx %arg8[%select_n3A, %add3A_189] : memref<32x256xf32, #tpu.memory_space<vmem>>[vector<16xi32>, vector<16xi32>], vector<16xf32>,
        %add3A_191 = arith.constant 48 : i32
        %add3A_192 = vector.broadcast %add3A_191 : i32 to vector<16xi32>
        %add3A_193 = arith.addi %add3A_192, %iota3A : vector<16xi32>
        %gather3A_194 = tpu.vector_load_idx %arg8[%select_n3A, %add3A_193] : memref<32x256xf32, #tpu.memory_space<vmem>>[vector<16xi32>, vector<16xi32>], vector<16xf32>,
        %add3A_195 = arith.constant 64 : i32
        %add3A_196 = vector.broadcast %add3A_195 : i32 to vector<16xi32>
        %add3A_197 = arith.addi %add3A_196, %iota3A : vector<16xi32>
        %gather3A_198 = tpu.vector_load_idx %arg8[%select_n3A, %add3A_197] : memref<32x256xf32, #tpu.memory_space<vmem>>[vector<16xi32>, vector<16xi32>], vector<16xf32>,
        %add3A_199 = arith.constant 80 : i32
        %add3A_200 = vector.broadcast %add3A_199 : i32 to vector<16xi32>
        %add3A_201 = arith.addi %add3A_200, %iota3A : vector<16xi32>
        %gather3A_202 = tpu.vector_load_idx %arg8[%select_n3A, %add3A_201] : memref<32x256xf32, #tpu.memory_space<vmem>>[vector<16xi32>, vector<16xi32>], vector<16xf32>,
        %add3A_203 = arith.constant 96 : i32
        %add3A_204 = vector.broadcast %add3A_203 : i32 to vector<16xi32>
        %add3A_205 = arith.addi %add3A_204, %iota3A : vector<16xi32>
        %gather3A_206 = tpu.vector_load_idx %arg8[%select_n3A, %add3A_205] : memref<32x256xf32, #tpu.memory_space<vmem>>[vector<16xi32>, vector<16xi32>], vector<16xf32>,
        %add3A_207 = arith.constant 112 : i32
        %add3A_208 = vector.broadcast %add3A_207 : i32 to vector<16xi32>
        %add3A_209 = arith.addi %add3A_208, %iota3A : vector<16xi32>
        %gather3A_210 = tpu.vector_load_idx %arg8[%select_n3A, %add3A_209] : memref<32x256xf32, #tpu.memory_space<vmem>>[vector<16xi32>, vector<16xi32>], vector<16xf32>,
        %add3A_211 = arith.constant 128 : i32
        %add3A_212 = vector.broadcast %add3A_211 : i32 to vector<16xi32>
        %add3A_213 = arith.addi %add3A_212, %iota3A : vector<16xi32>
        %gather3A_214 = tpu.vector_load_idx %arg8[%select_n3A, %add3A_213] : memref<32x256xf32, #tpu.memory_space<vmem>>[vector<16xi32>, vector<16xi32>], vector<16xf32>,
        %add3A_215 = arith.constant 144 : i32
        %add3A_216 = vector.broadcast %add3A_215 : i32 to vector<16xi32>
        %add3A_217 = arith.addi %add3A_216, %iota3A : vector<16xi32>
        %gather3A_218 = tpu.vector_load_idx %arg8[%select_n3A, %add3A_217] : memref<32x256xf32, #tpu.memory_space<vmem>>[vector<16xi32>, vector<16xi32>], vector<16xf32>,
        %add3A_219 = arith.constant 160 : i32
        %add3A_220 = vector.broadcast %add3A_219 : i32 to vector<16xi32>
        %add3A_221 = arith.addi %add3A_220, %iota3A : vector<16xi32>
        %gather3A_222 = tpu.vector_load_idx %arg8[%select_n3A, %add3A_221] : memref<32x256xf32, #tpu.memory_space<vmem>>[vector<16xi32>, vector<16xi32>], vector<16xf32>,
        %add3A_223 = arith.constant 176 : i32
        %add3A_224 = vector.broadcast %add3A_223 : i32 to vector<16xi32>
        %add3A_225 = arith.addi %add3A_224, %iota3A : vector<16xi32>
        %gather3A_226 = tpu.vector_load_idx %arg8[%select_n3A, %add3A_225] : memref<32x256xf32, #tpu.memory_space<vmem>>[vector<16xi32>, vector<16xi32>], vector<16xf32>,
        %add3A_227 = arith.constant 192 : i32
        %add3A_228 = vector.broadcast %add3A_227 : i32 to vector<16xi32>
        %add3A_229 = arith.addi %add3A_228, %iota3A : vector<16xi32>
        %gather3A_230 = tpu.vector_load_idx %arg8[%select_n3A, %add3A_229] : memref<32x256xf32, #tpu.memory_space<vmem>>[vector<16xi32>, vector<16xi32>], vector<16xf32>,
        %add3A_231 = arith.constant 208 : i32
        %add3A_232 = vector.broadcast %add3A_231 : i32 to vector<16xi32>
        %add3A_233 = arith.addi %add3A_232, %iota3A : vector<16xi32>
        %gather3A_234 = tpu.vector_load_idx %arg8[%select_n3A, %add3A_233] : memref<32x256xf32, #tpu.memory_space<vmem>>[vector<16xi32>, vector<16xi32>], vector<16xf32>,
        %add3A_235 = arith.constant 224 : i32
        %add3A_236 = vector.broadcast %add3A_235 : i32 to vector<16xi32>
        %add3A_237 = arith.addi %add3A_236, %iota3A : vector<16xi32>
        %gather3A_238 = tpu.vector_load_idx %arg8[%select_n3A, %add3A_237] : memref<32x256xf32, #tpu.memory_space<vmem>>[vector<16xi32>, vector<16xi32>], vector<16xf32>,
        %add3A_239 = arith.constant 240 : i32
        %add3A_240 = vector.broadcast %add3A_239 : i32 to vector<16xi32>
        %add3A_241 = arith.addi %add3A_240, %iota3A : vector<16xi32>
        %gather3A_242 = tpu.vector_load_idx %arg8[%select_n3A, %add3A_241] : memref<32x256xf32, #tpu.memory_space<vmem>>[vector<16xi32>, vector<16xi32>], vector<16xf32>,
        %ge3A = arith.constant 5.000000e-01 : f32
        %ge3A_243 = vector.broadcast %ge3A : f32 to vector<16xf32>
        %ge3A_244 = arith.cmpf oge, %gather3A_182, %ge3A_243 : vector<16xf32>
        %jit3A = arith.constant 0.000000e+00 : f32
        %broadcast_in_dim3A = vector.broadcast %jit3A : f32 to vector<16xf32>
        %select_n3A_245 = arith.select %ge3A_244, %gather3A, %broadcast_in_dim3A : vector<16xi1>, vector<16xf32>
        %add3A_246 = arith.constant 0 : i32
        %add3A_247 = vector.broadcast %add3A_246 : i32 to vector<16xi32>
        %add3A_248 = arith.addi %add3A_115, %add3A_247 : vector<16xi32>
        tpu.vector_store_idx %arg10[%add3A_248], %select_n3A_245 : memref<8192xf32, #tpu.memory_space<vmem>>[vector<16xi32>], vector<16xf32>,
        %ge3A_249 = arith.constant 5.000000e-01 : f32
        %ge3A_250 = vector.broadcast %ge3A_249 : f32 to vector<16xf32>
        %ge3A_251 = arith.cmpf oge, %gather3A_186, %ge3A_250 : vector<16xf32>
        %jit3A_252 = arith.constant 0.000000e+00 : f32
        %broadcast_in_dim3A_253 = vector.broadcast %jit3A_252 : f32 to vector<16xf32>
        %select_n3A_254 = arith.select %ge3A_251, %gather3A_122, %broadcast_in_dim3A_253 : vector<16xi1>, vector<16xf32>
        %add3A_255 = arith.constant 512 : i32
        %add3A_256 = vector.broadcast %add3A_255 : i32 to vector<16xi32>
        %add3A_257 = arith.addi %add3A_115, %add3A_256 : vector<16xi32>
        tpu.vector_store_idx %arg10[%add3A_257], %select_n3A_254 : memref<8192xf32, #tpu.memory_space<vmem>>[vector<16xi32>], vector<16xf32>,
        %ge3A_258 = arith.constant 5.000000e-01 : f32
        %ge3A_259 = vector.broadcast %ge3A_258 : f32 to vector<16xf32>
        %ge3A_260 = arith.cmpf oge, %gather3A_190, %ge3A_259 : vector<16xf32>
        %jit3A_261 = arith.constant 0.000000e+00 : f32
        %broadcast_in_dim3A_262 = vector.broadcast %jit3A_261 : f32 to vector<16xf32>
        %select_n3A_263 = arith.select %ge3A_260, %gather3A_126, %broadcast_in_dim3A_262 : vector<16xi1>, vector<16xf32>
        %add3A_264 = arith.constant 1024 : i32
        %add3A_265 = vector.broadcast %add3A_264 : i32 to vector<16xi32>
        %add3A_266 = arith.addi %add3A_115, %add3A_265 : vector<16xi32>
        tpu.vector_store_idx %arg10[%add3A_266], %select_n3A_263 : memref<8192xf32, #tpu.memory_space<vmem>>[vector<16xi32>], vector<16xf32>,
        %ge3A_267 = arith.constant 5.000000e-01 : f32
        %ge3A_268 = vector.broadcast %ge3A_267 : f32 to vector<16xf32>
        %ge3A_269 = arith.cmpf oge, %gather3A_194, %ge3A_268 : vector<16xf32>
        %jit3A_270 = arith.constant 0.000000e+00 : f32
        %broadcast_in_dim3A_271 = vector.broadcast %jit3A_270 : f32 to vector<16xf32>
        %select_n3A_272 = arith.select %ge3A_269, %gather3A_130, %broadcast_in_dim3A_271 : vector<16xi1>, vector<16xf32>
        %add3A_273 = arith.constant 1536 : i32
        %add3A_274 = vector.broadcast %add3A_273 : i32 to vector<16xi32>
        %add3A_275 = arith.addi %add3A_115, %add3A_274 : vector<16xi32>
        tpu.vector_store_idx %arg10[%add3A_275], %select_n3A_272 : memref<8192xf32, #tpu.memory_space<vmem>>[vector<16xi32>], vector<16xf32>,
        %ge3A_276 = arith.constant 5.000000e-01 : f32
        %ge3A_277 = vector.broadcast %ge3A_276 : f32 to vector<16xf32>
        %ge3A_278 = arith.cmpf oge, %gather3A_198, %ge3A_277 : vector<16xf32>
        %jit3A_279 = arith.constant 0.000000e+00 : f32
        %broadcast_in_dim3A_280 = vector.broadcast %jit3A_279 : f32 to vector<16xf32>
        %select_n3A_281 = arith.select %ge3A_278, %gather3A_134, %broadcast_in_dim3A_280 : vector<16xi1>, vector<16xf32>
        %add3A_282 = arith.constant 2048 : i32
        %add3A_283 = vector.broadcast %add3A_282 : i32 to vector<16xi32>
        %add3A_284 = arith.addi %add3A_115, %add3A_283 : vector<16xi32>
        tpu.vector_store_idx %arg10[%add3A_284], %select_n3A_281 : memref<8192xf32, #tpu.memory_space<vmem>>[vector<16xi32>], vector<16xf32>,
        %ge3A_285 = arith.constant 5.000000e-01 : f32
        %ge3A_286 = vector.broadcast %ge3A_285 : f32 to vector<16xf32>
        %ge3A_287 = arith.cmpf oge, %gather3A_202, %ge3A_286 : vector<16xf32>
        %jit3A_288 = arith.constant 0.000000e+00 : f32
        %broadcast_in_dim3A_289 = vector.broadcast %jit3A_288 : f32 to vector<16xf32>
        %select_n3A_290 = arith.select %ge3A_287, %gather3A_138, %broadcast_in_dim3A_289 : vector<16xi1>, vector<16xf32>
        %add3A_291 = arith.constant 2560 : i32
        %add3A_292 = vector.broadcast %add3A_291 : i32 to vector<16xi32>
        %add3A_293 = arith.addi %add3A_115, %add3A_292 : vector<16xi32>
        tpu.vector_store_idx %arg10[%add3A_293], %select_n3A_290 : memref<8192xf32, #tpu.memory_space<vmem>>[vector<16xi32>], vector<16xf32>,
        %ge3A_294 = arith.constant 5.000000e-01 : f32
        %ge3A_295 = vector.broadcast %ge3A_294 : f32 to vector<16xf32>
        %ge3A_296 = arith.cmpf oge, %gather3A_206, %ge3A_295 : vector<16xf32>
        %jit3A_297 = arith.constant 0.000000e+00 : f32
        %broadcast_in_dim3A_298 = vector.broadcast %jit3A_297 : f32 to vector<16xf32>
        %select_n3A_299 = arith.select %ge3A_296, %gather3A_142, %broadcast_in_dim3A_298 : vector<16xi1>, vector<16xf32>
        %add3A_300 = arith.constant 3072 : i32
        %add3A_301 = vector.broadcast %add3A_300 : i32 to vector<16xi32>
        %add3A_302 = arith.addi %add3A_115, %add3A_301 : vector<16xi32>
        tpu.vector_store_idx %arg10[%add3A_302], %select_n3A_299 : memref<8192xf32, #tpu.memory_space<vmem>>[vector<16xi32>], vector<16xf32>,
        %ge3A_303 = arith.constant 5.000000e-01 : f32
        %ge3A_304 = vector.broadcast %ge3A_303 : f32 to vector<16xf32>
        %ge3A_305 = arith.cmpf oge, %gather3A_210, %ge3A_304 : vector<16xf32>
        %jit3A_306 = arith.constant 0.000000e+00 : f32
        %broadcast_in_dim3A_307 = vector.broadcast %jit3A_306 : f32 to vector<16xf32>
        %select_n3A_308 = arith.select %ge3A_305, %gather3A_146, %broadcast_in_dim3A_307 : vector<16xi1>, vector<16xf32>
        %add3A_309 = arith.constant 3584 : i32
        %add3A_310 = vector.broadcast %add3A_309 : i32 to vector<16xi32>
        %add3A_311 = arith.addi %add3A_115, %add3A_310 : vector<16xi32>
        tpu.vector_store_idx %arg10[%add3A_311], %select_n3A_308 : memref<8192xf32, #tpu.memory_space<vmem>>[vector<16xi32>], vector<16xf32>,
        %ge3A_312 = arith.constant 5.000000e-01 : f32
        %ge3A_313 = vector.broadcast %ge3A_312 : f32 to vector<16xf32>
        %ge3A_314 = arith.cmpf oge, %gather3A_214, %ge3A_313 : vector<16xf32>
        %jit3A_315 = arith.constant 0.000000e+00 : f32
        %broadcast_in_dim3A_316 = vector.broadcast %jit3A_315 : f32 to vector<16xf32>
        %select_n3A_317 = arith.select %ge3A_314, %gather3A_150, %broadcast_in_dim3A_316 : vector<16xi1>, vector<16xf32>
        %add3A_318 = arith.constant 4096 : i32
        %add3A_319 = vector.broadcast %add3A_318 : i32 to vector<16xi32>
        %add3A_320 = arith.addi %add3A_115, %add3A_319 : vector<16xi32>
        tpu.vector_store_idx %arg10[%add3A_320], %select_n3A_317 : memref<8192xf32, #tpu.memory_space<vmem>>[vector<16xi32>], vector<16xf32>,
        %ge3A_321 = arith.constant 5.000000e-01 : f32
        %ge3A_322 = vector.broadcast %ge3A_321 : f32 to vector<16xf32>
        %ge3A_323 = arith.cmpf oge, %gather3A_218, %ge3A_322 : vector<16xf32>
        %jit3A_324 = arith.constant 0.000000e+00 : f32
        %broadcast_in_dim3A_325 = vector.broadcast %jit3A_324 : f32 to vector<16xf32>
        %select_n3A_326 = arith.select %ge3A_323, %gather3A_154, %broadcast_in_dim3A_325 : vector<16xi1>, vector<16xf32>
        %add3A_327 = arith.constant 4608 : i32
        %add3A_328 = vector.broadcast %add3A_327 : i32 to vector<16xi32>
        %add3A_329 = arith.addi %add3A_115, %add3A_328 : vector<16xi32>
        tpu.vector_store_idx %arg10[%add3A_329], %select_n3A_326 : memref<8192xf32, #tpu.memory_space<vmem>>[vector<16xi32>], vector<16xf32>,
        %ge3A_330 = arith.constant 5.000000e-01 : f32
        %ge3A_331 = vector.broadcast %ge3A_330 : f32 to vector<16xf32>
        %ge3A_332 = arith.cmpf oge, %gather3A_222, %ge3A_331 : vector<16xf32>
        %jit3A_333 = arith.constant 0.000000e+00 : f32
        %broadcast_in_dim3A_334 = vector.broadcast %jit3A_333 : f32 to vector<16xf32>
        %select_n3A_335 = arith.select %ge3A_332, %gather3A_158, %broadcast_in_dim3A_334 : vector<16xi1>, vector<16xf32>
        %add3A_336 = arith.constant 5120 : i32
        %add3A_337 = vector.broadcast %add3A_336 : i32 to vector<16xi32>
        %add3A_338 = arith.addi %add3A_115, %add3A_337 : vector<16xi32>
        tpu.vector_store_idx %arg10[%add3A_338], %select_n3A_335 : memref<8192xf32, #tpu.memory_space<vmem>>[vector<16xi32>], vector<16xf32>,
        %ge3A_339 = arith.constant 5.000000e-01 : f32
        %ge3A_340 = vector.broadcast %ge3A_339 : f32 to vector<16xf32>
        %ge3A_341 = arith.cmpf oge, %gather3A_226, %ge3A_340 : vector<16xf32>
        %jit3A_342 = arith.constant 0.000000e+00 : f32
        %broadcast_in_dim3A_343 = vector.broadcast %jit3A_342 : f32 to vector<16xf32>
        %select_n3A_344 = arith.select %ge3A_341, %gather3A_162, %broadcast_in_dim3A_343 : vector<16xi1>, vector<16xf32>
        %add3A_345 = arith.constant 5632 : i32
        %add3A_346 = vector.broadcast %add3A_345 : i32 to vector<16xi32>
        %add3A_347 = arith.addi %add3A_115, %add3A_346 : vector<16xi32>
        tpu.vector_store_idx %arg10[%add3A_347], %select_n3A_344 : memref<8192xf32, #tpu.memory_space<vmem>>[vector<16xi32>], vector<16xf32>,
        %ge3A_348 = arith.constant 5.000000e-01 : f32
        %ge3A_349 = vector.broadcast %ge3A_348 : f32 to vector<16xf32>
        %ge3A_350 = arith.cmpf oge, %gather3A_230, %ge3A_349 : vector<16xf32>
        %jit3A_351 = arith.constant 0.000000e+00 : f32
        %broadcast_in_dim3A_352 = vector.broadcast %jit3A_351 : f32 to vector<16xf32>
        %select_n3A_353 = arith.select %ge3A_350, %gather3A_166, %broadcast_in_dim3A_352 : vector<16xi1>, vector<16xf32>
        %add3A_354 = arith.constant 6144 : i32
        %add3A_355 = vector.broadcast %add3A_354 : i32 to vector<16xi32>
        %add3A_356 = arith.addi %add3A_115, %add3A_355 : vector<16xi32>
        tpu.vector_store_idx %arg10[%add3A_356], %select_n3A_353 : memref<8192xf32, #tpu.memory_space<vmem>>[vector<16xi32>], vector<16xf32>,
        %ge3A_357 = arith.constant 5.000000e-01 : f32
        %ge3A_358 = vector.broadcast %ge3A_357 : f32 to vector<16xf32>
        %ge3A_359 = arith.cmpf oge, %gather3A_234, %ge3A_358 : vector<16xf32>
        %jit3A_360 = arith.constant 0.000000e+00 : f32
        %broadcast_in_dim3A_361 = vector.broadcast %jit3A_360 : f32 to vector<16xf32>
        %select_n3A_362 = arith.select %ge3A_359, %gather3A_170, %broadcast_in_dim3A_361 : vector<16xi1>, vector<16xf32>
        %add3A_363 = arith.constant 6656 : i32
        %add3A_364 = vector.broadcast %add3A_363 : i32 to vector<16xi32>
        %add3A_365 = arith.addi %add3A_115, %add3A_364 : vector<16xi32>
        tpu.vector_store_idx %arg10[%add3A_365], %select_n3A_362 : memref<8192xf32, #tpu.memory_space<vmem>>[vector<16xi32>], vector<16xf32>,
        %ge3A_366 = arith.constant 5.000000e-01 : f32
        %ge3A_367 = vector.broadcast %ge3A_366 : f32 to vector<16xf32>
        %ge3A_368 = arith.cmpf oge, %gather3A_238, %ge3A_367 : vector<16xf32>
        %jit3A_369 = arith.constant 0.000000e+00 : f32
        %broadcast_in_dim3A_370 = vector.broadcast %jit3A_369 : f32 to vector<16xf32>
        %select_n3A_371 = arith.select %ge3A_368, %gather3A_174, %broadcast_in_dim3A_370 : vector<16xi1>, vector<16xf32>
        %add3A_372 = arith.constant 7168 : i32
        %add3A_373 = vector.broadcast %add3A_372 : i32 to vector<16xi32>
        %add3A_374 = arith.addi %add3A_115, %add3A_373 : vector<16xi32>
        tpu.vector_store_idx %arg10[%add3A_374], %select_n3A_371 : memref<8192xf32, #tpu.memory_space<vmem>>[vector<16xi32>], vector<16xf32>,
        %ge3A_375 = arith.constant 5.000000e-01 : f32
        %ge3A_376 = vector.broadcast %ge3A_375 : f32 to vector<16xf32>
        %ge3A_377 = arith.cmpf oge, %gather3A_242, %ge3A_376 : vector<16xf32>
        %jit3A_378 = arith.constant 0.000000e+00 : f32
        %broadcast_in_dim3A_379 = vector.broadcast %jit3A_378 : f32 to vector<16xf32>
        %select_n3A_380 = arith.select %ge3A_377, %gather3A_178, %broadcast_in_dim3A_379 : vector<16xi1>, vector<16xf32>
        %add3A_381 = arith.constant 7680 : i32
        %add3A_382 = vector.broadcast %add3A_381 : i32 to vector<16xi32>
        %add3A_383 = arith.addi %add3A_115, %add3A_382 : vector<16xi32>
        tpu.vector_store_idx %arg10[%add3A_383], %select_n3A_380 : memref<8192xf32, #tpu.memory_space<vmem>>[vector<16xi32>], vector<16xf32>,
        %scan3A_384 = arith.constant 1 : i32
        %scan3A_385 = arith.addi %scan3A_104, %scan3A_384 : i32
        %add3A_386 = vector.broadcast %scan3A_385 : i32 to vector<16xi32>
        %add3A_387 = arith.addi %add3A_386, %iota3A : vector<16xi32>
        %lt3A_388 = arith.constant 32 : i32
        %lt3A_389 = vector.broadcast %lt3A_388 : i32 to vector<16xi32>
        %lt3A_390 = arith.cmpi slt, %add3A_387, %lt3A_389 : vector<16xi32>
        %sub3A_391 = arith.constant 32 : i32
        %sub3A_392 = vector.broadcast %sub3A_391 : i32 to vector<16xi32>
        %sub3A_393 = arith.subi %add3A_387, %sub3A_392 : vector<16xi32>
        %select_n3A_394 = arith.select %lt3A_390, %add3A_387, %sub3A_393 : vector<16xi1>, vector<16xi32>
        %mul3A_395 = arith.constant 32 : i32
        %mul3A_396 = vector.broadcast %mul3A_395 : i32 to vector<16xi32>
        %mul3A_397 = arith.muli %iota3A, %mul3A_396 : vector<16xi32>
        %add3A_398 = arith.addi %mul3A_397, %select_n3A_394 : vector<16xi32>
        %add3A_399 = arith.constant 0 : i32
        %add3A_400 = vector.broadcast %add3A_399 : i32 to vector<16xi32>
        %add3A_401 = arith.addi %add3A_400, %iota3A : vector<16xi32>
        %gather3A_402 = tpu.vector_load_idx %arg6[%select_n3A_394, %add3A_401] : memref<32x256xf32, #tpu.memory_space<vmem>>[vector<16xi32>, vector<16xi32>], vector<16xf32>,
        %add3A_403 = arith.constant 16 : i32
        %add3A_404 = vector.broadcast %add3A_403 : i32 to vector<16xi32>
        %add3A_405 = arith.addi %add3A_404, %iota3A : vector<16xi32>
        %gather3A_406 = tpu.vector_load_idx %arg6[%select_n3A_394, %add3A_405] : memref<32x256xf32, #tpu.memory_space<vmem>>[vector<16xi32>, vector<16xi32>], vector<16xf32>,
        %add3A_407 = arith.constant 32 : i32
        %add3A_408 = vector.broadcast %add3A_407 : i32 to vector<16xi32>
        %add3A_409 = arith.addi %add3A_408, %iota3A : vector<16xi32>
        %gather3A_410 = tpu.vector_load_idx %arg6[%select_n3A_394, %add3A_409] : memref<32x256xf32, #tpu.memory_space<vmem>>[vector<16xi32>, vector<16xi32>], vector<16xf32>,
        %add3A_411 = arith.constant 48 : i32
        %add3A_412 = vector.broadcast %add3A_411 : i32 to vector<16xi32>
        %add3A_413 = arith.addi %add3A_412, %iota3A : vector<16xi32>
        %gather3A_414 = tpu.vector_load_idx %arg6[%select_n3A_394, %add3A_413] : memref<32x256xf32, #tpu.memory_space<vmem>>[vector<16xi32>, vector<16xi32>], vector<16xf32>,
        %add3A_415 = arith.constant 64 : i32
        %add3A_416 = vector.broadcast %add3A_415 : i32 to vector<16xi32>
        %add3A_417 = arith.addi %add3A_416, %iota3A : vector<16xi32>
        %gather3A_418 = tpu.vector_load_idx %arg6[%select_n3A_394, %add3A_417] : memref<32x256xf32, #tpu.memory_space<vmem>>[vector<16xi32>, vector<16xi32>], vector<16xf32>,
        %add3A_419 = arith.constant 80 : i32
        %add3A_420 = vector.broadcast %add3A_419 : i32 to vector<16xi32>
        %add3A_421 = arith.addi %add3A_420, %iota3A : vector<16xi32>
        %gather3A_422 = tpu.vector_load_idx %arg6[%select_n3A_394, %add3A_421] : memref<32x256xf32, #tpu.memory_space<vmem>>[vector<16xi32>, vector<16xi32>], vector<16xf32>,
        %add3A_423 = arith.constant 96 : i32
        %add3A_424 = vector.broadcast %add3A_423 : i32 to vector<16xi32>
        %add3A_425 = arith.addi %add3A_424, %iota3A : vector<16xi32>
        %gather3A_426 = tpu.vector_load_idx %arg6[%select_n3A_394, %add3A_425] : memref<32x256xf32, #tpu.memory_space<vmem>>[vector<16xi32>, vector<16xi32>], vector<16xf32>,
        %add3A_427 = arith.constant 112 : i32
        %add3A_428 = vector.broadcast %add3A_427 : i32 to vector<16xi32>
        %add3A_429 = arith.addi %add3A_428, %iota3A : vector<16xi32>
        %gather3A_430 = tpu.vector_load_idx %arg6[%select_n3A_394, %add3A_429] : memref<32x256xf32, #tpu.memory_space<vmem>>[vector<16xi32>, vector<16xi32>], vector<16xf32>,
        %add3A_431 = arith.constant 128 : i32
        %add3A_432 = vector.broadcast %add3A_431 : i32 to vector<16xi32>
        %add3A_433 = arith.addi %add3A_432, %iota3A : vector<16xi32>
        %gather3A_434 = tpu.vector_load_idx %arg6[%select_n3A_394, %add3A_433] : memref<32x256xf32, #tpu.memory_space<vmem>>[vector<16xi32>, vector<16xi32>], vector<16xf32>,
        %add3A_435 = arith.constant 144 : i32
        %add3A_436 = vector.broadcast %add3A_435 : i32 to vector<16xi32>
        %add3A_437 = arith.addi %add3A_436, %iota3A : vector<16xi32>
        %gather3A_438 = tpu.vector_load_idx %arg6[%select_n3A_394, %add3A_437] : memref<32x256xf32, #tpu.memory_space<vmem>>[vector<16xi32>, vector<16xi32>], vector<16xf32>,
        %add3A_439 = arith.constant 160 : i32
        %add3A_440 = vector.broadcast %add3A_439 : i32 to vector<16xi32>
        %add3A_441 = arith.addi %add3A_440, %iota3A : vector<16xi32>
        %gather3A_442 = tpu.vector_load_idx %arg6[%select_n3A_394, %add3A_441] : memref<32x256xf32, #tpu.memory_space<vmem>>[vector<16xi32>, vector<16xi32>], vector<16xf32>,
        %add3A_443 = arith.constant 176 : i32
        %add3A_444 = vector.broadcast %add3A_443 : i32 to vector<16xi32>
        %add3A_445 = arith.addi %add3A_444, %iota3A : vector<16xi32>
        %gather3A_446 = tpu.vector_load_idx %arg6[%select_n3A_394, %add3A_445] : memref<32x256xf32, #tpu.memory_space<vmem>>[vector<16xi32>, vector<16xi32>], vector<16xf32>,
        %add3A_447 = arith.constant 192 : i32
        %add3A_448 = vector.broadcast %add3A_447 : i32 to vector<16xi32>
        %add3A_449 = arith.addi %add3A_448, %iota3A : vector<16xi32>
        %gather3A_450 = tpu.vector_load_idx %arg6[%select_n3A_394, %add3A_449] : memref<32x256xf32, #tpu.memory_space<vmem>>[vector<16xi32>, vector<16xi32>], vector<16xf32>,
        %add3A_451 = arith.constant 208 : i32
        %add3A_452 = vector.broadcast %add3A_451 : i32 to vector<16xi32>
        %add3A_453 = arith.addi %add3A_452, %iota3A : vector<16xi32>
        %gather3A_454 = tpu.vector_load_idx %arg6[%select_n3A_394, %add3A_453] : memref<32x256xf32, #tpu.memory_space<vmem>>[vector<16xi32>, vector<16xi32>], vector<16xf32>,
        %add3A_455 = arith.constant 224 : i32
        %add3A_456 = vector.broadcast %add3A_455 : i32 to vector<16xi32>
        %add3A_457 = arith.addi %add3A_456, %iota3A : vector<16xi32>
        %gather3A_458 = tpu.vector_load_idx %arg6[%select_n3A_394, %add3A_457] : memref<32x256xf32, #tpu.memory_space<vmem>>[vector<16xi32>, vector<16xi32>], vector<16xf32>,
        %add3A_459 = arith.constant 240 : i32
        %add3A_460 = vector.broadcast %add3A_459 : i32 to vector<16xi32>
        %add3A_461 = arith.addi %add3A_460, %iota3A : vector<16xi32>
        %gather3A_462 = tpu.vector_load_idx %arg6[%select_n3A_394, %add3A_461] : memref<32x256xf32, #tpu.memory_space<vmem>>[vector<16xi32>, vector<16xi32>], vector<16xf32>,
        %add3A_463 = arith.constant 0 : i32
        %add3A_464 = vector.broadcast %add3A_463 : i32 to vector<16xi32>
        %add3A_465 = arith.addi %add3A_464, %iota3A : vector<16xi32>
        %gather3A_466 = tpu.vector_load_idx %arg8[%select_n3A_394, %add3A_465] : memref<32x256xf32, #tpu.memory_space<vmem>>[vector<16xi32>, vector<16xi32>], vector<16xf32>,
        %add3A_467 = arith.constant 16 : i32
        %add3A_468 = vector.broadcast %add3A_467 : i32 to vector<16xi32>
        %add3A_469 = arith.addi %add3A_468, %iota3A : vector<16xi32>
        %gather3A_470 = tpu.vector_load_idx %arg8[%select_n3A_394, %add3A_469] : memref<32x256xf32, #tpu.memory_space<vmem>>[vector<16xi32>, vector<16xi32>], vector<16xf32>,
        %add3A_471 = arith.constant 32 : i32
        %add3A_472 = vector.broadcast %add3A_471 : i32 to vector<16xi32>
        %add3A_473 = arith.addi %add3A_472, %iota3A : vector<16xi32>
        %gather3A_474 = tpu.vector_load_idx %arg8[%select_n3A_394, %add3A_473] : memref<32x256xf32, #tpu.memory_space<vmem>>[vector<16xi32>, vector<16xi32>], vector<16xf32>,
        %add3A_475 = arith.constant 48 : i32
        %add3A_476 = vector.broadcast %add3A_475 : i32 to vector<16xi32>
        %add3A_477 = arith.addi %add3A_476, %iota3A : vector<16xi32>
        %gather3A_478 = tpu.vector_load_idx %arg8[%select_n3A_394, %add3A_477] : memref<32x256xf32, #tpu.memory_space<vmem>>[vector<16xi32>, vector<16xi32>], vector<16xf32>,
        %add3A_479 = arith.constant 64 : i32
        %add3A_480 = vector.broadcast %add3A_479 : i32 to vector<16xi32>
        %add3A_481 = arith.addi %add3A_480, %iota3A : vector<16xi32>
        %gather3A_482 = tpu.vector_load_idx %arg8[%select_n3A_394, %add3A_481] : memref<32x256xf32, #tpu.memory_space<vmem>>[vector<16xi32>, vector<16xi32>], vector<16xf32>,
        %add3A_483 = arith.constant 80 : i32
        %add3A_484 = vector.broadcast %add3A_483 : i32 to vector<16xi32>
        %add3A_485 = arith.addi %add3A_484, %iota3A : vector<16xi32>
        %gather3A_486 = tpu.vector_load_idx %arg8[%select_n3A_394, %add3A_485] : memref<32x256xf32, #tpu.memory_space<vmem>>[vector<16xi32>, vector<16xi32>], vector<16xf32>,
        %add3A_487 = arith.constant 96 : i32
        %add3A_488 = vector.broadcast %add3A_487 : i32 to vector<16xi32>
        %add3A_489 = arith.addi %add3A_488, %iota3A : vector<16xi32>
        %gather3A_490 = tpu.vector_load_idx %arg8[%select_n3A_394, %add3A_489] : memref<32x256xf32, #tpu.memory_space<vmem>>[vector<16xi32>, vector<16xi32>], vector<16xf32>,
        %add3A_491 = arith.constant 112 : i32
        %add3A_492 = vector.broadcast %add3A_491 : i32 to vector<16xi32>
        %add3A_493 = arith.addi %add3A_492, %iota3A : vector<16xi32>
        %gather3A_494 = tpu.vector_load_idx %arg8[%select_n3A_394, %add3A_493] : memref<32x256xf32, #tpu.memory_space<vmem>>[vector<16xi32>, vector<16xi32>], vector<16xf32>,
        %add3A_495 = arith.constant 128 : i32
        %add3A_496 = vector.broadcast %add3A_495 : i32 to vector<16xi32>
        %add3A_497 = arith.addi %add3A_496, %iota3A : vector<16xi32>
        %gather3A_498 = tpu.vector_load_idx %arg8[%select_n3A_394, %add3A_497] : memref<32x256xf32, #tpu.memory_space<vmem>>[vector<16xi32>, vector<16xi32>], vector<16xf32>,
        %add3A_499 = arith.constant 144 : i32
        %add3A_500 = vector.broadcast %add3A_499 : i32 to vector<16xi32>
        %add3A_501 = arith.addi %add3A_500, %iota3A : vector<16xi32>
        %gather3A_502 = tpu.vector_load_idx %arg8[%select_n3A_394, %add3A_501] : memref<32x256xf32, #tpu.memory_space<vmem>>[vector<16xi32>, vector<16xi32>], vector<16xf32>,
        %add3A_503 = arith.constant 160 : i32
        %add3A_504 = vector.broadcast %add3A_503 : i32 to vector<16xi32>
        %add3A_505 = arith.addi %add3A_504, %iota3A : vector<16xi32>
        %gather3A_506 = tpu.vector_load_idx %arg8[%select_n3A_394, %add3A_505] : memref<32x256xf32, #tpu.memory_space<vmem>>[vector<16xi32>, vector<16xi32>], vector<16xf32>,
        %add3A_507 = arith.constant 176 : i32
        %add3A_508 = vector.broadcast %add3A_507 : i32 to vector<16xi32>
        %add3A_509 = arith.addi %add3A_508, %iota3A : vector<16xi32>
        %gather3A_510 = tpu.vector_load_idx %arg8[%select_n3A_394, %add3A_509] : memref<32x256xf32, #tpu.memory_space<vmem>>[vector<16xi32>, vector<16xi32>], vector<16xf32>,
        %add3A_511 = arith.constant 192 : i32
        %add3A_512 = vector.broadcast %add3A_511 : i32 to vector<16xi32>
        %add3A_513 = arith.addi %add3A_512, %iota3A : vector<16xi32>
        %gather3A_514 = tpu.vector_load_idx %arg8[%select_n3A_394, %add3A_513] : memref<32x256xf32, #tpu.memory_space<vmem>>[vector<16xi32>, vector<16xi32>], vector<16xf32>,
        %add3A_515 = arith.constant 208 : i32
        %add3A_516 = vector.broadcast %add3A_515 : i32 to vector<16xi32>
        %add3A_517 = arith.addi %add3A_516, %iota3A : vector<16xi32>
        %gather3A_518 = tpu.vector_load_idx %arg8[%select_n3A_394, %add3A_517] : memref<32x256xf32, #tpu.memory_space<vmem>>[vector<16xi32>, vector<16xi32>], vector<16xf32>,
        %add3A_519 = arith.constant 224 : i32
        %add3A_520 = vector.broadcast %add3A_519 : i32 to vector<16xi32>
        %add3A_521 = arith.addi %add3A_520, %iota3A : vector<16xi32>
        %gather3A_522 = tpu.vector_load_idx %arg8[%select_n3A_394, %add3A_521] : memref<32x256xf32, #tpu.memory_space<vmem>>[vector<16xi32>, vector<16xi32>], vector<16xf32>,
        %add3A_523 = arith.constant 240 : i32
        %add3A_524 = vector.broadcast %add3A_523 : i32 to vector<16xi32>
        %add3A_525 = arith.addi %add3A_524, %iota3A : vector<16xi32>
        %gather3A_526 = tpu.vector_load_idx %arg8[%select_n3A_394, %add3A_525] : memref<32x256xf32, #tpu.memory_space<vmem>>[vector<16xi32>, vector<16xi32>], vector<16xf32>,
        %ge3A_527 = arith.constant 5.000000e-01 : f32
        %ge3A_528 = vector.broadcast %ge3A_527 : f32 to vector<16xf32>
        %ge3A_529 = arith.cmpf oge, %gather3A_466, %ge3A_528 : vector<16xf32>
        %jit3A_530 = arith.constant 0.000000e+00 : f32
        %broadcast_in_dim3A_531 = vector.broadcast %jit3A_530 : f32 to vector<16xf32>
        %select_n3A_532 = arith.select %ge3A_529, %gather3A_402, %broadcast_in_dim3A_531 : vector<16xi1>, vector<16xf32>
        %add3A_533 = arith.constant 0 : i32
        %add3A_534 = vector.broadcast %add3A_533 : i32 to vector<16xi32>
        %add3A_535 = arith.addi %add3A_398, %add3A_534 : vector<16xi32>
        tpu.vector_store_idx %arg10[%add3A_535], %select_n3A_532 : memref<8192xf32, #tpu.memory_space<vmem>>[vector<16xi32>], vector<16xf32>,
        %ge3A_536 = arith.constant 5.000000e-01 : f32
        %ge3A_537 = vector.broadcast %ge3A_536 : f32 to vector<16xf32>
        %ge3A_538 = arith.cmpf oge, %gather3A_470, %ge3A_537 : vector<16xf32>
        %jit3A_539 = arith.constant 0.000000e+00 : f32
        %broadcast_in_dim3A_540 = vector.broadcast %jit3A_539 : f32 to vector<16xf32>
        %select_n3A_541 = arith.select %ge3A_538, %gather3A_406, %broadcast_in_dim3A_540 : vector<16xi1>, vector<16xf32>
        %add3A_542 = arith.constant 512 : i32
        %add3A_543 = vector.broadcast %add3A_542 : i32 to vector<16xi32>
        %add3A_544 = arith.addi %add3A_398, %add3A_543 : vector<16xi32>
        tpu.vector_store_idx %arg10[%add3A_544], %select_n3A_541 : memref<8192xf32, #tpu.memory_space<vmem>>[vector<16xi32>], vector<16xf32>,
        %ge3A_545 = arith.constant 5.000000e-01 : f32
        %ge3A_546 = vector.broadcast %ge3A_545 : f32 to vector<16xf32>
        %ge3A_547 = arith.cmpf oge, %gather3A_474, %ge3A_546 : vector<16xf32>
        %jit3A_548 = arith.constant 0.000000e+00 : f32
        %broadcast_in_dim3A_549 = vector.broadcast %jit3A_548 : f32 to vector<16xf32>
        %select_n3A_550 = arith.select %ge3A_547, %gather3A_410, %broadcast_in_dim3A_549 : vector<16xi1>, vector<16xf32>
        %add3A_551 = arith.constant 1024 : i32
        %add3A_552 = vector.broadcast %add3A_551 : i32 to vector<16xi32>
        %add3A_553 = arith.addi %add3A_398, %add3A_552 : vector<16xi32>
        tpu.vector_store_idx %arg10[%add3A_553], %select_n3A_550 : memref<8192xf32, #tpu.memory_space<vmem>>[vector<16xi32>], vector<16xf32>,
        %ge3A_554 = arith.constant 5.000000e-01 : f32
        %ge3A_555 = vector.broadcast %ge3A_554 : f32 to vector<16xf32>
        %ge3A_556 = arith.cmpf oge, %gather3A_478, %ge3A_555 : vector<16xf32>
        %jit3A_557 = arith.constant 0.000000e+00 : f32
        %broadcast_in_dim3A_558 = vector.broadcast %jit3A_557 : f32 to vector<16xf32>
        %select_n3A_559 = arith.select %ge3A_556, %gather3A_414, %broadcast_in_dim3A_558 : vector<16xi1>, vector<16xf32>
        %add3A_560 = arith.constant 1536 : i32
        %add3A_561 = vector.broadcast %add3A_560 : i32 to vector<16xi32>
        %add3A_562 = arith.addi %add3A_398, %add3A_561 : vector<16xi32>
        tpu.vector_store_idx %arg10[%add3A_562], %select_n3A_559 : memref<8192xf32, #tpu.memory_space<vmem>>[vector<16xi32>], vector<16xf32>,
        %ge3A_563 = arith.constant 5.000000e-01 : f32
        %ge3A_564 = vector.broadcast %ge3A_563 : f32 to vector<16xf32>
        %ge3A_565 = arith.cmpf oge, %gather3A_482, %ge3A_564 : vector<16xf32>
        %jit3A_566 = arith.constant 0.000000e+00 : f32
        %broadcast_in_dim3A_567 = vector.broadcast %jit3A_566 : f32 to vector<16xf32>
        %select_n3A_568 = arith.select %ge3A_565, %gather3A_418, %broadcast_in_dim3A_567 : vector<16xi1>, vector<16xf32>
        %add3A_569 = arith.constant 2048 : i32
        %add3A_570 = vector.broadcast %add3A_569 : i32 to vector<16xi32>
        %add3A_571 = arith.addi %add3A_398, %add3A_570 : vector<16xi32>
        tpu.vector_store_idx %arg10[%add3A_571], %select_n3A_568 : memref<8192xf32, #tpu.memory_space<vmem>>[vector<16xi32>], vector<16xf32>,
        %ge3A_572 = arith.constant 5.000000e-01 : f32
        %ge3A_573 = vector.broadcast %ge3A_572 : f32 to vector<16xf32>
        %ge3A_574 = arith.cmpf oge, %gather3A_486, %ge3A_573 : vector<16xf32>
        %jit3A_575 = arith.constant 0.000000e+00 : f32
        %broadcast_in_dim3A_576 = vector.broadcast %jit3A_575 : f32 to vector<16xf32>
        %select_n3A_577 = arith.select %ge3A_574, %gather3A_422, %broadcast_in_dim3A_576 : vector<16xi1>, vector<16xf32>
        %add3A_578 = arith.constant 2560 : i32
        %add3A_579 = vector.broadcast %add3A_578 : i32 to vector<16xi32>
        %add3A_580 = arith.addi %add3A_398, %add3A_579 : vector<16xi32>
        tpu.vector_store_idx %arg10[%add3A_580], %select_n3A_577 : memref<8192xf32, #tpu.memory_space<vmem>>[vector<16xi32>], vector<16xf32>,
        %ge3A_581 = arith.constant 5.000000e-01 : f32
        %ge3A_582 = vector.broadcast %ge3A_581 : f32 to vector<16xf32>
        %ge3A_583 = arith.cmpf oge, %gather3A_490, %ge3A_582 : vector<16xf32>
        %jit3A_584 = arith.constant 0.000000e+00 : f32
        %broadcast_in_dim3A_585 = vector.broadcast %jit3A_584 : f32 to vector<16xf32>
        %select_n3A_586 = arith.select %ge3A_583, %gather3A_426, %broadcast_in_dim3A_585 : vector<16xi1>, vector<16xf32>
        %add3A_587 = arith.constant 3072 : i32
        %add3A_588 = vector.broadcast %add3A_587 : i32 to vector<16xi32>
        %add3A_589 = arith.addi %add3A_398, %add3A_588 : vector<16xi32>
        tpu.vector_store_idx %arg10[%add3A_589], %select_n3A_586 : memref<8192xf32, #tpu.memory_space<vmem>>[vector<16xi32>], vector<16xf32>,
        %ge3A_590 = arith.constant 5.000000e-01 : f32
        %ge3A_591 = vector.broadcast %ge3A_590 : f32 to vector<16xf32>
        %ge3A_592 = arith.cmpf oge, %gather3A_494, %ge3A_591 : vector<16xf32>
        %jit3A_593 = arith.constant 0.000000e+00 : f32
        %broadcast_in_dim3A_594 = vector.broadcast %jit3A_593 : f32 to vector<16xf32>
        %select_n3A_595 = arith.select %ge3A_592, %gather3A_430, %broadcast_in_dim3A_594 : vector<16xi1>, vector<16xf32>
        %add3A_596 = arith.constant 3584 : i32
        %add3A_597 = vector.broadcast %add3A_596 : i32 to vector<16xi32>
        %add3A_598 = arith.addi %add3A_398, %add3A_597 : vector<16xi32>
        tpu.vector_store_idx %arg10[%add3A_598], %select_n3A_595 : memref<8192xf32, #tpu.memory_space<vmem>>[vector<16xi32>], vector<16xf32>,
        %ge3A_599 = arith.constant 5.000000e-01 : f32
        %ge3A_600 = vector.broadcast %ge3A_599 : f32 to vector<16xf32>
        %ge3A_601 = arith.cmpf oge, %gather3A_498, %ge3A_600 : vector<16xf32>
        %jit3A_602 = arith.constant 0.000000e+00 : f32
        %broadcast_in_dim3A_603 = vector.broadcast %jit3A_602 : f32 to vector<16xf32>
        %select_n3A_604 = arith.select %ge3A_601, %gather3A_434, %broadcast_in_dim3A_603 : vector<16xi1>, vector<16xf32>
        %add3A_605 = arith.constant 4096 : i32
        %add3A_606 = vector.broadcast %add3A_605 : i32 to vector<16xi32>
        %add3A_607 = arith.addi %add3A_398, %add3A_606 : vector<16xi32>
        tpu.vector_store_idx %arg10[%add3A_607], %select_n3A_604 : memref<8192xf32, #tpu.memory_space<vmem>>[vector<16xi32>], vector<16xf32>,
        %ge3A_608 = arith.constant 5.000000e-01 : f32
        %ge3A_609 = vector.broadcast %ge3A_608 : f32 to vector<16xf32>
        %ge3A_610 = arith.cmpf oge, %gather3A_502, %ge3A_609 : vector<16xf32>
        %jit3A_611 = arith.constant 0.000000e+00 : f32
        %broadcast_in_dim3A_612 = vector.broadcast %jit3A_611 : f32 to vector<16xf32>
        %select_n3A_613 = arith.select %ge3A_610, %gather3A_438, %broadcast_in_dim3A_612 : vector<16xi1>, vector<16xf32>
        %add3A_614 = arith.constant 4608 : i32
        %add3A_615 = vector.broadcast %add3A_614 : i32 to vector<16xi32>
        %add3A_616 = arith.addi %add3A_398, %add3A_615 : vector<16xi32>
        tpu.vector_store_idx %arg10[%add3A_616], %select_n3A_613 : memref<8192xf32, #tpu.memory_space<vmem>>[vector<16xi32>], vector<16xf32>,
        %ge3A_617 = arith.constant 5.000000e-01 : f32
        %ge3A_618 = vector.broadcast %ge3A_617 : f32 to vector<16xf32>
        %ge3A_619 = arith.cmpf oge, %gather3A_506, %ge3A_618 : vector<16xf32>
        %jit3A_620 = arith.constant 0.000000e+00 : f32
        %broadcast_in_dim3A_621 = vector.broadcast %jit3A_620 : f32 to vector<16xf32>
        %select_n3A_622 = arith.select %ge3A_619, %gather3A_442, %broadcast_in_dim3A_621 : vector<16xi1>, vector<16xf32>
        %add3A_623 = arith.constant 5120 : i32
        %add3A_624 = vector.broadcast %add3A_623 : i32 to vector<16xi32>
        %add3A_625 = arith.addi %add3A_398, %add3A_624 : vector<16xi32>
        tpu.vector_store_idx %arg10[%add3A_625], %select_n3A_622 : memref<8192xf32, #tpu.memory_space<vmem>>[vector<16xi32>], vector<16xf32>,
        %ge3A_626 = arith.constant 5.000000e-01 : f32
        %ge3A_627 = vector.broadcast %ge3A_626 : f32 to vector<16xf32>
        %ge3A_628 = arith.cmpf oge, %gather3A_510, %ge3A_627 : vector<16xf32>
        %jit3A_629 = arith.constant 0.000000e+00 : f32
        %broadcast_in_dim3A_630 = vector.broadcast %jit3A_629 : f32 to vector<16xf32>
        %select_n3A_631 = arith.select %ge3A_628, %gather3A_446, %broadcast_in_dim3A_630 : vector<16xi1>, vector<16xf32>
        %add3A_632 = arith.constant 5632 : i32
        %add3A_633 = vector.broadcast %add3A_632 : i32 to vector<16xi32>
        %add3A_634 = arith.addi %add3A_398, %add3A_633 : vector<16xi32>
        tpu.vector_store_idx %arg10[%add3A_634], %select_n3A_631 : memref<8192xf32, #tpu.memory_space<vmem>>[vector<16xi32>], vector<16xf32>,
        %ge3A_635 = arith.constant 5.000000e-01 : f32
        %ge3A_636 = vector.broadcast %ge3A_635 : f32 to vector<16xf32>
        %ge3A_637 = arith.cmpf oge, %gather3A_514, %ge3A_636 : vector<16xf32>
        %jit3A_638 = arith.constant 0.000000e+00 : f32
        %broadcast_in_dim3A_639 = vector.broadcast %jit3A_638 : f32 to vector<16xf32>
        %select_n3A_640 = arith.select %ge3A_637, %gather3A_450, %broadcast_in_dim3A_639 : vector<16xi1>, vector<16xf32>
        %add3A_641 = arith.constant 6144 : i32
        %add3A_642 = vector.broadcast %add3A_641 : i32 to vector<16xi32>
        %add3A_643 = arith.addi %add3A_398, %add3A_642 : vector<16xi32>
        tpu.vector_store_idx %arg10[%add3A_643], %select_n3A_640 : memref<8192xf32, #tpu.memory_space<vmem>>[vector<16xi32>], vector<16xf32>,
        %ge3A_644 = arith.constant 5.000000e-01 : f32
        %ge3A_645 = vector.broadcast %ge3A_644 : f32 to vector<16xf32>
        %ge3A_646 = arith.cmpf oge, %gather3A_518, %ge3A_645 : vector<16xf32>
        %jit3A_647 = arith.constant 0.000000e+00 : f32
        %broadcast_in_dim3A_648 = vector.broadcast %jit3A_647 : f32 to vector<16xf32>
        %select_n3A_649 = arith.select %ge3A_646, %gather3A_454, %broadcast_in_dim3A_648 : vector<16xi1>, vector<16xf32>
        %add3A_650 = arith.constant 6656 : i32
        %add3A_651 = vector.broadcast %add3A_650 : i32 to vector<16xi32>
        %add3A_652 = arith.addi %add3A_398, %add3A_651 : vector<16xi32>
        tpu.vector_store_idx %arg10[%add3A_652], %select_n3A_649 : memref<8192xf32, #tpu.memory_space<vmem>>[vector<16xi32>], vector<16xf32>,
        %ge3A_653 = arith.constant 5.000000e-01 : f32
        %ge3A_654 = vector.broadcast %ge3A_653 : f32 to vector<16xf32>
        %ge3A_655 = arith.cmpf oge, %gather3A_522, %ge3A_654 : vector<16xf32>
        %jit3A_656 = arith.constant 0.000000e+00 : f32
        %broadcast_in_dim3A_657 = vector.broadcast %jit3A_656 : f32 to vector<16xf32>
        %select_n3A_658 = arith.select %ge3A_655, %gather3A_458, %broadcast_in_dim3A_657 : vector<16xi1>, vector<16xf32>
        %add3A_659 = arith.constant 7168 : i32
        %add3A_660 = vector.broadcast %add3A_659 : i32 to vector<16xi32>
        %add3A_661 = arith.addi %add3A_398, %add3A_660 : vector<16xi32>
        tpu.vector_store_idx %arg10[%add3A_661], %select_n3A_658 : memref<8192xf32, #tpu.memory_space<vmem>>[vector<16xi32>], vector<16xf32>,
        %ge3A_662 = arith.constant 5.000000e-01 : f32
        %ge3A_663 = vector.broadcast %ge3A_662 : f32 to vector<16xf32>
        %ge3A_664 = arith.cmpf oge, %gather3A_526, %ge3A_663 : vector<16xf32>
        %jit3A_665 = arith.constant 0.000000e+00 : f32
        %broadcast_in_dim3A_666 = vector.broadcast %jit3A_665 : f32 to vector<16xf32>
        %select_n3A_667 = arith.select %ge3A_664, %gather3A_462, %broadcast_in_dim3A_666 : vector<16xi1>, vector<16xf32>
        %add3A_668 = arith.constant 7680 : i32
        %add3A_669 = vector.broadcast %add3A_668 : i32 to vector<16xi32>
        %add3A_670 = arith.addi %add3A_398, %add3A_669 : vector<16xi32>
        tpu.vector_store_idx %arg10[%add3A_670], %select_n3A_667 : memref<8192xf32, #tpu.memory_space<vmem>>[vector<16xi32>], vector<16xf32>,
      }
      %scan3A_64 = arith.constant 32 : i32
      %mul3A_65 = arith.constant 8192 : i32
      %mul3A_66 = arith.muli %add3A_37, %mul3A_65 : i32
      %dma_start3A_67 = tpu.memref_slice %arg5[%mul3A_66] : memref<32000000xf32, #tpu.memory_space<hbm>> -> memref<8192xf32, #tpu.memory_space<hbm>>
      %dma_start3A_68 = tpu.memref_slice %arg5[%mul3A_66] : memref<32000000xf32, #tpu.memory_space<hbm>> -> memref<8192xf32, #tpu.memory_space<hbm>>
      tpu.enqueue_dma source(%arg10 : memref<8192xf32, #tpu.memory_space<vmem>>) target(%dma_start3A_68 : memref<8192xf32, #tpu.memory_space<hbm>>) target_semaphore(%arg15 : memref<!tpu.dma_semaphore, #tpu.memory_space<semaphore_mem>>)
      %add3A_69 = arith.addi %mul3A_2, %mul3A_34 : i32
      %add3A_70 = arith.constant 1 : i32
      %add3A_71 = arith.addi %add3A_69, %add3A_70 : i32
      %add3A_72 = arith.constant 1 : i32
      %add3A_73 = arith.addi %mul3A_34, %add3A_72 : i32
      %add3A_74 = arith.constant 1 : i32
      %add3A_75 = arith.addi %add3A_73, %add3A_74 : i32
      %lt3A_76 = arith.constant 122 : i32
      %lt3A_77 = arith.cmpi slt, %add3A_75, %lt3A_76 : i32
      %convert_element_type3A_78 = arith.extui %lt3A_77 : i1 to i32
      %cond3A_79 = arith.constant 0 : i32
      %cond3A_80 = arith.cmpi ne, %convert_element_type3A_78, %cond3A_79 : i32
      scf.if %cond3A_80 {
        %add3A_104 = arith.constant 1 : i32
        %add3A_105 = arith.addi %mul3A_34, %add3A_104 : i32
        %ge3A = arith.constant 1 : i32
        %ge3A_106 = arith.cmpi sge, %add3A_105, %ge3A : i32
        %convert_element_type3A_107 = arith.extui %ge3A_106 : i1 to i32
        %cond3A_108 = arith.constant 0 : i32
        %cond3A_109 = arith.cmpi ne, %convert_element_type3A_107, %cond3A_108 : i32
        scf.if %cond3A_109 {
          %dma_wait3A_123 = arith.constant 0 : i32
          %dma_wait3A_124 = tpu.memref_slice %arg5[%dma_wait3A_123] : memref<32000000xf32, #tpu.memory_space<hbm>> -> memref<8192xf32, #tpu.memory_space<hbm>>
          %dma_wait3A_125 = arith.constant 0 : i32
          %dma_wait3A_126 = tpu.memref_slice %arg5[%dma_wait3A_125] : memref<32000000xf32, #tpu.memory_space<hbm>> -> memref<8192xf32, #tpu.memory_space<hbm>>
          tpu.wait_dma2 semaphore(%arg15 : memref<!tpu.dma_semaphore, #tpu.memory_space<semaphore_mem>>) src(%arg10 : memref<8192xf32, #tpu.memory_space<vmem>>) dst(%dma_wait3A_126 : memref<8192xf32, #tpu.memory_space<hbm>>)
        } else {
        }
        %add3A_110 = arith.addi %mul3A_2, %add3A_75 : i32
        %mul3A_111 = arith.constant 256 : i32
        %mul3A_112 = arith.muli %add3A_110, %mul3A_111 : i32
        %dma_start3A_113 = arith.constant 0 : i32
        %dma_start3A_114 = tpu.memref_slice %arg2[%dma_start3A_113, %mul3A_112] : memref<32x1000000xf32, #tpu.memory_space<hbm>> -> memref<32x256xf32, #tpu.memory_space<hbm>>
        %dma_start3A_115 = arith.constant 0 : i32
        %dma_start3A_116 = tpu.memref_slice %arg2[%dma_start3A_115, %mul3A_112] : memref<32x1000000xf32, #tpu.memory_space<hbm>> -> memref<32x256xf32, #tpu.memory_space<hbm>>
        tpu.enqueue_dma source(%dma_start3A_116 : memref<32x256xf32, #tpu.memory_space<hbm>>) target(%arg6 : memref<32x256xf32, #tpu.memory_space<vmem>>) target_semaphore(%arg13 : memref<!tpu.dma_semaphore, #tpu.memory_space<semaphore_mem>>)
        %mul3A_117 = arith.constant 256 : i32
        %mul3A_118 = arith.muli %add3A_110, %mul3A_117 : i32
        %dma_start3A_119 = arith.constant 0 : i32
        %dma_start3A_120 = tpu.memref_slice %arg3[%dma_start3A_119, %mul3A_118] : memref<32x1000000xf32, #tpu.memory_space<hbm>> -> memref<32x256xf32, #tpu.memory_space<hbm>>
        %dma_start3A_121 = arith.constant 0 : i32
        %dma_start3A_122 = tpu.memref_slice %arg3[%dma_start3A_121, %mul3A_118] : memref<32x1000000xf32, #tpu.memory_space<hbm>> -> memref<32x256xf32, #tpu.memory_space<hbm>>
        tpu.enqueue_dma source(%dma_start3A_122 : memref<32x256xf32, #tpu.memory_space<hbm>>) target(%arg8 : memref<32x256xf32, #tpu.memory_space<vmem>>) target_semaphore(%arg13 : memref<!tpu.dma_semaphore, #tpu.memory_space<semaphore_mem>>)
      } else {
      }
      %dma_wait3A_81 = arith.constant 0 : i32
      %dma_wait3A_82 = arith.constant 0 : i32
      %dma_wait3A_83 = tpu.memref_slice %arg2[%dma_wait3A_81, %dma_wait3A_82] : memref<32x1000000xf32, #tpu.memory_space<hbm>> -> memref<32x256xf32, #tpu.memory_space<hbm>>
      %dma_wait3A_84 = arith.constant 0 : i32
      %dma_wait3A_85 = arith.constant 0 : i32
      %dma_wait3A_86 = tpu.memref_slice %arg2[%dma_wait3A_84, %dma_wait3A_85] : memref<32x1000000xf32, #tpu.memory_space<hbm>> -> memref<32x256xf32, #tpu.memory_space<hbm>>
      tpu.wait_dma2 semaphore(%arg14 : memref<!tpu.dma_semaphore, #tpu.memory_space<semaphore_mem>>) src(%dma_wait3A_86 : memref<32x256xf32, #tpu.memory_space<hbm>>) dst(%arg7 : memref<32x256xf32, #tpu.memory_space<vmem>>)
      %dma_wait3A_87 = arith.constant 0 : i32
      %dma_wait3A_88 = arith.constant 0 : i32
      %dma_wait3A_89 = tpu.memref_slice %arg3[%dma_wait3A_87, %dma_wait3A_88] : memref<32x1000000xf32, #tpu.memory_space<hbm>> -> memref<32x256xf32, #tpu.memory_space<hbm>>
      %dma_wait3A_90 = arith.constant 0 : i32
      %dma_wait3A_91 = arith.constant 0 : i32
      %dma_wait3A_92 = tpu.memref_slice %arg3[%dma_wait3A_90, %dma_wait3A_91] : memref<32x1000000xf32, #tpu.memory_space<hbm>> -> memref<32x256xf32, #tpu.memory_space<hbm>>
      tpu.wait_dma2 semaphore(%arg14 : memref<!tpu.dma_semaphore, #tpu.memory_space<semaphore_mem>>) src(%dma_wait3A_92 : memref<32x256xf32, #tpu.memory_space<hbm>>) dst(%arg9 : memref<32x256xf32, #tpu.memory_space<vmem>>)
      %iota3A_93 = tpu.iota {dimensions = array<i32: 0>} : vector<16xi32>
      %scan3A_94 = arith.constant 0 : i32
      %scan3A_95 = arith.constant 0 : i32
      %scan3A_96 = arith.constant 32 : i32
      %scan3A_97 = arith.addi %scan3A_95, %scan3A_96 : i32
      %scan3A_98 = arith.constant 2 : i32
      scf.for %scan3A_104 = %scan3A_95 to %scan3A_97 step %scan3A_98  : i32 {
        %add3A_105 = vector.broadcast %scan3A_104 : i32 to vector<16xi32>
        %add3A_106 = arith.addi %add3A_105, %iota3A_93 : vector<16xi32>
        %lt3A_107 = arith.constant 32 : i32
        %lt3A_108 = vector.broadcast %lt3A_107 : i32 to vector<16xi32>
        %lt3A_109 = arith.cmpi slt, %add3A_106, %lt3A_108 : vector<16xi32>
        %sub3A = arith.constant 32 : i32
        %sub3A_110 = vector.broadcast %sub3A : i32 to vector<16xi32>
        %sub3A_111 = arith.subi %add3A_106, %sub3A_110 : vector<16xi32>
        %select_n3A = arith.select %lt3A_109, %add3A_106, %sub3A_111 : vector<16xi1>, vector<16xi32>
        %mul3A_112 = arith.constant 32 : i32
        %mul3A_113 = vector.broadcast %mul3A_112 : i32 to vector<16xi32>
        %mul3A_114 = arith.muli %iota3A_93, %mul3A_113 : vector<16xi32>
        %add3A_115 = arith.addi %mul3A_114, %select_n3A : vector<16xi32>
        %add3A_116 = arith.constant 0 : i32
        %add3A_117 = vector.broadcast %add3A_116 : i32 to vector<16xi32>
        %add3A_118 = arith.addi %add3A_117, %iota3A_93 : vector<16xi32>
        %gather3A = tpu.vector_load_idx %arg7[%select_n3A, %add3A_118] : memref<32x256xf32, #tpu.memory_space<vmem>>[vector<16xi32>, vector<16xi32>], vector<16xf32>,
        %add3A_119 = arith.constant 16 : i32
        %add3A_120 = vector.broadcast %add3A_119 : i32 to vector<16xi32>
        %add3A_121 = arith.addi %add3A_120, %iota3A_93 : vector<16xi32>
        %gather3A_122 = tpu.vector_load_idx %arg7[%select_n3A, %add3A_121] : memref<32x256xf32, #tpu.memory_space<vmem>>[vector<16xi32>, vector<16xi32>], vector<16xf32>,
        %add3A_123 = arith.constant 32 : i32
        %add3A_124 = vector.broadcast %add3A_123 : i32 to vector<16xi32>
        %add3A_125 = arith.addi %add3A_124, %iota3A_93 : vector<16xi32>
        %gather3A_126 = tpu.vector_load_idx %arg7[%select_n3A, %add3A_125] : memref<32x256xf32, #tpu.memory_space<vmem>>[vector<16xi32>, vector<16xi32>], vector<16xf32>,
        %add3A_127 = arith.constant 48 : i32
        %add3A_128 = vector.broadcast %add3A_127 : i32 to vector<16xi32>
        %add3A_129 = arith.addi %add3A_128, %iota3A_93 : vector<16xi32>
        %gather3A_130 = tpu.vector_load_idx %arg7[%select_n3A, %add3A_129] : memref<32x256xf32, #tpu.memory_space<vmem>>[vector<16xi32>, vector<16xi32>], vector<16xf32>,
        %add3A_131 = arith.constant 64 : i32
        %add3A_132 = vector.broadcast %add3A_131 : i32 to vector<16xi32>
        %add3A_133 = arith.addi %add3A_132, %iota3A_93 : vector<16xi32>
        %gather3A_134 = tpu.vector_load_idx %arg7[%select_n3A, %add3A_133] : memref<32x256xf32, #tpu.memory_space<vmem>>[vector<16xi32>, vector<16xi32>], vector<16xf32>,
        %add3A_135 = arith.constant 80 : i32
        %add3A_136 = vector.broadcast %add3A_135 : i32 to vector<16xi32>
        %add3A_137 = arith.addi %add3A_136, %iota3A_93 : vector<16xi32>
        %gather3A_138 = tpu.vector_load_idx %arg7[%select_n3A, %add3A_137] : memref<32x256xf32, #tpu.memory_space<vmem>>[vector<16xi32>, vector<16xi32>], vector<16xf32>,
        %add3A_139 = arith.constant 96 : i32
        %add3A_140 = vector.broadcast %add3A_139 : i32 to vector<16xi32>
        %add3A_141 = arith.addi %add3A_140, %iota3A_93 : vector<16xi32>
        %gather3A_142 = tpu.vector_load_idx %arg7[%select_n3A, %add3A_141] : memref<32x256xf32, #tpu.memory_space<vmem>>[vector<16xi32>, vector<16xi32>], vector<16xf32>,
        %add3A_143 = arith.constant 112 : i32
        %add3A_144 = vector.broadcast %add3A_143 : i32 to vector<16xi32>
        %add3A_145 = arith.addi %add3A_144, %iota3A_93 : vector<16xi32>
        %gather3A_146 = tpu.vector_load_idx %arg7[%select_n3A, %add3A_145] : memref<32x256xf32, #tpu.memory_space<vmem>>[vector<16xi32>, vector<16xi32>], vector<16xf32>,
        %add3A_147 = arith.constant 128 : i32
        %add3A_148 = vector.broadcast %add3A_147 : i32 to vector<16xi32>
        %add3A_149 = arith.addi %add3A_148, %iota3A_93 : vector<16xi32>
        %gather3A_150 = tpu.vector_load_idx %arg7[%select_n3A, %add3A_149] : memref<32x256xf32, #tpu.memory_space<vmem>>[vector<16xi32>, vector<16xi32>], vector<16xf32>,
        %add3A_151 = arith.constant 144 : i32
        %add3A_152 = vector.broadcast %add3A_151 : i32 to vector<16xi32>
        %add3A_153 = arith.addi %add3A_152, %iota3A_93 : vector<16xi32>
        %gather3A_154 = tpu.vector_load_idx %arg7[%select_n3A, %add3A_153] : memref<32x256xf32, #tpu.memory_space<vmem>>[vector<16xi32>, vector<16xi32>], vector<16xf32>,
        %add3A_155 = arith.constant 160 : i32
        %add3A_156 = vector.broadcast %add3A_155 : i32 to vector<16xi32>
        %add3A_157 = arith.addi %add3A_156, %iota3A_93 : vector<16xi32>
        %gather3A_158 = tpu.vector_load_idx %arg7[%select_n3A, %add3A_157] : memref<32x256xf32, #tpu.memory_space<vmem>>[vector<16xi32>, vector<16xi32>], vector<16xf32>,
        %add3A_159 = arith.constant 176 : i32
        %add3A_160 = vector.broadcast %add3A_159 : i32 to vector<16xi32>
        %add3A_161 = arith.addi %add3A_160, %iota3A_93 : vector<16xi32>
        %gather3A_162 = tpu.vector_load_idx %arg7[%select_n3A, %add3A_161] : memref<32x256xf32, #tpu.memory_space<vmem>>[vector<16xi32>, vector<16xi32>], vector<16xf32>,
        %add3A_163 = arith.constant 192 : i32
        %add3A_164 = vector.broadcast %add3A_163 : i32 to vector<16xi32>
        %add3A_165 = arith.addi %add3A_164, %iota3A_93 : vector<16xi32>
        %gather3A_166 = tpu.vector_load_idx %arg7[%select_n3A, %add3A_165] : memref<32x256xf32, #tpu.memory_space<vmem>>[vector<16xi32>, vector<16xi32>], vector<16xf32>,
        %add3A_167 = arith.constant 208 : i32
        %add3A_168 = vector.broadcast %add3A_167 : i32 to vector<16xi32>
        %add3A_169 = arith.addi %add3A_168, %iota3A_93 : vector<16xi32>
        %gather3A_170 = tpu.vector_load_idx %arg7[%select_n3A, %add3A_169] : memref<32x256xf32, #tpu.memory_space<vmem>>[vector<16xi32>, vector<16xi32>], vector<16xf32>,
        %add3A_171 = arith.constant 224 : i32
        %add3A_172 = vector.broadcast %add3A_171 : i32 to vector<16xi32>
        %add3A_173 = arith.addi %add3A_172, %iota3A_93 : vector<16xi32>
        %gather3A_174 = tpu.vector_load_idx %arg7[%select_n3A, %add3A_173] : memref<32x256xf32, #tpu.memory_space<vmem>>[vector<16xi32>, vector<16xi32>], vector<16xf32>,
        %add3A_175 = arith.constant 240 : i32
        %add3A_176 = vector.broadcast %add3A_175 : i32 to vector<16xi32>
        %add3A_177 = arith.addi %add3A_176, %iota3A_93 : vector<16xi32>
        %gather3A_178 = tpu.vector_load_idx %arg7[%select_n3A, %add3A_177] : memref<32x256xf32, #tpu.memory_space<vmem>>[vector<16xi32>, vector<16xi32>], vector<16xf32>,
        %add3A_179 = arith.constant 0 : i32
        %add3A_180 = vector.broadcast %add3A_179 : i32 to vector<16xi32>
        %add3A_181 = arith.addi %add3A_180, %iota3A_93 : vector<16xi32>
        %gather3A_182 = tpu.vector_load_idx %arg9[%select_n3A, %add3A_181] : memref<32x256xf32, #tpu.memory_space<vmem>>[vector<16xi32>, vector<16xi32>], vector<16xf32>,
        %add3A_183 = arith.constant 16 : i32
        %add3A_184 = vector.broadcast %add3A_183 : i32 to vector<16xi32>
        %add3A_185 = arith.addi %add3A_184, %iota3A_93 : vector<16xi32>
        %gather3A_186 = tpu.vector_load_idx %arg9[%select_n3A, %add3A_185] : memref<32x256xf32, #tpu.memory_space<vmem>>[vector<16xi32>, vector<16xi32>], vector<16xf32>,
        %add3A_187 = arith.constant 32 : i32
        %add3A_188 = vector.broadcast %add3A_187 : i32 to vector<16xi32>
        %add3A_189 = arith.addi %add3A_188, %iota3A_93 : vector<16xi32>
        %gather3A_190 = tpu.vector_load_idx %arg9[%select_n3A, %add3A_189] : memref<32x256xf32, #tpu.memory_space<vmem>>[vector<16xi32>, vector<16xi32>], vector<16xf32>,
        %add3A_191 = arith.constant 48 : i32
        %add3A_192 = vector.broadcast %add3A_191 : i32 to vector<16xi32>
        %add3A_193 = arith.addi %add3A_192, %iota3A_93 : vector<16xi32>
        %gather3A_194 = tpu.vector_load_idx %arg9[%select_n3A, %add3A_193] : memref<32x256xf32, #tpu.memory_space<vmem>>[vector<16xi32>, vector<16xi32>], vector<16xf32>,
        %add3A_195 = arith.constant 64 : i32
        %add3A_196 = vector.broadcast %add3A_195 : i32 to vector<16xi32>
        %add3A_197 = arith.addi %add3A_196, %iota3A_93 : vector<16xi32>
        %gather3A_198 = tpu.vector_load_idx %arg9[%select_n3A, %add3A_197] : memref<32x256xf32, #tpu.memory_space<vmem>>[vector<16xi32>, vector<16xi32>], vector<16xf32>,
        %add3A_199 = arith.constant 80 : i32
        %add3A_200 = vector.broadcast %add3A_199 : i32 to vector<16xi32>
        %add3A_201 = arith.addi %add3A_200, %iota3A_93 : vector<16xi32>
        %gather3A_202 = tpu.vector_load_idx %arg9[%select_n3A, %add3A_201] : memref<32x256xf32, #tpu.memory_space<vmem>>[vector<16xi32>, vector<16xi32>], vector<16xf32>,
        %add3A_203 = arith.constant 96 : i32
        %add3A_204 = vector.broadcast %add3A_203 : i32 to vector<16xi32>
        %add3A_205 = arith.addi %add3A_204, %iota3A_93 : vector<16xi32>
        %gather3A_206 = tpu.vector_load_idx %arg9[%select_n3A, %add3A_205] : memref<32x256xf32, #tpu.memory_space<vmem>>[vector<16xi32>, vector<16xi32>], vector<16xf32>,
        %add3A_207 = arith.constant 112 : i32
        %add3A_208 = vector.broadcast %add3A_207 : i32 to vector<16xi32>
        %add3A_209 = arith.addi %add3A_208, %iota3A_93 : vector<16xi32>
        %gather3A_210 = tpu.vector_load_idx %arg9[%select_n3A, %add3A_209] : memref<32x256xf32, #tpu.memory_space<vmem>>[vector<16xi32>, vector<16xi32>], vector<16xf32>,
        %add3A_211 = arith.constant 128 : i32
        %add3A_212 = vector.broadcast %add3A_211 : i32 to vector<16xi32>
        %add3A_213 = arith.addi %add3A_212, %iota3A_93 : vector<16xi32>
        %gather3A_214 = tpu.vector_load_idx %arg9[%select_n3A, %add3A_213] : memref<32x256xf32, #tpu.memory_space<vmem>>[vector<16xi32>, vector<16xi32>], vector<16xf32>,
        %add3A_215 = arith.constant 144 : i32
        %add3A_216 = vector.broadcast %add3A_215 : i32 to vector<16xi32>
        %add3A_217 = arith.addi %add3A_216, %iota3A_93 : vector<16xi32>
        %gather3A_218 = tpu.vector_load_idx %arg9[%select_n3A, %add3A_217] : memref<32x256xf32, #tpu.memory_space<vmem>>[vector<16xi32>, vector<16xi32>], vector<16xf32>,
        %add3A_219 = arith.constant 160 : i32
        %add3A_220 = vector.broadcast %add3A_219 : i32 to vector<16xi32>
        %add3A_221 = arith.addi %add3A_220, %iota3A_93 : vector<16xi32>
        %gather3A_222 = tpu.vector_load_idx %arg9[%select_n3A, %add3A_221] : memref<32x256xf32, #tpu.memory_space<vmem>>[vector<16xi32>, vector<16xi32>], vector<16xf32>,
        %add3A_223 = arith.constant 176 : i32
        %add3A_224 = vector.broadcast %add3A_223 : i32 to vector<16xi32>
        %add3A_225 = arith.addi %add3A_224, %iota3A_93 : vector<16xi32>
        %gather3A_226 = tpu.vector_load_idx %arg9[%select_n3A, %add3A_225] : memref<32x256xf32, #tpu.memory_space<vmem>>[vector<16xi32>, vector<16xi32>], vector<16xf32>,
        %add3A_227 = arith.constant 192 : i32
        %add3A_228 = vector.broadcast %add3A_227 : i32 to vector<16xi32>
        %add3A_229 = arith.addi %add3A_228, %iota3A_93 : vector<16xi32>
        %gather3A_230 = tpu.vector_load_idx %arg9[%select_n3A, %add3A_229] : memref<32x256xf32, #tpu.memory_space<vmem>>[vector<16xi32>, vector<16xi32>], vector<16xf32>,
        %add3A_231 = arith.constant 208 : i32
        %add3A_232 = vector.broadcast %add3A_231 : i32 to vector<16xi32>
        %add3A_233 = arith.addi %add3A_232, %iota3A_93 : vector<16xi32>
        %gather3A_234 = tpu.vector_load_idx %arg9[%select_n3A, %add3A_233] : memref<32x256xf32, #tpu.memory_space<vmem>>[vector<16xi32>, vector<16xi32>], vector<16xf32>,
        %add3A_235 = arith.constant 224 : i32
        %add3A_236 = vector.broadcast %add3A_235 : i32 to vector<16xi32>
        %add3A_237 = arith.addi %add3A_236, %iota3A_93 : vector<16xi32>
        %gather3A_238 = tpu.vector_load_idx %arg9[%select_n3A, %add3A_237] : memref<32x256xf32, #tpu.memory_space<vmem>>[vector<16xi32>, vector<16xi32>], vector<16xf32>,
        %add3A_239 = arith.constant 240 : i32
        %add3A_240 = vector.broadcast %add3A_239 : i32 to vector<16xi32>
        %add3A_241 = arith.addi %add3A_240, %iota3A_93 : vector<16xi32>
        %gather3A_242 = tpu.vector_load_idx %arg9[%select_n3A, %add3A_241] : memref<32x256xf32, #tpu.memory_space<vmem>>[vector<16xi32>, vector<16xi32>], vector<16xf32>,
        %ge3A = arith.constant 5.000000e-01 : f32
        %ge3A_243 = vector.broadcast %ge3A : f32 to vector<16xf32>
        %ge3A_244 = arith.cmpf oge, %gather3A_182, %ge3A_243 : vector<16xf32>
        %jit3A = arith.constant 0.000000e+00 : f32
        %broadcast_in_dim3A = vector.broadcast %jit3A : f32 to vector<16xf32>
        %select_n3A_245 = arith.select %ge3A_244, %gather3A, %broadcast_in_dim3A : vector<16xi1>, vector<16xf32>
        %add3A_246 = arith.constant 0 : i32
        %add3A_247 = vector.broadcast %add3A_246 : i32 to vector<16xi32>
        %add3A_248 = arith.addi %add3A_115, %add3A_247 : vector<16xi32>
        tpu.vector_store_idx %arg11[%add3A_248], %select_n3A_245 : memref<8192xf32, #tpu.memory_space<vmem>>[vector<16xi32>], vector<16xf32>,
        %ge3A_249 = arith.constant 5.000000e-01 : f32
        %ge3A_250 = vector.broadcast %ge3A_249 : f32 to vector<16xf32>
        %ge3A_251 = arith.cmpf oge, %gather3A_186, %ge3A_250 : vector<16xf32>
        %jit3A_252 = arith.constant 0.000000e+00 : f32
        %broadcast_in_dim3A_253 = vector.broadcast %jit3A_252 : f32 to vector<16xf32>
        %select_n3A_254 = arith.select %ge3A_251, %gather3A_122, %broadcast_in_dim3A_253 : vector<16xi1>, vector<16xf32>
        %add3A_255 = arith.constant 512 : i32
        %add3A_256 = vector.broadcast %add3A_255 : i32 to vector<16xi32>
        %add3A_257 = arith.addi %add3A_115, %add3A_256 : vector<16xi32>
        tpu.vector_store_idx %arg11[%add3A_257], %select_n3A_254 : memref<8192xf32, #tpu.memory_space<vmem>>[vector<16xi32>], vector<16xf32>,
        %ge3A_258 = arith.constant 5.000000e-01 : f32
        %ge3A_259 = vector.broadcast %ge3A_258 : f32 to vector<16xf32>
        %ge3A_260 = arith.cmpf oge, %gather3A_190, %ge3A_259 : vector<16xf32>
        %jit3A_261 = arith.constant 0.000000e+00 : f32
        %broadcast_in_dim3A_262 = vector.broadcast %jit3A_261 : f32 to vector<16xf32>
        %select_n3A_263 = arith.select %ge3A_260, %gather3A_126, %broadcast_in_dim3A_262 : vector<16xi1>, vector<16xf32>
        %add3A_264 = arith.constant 1024 : i32
        %add3A_265 = vector.broadcast %add3A_264 : i32 to vector<16xi32>
        %add3A_266 = arith.addi %add3A_115, %add3A_265 : vector<16xi32>
        tpu.vector_store_idx %arg11[%add3A_266], %select_n3A_263 : memref<8192xf32, #tpu.memory_space<vmem>>[vector<16xi32>], vector<16xf32>,
        %ge3A_267 = arith.constant 5.000000e-01 : f32
        %ge3A_268 = vector.broadcast %ge3A_267 : f32 to vector<16xf32>
        %ge3A_269 = arith.cmpf oge, %gather3A_194, %ge3A_268 : vector<16xf32>
        %jit3A_270 = arith.constant 0.000000e+00 : f32
        %broadcast_in_dim3A_271 = vector.broadcast %jit3A_270 : f32 to vector<16xf32>
        %select_n3A_272 = arith.select %ge3A_269, %gather3A_130, %broadcast_in_dim3A_271 : vector<16xi1>, vector<16xf32>
        %add3A_273 = arith.constant 1536 : i32
        %add3A_274 = vector.broadcast %add3A_273 : i32 to vector<16xi32>
        %add3A_275 = arith.addi %add3A_115, %add3A_274 : vector<16xi32>
        tpu.vector_store_idx %arg11[%add3A_275], %select_n3A_272 : memref<8192xf32, #tpu.memory_space<vmem>>[vector<16xi32>], vector<16xf32>,
        %ge3A_276 = arith.constant 5.000000e-01 : f32
        %ge3A_277 = vector.broadcast %ge3A_276 : f32 to vector<16xf32>
        %ge3A_278 = arith.cmpf oge, %gather3A_198, %ge3A_277 : vector<16xf32>
        %jit3A_279 = arith.constant 0.000000e+00 : f32
        %broadcast_in_dim3A_280 = vector.broadcast %jit3A_279 : f32 to vector<16xf32>
        %select_n3A_281 = arith.select %ge3A_278, %gather3A_134, %broadcast_in_dim3A_280 : vector<16xi1>, vector<16xf32>
        %add3A_282 = arith.constant 2048 : i32
        %add3A_283 = vector.broadcast %add3A_282 : i32 to vector<16xi32>
        %add3A_284 = arith.addi %add3A_115, %add3A_283 : vector<16xi32>
        tpu.vector_store_idx %arg11[%add3A_284], %select_n3A_281 : memref<8192xf32, #tpu.memory_space<vmem>>[vector<16xi32>], vector<16xf32>,
        %ge3A_285 = arith.constant 5.000000e-01 : f32
        %ge3A_286 = vector.broadcast %ge3A_285 : f32 to vector<16xf32>
        %ge3A_287 = arith.cmpf oge, %gather3A_202, %ge3A_286 : vector<16xf32>
        %jit3A_288 = arith.constant 0.000000e+00 : f32
        %broadcast_in_dim3A_289 = vector.broadcast %jit3A_288 : f32 to vector<16xf32>
        %select_n3A_290 = arith.select %ge3A_287, %gather3A_138, %broadcast_in_dim3A_289 : vector<16xi1>, vector<16xf32>
        %add3A_291 = arith.constant 2560 : i32
        %add3A_292 = vector.broadcast %add3A_291 : i32 to vector<16xi32>
        %add3A_293 = arith.addi %add3A_115, %add3A_292 : vector<16xi32>
        tpu.vector_store_idx %arg11[%add3A_293], %select_n3A_290 : memref<8192xf32, #tpu.memory_space<vmem>>[vector<16xi32>], vector<16xf32>,
        %ge3A_294 = arith.constant 5.000000e-01 : f32
        %ge3A_295 = vector.broadcast %ge3A_294 : f32 to vector<16xf32>
        %ge3A_296 = arith.cmpf oge, %gather3A_206, %ge3A_295 : vector<16xf32>
        %jit3A_297 = arith.constant 0.000000e+00 : f32
        %broadcast_in_dim3A_298 = vector.broadcast %jit3A_297 : f32 to vector<16xf32>
        %select_n3A_299 = arith.select %ge3A_296, %gather3A_142, %broadcast_in_dim3A_298 : vector<16xi1>, vector<16xf32>
        %add3A_300 = arith.constant 3072 : i32
        %add3A_301 = vector.broadcast %add3A_300 : i32 to vector<16xi32>
        %add3A_302 = arith.addi %add3A_115, %add3A_301 : vector<16xi32>
        tpu.vector_store_idx %arg11[%add3A_302], %select_n3A_299 : memref<8192xf32, #tpu.memory_space<vmem>>[vector<16xi32>], vector<16xf32>,
        %ge3A_303 = arith.constant 5.000000e-01 : f32
        %ge3A_304 = vector.broadcast %ge3A_303 : f32 to vector<16xf32>
        %ge3A_305 = arith.cmpf oge, %gather3A_210, %ge3A_304 : vector<16xf32>
        %jit3A_306 = arith.constant 0.000000e+00 : f32
        %broadcast_in_dim3A_307 = vector.broadcast %jit3A_306 : f32 to vector<16xf32>
        %select_n3A_308 = arith.select %ge3A_305, %gather3A_146, %broadcast_in_dim3A_307 : vector<16xi1>, vector<16xf32>
        %add3A_309 = arith.constant 3584 : i32
        %add3A_310 = vector.broadcast %add3A_309 : i32 to vector<16xi32>
        %add3A_311 = arith.addi %add3A_115, %add3A_310 : vector<16xi32>
        tpu.vector_store_idx %arg11[%add3A_311], %select_n3A_308 : memref<8192xf32, #tpu.memory_space<vmem>>[vector<16xi32>], vector<16xf32>,
        %ge3A_312 = arith.constant 5.000000e-01 : f32
        %ge3A_313 = vector.broadcast %ge3A_312 : f32 to vector<16xf32>
        %ge3A_314 = arith.cmpf oge, %gather3A_214, %ge3A_313 : vector<16xf32>
        %jit3A_315 = arith.constant 0.000000e+00 : f32
        %broadcast_in_dim3A_316 = vector.broadcast %jit3A_315 : f32 to vector<16xf32>
        %select_n3A_317 = arith.select %ge3A_314, %gather3A_150, %broadcast_in_dim3A_316 : vector<16xi1>, vector<16xf32>
        %add3A_318 = arith.constant 4096 : i32
        %add3A_319 = vector.broadcast %add3A_318 : i32 to vector<16xi32>
        %add3A_320 = arith.addi %add3A_115, %add3A_319 : vector<16xi32>
        tpu.vector_store_idx %arg11[%add3A_320], %select_n3A_317 : memref<8192xf32, #tpu.memory_space<vmem>>[vector<16xi32>], vector<16xf32>,
        %ge3A_321 = arith.constant 5.000000e-01 : f32
        %ge3A_322 = vector.broadcast %ge3A_321 : f32 to vector<16xf32>
        %ge3A_323 = arith.cmpf oge, %gather3A_218, %ge3A_322 : vector<16xf32>
        %jit3A_324 = arith.constant 0.000000e+00 : f32
        %broadcast_in_dim3A_325 = vector.broadcast %jit3A_324 : f32 to vector<16xf32>
        %select_n3A_326 = arith.select %ge3A_323, %gather3A_154, %broadcast_in_dim3A_325 : vector<16xi1>, vector<16xf32>
        %add3A_327 = arith.constant 4608 : i32
        %add3A_328 = vector.broadcast %add3A_327 : i32 to vector<16xi32>
        %add3A_329 = arith.addi %add3A_115, %add3A_328 : vector<16xi32>
        tpu.vector_store_idx %arg11[%add3A_329], %select_n3A_326 : memref<8192xf32, #tpu.memory_space<vmem>>[vector<16xi32>], vector<16xf32>,
        %ge3A_330 = arith.constant 5.000000e-01 : f32
        %ge3A_331 = vector.broadcast %ge3A_330 : f32 to vector<16xf32>
        %ge3A_332 = arith.cmpf oge, %gather3A_222, %ge3A_331 : vector<16xf32>
        %jit3A_333 = arith.constant 0.000000e+00 : f32
        %broadcast_in_dim3A_334 = vector.broadcast %jit3A_333 : f32 to vector<16xf32>
        %select_n3A_335 = arith.select %ge3A_332, %gather3A_158, %broadcast_in_dim3A_334 : vector<16xi1>, vector<16xf32>
        %add3A_336 = arith.constant 5120 : i32
        %add3A_337 = vector.broadcast %add3A_336 : i32 to vector<16xi32>
        %add3A_338 = arith.addi %add3A_115, %add3A_337 : vector<16xi32>
        tpu.vector_store_idx %arg11[%add3A_338], %select_n3A_335 : memref<8192xf32, #tpu.memory_space<vmem>>[vector<16xi32>], vector<16xf32>,
        %ge3A_339 = arith.constant 5.000000e-01 : f32
        %ge3A_340 = vector.broadcast %ge3A_339 : f32 to vector<16xf32>
        %ge3A_341 = arith.cmpf oge, %gather3A_226, %ge3A_340 : vector<16xf32>
        %jit3A_342 = arith.constant 0.000000e+00 : f32
        %broadcast_in_dim3A_343 = vector.broadcast %jit3A_342 : f32 to vector<16xf32>
        %select_n3A_344 = arith.select %ge3A_341, %gather3A_162, %broadcast_in_dim3A_343 : vector<16xi1>, vector<16xf32>
        %add3A_345 = arith.constant 5632 : i32
        %add3A_346 = vector.broadcast %add3A_345 : i32 to vector<16xi32>
        %add3A_347 = arith.addi %add3A_115, %add3A_346 : vector<16xi32>
        tpu.vector_store_idx %arg11[%add3A_347], %select_n3A_344 : memref<8192xf32, #tpu.memory_space<vmem>>[vector<16xi32>], vector<16xf32>,
        %ge3A_348 = arith.constant 5.000000e-01 : f32
        %ge3A_349 = vector.broadcast %ge3A_348 : f32 to vector<16xf32>
        %ge3A_350 = arith.cmpf oge, %gather3A_230, %ge3A_349 : vector<16xf32>
        %jit3A_351 = arith.constant 0.000000e+00 : f32
        %broadcast_in_dim3A_352 = vector.broadcast %jit3A_351 : f32 to vector<16xf32>
        %select_n3A_353 = arith.select %ge3A_350, %gather3A_166, %broadcast_in_dim3A_352 : vector<16xi1>, vector<16xf32>
        %add3A_354 = arith.constant 6144 : i32
        %add3A_355 = vector.broadcast %add3A_354 : i32 to vector<16xi32>
        %add3A_356 = arith.addi %add3A_115, %add3A_355 : vector<16xi32>
        tpu.vector_store_idx %arg11[%add3A_356], %select_n3A_353 : memref<8192xf32, #tpu.memory_space<vmem>>[vector<16xi32>], vector<16xf32>,
        %ge3A_357 = arith.constant 5.000000e-01 : f32
        %ge3A_358 = vector.broadcast %ge3A_357 : f32 to vector<16xf32>
        %ge3A_359 = arith.cmpf oge, %gather3A_234, %ge3A_358 : vector<16xf32>
        %jit3A_360 = arith.constant 0.000000e+00 : f32
        %broadcast_in_dim3A_361 = vector.broadcast %jit3A_360 : f32 to vector<16xf32>
        %select_n3A_362 = arith.select %ge3A_359, %gather3A_170, %broadcast_in_dim3A_361 : vector<16xi1>, vector<16xf32>
        %add3A_363 = arith.constant 6656 : i32
        %add3A_364 = vector.broadcast %add3A_363 : i32 to vector<16xi32>
        %add3A_365 = arith.addi %add3A_115, %add3A_364 : vector<16xi32>
        tpu.vector_store_idx %arg11[%add3A_365], %select_n3A_362 : memref<8192xf32, #tpu.memory_space<vmem>>[vector<16xi32>], vector<16xf32>,
        %ge3A_366 = arith.constant 5.000000e-01 : f32
        %ge3A_367 = vector.broadcast %ge3A_366 : f32 to vector<16xf32>
        %ge3A_368 = arith.cmpf oge, %gather3A_238, %ge3A_367 : vector<16xf32>
        %jit3A_369 = arith.constant 0.000000e+00 : f32
        %broadcast_in_dim3A_370 = vector.broadcast %jit3A_369 : f32 to vector<16xf32>
        %select_n3A_371 = arith.select %ge3A_368, %gather3A_174, %broadcast_in_dim3A_370 : vector<16xi1>, vector<16xf32>
        %add3A_372 = arith.constant 7168 : i32
        %add3A_373 = vector.broadcast %add3A_372 : i32 to vector<16xi32>
        %add3A_374 = arith.addi %add3A_115, %add3A_373 : vector<16xi32>
        tpu.vector_store_idx %arg11[%add3A_374], %select_n3A_371 : memref<8192xf32, #tpu.memory_space<vmem>>[vector<16xi32>], vector<16xf32>,
        %ge3A_375 = arith.constant 5.000000e-01 : f32
        %ge3A_376 = vector.broadcast %ge3A_375 : f32 to vector<16xf32>
        %ge3A_377 = arith.cmpf oge, %gather3A_242, %ge3A_376 : vector<16xf32>
        %jit3A_378 = arith.constant 0.000000e+00 : f32
        %broadcast_in_dim3A_379 = vector.broadcast %jit3A_378 : f32 to vector<16xf32>
        %select_n3A_380 = arith.select %ge3A_377, %gather3A_178, %broadcast_in_dim3A_379 : vector<16xi1>, vector<16xf32>
        %add3A_381 = arith.constant 7680 : i32
        %add3A_382 = vector.broadcast %add3A_381 : i32 to vector<16xi32>
        %add3A_383 = arith.addi %add3A_115, %add3A_382 : vector<16xi32>
        tpu.vector_store_idx %arg11[%add3A_383], %select_n3A_380 : memref<8192xf32, #tpu.memory_space<vmem>>[vector<16xi32>], vector<16xf32>,
        %scan3A_384 = arith.constant 1 : i32
        %scan3A_385 = arith.addi %scan3A_104, %scan3A_384 : i32
        %add3A_386 = vector.broadcast %scan3A_385 : i32 to vector<16xi32>
        %add3A_387 = arith.addi %add3A_386, %iota3A_93 : vector<16xi32>
        %lt3A_388 = arith.constant 32 : i32
        %lt3A_389 = vector.broadcast %lt3A_388 : i32 to vector<16xi32>
        %lt3A_390 = arith.cmpi slt, %add3A_387, %lt3A_389 : vector<16xi32>
        %sub3A_391 = arith.constant 32 : i32
        %sub3A_392 = vector.broadcast %sub3A_391 : i32 to vector<16xi32>
        %sub3A_393 = arith.subi %add3A_387, %sub3A_392 : vector<16xi32>
        %select_n3A_394 = arith.select %lt3A_390, %add3A_387, %sub3A_393 : vector<16xi1>, vector<16xi32>
        %mul3A_395 = arith.constant 32 : i32
        %mul3A_396 = vector.broadcast %mul3A_395 : i32 to vector<16xi32>
        %mul3A_397 = arith.muli %iota3A_93, %mul3A_396 : vector<16xi32>
        %add3A_398 = arith.addi %mul3A_397, %select_n3A_394 : vector<16xi32>
        %add3A_399 = arith.constant 0 : i32
        %add3A_400 = vector.broadcast %add3A_399 : i32 to vector<16xi32>
        %add3A_401 = arith.addi %add3A_400, %iota3A_93 : vector<16xi32>
        %gather3A_402 = tpu.vector_load_idx %arg7[%select_n3A_394, %add3A_401] : memref<32x256xf32, #tpu.memory_space<vmem>>[vector<16xi32>, vector<16xi32>], vector<16xf32>,
        %add3A_403 = arith.constant 16 : i32
        %add3A_404 = vector.broadcast %add3A_403 : i32 to vector<16xi32>
        %add3A_405 = arith.addi %add3A_404, %iota3A_93 : vector<16xi32>
        %gather3A_406 = tpu.vector_load_idx %arg7[%select_n3A_394, %add3A_405] : memref<32x256xf32, #tpu.memory_space<vmem>>[vector<16xi32>, vector<16xi32>], vector<16xf32>,
        %add3A_407 = arith.constant 32 : i32
        %add3A_408 = vector.broadcast %add3A_407 : i32 to vector<16xi32>
        %add3A_409 = arith.addi %add3A_408, %iota3A_93 : vector<16xi32>
        %gather3A_410 = tpu.vector_load_idx %arg7[%select_n3A_394, %add3A_409] : memref<32x256xf32, #tpu.memory_space<vmem>>[vector<16xi32>, vector<16xi32>], vector<16xf32>,
        %add3A_411 = arith.constant 48 : i32
        %add3A_412 = vector.broadcast %add3A_411 : i32 to vector<16xi32>
        %add3A_413 = arith.addi %add3A_412, %iota3A_93 : vector<16xi32>
        %gather3A_414 = tpu.vector_load_idx %arg7[%select_n3A_394, %add3A_413] : memref<32x256xf32, #tpu.memory_space<vmem>>[vector<16xi32>, vector<16xi32>], vector<16xf32>,
        %add3A_415 = arith.constant 64 : i32
        %add3A_416 = vector.broadcast %add3A_415 : i32 to vector<16xi32>
        %add3A_417 = arith.addi %add3A_416, %iota3A_93 : vector<16xi32>
        %gather3A_418 = tpu.vector_load_idx %arg7[%select_n3A_394, %add3A_417] : memref<32x256xf32, #tpu.memory_space<vmem>>[vector<16xi32>, vector<16xi32>], vector<16xf32>,
        %add3A_419 = arith.constant 80 : i32
        %add3A_420 = vector.broadcast %add3A_419 : i32 to vector<16xi32>
        %add3A_421 = arith.addi %add3A_420, %iota3A_93 : vector<16xi32>
        %gather3A_422 = tpu.vector_load_idx %arg7[%select_n3A_394, %add3A_421] : memref<32x256xf32, #tpu.memory_space<vmem>>[vector<16xi32>, vector<16xi32>], vector<16xf32>,
        %add3A_423 = arith.constant 96 : i32
        %add3A_424 = vector.broadcast %add3A_423 : i32 to vector<16xi32>
        %add3A_425 = arith.addi %add3A_424, %iota3A_93 : vector<16xi32>
        %gather3A_426 = tpu.vector_load_idx %arg7[%select_n3A_394, %add3A_425] : memref<32x256xf32, #tpu.memory_space<vmem>>[vector<16xi32>, vector<16xi32>], vector<16xf32>,
        %add3A_427 = arith.constant 112 : i32
        %add3A_428 = vector.broadcast %add3A_427 : i32 to vector<16xi32>
        %add3A_429 = arith.addi %add3A_428, %iota3A_93 : vector<16xi32>
        %gather3A_430 = tpu.vector_load_idx %arg7[%select_n3A_394, %add3A_429] : memref<32x256xf32, #tpu.memory_space<vmem>>[vector<16xi32>, vector<16xi32>], vector<16xf32>,
        %add3A_431 = arith.constant 128 : i32
        %add3A_432 = vector.broadcast %add3A_431 : i32 to vector<16xi32>
        %add3A_433 = arith.addi %add3A_432, %iota3A_93 : vector<16xi32>
        %gather3A_434 = tpu.vector_load_idx %arg7[%select_n3A_394, %add3A_433] : memref<32x256xf32, #tpu.memory_space<vmem>>[vector<16xi32>, vector<16xi32>], vector<16xf32>,
        %add3A_435 = arith.constant 144 : i32
        %add3A_436 = vector.broadcast %add3A_435 : i32 to vector<16xi32>
        %add3A_437 = arith.addi %add3A_436, %iota3A_93 : vector<16xi32>
        %gather3A_438 = tpu.vector_load_idx %arg7[%select_n3A_394, %add3A_437] : memref<32x256xf32, #tpu.memory_space<vmem>>[vector<16xi32>, vector<16xi32>], vector<16xf32>,
        %add3A_439 = arith.constant 160 : i32
        %add3A_440 = vector.broadcast %add3A_439 : i32 to vector<16xi32>
        %add3A_441 = arith.addi %add3A_440, %iota3A_93 : vector<16xi32>
        %gather3A_442 = tpu.vector_load_idx %arg7[%select_n3A_394, %add3A_441] : memref<32x256xf32, #tpu.memory_space<vmem>>[vector<16xi32>, vector<16xi32>], vector<16xf32>,
        %add3A_443 = arith.constant 176 : i32
        %add3A_444 = vector.broadcast %add3A_443 : i32 to vector<16xi32>
        %add3A_445 = arith.addi %add3A_444, %iota3A_93 : vector<16xi32>
        %gather3A_446 = tpu.vector_load_idx %arg7[%select_n3A_394, %add3A_445] : memref<32x256xf32, #tpu.memory_space<vmem>>[vector<16xi32>, vector<16xi32>], vector<16xf32>,
        %add3A_447 = arith.constant 192 : i32
        %add3A_448 = vector.broadcast %add3A_447 : i32 to vector<16xi32>
        %add3A_449 = arith.addi %add3A_448, %iota3A_93 : vector<16xi32>
        %gather3A_450 = tpu.vector_load_idx %arg7[%select_n3A_394, %add3A_449] : memref<32x256xf32, #tpu.memory_space<vmem>>[vector<16xi32>, vector<16xi32>], vector<16xf32>,
        %add3A_451 = arith.constant 208 : i32
        %add3A_452 = vector.broadcast %add3A_451 : i32 to vector<16xi32>
        %add3A_453 = arith.addi %add3A_452, %iota3A_93 : vector<16xi32>
        %gather3A_454 = tpu.vector_load_idx %arg7[%select_n3A_394, %add3A_453] : memref<32x256xf32, #tpu.memory_space<vmem>>[vector<16xi32>, vector<16xi32>], vector<16xf32>,
        %add3A_455 = arith.constant 224 : i32
        %add3A_456 = vector.broadcast %add3A_455 : i32 to vector<16xi32>
        %add3A_457 = arith.addi %add3A_456, %iota3A_93 : vector<16xi32>
        %gather3A_458 = tpu.vector_load_idx %arg7[%select_n3A_394, %add3A_457] : memref<32x256xf32, #tpu.memory_space<vmem>>[vector<16xi32>, vector<16xi32>], vector<16xf32>,
        %add3A_459 = arith.constant 240 : i32
        %add3A_460 = vector.broadcast %add3A_459 : i32 to vector<16xi32>
        %add3A_461 = arith.addi %add3A_460, %iota3A_93 : vector<16xi32>
        %gather3A_462 = tpu.vector_load_idx %arg7[%select_n3A_394, %add3A_461] : memref<32x256xf32, #tpu.memory_space<vmem>>[vector<16xi32>, vector<16xi32>], vector<16xf32>,
        %add3A_463 = arith.constant 0 : i32
        %add3A_464 = vector.broadcast %add3A_463 : i32 to vector<16xi32>
        %add3A_465 = arith.addi %add3A_464, %iota3A_93 : vector<16xi32>
        %gather3A_466 = tpu.vector_load_idx %arg9[%select_n3A_394, %add3A_465] : memref<32x256xf32, #tpu.memory_space<vmem>>[vector<16xi32>, vector<16xi32>], vector<16xf32>,
        %add3A_467 = arith.constant 16 : i32
        %add3A_468 = vector.broadcast %add3A_467 : i32 to vector<16xi32>
        %add3A_469 = arith.addi %add3A_468, %iota3A_93 : vector<16xi32>
        %gather3A_470 = tpu.vector_load_idx %arg9[%select_n3A_394, %add3A_469] : memref<32x256xf32, #tpu.memory_space<vmem>>[vector<16xi32>, vector<16xi32>], vector<16xf32>,
        %add3A_471 = arith.constant 32 : i32
        %add3A_472 = vector.broadcast %add3A_471 : i32 to vector<16xi32>
        %add3A_473 = arith.addi %add3A_472, %iota3A_93 : vector<16xi32>
        %gather3A_474 = tpu.vector_load_idx %arg9[%select_n3A_394, %add3A_473] : memref<32x256xf32, #tpu.memory_space<vmem>>[vector<16xi32>, vector<16xi32>], vector<16xf32>,
        %add3A_475 = arith.constant 48 : i32
        %add3A_476 = vector.broadcast %add3A_475 : i32 to vector<16xi32>
        %add3A_477 = arith.addi %add3A_476, %iota3A_93 : vector<16xi32>
        %gather3A_478 = tpu.vector_load_idx %arg9[%select_n3A_394, %add3A_477] : memref<32x256xf32, #tpu.memory_space<vmem>>[vector<16xi32>, vector<16xi32>], vector<16xf32>,
        %add3A_479 = arith.constant 64 : i32
        %add3A_480 = vector.broadcast %add3A_479 : i32 to vector<16xi32>
        %add3A_481 = arith.addi %add3A_480, %iota3A_93 : vector<16xi32>
        %gather3A_482 = tpu.vector_load_idx %arg9[%select_n3A_394, %add3A_481] : memref<32x256xf32, #tpu.memory_space<vmem>>[vector<16xi32>, vector<16xi32>], vector<16xf32>,
        %add3A_483 = arith.constant 80 : i32
        %add3A_484 = vector.broadcast %add3A_483 : i32 to vector<16xi32>
        %add3A_485 = arith.addi %add3A_484, %iota3A_93 : vector<16xi32>
        %gather3A_486 = tpu.vector_load_idx %arg9[%select_n3A_394, %add3A_485] : memref<32x256xf32, #tpu.memory_space<vmem>>[vector<16xi32>, vector<16xi32>], vector<16xf32>,
        %add3A_487 = arith.constant 96 : i32
        %add3A_488 = vector.broadcast %add3A_487 : i32 to vector<16xi32>
        %add3A_489 = arith.addi %add3A_488, %iota3A_93 : vector<16xi32>
        %gather3A_490 = tpu.vector_load_idx %arg9[%select_n3A_394, %add3A_489] : memref<32x256xf32, #tpu.memory_space<vmem>>[vector<16xi32>, vector<16xi32>], vector<16xf32>,
        %add3A_491 = arith.constant 112 : i32
        %add3A_492 = vector.broadcast %add3A_491 : i32 to vector<16xi32>
        %add3A_493 = arith.addi %add3A_492, %iota3A_93 : vector<16xi32>
        %gather3A_494 = tpu.vector_load_idx %arg9[%select_n3A_394, %add3A_493] : memref<32x256xf32, #tpu.memory_space<vmem>>[vector<16xi32>, vector<16xi32>], vector<16xf32>,
        %add3A_495 = arith.constant 128 : i32
        %add3A_496 = vector.broadcast %add3A_495 : i32 to vector<16xi32>
        %add3A_497 = arith.addi %add3A_496, %iota3A_93 : vector<16xi32>
        %gather3A_498 = tpu.vector_load_idx %arg9[%select_n3A_394, %add3A_497] : memref<32x256xf32, #tpu.memory_space<vmem>>[vector<16xi32>, vector<16xi32>], vector<16xf32>,
        %add3A_499 = arith.constant 144 : i32
        %add3A_500 = vector.broadcast %add3A_499 : i32 to vector<16xi32>
        %add3A_501 = arith.addi %add3A_500, %iota3A_93 : vector<16xi32>
        %gather3A_502 = tpu.vector_load_idx %arg9[%select_n3A_394, %add3A_501] : memref<32x256xf32, #tpu.memory_space<vmem>>[vector<16xi32>, vector<16xi32>], vector<16xf32>,
        %add3A_503 = arith.constant 160 : i32
        %add3A_504 = vector.broadcast %add3A_503 : i32 to vector<16xi32>
        %add3A_505 = arith.addi %add3A_504, %iota3A_93 : vector<16xi32>
        %gather3A_506 = tpu.vector_load_idx %arg9[%select_n3A_394, %add3A_505] : memref<32x256xf32, #tpu.memory_space<vmem>>[vector<16xi32>, vector<16xi32>], vector<16xf32>,
        %add3A_507 = arith.constant 176 : i32
        %add3A_508 = vector.broadcast %add3A_507 : i32 to vector<16xi32>
        %add3A_509 = arith.addi %add3A_508, %iota3A_93 : vector<16xi32>
        %gather3A_510 = tpu.vector_load_idx %arg9[%select_n3A_394, %add3A_509] : memref<32x256xf32, #tpu.memory_space<vmem>>[vector<16xi32>, vector<16xi32>], vector<16xf32>,
        %add3A_511 = arith.constant 192 : i32
        %add3A_512 = vector.broadcast %add3A_511 : i32 to vector<16xi32>
        %add3A_513 = arith.addi %add3A_512, %iota3A_93 : vector<16xi32>
        %gather3A_514 = tpu.vector_load_idx %arg9[%select_n3A_394, %add3A_513] : memref<32x256xf32, #tpu.memory_space<vmem>>[vector<16xi32>, vector<16xi32>], vector<16xf32>,
        %add3A_515 = arith.constant 208 : i32
        %add3A_516 = vector.broadcast %add3A_515 : i32 to vector<16xi32>
        %add3A_517 = arith.addi %add3A_516, %iota3A_93 : vector<16xi32>
        %gather3A_518 = tpu.vector_load_idx %arg9[%select_n3A_394, %add3A_517] : memref<32x256xf32, #tpu.memory_space<vmem>>[vector<16xi32>, vector<16xi32>], vector<16xf32>,
        %add3A_519 = arith.constant 224 : i32
        %add3A_520 = vector.broadcast %add3A_519 : i32 to vector<16xi32>
        %add3A_521 = arith.addi %add3A_520, %iota3A_93 : vector<16xi32>
        %gather3A_522 = tpu.vector_load_idx %arg9[%select_n3A_394, %add3A_521] : memref<32x256xf32, #tpu.memory_space<vmem>>[vector<16xi32>, vector<16xi32>], vector<16xf32>,
        %add3A_523 = arith.constant 240 : i32
        %add3A_524 = vector.broadcast %add3A_523 : i32 to vector<16xi32>
        %add3A_525 = arith.addi %add3A_524, %iota3A_93 : vector<16xi32>
        %gather3A_526 = tpu.vector_load_idx %arg9[%select_n3A_394, %add3A_525] : memref<32x256xf32, #tpu.memory_space<vmem>>[vector<16xi32>, vector<16xi32>], vector<16xf32>,
        %ge3A_527 = arith.constant 5.000000e-01 : f32
        %ge3A_528 = vector.broadcast %ge3A_527 : f32 to vector<16xf32>
        %ge3A_529 = arith.cmpf oge, %gather3A_466, %ge3A_528 : vector<16xf32>
        %jit3A_530 = arith.constant 0.000000e+00 : f32
        %broadcast_in_dim3A_531 = vector.broadcast %jit3A_530 : f32 to vector<16xf32>
        %select_n3A_532 = arith.select %ge3A_529, %gather3A_402, %broadcast_in_dim3A_531 : vector<16xi1>, vector<16xf32>
        %add3A_533 = arith.constant 0 : i32
        %add3A_534 = vector.broadcast %add3A_533 : i32 to vector<16xi32>
        %add3A_535 = arith.addi %add3A_398, %add3A_534 : vector<16xi32>
        tpu.vector_store_idx %arg11[%add3A_535], %select_n3A_532 : memref<8192xf32, #tpu.memory_space<vmem>>[vector<16xi32>], vector<16xf32>,
        %ge3A_536 = arith.constant 5.000000e-01 : f32
        %ge3A_537 = vector.broadcast %ge3A_536 : f32 to vector<16xf32>
        %ge3A_538 = arith.cmpf oge, %gather3A_470, %ge3A_537 : vector<16xf32>
        %jit3A_539 = arith.constant 0.000000e+00 : f32
        %broadcast_in_dim3A_540 = vector.broadcast %jit3A_539 : f32 to vector<16xf32>
        %select_n3A_541 = arith.select %ge3A_538, %gather3A_406, %broadcast_in_dim3A_540 : vector<16xi1>, vector<16xf32>
        %add3A_542 = arith.constant 512 : i32
        %add3A_543 = vector.broadcast %add3A_542 : i32 to vector<16xi32>
        %add3A_544 = arith.addi %add3A_398, %add3A_543 : vector<16xi32>
        tpu.vector_store_idx %arg11[%add3A_544], %select_n3A_541 : memref<8192xf32, #tpu.memory_space<vmem>>[vector<16xi32>], vector<16xf32>,
        %ge3A_545 = arith.constant 5.000000e-01 : f32
        %ge3A_546 = vector.broadcast %ge3A_545 : f32 to vector<16xf32>
        %ge3A_547 = arith.cmpf oge, %gather3A_474, %ge3A_546 : vector<16xf32>
        %jit3A_548 = arith.constant 0.000000e+00 : f32
        %broadcast_in_dim3A_549 = vector.broadcast %jit3A_548 : f32 to vector<16xf32>
        %select_n3A_550 = arith.select %ge3A_547, %gather3A_410, %broadcast_in_dim3A_549 : vector<16xi1>, vector<16xf32>
        %add3A_551 = arith.constant 1024 : i32
        %add3A_552 = vector.broadcast %add3A_551 : i32 to vector<16xi32>
        %add3A_553 = arith.addi %add3A_398, %add3A_552 : vector<16xi32>
        tpu.vector_store_idx %arg11[%add3A_553], %select_n3A_550 : memref<8192xf32, #tpu.memory_space<vmem>>[vector<16xi32>], vector<16xf32>,
        %ge3A_554 = arith.constant 5.000000e-01 : f32
        %ge3A_555 = vector.broadcast %ge3A_554 : f32 to vector<16xf32>
        %ge3A_556 = arith.cmpf oge, %gather3A_478, %ge3A_555 : vector<16xf32>
        %jit3A_557 = arith.constant 0.000000e+00 : f32
        %broadcast_in_dim3A_558 = vector.broadcast %jit3A_557 : f32 to vector<16xf32>
        %select_n3A_559 = arith.select %ge3A_556, %gather3A_414, %broadcast_in_dim3A_558 : vector<16xi1>, vector<16xf32>
        %add3A_560 = arith.constant 1536 : i32
        %add3A_561 = vector.broadcast %add3A_560 : i32 to vector<16xi32>
        %add3A_562 = arith.addi %add3A_398, %add3A_561 : vector<16xi32>
        tpu.vector_store_idx %arg11[%add3A_562], %select_n3A_559 : memref<8192xf32, #tpu.memory_space<vmem>>[vector<16xi32>], vector<16xf32>,
        %ge3A_563 = arith.constant 5.000000e-01 : f32
        %ge3A_564 = vector.broadcast %ge3A_563 : f32 to vector<16xf32>
        %ge3A_565 = arith.cmpf oge, %gather3A_482, %ge3A_564 : vector<16xf32>
        %jit3A_566 = arith.constant 0.000000e+00 : f32
        %broadcast_in_dim3A_567 = vector.broadcast %jit3A_566 : f32 to vector<16xf32>
        %select_n3A_568 = arith.select %ge3A_565, %gather3A_418, %broadcast_in_dim3A_567 : vector<16xi1>, vector<16xf32>
        %add3A_569 = arith.constant 2048 : i32
        %add3A_570 = vector.broadcast %add3A_569 : i32 to vector<16xi32>
        %add3A_571 = arith.addi %add3A_398, %add3A_570 : vector<16xi32>
        tpu.vector_store_idx %arg11[%add3A_571], %select_n3A_568 : memref<8192xf32, #tpu.memory_space<vmem>>[vector<16xi32>], vector<16xf32>,
        %ge3A_572 = arith.constant 5.000000e-01 : f32
        %ge3A_573 = vector.broadcast %ge3A_572 : f32 to vector<16xf32>
        %ge3A_574 = arith.cmpf oge, %gather3A_486, %ge3A_573 : vector<16xf32>
        %jit3A_575 = arith.constant 0.000000e+00 : f32
        %broadcast_in_dim3A_576 = vector.broadcast %jit3A_575 : f32 to vector<16xf32>
        %select_n3A_577 = arith.select %ge3A_574, %gather3A_422, %broadcast_in_dim3A_576 : vector<16xi1>, vector<16xf32>
        %add3A_578 = arith.constant 2560 : i32
        %add3A_579 = vector.broadcast %add3A_578 : i32 to vector<16xi32>
        %add3A_580 = arith.addi %add3A_398, %add3A_579 : vector<16xi32>
        tpu.vector_store_idx %arg11[%add3A_580], %select_n3A_577 : memref<8192xf32, #tpu.memory_space<vmem>>[vector<16xi32>], vector<16xf32>,
        %ge3A_581 = arith.constant 5.000000e-01 : f32
        %ge3A_582 = vector.broadcast %ge3A_581 : f32 to vector<16xf32>
        %ge3A_583 = arith.cmpf oge, %gather3A_490, %ge3A_582 : vector<16xf32>
        %jit3A_584 = arith.constant 0.000000e+00 : f32
        %broadcast_in_dim3A_585 = vector.broadcast %jit3A_584 : f32 to vector<16xf32>
        %select_n3A_586 = arith.select %ge3A_583, %gather3A_426, %broadcast_in_dim3A_585 : vector<16xi1>, vector<16xf32>
        %add3A_587 = arith.constant 3072 : i32
        %add3A_588 = vector.broadcast %add3A_587 : i32 to vector<16xi32>
        %add3A_589 = arith.addi %add3A_398, %add3A_588 : vector<16xi32>
        tpu.vector_store_idx %arg11[%add3A_589], %select_n3A_586 : memref<8192xf32, #tpu.memory_space<vmem>>[vector<16xi32>], vector<16xf32>,
        %ge3A_590 = arith.constant 5.000000e-01 : f32
        %ge3A_591 = vector.broadcast %ge3A_590 : f32 to vector<16xf32>
        %ge3A_592 = arith.cmpf oge, %gather3A_494, %ge3A_591 : vector<16xf32>
        %jit3A_593 = arith.constant 0.000000e+00 : f32
        %broadcast_in_dim3A_594 = vector.broadcast %jit3A_593 : f32 to vector<16xf32>
        %select_n3A_595 = arith.select %ge3A_592, %gather3A_430, %broadcast_in_dim3A_594 : vector<16xi1>, vector<16xf32>
        %add3A_596 = arith.constant 3584 : i32
        %add3A_597 = vector.broadcast %add3A_596 : i32 to vector<16xi32>
        %add3A_598 = arith.addi %add3A_398, %add3A_597 : vector<16xi32>
        tpu.vector_store_idx %arg11[%add3A_598], %select_n3A_595 : memref<8192xf32, #tpu.memory_space<vmem>>[vector<16xi32>], vector<16xf32>,
        %ge3A_599 = arith.constant 5.000000e-01 : f32
        %ge3A_600 = vector.broadcast %ge3A_599 : f32 to vector<16xf32>
        %ge3A_601 = arith.cmpf oge, %gather3A_498, %ge3A_600 : vector<16xf32>
        %jit3A_602 = arith.constant 0.000000e+00 : f32
        %broadcast_in_dim3A_603 = vector.broadcast %jit3A_602 : f32 to vector<16xf32>
        %select_n3A_604 = arith.select %ge3A_601, %gather3A_434, %broadcast_in_dim3A_603 : vector<16xi1>, vector<16xf32>
        %add3A_605 = arith.constant 4096 : i32
        %add3A_606 = vector.broadcast %add3A_605 : i32 to vector<16xi32>
        %add3A_607 = arith.addi %add3A_398, %add3A_606 : vector<16xi32>
        tpu.vector_store_idx %arg11[%add3A_607], %select_n3A_604 : memref<8192xf32, #tpu.memory_space<vmem>>[vector<16xi32>], vector<16xf32>,
        %ge3A_608 = arith.constant 5.000000e-01 : f32
        %ge3A_609 = vector.broadcast %ge3A_608 : f32 to vector<16xf32>
        %ge3A_610 = arith.cmpf oge, %gather3A_502, %ge3A_609 : vector<16xf32>
        %jit3A_611 = arith.constant 0.000000e+00 : f32
        %broadcast_in_dim3A_612 = vector.broadcast %jit3A_611 : f32 to vector<16xf32>
        %select_n3A_613 = arith.select %ge3A_610, %gather3A_438, %broadcast_in_dim3A_612 : vector<16xi1>, vector<16xf32>
        %add3A_614 = arith.constant 4608 : i32
        %add3A_615 = vector.broadcast %add3A_614 : i32 to vector<16xi32>
        %add3A_616 = arith.addi %add3A_398, %add3A_615 : vector<16xi32>
        tpu.vector_store_idx %arg11[%add3A_616], %select_n3A_613 : memref<8192xf32, #tpu.memory_space<vmem>>[vector<16xi32>], vector<16xf32>,
        %ge3A_617 = arith.constant 5.000000e-01 : f32
        %ge3A_618 = vector.broadcast %ge3A_617 : f32 to vector<16xf32>
        %ge3A_619 = arith.cmpf oge, %gather3A_506, %ge3A_618 : vector<16xf32>
        %jit3A_620 = arith.constant 0.000000e+00 : f32
        %broadcast_in_dim3A_621 = vector.broadcast %jit3A_620 : f32 to vector<16xf32>
        %select_n3A_622 = arith.select %ge3A_619, %gather3A_442, %broadcast_in_dim3A_621 : vector<16xi1>, vector<16xf32>
        %add3A_623 = arith.constant 5120 : i32
        %add3A_624 = vector.broadcast %add3A_623 : i32 to vector<16xi32>
        %add3A_625 = arith.addi %add3A_398, %add3A_624 : vector<16xi32>
        tpu.vector_store_idx %arg11[%add3A_625], %select_n3A_622 : memref<8192xf32, #tpu.memory_space<vmem>>[vector<16xi32>], vector<16xf32>,
        %ge3A_626 = arith.constant 5.000000e-01 : f32
        %ge3A_627 = vector.broadcast %ge3A_626 : f32 to vector<16xf32>
        %ge3A_628 = arith.cmpf oge, %gather3A_510, %ge3A_627 : vector<16xf32>
        %jit3A_629 = arith.constant 0.000000e+00 : f32
        %broadcast_in_dim3A_630 = vector.broadcast %jit3A_629 : f32 to vector<16xf32>
        %select_n3A_631 = arith.select %ge3A_628, %gather3A_446, %broadcast_in_dim3A_630 : vector<16xi1>, vector<16xf32>
        %add3A_632 = arith.constant 5632 : i32
        %add3A_633 = vector.broadcast %add3A_632 : i32 to vector<16xi32>
        %add3A_634 = arith.addi %add3A_398, %add3A_633 : vector<16xi32>
        tpu.vector_store_idx %arg11[%add3A_634], %select_n3A_631 : memref<8192xf32, #tpu.memory_space<vmem>>[vector<16xi32>], vector<16xf32>,
        %ge3A_635 = arith.constant 5.000000e-01 : f32
        %ge3A_636 = vector.broadcast %ge3A_635 : f32 to vector<16xf32>
        %ge3A_637 = arith.cmpf oge, %gather3A_514, %ge3A_636 : vector<16xf32>
        %jit3A_638 = arith.constant 0.000000e+00 : f32
        %broadcast_in_dim3A_639 = vector.broadcast %jit3A_638 : f32 to vector<16xf32>
        %select_n3A_640 = arith.select %ge3A_637, %gather3A_450, %broadcast_in_dim3A_639 : vector<16xi1>, vector<16xf32>
        %add3A_641 = arith.constant 6144 : i32
        %add3A_642 = vector.broadcast %add3A_641 : i32 to vector<16xi32>
        %add3A_643 = arith.addi %add3A_398, %add3A_642 : vector<16xi32>
        tpu.vector_store_idx %arg11[%add3A_643], %select_n3A_640 : memref<8192xf32, #tpu.memory_space<vmem>>[vector<16xi32>], vector<16xf32>,
        %ge3A_644 = arith.constant 5.000000e-01 : f32
        %ge3A_645 = vector.broadcast %ge3A_644 : f32 to vector<16xf32>
        %ge3A_646 = arith.cmpf oge, %gather3A_518, %ge3A_645 : vector<16xf32>
        %jit3A_647 = arith.constant 0.000000e+00 : f32
        %broadcast_in_dim3A_648 = vector.broadcast %jit3A_647 : f32 to vector<16xf32>
        %select_n3A_649 = arith.select %ge3A_646, %gather3A_454, %broadcast_in_dim3A_648 : vector<16xi1>, vector<16xf32>
        %add3A_650 = arith.constant 6656 : i32
        %add3A_651 = vector.broadcast %add3A_650 : i32 to vector<16xi32>
        %add3A_652 = arith.addi %add3A_398, %add3A_651 : vector<16xi32>
        tpu.vector_store_idx %arg11[%add3A_652], %select_n3A_649 : memref<8192xf32, #tpu.memory_space<vmem>>[vector<16xi32>], vector<16xf32>,
        %ge3A_653 = arith.constant 5.000000e-01 : f32
        %ge3A_654 = vector.broadcast %ge3A_653 : f32 to vector<16xf32>
        %ge3A_655 = arith.cmpf oge, %gather3A_522, %ge3A_654 : vector<16xf32>
        %jit3A_656 = arith.constant 0.000000e+00 : f32
        %broadcast_in_dim3A_657 = vector.broadcast %jit3A_656 : f32 to vector<16xf32>
        %select_n3A_658 = arith.select %ge3A_655, %gather3A_458, %broadcast_in_dim3A_657 : vector<16xi1>, vector<16xf32>
        %add3A_659 = arith.constant 7168 : i32
        %add3A_660 = vector.broadcast %add3A_659 : i32 to vector<16xi32>
        %add3A_661 = arith.addi %add3A_398, %add3A_660 : vector<16xi32>
        tpu.vector_store_idx %arg11[%add3A_661], %select_n3A_658 : memref<8192xf32, #tpu.memory_space<vmem>>[vector<16xi32>], vector<16xf32>,
        %ge3A_662 = arith.constant 5.000000e-01 : f32
        %ge3A_663 = vector.broadcast %ge3A_662 : f32 to vector<16xf32>
        %ge3A_664 = arith.cmpf oge, %gather3A_526, %ge3A_663 : vector<16xf32>
        %jit3A_665 = arith.constant 0.000000e+00 : f32
        %broadcast_in_dim3A_666 = vector.broadcast %jit3A_665 : f32 to vector<16xf32>
        %select_n3A_667 = arith.select %ge3A_664, %gather3A_462, %broadcast_in_dim3A_666 : vector<16xi1>, vector<16xf32>
        %add3A_668 = arith.constant 7680 : i32
        %add3A_669 = vector.broadcast %add3A_668 : i32 to vector<16xi32>
        %add3A_670 = arith.addi %add3A_398, %add3A_669 : vector<16xi32>
        tpu.vector_store_idx %arg11[%add3A_670], %select_n3A_667 : memref<8192xf32, #tpu.memory_space<vmem>>[vector<16xi32>], vector<16xf32>,
      }
      %scan3A_99 = arith.constant 32 : i32
      %mul3A_100 = arith.constant 8192 : i32
      %mul3A_101 = arith.muli %add3A_71, %mul3A_100 : i32
      %dma_start3A_102 = tpu.memref_slice %arg5[%mul3A_101] : memref<32000000xf32, #tpu.memory_space<hbm>> -> memref<8192xf32, #tpu.memory_space<hbm>>
      %dma_start3A_103 = tpu.memref_slice %arg5[%mul3A_101] : memref<32000000xf32, #tpu.memory_space<hbm>> -> memref<8192xf32, #tpu.memory_space<hbm>>
      tpu.enqueue_dma source(%arg11 : memref<8192xf32, #tpu.memory_space<vmem>>) target(%dma_start3A_103 : memref<8192xf32, #tpu.memory_space<hbm>>) target_semaphore(%arg16 : memref<!tpu.dma_semaphore, #tpu.memory_space<semaphore_mem>>)
    }
    %scan3A_24 = arith.constant 61 : i32
    %dma_wait3A = arith.constant 0 : i32
    %dma_wait3A_25 = tpu.memref_slice %arg5[%dma_wait3A] : memref<32000000xf32, #tpu.memory_space<hbm>> -> memref<8192xf32, #tpu.memory_space<hbm>>
    %dma_wait3A_26 = arith.constant 0 : i32
    %dma_wait3A_27 = tpu.memref_slice %arg5[%dma_wait3A_26] : memref<32000000xf32, #tpu.memory_space<hbm>> -> memref<8192xf32, #tpu.memory_space<hbm>>
    tpu.wait_dma2 semaphore(%arg15 : memref<!tpu.dma_semaphore, #tpu.memory_space<semaphore_mem>>) src(%arg10 : memref<8192xf32, #tpu.memory_space<vmem>>) dst(%dma_wait3A_27 : memref<8192xf32, #tpu.memory_space<hbm>>)
    %dma_wait3A_28 = arith.constant 0 : i32
    %dma_wait3A_29 = tpu.memref_slice %arg5[%dma_wait3A_28] : memref<32000000xf32, #tpu.memory_space<hbm>> -> memref<8192xf32, #tpu.memory_space<hbm>>
    %dma_wait3A_30 = arith.constant 0 : i32
    %dma_wait3A_31 = tpu.memref_slice %arg5[%dma_wait3A_30] : memref<32000000xf32, #tpu.memory_space<hbm>> -> memref<8192xf32, #tpu.memory_space<hbm>>
    tpu.wait_dma2 semaphore(%arg16 : memref<!tpu.dma_semaphore, #tpu.memory_space<semaphore_mem>>) src(%arg11 : memref<8192xf32, #tpu.memory_space<vmem>>) dst(%dma_wait3A_31 : memref<8192xf32, #tpu.memory_space<hbm>>)
    return
  }
}

</mosaic_0001>

<sc_bundles>
// kernel: kernel.4.cloned.1.call-start
scs
__scs_entry_jumppad:
0x0: {  	(pc) =	sbr.rel $0x88, $3  }
0x1: {  	(tag) =	ssettag $0x0;
	lr =	simm.s32 $0x1  }
0x2: {  	[smem:$0x3F9E] =	sst lr;
	_ =	strace $0xD0000000  }
0x3: {  	_ = 	snop  }
0x4: {  	_ = 	snop  }
0x5: {  	_ = 	snop  }
0x6: {  	_ = 	snop  }
0x7: {  	_ = 	snop  }
__scs_overlays_trampoline_lowered:
0x8: {  	[smem:$0x3FAD] =	sst s0  }
0x9: {  	[smem:$0x3FAE] =	sst s1  }
0xa: {  	[smem:$0x3FAF] =	sst s2  }
0xb: {  	[smem:$0x3FB0] =	sst s3  }
0xc: {  	[smem:$0x3FB1] =	sst s4  }
0xd: {  	[smem:$0x3FB2] =	sst s5  }
0xe: {  	[smem:$0x3FB3] =	sst s6  }
0xf: {  	[smem:$0x3FB4] =	sst s7  }
0x10: {  	[smem:$0x3FB5] =	sst s8  }
0x11: {  	[smem:$0x3FB6] =	sst s9;
	s0 =	simm.s32 @!p0 $0x0  }
0x12: {  	s1 =	sld [smem:$0x3F9C];
	s0 =	simm.s32 @p0 $0x1  }
0x13: {  	[smem:$0x3FB7] =	sst s0;
	s0 =	simm.s32 @!p1 $0x0  }
0x14: {  	s2 =	sld [smem:$0x3F9B];
	s0 =	simm.s32 @p1 $0x1  }
0x15: {  	[smem:$0x3FB8] =	sst s0;
	s0 =	simm.s32 @!p2 $0x0  }
0x16: {  	s3 =	sld [smem:$0x3FDB];
	s0 =	simm.s32 @p2 $0x1  }
0x17: {  	s4 =	simm.s32 $0x1BF5;
	[smem:$0x3FBA] =	sst s0  }
0x18: {  	s0 =	sld [smem:$0x3F9D];
	_ =	swait.ge [sflag:s4], $0x0  }
0x19: {  	s7 =	sld [smem:$0x3F9E]  }
0x1a: {  	s8 =	sadd.s32 $0xFFFFE003, lr  }
0x1b: {  	s9 =	sadd.s32 $0xFFFFFEF7, lr;
	s5 =	simm.s32 $0xFFFFFFFF;
	p2 =	slt.u32 s8, $0xFFFFF086  }
0x1c: {  	p1 =	slt.u32 s9, $0xF7A;
	s5 =	simm.s32 @!p2 $0x0  }
0x1d: {  	s5 =	simm.s32 @p1 $0x1;
	p0 =	seq.s32 s7, s2  }
0x1e: {  	s7 =	smul.u32 @!p0 $0xF7A, s2;
	p2 =	seq.s32 @!p0 s5, $0x0  }
0x1f: {  	s9 =	smul.u32 $0xF7A, s1;
	s8 =	simm.s32 @!p0 $0x1BF5;
	p2 =	por !p2, p0  }
0x20: {  	[sflag:s8] =	ssyncset.s32 @!p0 $0xFFFFF086;
	s6 =	sadd.s32 @!p0 s3, s7;
	s7 =	simm.s32 @!p0 $0x108  }
0x21: {  	s3 =	sadd.s32 s3, s9;
	s6 =	sadd.s32 @!p0 $0x88, s6;
	s7 =	simm.s32 @p2 $0x1082  }
0x22: {  	[simem:s7], [sflag:s8] =	dma.local @!p0 [hbm:s6], $0xF7A  }
0x23: {  	s9 =	sor.u32 $0xD0000000, s2;
	s6 =	simm.s32 $0x108;
	_ =	swait.ge @!p0 [sflag:s8], $0x0  }
0x24: {  	s3 =	sadd.s32 $0x88, s3;
	s6 =	simm.s32 @!p1 $0x1082;
	[sflag:s4] =	ssyncset.s32 $0xFFFFF086  }
0x25: {  	[simem:s6], [sflag:s4] =	dma.local [hbm:s3], $0xF7A  }
0x26: {  	[smem:$0x3F9E] =	sst s1;
	(tag) =	ssettag s2;
	_ =	strace s9  }
0x27: {  	s1 =	sld [smem:$0x3FAE]  }
0x28: {  	s2 =	sld [smem:$0x3FAF]  }
0x29: {  	s4 =	sld [smem:$0x3FB1]  }
0x2a: {  	p0 =	seq.s32 s5, $0x0;
	s5 =	sld [smem:$0x3FB2]  }
0x2b: {  	s6 =	sld [smem:$0x3FB3]  }
0x2c: {  	s7 =	sld [smem:$0x3FB4]  }
0x2d: {  	s3 =	simm.s32 $0x108;
	s8 =	sld [smem:$0x3FB5]  }
0x2e: {  	s3 =	simm.s32 @!p0 $0x1082;
	s9 =	sld [smem:$0x3FB6]  }
0x2f: {  	lr =	sadd.s32 s0, s3;
	s0 =	sld [smem:$0x3FAD]  }
0x30: {  	s3 =	sld [smem:$0x3FB0]  }
0x31: {  	[smem:$0x3FB9] =	sst s10  }
0x32: {  	s10 =	sld [smem:$0x3FB7];
	_ =	sdelay $0x3  }
0x33: {  	p0 =	seq.s32 s10, $0x1;
	s10 =	sld [smem:$0x3FB9];
	_ =	sdelay $0x3  }
0x34: {  	[smem:$0x3FB9] =	sst s10  }
0x35: {  	s10 =	sld [smem:$0x3FB8];
	_ =	sdelay $0x3  }
0x36: {  	p1 =	seq.s32 s10, $0x1;
	s10 =	sld [smem:$0x3FB9];
	_ =	sdelay $0x3  }
0x37: {  	[smem:$0x3FB9] =	sst s10  }
0x38: {  	s10 =	sld [smem:$0x3FBA]  }
0x39: {  	_ = 	snop;
	(pc) =	sbr.ind lr, $3  }
0x3a: {  	_ = 	snop  }
0x3b: {  	_ = 	snop  }
0x3c: {  	p2 =	seq.s32 s10, $0x1;
	s10 =	sld [smem:$0x3FB9]  }
0x3d: {  	_ =	shalt  }
0x3e: {  	_ =	shalt  }
0x3f: {  	_ =	shalt  }
0x40: {  	_ =	shalt  }
0x41: {  	_ =	shalt  }
0x42: {  	_ =	shalt  }
0x43: {  	_ =	shalt  }
0x44: {  	_ =	shalt  }
0x45: {  	_ =	shalt  }
0x46: {  	_ =	shalt  }
0x47: {  	_ =	shalt  }
0x48: {  	_ =	shalt  }
0x49: {  	_ =	shalt  }
0x4a: {  	_ =	shalt  }
0x4b: {  	_ =	shalt  }
0x4c: {  	_ =	shalt  }
0x4d: {  	_ =	shalt  }
0x4e: {  	_ =	shalt  }
0x4f: {  	_ =	shalt  }
0x50: {  	_ =	shalt  }
0x51: {  	_ =	shalt  }
0x52: {  	_ =	shalt  }
0x53: {  	_ =	shalt  }
0x54: {  	_ =	shalt  }
0x55: {  	_ =	shalt  }
0x56: {  	_ =	shalt  }
0x57: {  	_ =	shalt  }
0x58: {  	_ =	shalt  }
0x59: {  	_ =	shalt  }
0x5a: {  	_ =	shalt  }
0x5b: {  	_ =	shalt  }
0x5c: {  	_ =	shalt  }
0x5d: {  	_ =	shalt  }
0x5e: {  	_ =	shalt  }
0x5f: {  	_ =	shalt  }
0x60: {  	_ =	shalt  }
0x61: {  	_ =	shalt  }
0x62: {  	_ =	shalt  }
0x63: {  	_ =	shalt  }
0x64: {  	_ =	shalt  }
0x65: {  	_ =	shalt  }
0x66: {  	_ =	shalt  }
0x67: {  	_ =	shalt  }
0x68: {  	_ =	shalt  }
0x69: {  	_ =	shalt  }
0x6a: {  	_ =	shalt  }
0x6b: {  	_ =	shalt  }
0x6c: {  	_ =	shalt  }
0x6d: {  	_ =	shalt  }
0x6e: {  	_ =	shalt  }
0x6f: {  	_ =	shalt  }
0x70: {  	_ =	shalt  }
0x71: {  	_ =	shalt  }
0x72: {  	_ =	shalt  }
0x73: {  	_ =	shalt  }
0x74: {  	_ =	shalt  }
0x75: {  	_ =	shalt  }
0x76: {  	_ =	shalt  }
0x77: {  	_ =	shalt  }
0x78: {  	_ =	shalt  }
0x79: {  	_ =	shalt  }
0x7a: {  	_ =	shalt  }
0x7b: {  	_ =	shalt  }
0x7c: {  	_ =	shalt  }
0x7d: {  	_ =	shalt  }
0x7e: {  	_ =	shalt  }
0x7f: {  	_ =	shalt  }
0x80: {  	_ =	shalt  }
0x81: {  	_ =	shalt  }
0x82: {  	_ =	shalt  }
0x83: {  	_ =	shalt  }
0x84: {  	_ =	shalt  }
0x85: {  	_ =	shalt  }
0x86: {  	_ =	shalt  }
0x87: {  	_ =	shalt  }
.Lfunc_end0:
.L_simem_size_0:
called_computation_lowered:
.L_overlay_start_0:
0x88: {  	s2 =	sld [smem:$0x3FD9]  }
0x89: {  	s3 =	sld [smem:$0x3FFE];
	_ =	sdelay $0x1  }
0x8a: {  	s1 =	srdreg.scid  }
0x8b: {  	s0 =	sand.u32 $0x1, s1  }
0x8c: {  	s17 =	sshll.u32 s0, $0xA;
	s2 =	sadd.s32 s3, s2  }
0x8d: {  	s2 =	sadd.s32 s2, s17  }
0x8e: {  	[smem:$0x3FC5] =	sst s2  }
0x8f: {  	_ = 	snop  }
0x90: {  	s2 =	sld [smem:$0x3FC8]  }
0x91: {  	s18 =	sld [smem:$0x3FC7]  }
0x92: {  	s4 =	sld [smem:$0x3FD0];
	(tm) =	ssettm $0x1  }
0x93: {  	s5 =	sld [smem:$0x3FFB];
	_ =	sdelay $0x3  }
0x94: {  	_ =	strace s5  }
0x95: {  	s5 =	sld [smem:$0x3FFC];
	_ =	sdelay $0x3  }
0x96: {  	_ =	strace s5  }
0x97: {  	s5 =	sld [smem:$0x3FFD];
	_ =	sdelay $0x3  }
0x98: {  	_ =	strace s5  }
0x99: {  	_ =	strace $0x8FFFFFFF  }
0x9a: {  	s19 =	sld [smem:$0x3FDB];
	_ =	sdelay $0x1  }
0x9b: {  	s6 =	simm.s32 $_scs_section_size  }
0x9c: {  	s7 =	simm.s32 $_size__tile_overlayer_lowered;
	s8 =	simm.s32 $_tile_overlayer_lowered  }
0x9d: {  	s22 =	simm.s32 $0x1BFF;
	s21 =	sshll.u32 s8, $0x1;
	s5 =	sadd.s32 s6, s19  }
0x9e: {  	s9 =	simm.s32 $0x0;
	s20 =	sshll.u32 s7, $0x1;
	s7 =	sadd.s32 s21, s5  }
0x9f: {  	[timem:s9], [sflag:s22] =	dma.local [hbm:s7], s20  }
0xa0: {  	_ =	swait.ge [sflag:s22], s20  }
0xa1: {  	s6 =	ssub.s32 $0x0, s20;
	[sflag:s22] =	ssyncset.done $0x0  }
0xa2: {  	[sflag:s22] =	ssyncadd.s32 s6;
	_ =	sdelay $0x1  }
0xa3: {  	s23 =	simm.s32 $0x1B8B  }
0xa4: {  	_ =	swait.ge [sflag:s23], $0x1  }
0xa5: {  	[sflag:s23] =	ssyncset.done $0x0  }
0xa6: {  	s25 =	simm.s32 $0x1B8E;
	s24 =	sld [smem:$0x3FFE];
	[sflag:s23] =	ssyncadd.s32 $0xFFFFFFFF  }
0xa7: {  	s26 =	simm.s32 $execute0_lowered;
	[smem:$0x3FD2] =	sst s25  }
0xa8: {  	s7 =	sshll.u32 s26, $0x1;
	_ =	strace $0x80000046;
	[dreg:$0x1] =	wrdreg $0xFFFFFFFF  }
0xa9: {  	s28 =	simm.s32 $_size_execute0_lowered;
	s5 =	sadd.s32 s5, s7;
	[dreg:$0x0] =	wrdreg $0x0  }
0xaa: {  	s7 =	sshll.u32 s28, $0x1;
	[dreg:$0x2] =	wrdreg s5  }
0xab: {  	[dreg:$0x3] =	wrdreg s7  }
0xac: {  	[dreg:$0x4] =	wrdreg $0xC0  }
0xad: {  	_ =	task [dreg:s9], $0x5FFFF  }
0xae: {  	[dreg:$0x1] =	wrdreg $0xFFFFFFFF  }
0xaf: {  	[dreg:$0x0] =	wrdreg $0x60  }
0xb0: {  	[dreg:$0x2] =	wrdreg s2  }
0xb1: {  	[dreg:$0x3] =	wrdreg s18  }
0xb2: {  	[dreg:$0x4] =	wrdreg s4  }
0xb3: {  	[dreg:$0x5] =	wrdreg s24  }
0xb4: {  	[dreg:$0x6] =	wrdreg $0x9  }
0xb5: {  	_ =	task.clear_ibuf [dreg:s9], $0x7FFFF;
	_ =	strace $0x90000046  }
0xb6: {  	s29 =	simm.s32 $0x9;
	_ =	strace $0x80000048  }
0xb7: {  	_ =	swait.ge [sflag:s29], $0x1  }
0xb8: {  	[sflag:s29] =	ssyncadd.s32 $0xFFFFFFFF  }
0xb9: {  	_ =	strace $0x90000048  }
0xba: {  	_ =	sfence  }
0xbb: {  	s30 =	sld [smem:$0x0];
	_ =	sdelay $0x2  }
0xbc: {  	s31 =	sshll.u32 s1, $0xD;
	s1 =	sshrl.u32 s1, $0x2  }
0xbd: {  	s3 =	sand.u32 $0x4000, s31;
	s1 =	sadd.s32 s1, s30  }
0xbe: {  	s0 =	sor.u32 s3, s0;
	s1 =	sshll.u32 s1, $0x11  }
0xbf: {  	s0 =	sor.u32 s1, s0  }
0xc0: {  	s0 =	sadd.s32 $0x8F2B, s0  }
0xc1: {  	[sflag:s0] =	ssyncadd.remote.s32 $0x1  }
0xc2: {  	_ =	sfence.sel $0xFFFF  }
0xc3: {  	[dreg:$0x0] =	wrdreg $0xFFFFFFFF;
	(pc) =	sbr.abs _section_cstart, $3  }
0xc4: {  	[dreg:$0x1] =	wrdreg $0xFFFFFFFF  }
0xc5: {  	_ =	task.clear_ibuf [dreg:s9], $0x2FFFF;
	_ =	strace $0x9FFFFFFF  }
0xc6: {  	(tm) =	ssettm $0x7FFFFFFF  }
0xc7: {  	_ =	shalt  }
tec
execute0_lowered:
.L_overlay_start_1:
0x0: {  	(tag) =	ssettag $0x1  }
0x1: {  	s1 =	rddreg [dreg:$0x0]  }
0x2: {  	s2 =	rddreg [dreg:$0x1];
	s4 =	simm.s32 $0x0;
	v3 =	vlaneseq.u32  }
0x3: {  	[smem:$0x7FF] =	sst s4;
	v1 =	vor.u32 $0x10, v3  }
0x4: {  	s0 =	rddreg [dreg:$0x3];
	v2 =	vor.u32 $0x20, v3;
	_ =	strace $0x80000047;
	[tilespmem:$0x1FE20] =	vst v1  }
0x5: {  	v5 =	vor.u32 $0x30, v3;
	[tilespmem:$0x1FE30] =	vst v2  }
0x6: {  	v6 =	vor.u32 $0x40, v3;
	[tilespmem:$0x1FE40] =	vst v5  }
0x7: {  	v7 =	vor.u32 $0x50, v3;
	[tilespmem:$0x1FE50] =	vst v6  }
0x8: {  	v8 =	vor.u32 $0x60, v3;
	[tilespmem:$0x1FE60] =	vst v7  }
0x9: {  	v9 =	vor.u32 $0x70, v3;
	[tilespmem:$0x1FE70] =	vst v8  }
0xa: {  	v10 =	vor.u32 $0x400, v3;
	[tilespmem:$0x1FE80] =	vst v9  }
0xb: {  	v11 =	vor.u32 $0x410, v3;
	[tilespmem:$0x1FE90] =	vst v10  }
0xc: {  	v12 =	vor.u32 $0x420, v3;
	[tilespmem:$0x1FEA0] =	vst v11  }
0xd: {  	v13 =	vor.u32 $0x430, v3;
	[tilespmem:$0x1FEB0] =	vst v12  }
0xe: {  	v14 =	vor.u32 $0x440, v3;
	[tilespmem:$0x1FEC0] =	vst v13  }
0xf: {  	v15 =	vor.u32 $0x450, v3;
	[tilespmem:$0x1FED0] =	vst v14  }
0x10: {  	v16 =	vor.u32 $0x460, v3;
	[tilespmem:$0x1FEE0] =	vst v15  }
0x11: {  	v0 =	vmul.u32 $0x20, v3;
	v17 =	vor.u32 $0x470, v3;
	[tilespmem:$0x1FEF0] =	vst v16  }
0x12: {  	[tilespmem:$0x1FF00] =	vst v17  }
0x13: {  	v18 =	vor.u32 $0x200, v0;
	[tilespmem:$0x1FE10] =	vst v0  }
0x14: {  	v19 =	vor.u32 $0x400, v0;
	[tilespmem:$0x1FF10] =	vst v18  }
0x15: {  	s5 =	srdreg.scid;
	s7 =	stileid.u32;
	v20 =	vor.u32 $0x600, v0;
	[tilespmem:$0x1FF20] =	vst v19  }
0x16: {  	s17 =	simm.s32 $0x800;
	s18 =	simm.s32 $0x7A1400;
	s19 =	simm.s32 $0x4000;
	v21 =	vor.u32 $0xA00, v0;
	[tilespmem:$0x1FF30] =	vst v20  }
0x17: {  	s20 =	simm.s32 $0x1;
	s21 =	simm.s32 $0x8000;
	s22 =	simm.s32 $0x3;
	v22 =	vor.u32 $0xC00, v0;
	[tilespmem:$0x1FF40] =	vst v21  }
0x18: {  	s24 =	simm.s32 $0x6000;
	s28 =	simm.s32 $0x4;
	s29 =	simm.s32 $0x0;
	v23 =	vor.u32 $0xE00, v0;
	[tilespmem:$0x1FF50] =	vst v22  }
0x19: {  	s8 =	sand.u32 $0x1, s5;
	s9 =	sshll.u32 s7, $0x1;
	s5 =	sadd.s32 $0xA00, s0;
	v24 =	vor.u32 $0x1200, v0;
	[tilespmem:$0x1FF60] =	vst v23  }
0x1a: {  	s15 =	sadd.s32 $0xE00, s0;
	p0 =	sne.s32 s7, $0x0;
	s6 =	ssub.s32 $0x2, s8;
	v25 =	vor.u32 $0x1000, v0;
	[tilespmem:$0x1FF70] =	vst v24  }
0x1b: {  	s23 =	sor.u32 s8, s9;
	s8 =	sor.u32 $0xF40, s8;
	s10 =	sshrl.u32 s6, $0x1;
	v26 =	vor.u32 $0x800, v0;
	[tilespmem:$0x1FF80] =	vst v25  }
0x1c: {  	s25 =	sshll.u32 s8, $0x8;
	s26 =	sshll.u32 s8, $0xA;
	s12 =	smul.u32 $0x7A00, s23;
	v27 =	vor.u32 $0x1600, v0;
	[tilespmem:$0x1FF90] =	vst v26  }
0x1d: {  	p1 =	sne.s32 s23, $0x2;
	v28 =	vor.u32 $0x1400, v0;
	s16 =	ssub.s32 s6, s10;
	s6 =	smul.u32 $0x7A, s23;
	[tilespmem:$0x1FFA0] =	vst v27  }
0x1e: {  	v29 =	vor.u32 $0x1800, v0;
	s3 =	sadd.s32 s1, s25;
	s30 =	sadd.s32 s2, s25;
	s31 =	sadd.s32 s5, s26;
	[tilespmem:$0x1FFB0] =	vst v28  }
0x1f: {  	v30 =	vor.u32 $0x1A00, v0;
	s10 =	sadd.s32 $0x3D1200, s0;
	s23 =	simm.s32 $0x2000;
	[tilespmem:$0x1FFC0] =	vst v29;
	[dreg:$0x5] =	wrdreg s3  }
0x20: {  	v31 =	vor.u32 $0x1E00, v0;
	s25 =	simm.s32 $0x2;
	s26 =	simm.s32 $0xA000;
	[tilespmem:$0x1FFD0] =	vst v30;
	[dreg:$0x6] =	wrdreg s30  }
0x21: {  	v32 =	vor.u32 $0x1C00, v0;
	[tilespmem:$0x1FFE0] =	vst v31;
	[dreg:$0x7] =	wrdreg s31;
	s11 =	sadd.s32 s1, s12;
	s12 =	sadd.s32 s2, s12  }
0x22: {  	v4 =	vor.u32 $0xFFFFFFE0, v3;
	[tilespmem:$0x1FFF0] =	vst v32;
	s16 =	smax.u32 s16, $0x1;
	s13 =	sor.u32 $0x1, s6;
	s14 =	sadd.s32 $0x2, s6  }
.LBB2_1:
.Ltmp0:
0x23: {  	(pc) =	sbr.rel @p0 .LBB2_5-.Ltmp0, $1  }
0x24: {  	_ =	sdelay $0x3  }
0x25: {  	s0 =	simm.s32 $0x0;
	s3 =	rddreg [dreg:$0x5]  }
0x26: {  	[tilespmem:s0], [sflag:$0x1] =	stream.strided.gather [hbm4b:s3+s17], $0x2000, s18, s17, $0x38;
	[tilespmem:$0xC800] =	vst v63  }
0x27: {  	s31 =	rddreg [dreg:$0x6]  }
0x28: {  	[tilespmem:s19], [sflag:$0x1] =	stream.strided.gather [hbm4b:s31+s17], $0x2000, s18, s17, $0x38;
	[tilespmem:$0xC800] =	vst v63  }
0x29: {  	_ =	swait.ge [sflag:s20], $0x2000  }
0x2a: {  	[sflag:s20] =	ssyncset.done $0x0  }
0x2b: {  	[sflag:s20] =	ssyncadd.s32 $0xFFFFE000  }
0x2c: {  	_ =	swait.ge [sflag:s20], $0x2000  }
0x2d: {  	[sflag:s20] =	ssyncset.done $0x0  }
0x2e: {  	[sflag:s20] =	ssyncadd.s32 $0xFFFFE000  }
.LBB2_3:
0x2f: {  	v33 =	vadd.s32 s0, v3  }
0x30: {  	v34 =	vadd.s32 s0, v4;
	vm0 =	vlt.u32 v33, $0x20  }
0x31: {  	v33 =	vsel vm0, v33, v34  }
0x32: {  	v34 =	vshll.u32 v33, $0x8;
	v35 =	vshll.u32 v33, $0x7  }
0x33: {  	v34 =	vand.u32 $0xFFFFF800, v34;
	v35 =	vand.u32 $0x380, v35  }
0x34: {  	v34 =	vor.u32 v35, v34  }
0x35: {  	v35 =	vor.u32 v3, v34  }
0x36: {  	v36 =	vor.u32 v1, v34  }
0x37: {  	v37 =	vor.u32 v2, v34  }
0x38: {  	v38 =	vor.u32 v5, v34  }
0x39: {  	v39 =	vor.u32 v6, v34  }
0x3a: {  	v41 =	vor.u32 v7, v34;
	v42 =	vld.idx.msk [tilespmem:v35+s4+$0x0], $0xffff  }
0x3b: {  	v43 =	vor.u32 v8, v34;
	v46 =	vld.idx.msk [tilespmem:v36+s4+$0x0], $0xffff  }
0x3c: {  	v45 =	vor.u32 v9, v34;
	v44 =	vld.idx.msk [tilespmem:v37+s4+$0x0], $0xffff  }
0x3d: {  	v47 =	vor.u32 v10, v34;
	v50 =	vld.idx.msk [tilespmem:v38+s4+$0x0], $0xffff  }
0x3e: {  	v49 =	vor.u32 v11, v34;
	v48 =	vld.idx.msk [tilespmem:v39+s4+$0x0], $0xffff  }
0x3f: {  	v51 =	vor.u32 v12, v34;
	v54 =	vld.idx.msk [tilespmem:v41+s4+$0x0], $0xffff  }
0x40: {  	v57 =	vor.u32 v15, v34;
	v52 =	vld.idx.msk [tilespmem:v43+s4+$0x0], $0xffff  }
0x41: {  	v53 =	vor.u32 v13, v34;
	v58 =	vld.idx.msk [tilespmem:v45+s4+$0x0], $0xffff  }
0x42: {  	v55 =	vor.u32 v14, v34;
	v56 =	vld.idx.msk [tilespmem:v47+s4+$0x0], $0xffff  }
0x43: {  	v61 =	vld.idx.msk [tilespmem:v49+s4+$0x0], $0xffff  }
0x44: {  	v60 =	vld.idx.msk [tilespmem:v51+s4+$0x0], $0xffff  }
0x45: {  	v59 =	vor.u32 v16, v34;
	v40 =	vld.idx.msk [tilespmem:v57+s4+$0x0], $0xffff  }
0x46: {  	v62 =	vld.idx.msk [tilespmem:v53+s4+$0x0], $0xffff  }
0x47: {  	v63 =	vld.idx.msk [tilespmem:v55+s4+$0x0], $0xffff  }
0x48: {  	v35 =	vld.idx.msk [tilespmem:v35+s19+$0x0], $0xffff  }
0x49: {  	v36 =	vld.idx.msk [tilespmem:v36+s19+$0x0], $0xffff  }
0x4a: {  	v34 =	vor.u32 v17, v34;
	[tilespmem:$0x1FD90] =	vst v40;
	v40 =	vld.idx.msk [tilespmem:v59+s4+$0x0], $0xffff  }
0x4b: {  	v37 =	vld.idx.msk [tilespmem:v37+s19+$0x0], $0xffff  }
0x4c: {  	v38 =	vld.idx.msk [tilespmem:v38+s19+$0x0], $0xffff  }
0x4d: {  	v39 =	vld.idx.msk [tilespmem:v39+s19+$0x0], $0xffff  }
0x4e: {  	v41 =	vld.idx.msk [tilespmem:v41+s19+$0x0], $0xffff  }
0x4f: {  	[tilespmem:$0x1FDA0] =	vst v40;
	v40 =	vld.idx.msk [tilespmem:v34+s4+$0x0], $0xffff  }
0x50: {  	v43 =	vld.idx.msk [tilespmem:v43+s19+$0x0], $0xffff  }
0x51: {  	v45 =	vld.idx.msk [tilespmem:v45+s19+$0x0], $0xffff  }
0x52: {  	v47 =	vld.idx.msk [tilespmem:v47+s19+$0x0], $0xffff  }
0x53: {  	v49 =	vld.idx.msk [tilespmem:v49+s19+$0x0], $0xffff  }
0x54: {  	v51 =	vld.idx.msk [tilespmem:v51+s19+$0x0], $0xffff;
	vm8 =	vge.f32 v35, $5.000000000e-01;
	vm9 =	vge.f32 v36, $5.000000000e-01;
	[tilespmem:$0x1FDB0] =	vst v40;
	v40 =	vadd.s32 v0, v33  }
0x55: {  	v35 =	vld.idx.msk [tilespmem:v53+s19+$0x0], $0xffff;
	vm1 =	vge.f32 v37, $5.000000000e-01;
	v37 =	vnsel vm9, $0x0, v46;
	v46 =	vadd.s32 v18, v33  }
0x56: {  	v36 =	vld.idx.msk [tilespmem:v55+s19+$0x0], $0xffff;
	v55 =	vadd.s32 v19, v33;
	vm10 =	vge.f32 v38, $5.000000000e-01;
	vm11 =	vge.f32 v39, $5.000000000e-01  }
0x57: {  	v53 =	vld.idx.msk [tilespmem:v57+s19+$0x0], $0xffff;
	v57 =	vadd.s32 v26, v33;
	v39 =	vnsel vm10, $0x0, v50;
	v50 =	vadd.s32 v20, v33  }
0x58: {  	v38 =	vld.idx.msk [tilespmem:v59+s19+$0x0], $0xffff;
	vm12 =	vge.f32 v41, $5.000000000e-01;
	vm13 =	vge.f32 v43, $5.000000000e-01;
	v42 =	vnsel vm8, $0x0, v42  }
0x59: {  	v41 =	vadd.s32 v21, v33;
	vm14 =	vge.f32 v45, $5.000000000e-01;
	vm15 =	vge.f32 v47, $5.000000000e-01;
	v34 =	vld.idx.msk [tilespmem:v34+s19+$0x0], $0xffff;
	[tilespmem:v40+s21+$0x0] =	vst.idx.msk $0xffff, v42  }
0x5a: {  	v44 =	vnsel vm1, $0x0, v44;
	v40 =	vnsel vm12, $0x0, v54;
	v54 =	vadd.s32 v22, v33;
	[tilespmem:v46+s21+$0x0] =	vst.idx.msk $0xffff, v37  }
0x5b: {  	v59 =	vadd.s32 v25, v33;
	vm4 =	vge.f32 v49, $5.000000000e-01;
	[tilespmem:v55+s21+$0x0] =	vst.idx.msk $0xffff, v44;
	v44 =	vadd.s32 v23, v33  }
0x5c: {  	vm5 =	vge.f32 v51, $5.000000000e-01;
	v47 =	vadd.s32 v24, v33;
	v48 =	vnsel vm11, $0x0, v48;
	[tilespmem:v50+s21+$0x0] =	vst.idx.msk $0xffff, v39  }
0x5d: {  	s7 =	sadd.s32 $0x1, s0;
	v51 =	vadd.s32 v28, v33;
	v43 =	vnsel vm14, $0x0, v58;
	v58 =	vnsel vm15, $0x0, v56;
	[tilespmem:v57+s21+$0x0] =	vst.idx.msk $0xffff, v48  }
0x5e: {  	vm6 =	vge.f32 v35, $5.000000000e-01;
	v42 =	vnsel vm13, $0x0, v52;
	v52 =	vadd.s32 s7, v3;
	[tilespmem:v41+s21+$0x0] =	vst.idx.msk $0xffff, v40  }
0x5f: {  	vm8 =	vge.f32 v36, $5.000000000e-01;
	vm7 =	vlt.u32 v52, $0x20;
	v55 =	vadd.s32 s7, v4;
	[tilespmem:v54+s21+$0x0] =	vst.idx.msk $0xffff, v42  }
0x60: {  	v56 =	vnsel vm6, $0x0, v62;
	v46 =	vnsel vm4, $0x0, v61;
	v35 =	vsel vm7, v52, v55;
	[tilespmem:v44+s21+$0x0] =	vst.idx.msk $0xffff, v43  }
0x61: {  	v61 =	vnsel vm5, $0x0, v60;
	v41 =	vshll.u32 v35, $0x8;
	v54 =	vadd.s32 v27, v33;
	[tilespmem:v59+s21+$0x0] =	vst.idx.msk $0xffff, v58  }
0x62: {  	v62 =	vld [tilespmem:$0x1FD90];
	v57 =	vadd.s32 v29, v33;
	v41 =	vand.u32 $0xFFFFF800, v41;
	v59 =	vshll.u32 v35, $0x7;
	[tilespmem:v47+s21+$0x0] =	vst.idx.msk $0xffff, v46  }
0x63: {  	v58 =	vadd.s32 v30, v33;
	v44 =	vand.u32 $0x380, v59;
	[tilespmem:v51+s21+$0x0] =	vst.idx.msk $0xffff, v61;
	v61 =	vnsel vm8, $0x0, v63;
	v63 =	vld [tilespmem:$0x1FDA0]  }
0x64: {  	v60 =	vadd.s32 v32, v33;
	v36 =	vor.u32 v44, v41;
	v41 =	vld [tilespmem:$0x1FDB0]  }
0x65: {  	v33 =	vadd.s32 v31, v33  }
0x66: {  	vm9 =	vge.f32 v53, $5.000000000e-01;
	[tilespmem:v54+s21+$0x0] =	vst.idx.msk $0xffff, v56;
	v40 =	vor.u32 v3, v36  }
0x67: {  	vm10 =	vge.f32 v38, $5.000000000e-01;
	v37 =	vnsel vm9, $0x0, v62;
	v38 =	vor.u32 v1, v36;
	[tilespmem:v57+s21+$0x0] =	vst.idx.msk $0xffff, v61  }
0x68: {  	vm11 =	vge.f32 v34, $5.000000000e-01;
	v34 =	vor.u32 v2, v36;
	[tilespmem:v58+s21+$0x0] =	vst.idx.msk $0xffff, v37;
	v37 =	vnsel vm10, $0x0, v63  }
0x69: {  	v39 =	vor.u32 v5, v36;
	[tilespmem:v60+s21+$0x0] =	vst.idx.msk $0xffff, v37;
	v37 =	vnsel vm11, $0x0, v41  }
0x6a: {  	v43 =	vor.u32 v8, v36;
	[tilespmem:v33+s21+$0x0] =	vst.idx.msk $0xffff, v37  }
0x6b: {  	v45 =	vor.u32 v9, v36;
	v46 =	vld.idx.msk [tilespmem:v40+s4+$0x0], $0xffff  }
0x6c: {  	v47 =	vor.u32 v10, v36;
	v48 =	vld.idx.msk [tilespmem:v38+s4+$0x0], $0xffff  }
0x6d: {  	v49 =	vor.u32 v11, v36;
	v50 =	vld.idx.msk [tilespmem:v34+s4+$0x0], $0xffff  }
0x6e: {  	v51 =	vor.u32 v12, v36;
	v52 =	vld.idx.msk [tilespmem:v39+s4+$0x0], $0xffff  }
0x6f: {  	v53 =	vor.u32 v13, v36;
	v58 =	vld.idx.msk [tilespmem:v43+s4+$0x0], $0xffff  }
0x70: {  	v55 =	vor.u32 v14, v36;
	v60 =	vld.idx.msk [tilespmem:v45+s4+$0x0], $0xffff  }
0x71: {  	v57 =	vor.u32 v15, v36;
	v61 =	vld.idx.msk [tilespmem:v47+s4+$0x0], $0xffff  }
0x72: {  	v62 =	vld.idx.msk [tilespmem:v49+s4+$0x0], $0xffff  }
0x73: {  	v63 =	vld.idx.msk [tilespmem:v51+s4+$0x0], $0xffff  }
0x74: {  	v37 =	vld.idx.msk [tilespmem:v53+s4+$0x0], $0xffff  }
0x75: {  	v42 =	vld.idx.msk [tilespmem:v55+s4+$0x0], $0xffff  }
0x76: {  	v44 =	vld.idx.msk [tilespmem:v57+s4+$0x0], $0xffff  }
0x77: {  	v40 =	vld.idx.msk [tilespmem:v40+s19+$0x0], $0xffff  }
0x78: {  	v38 =	vld.idx.msk [tilespmem:v38+s19+$0x0], $0xffff  }
0x79: {  	v39 =	vld.idx.msk [tilespmem:v39+s19+$0x0], $0xffff  }
0x7a: {  	v59 =	vor.u32 v16, v36;
	v43 =	vld.idx.msk [tilespmem:v43+s19+$0x0], $0xffff  }
0x7b: {  	v41 =	vor.u32 v7, v36;
	v33 =	vor.u32 v6, v36;
	v36 =	vor.u32 v17, v36;
	v45 =	vld.idx.msk [tilespmem:v45+s19+$0x0], $0xffff  }
0x7c: {  	v47 =	vld.idx.msk [tilespmem:v47+s19+$0x0], $0xffff  }
0x7d: {  	v49 =	vld.idx.msk [tilespmem:v49+s19+$0x0], $0xffff  }
0x7e: {  	v51 =	vld.idx.msk [tilespmem:v51+s19+$0x0], $0xffff  }
0x7f: {  	[tilespmem:$0x1FDD0] =	vst v42;
	v42 =	vld.idx.msk [tilespmem:v59+s4+$0x0], $0xffff  }
0x80: {  	[tilespmem:$0x1FDE0] =	vst v44;
	v44 =	vld.idx.msk [tilespmem:v36+s4+$0x0], $0xffff  }
0x81: {  	v53 =	vld.idx.msk [tilespmem:v53+s19+$0x0], $0xffff  }
0x82: {  	v55 =	vld.idx.msk [tilespmem:v55+s19+$0x0], $0xffff  }
0x83: {  	v54 =	vld.idx.msk [tilespmem:v33+s4+$0x0], $0xffff  }
0x84: {  	[tilespmem:$0x1FDF0] =	vst v42;
	v42 =	vld.idx.msk [tilespmem:v34+s19+$0x0], $0xffff  }
0x85: {  	[tilespmem:$0x1FE00] =	vst v44;
	v44 =	vld.idx.msk [tilespmem:v33+s19+$0x0], $0xffff;
	v33 =	vadd.s32 v0, v35  }
0x86: {  	v57 =	vld.idx.msk [tilespmem:v57+s19+$0x0], $0xffff;
	v34 =	vadd.s32 v18, v35  }
0x87: {  	v56 =	vld.idx.msk [tilespmem:v41+s4+$0x0], $0xffff;
	[tilespmem:$0x1FDC0] =	vst v37;
	v37 =	vadd.s32 v19, v35  }
0x88: {  	v41 =	vld.idx.msk [tilespmem:v41+s19+$0x0], $0xffff;
	vm12 =	vge.f32 v40, $5.000000000e-01;
	v40 =	vadd.s32 v20, v35  }
0x89: {  	v59 =	vld.idx.msk [tilespmem:v59+s19+$0x0], $0xffff;
	vm13 =	vge.f32 v38, $5.000000000e-01;
	v38 =	vadd.s32 v26, v35;
	v46 =	vnsel vm12, $0x0, v46  }
0x8a: {  	v36 =	vld.idx.msk [tilespmem:v36+s19+$0x0], $0xffff;
	v48 =	vnsel vm13, $0x0, v48;
	[tilespmem:v33+s21+$0x0] =	vst.idx.msk $0xffff, v46;
	vm14 =	vge.f32 v42, $5.000000000e-01;
	v42 =	vadd.s32 v21, v35  }
0x8b: {  	vm15 =	vge.f32 v39, $5.000000000e-01;
	[tilespmem:v34+s21+$0x0] =	vst.idx.msk $0xffff, v48;
	v50 =	vnsel vm14, $0x0, v50;
	v34 =	vadd.s32 v22, v35  }
0x8c: {  	v46 =	vnsel vm15, $0x0, v52;
	vm4 =	vge.f32 v44, $5.000000000e-01;
	v48 =	vadd.s32 v23, v35;
	[tilespmem:v37+s21+$0x0] =	vst.idx.msk $0xffff, v50  }
0x8d: {  	vm5 =	vge.f32 v41, $5.000000000e-01;
	v52 =	vadd.s32 v25, v35;
	v50 =	vnsel vm4, $0x0, v54;
	[tilespmem:v40+s21+$0x0] =	vst.idx.msk $0xffff, v46  }
0x8e: {  	vm6 =	vge.f32 v43, $5.000000000e-01;
	v54 =	vnsel vm5, $0x0, v56;
	v56 =	vadd.s32 v24, v35;
	[tilespmem:v38+s21+$0x0] =	vst.idx.msk $0xffff, v50  }
0x8f: {  	vm7 =	vge.f32 v45, $5.000000000e-01;
	v45 =	vadd.s32 v28, v35;
	v44 =	vnsel vm6, $0x0, v58;
	v58 =	vld [tilespmem:$0x1FDC0];
	[tilespmem:v42+s21+$0x0] =	vst.idx.msk $0xffff, v54  }
0x90: {  	vm8 =	vge.f32 v47, $5.000000000e-01;
	v47 =	vadd.s32 v27, v35;
	v46 =	vnsel vm7, $0x0, v60;
	v60 =	vld [tilespmem:$0x1FDD0];
	[tilespmem:v34+s21+$0x0] =	vst.idx.msk $0xffff, v44  }
0x91: {  	vm9 =	vge.f32 v49, $5.000000000e-01;
	v49 =	vadd.s32 v29, v35;
	[tilespmem:v48+s21+$0x0] =	vst.idx.msk $0xffff, v46;
	v48 =	vnsel vm8, $0x0, v61;
	v61 =	vld [tilespmem:$0x1FDE0]  }
0x92: {  	vm10 =	vge.f32 v51, $5.000000000e-01;
	v50 =	vnsel vm9, $0x0, v62;
	v62 =	vld [tilespmem:$0x1FDF0];
	[tilespmem:v52+s21+$0x0] =	vst.idx.msk $0xffff, v48;
	v52 =	vadd.s32 v30, v35  }
0x93: {  	vm11 =	vge.f32 v53, $5.000000000e-01;
	v54 =	vnsel vm10, $0x0, v63;
	v63 =	vld [tilespmem:$0x1FE00];
	[tilespmem:v56+s21+$0x0] =	vst.idx.msk $0xffff, v50;
	v56 =	vadd.s32 v32, v35  }
0x94: {  	p2 =	slt.u32 s0, $0x1E;
	vm12 =	vge.f32 v55, $5.000000000e-01;
	v33 =	vnsel vm11, $0x0, v58;
	v35 =	vadd.s32 v31, v35;
	[tilespmem:v45+s21+$0x0] =	vst.idx.msk $0xffff, v54  }
.Ltmp1:
0x95: {  	vm13 =	vge.f32 v57, $5.000000000e-01;
	[tilespmem:v47+s21+$0x0] =	vst.idx.msk $0xffff, v33;
	v33 =	vnsel vm12, $0x0, v60;
	(pc) =	sbr.rel @p2 .LBB2_3-.Ltmp1, $4  }
0x96: {  	vm14 =	vge.f32 v59, $5.000000000e-01;
	[tilespmem:v49+s21+$0x0] =	vst.idx.msk $0xffff, v33;
	v33 =	vnsel vm13, $0x0, v61  }
0x97: {  	vm15 =	vge.f32 v36, $5.000000000e-01;
	[tilespmem:v52+s21+$0x0] =	vst.idx.msk $0xffff, v33;
	v33 =	vnsel vm14, $0x0, v62  }
0x98: {  	[tilespmem:v56+s21+$0x0] =	vst.idx.msk $0xffff, v33;
	v33 =	vnsel vm15, $0x0, v63  }
0x99: {  	s0 =	sadd.s32 $0x2, s0;
	[tilespmem:v35+s21+$0x0] =	vst.idx.msk $0xffff, v33  }
0x9a: {  	s0 =	rddreg [dreg:$0x7]  }
0x9b: {  	[hbm4b:s0+s4] =	stream.linear.scatter [tilespmem:s21], [sflag:$0x3], $0x2000, $0x38;
	[tilespmem:$0xC800] =	vst v63  }
0x9c: {  	_ =	swait.ge [sflag:s22], $0x2000  }
0x9d: {  	[sflag:s22] =	ssyncset.done $0x0  }
0x9e: {  	[sflag:s22] =	ssyncadd.s32 $0xFFFFE000  }
.LBB2_5:
0x9f: {  	s0 =	simm.s32 @!p1 $0x0  }
0xa0: {  	s7 =	simm.s32 @!p1 $0xC000;
	s3 =	rddreg [dreg:$0x2];
	s30 =	simm.s32 @!p1 $0x5  }
0xa1: {  	[tilespmem:s7], [sflag:$0x5] =	stream.linear.gather @!p1 [hbm4b:s3+s0], $0x800, $0x38;
	[tilespmem:$0xC800] =	vst v63  }
0xa2: {  	_ =	swait.ge @!p1 [sflag:s30], $0x800  }
0xa3: {  	[sflag:s30] =	ssyncset.done @!p1 $0x0  }
0xa4: {  	[sflag:s30] =	ssyncadd.s32 @!p1 $0xFFFFF800  }
0xa5: {  	[hbm4b:s10+s0] =	stream.linear.scatter @!p1 [tilespmem:s7], [sflag:$0x5], $0x800, $0x38;
	[tilespmem:$0xC800] =	vst v63  }
0xa6: {  	_ =	swait.ge @!p1 [sflag:s30], $0x800  }
0xa7: {  	[sflag:s30] =	ssyncset.done @!p1 $0x0  }
0xa8: {  	[sflag:s30] =	ssyncadd.s32 @!p1 $0xFFFFF800;
	s30 =	simm.s32 $0x0  }
0xa9: {  	[tilespmem:s30], [sflag:$0x1] =	stream.strided.gather [hbm4b:s11+s17], $0x2000, s18, s17, $0x38;
	[tilespmem:$0xC800] =	vst v63  }
0xaa: {  	_ = 	snop  }
0xab: {  	[tilespmem:s19], [sflag:$0x1] =	stream.strided.gather [hbm4b:s12+s17], $0x2000, s18, s17, $0x38;
	[tilespmem:$0xC800] =	vst v63  }
.LBB2_6:
0xac: {  	s31 =	sshll.u32 s30, $0x1;
	p2 =	seq.s32 s30, $0x0  }
0xad: {  	s0 =	simm.s32 @!p2 $0x4;
	s7 =	sadd.s32 s31, s13  }
0xae: {  	_ =	swait.ge @!p2 [sflag:s0], $0x2000;
	s7 =	sshll.u32 s7, $0x8  }
0xaf: {  	[sflag:s0] =	ssyncset.done @!p2 $0x0;
	s7 =	sand.u32 $0x1FFFFF00, s7  }
0xb0: {  	[sflag:s0] =	ssyncadd.s32 @!p2 $0xFFFFE000;
	s8 =	sadd.s32 s1, s7  }
0xb1: {  	[tilespmem:s23], [sflag:$0x2] =	stream.strided.gather [hbm4b:s8+s17], $0x2000, s18, s17, $0x38;
	[tilespmem:$0xC800] =	vst v63  }
0xb2: {  	s9 =	sadd.s32 s2, s7  }
0xb3: {  	[tilespmem:s24], [sflag:$0x2] =	stream.strided.gather [hbm4b:s9+s17], $0x2000, s18, s17, $0x38;
	[tilespmem:$0xC800] =	vst v63  }
0xb4: {  	_ =	swait.ge [sflag:s20], $0x2000  }
0xb5: {  	[sflag:s20] =	ssyncset.done $0x0  }
0xb6: {  	[sflag:s20] =	ssyncadd.s32 $0xFFFFE000  }
0xb7: {  	_ =	swait.ge [sflag:s20], $0x2000  }
0xb8: {  	v36 =	vld [tilespmem:$0x1FE20]  }
0xb9: {  	v37 =	vld [tilespmem:$0x1FE30]  }
0xba: {  	v38 =	vld [tilespmem:$0x1FE40]  }
0xbb: {  	v39 =	vld [tilespmem:$0x1FE50]  }
0xbc: {  	v41 =	vld [tilespmem:$0x1FE60]  }
0xbd: {  	v43 =	vld [tilespmem:$0x1FE70]  }
0xbe: {  	v45 =	vld [tilespmem:$0x1FE80]  }
0xbf: {  	v47 =	vld [tilespmem:$0x1FE90]  }
0xc0: {  	v49 =	vld [tilespmem:$0x1FEA0]  }
0xc1: {  	v51 =	vld [tilespmem:$0x1FEB0]  }
0xc2: {  	v53 =	vld [tilespmem:$0x1FEC0]  }
0xc3: {  	v55 =	vld [tilespmem:$0x1FED0]  }
0xc4: {  	v57 =	vld [tilespmem:$0x1FEE0]  }
0xc5: {  	v59 =	vld [tilespmem:$0x1FEF0]  }
0xc6: {  	v61 =	vld [tilespmem:$0x1FF00]  }
0xc7: {  	v25 =	vld [tilespmem:$0x1FF20]  }
0xc8: {  	v27 =	vld [tilespmem:$0x1FF40]  }
0xc9: {  	v29 =	vld [tilespmem:$0x1FF60]  }
0xca: {  	v63 =	vld [tilespmem:$0x1FF70]  }
0xcb: {  	v32 =	vld [tilespmem:$0x1FF90]  }
0xcc: {  	[sflag:s20] =	ssyncset.done $0x0;
	v8 =	vld [tilespmem:$0x1FFC0]  }
0xcd: {  	s0 =	sadd.s32 s6, s31;
	s7 =	simm.s32 $0x0;
	v46 =	vld [tilespmem:$0x1FFF0];
	[sflag:s20] =	ssyncadd.s32 $0xFFFFE000  }
.LBB2_7:
0xce: {  	v33 =	vadd.s32 s7, v3  }
0xcf: {  	v34 =	vadd.s32 s7, v4;
	vm0 =	vlt.u32 v33, $0x20  }
0xd0: {  	v33 =	vsel vm0, v33, v34  }
0xd1: {  	v34 =	vshll.u32 v33, $0x8;
	v35 =	vshll.u32 v33, $0x7  }
0xd2: {  	v34 =	vand.u32 $0xFFFFF800, v34;
	v35 =	vand.u32 $0x380, v35  }
0xd3: {  	v34 =	vor.u32 v35, v34  }
0xd4: {  	v5 =	vld [tilespmem:$0x1FE10];
	v35 =	vor.u32 v3, v34  }
0xd5: {  	v10 =	vmov v36;
	v26 =	vmov v25;
	v25 =	vld [tilespmem:$0x1FF10];
	v36 =	vor.u32 v36, v34  }
0xd6: {  	v11 =	vmov v37;
	v28 =	vmov v27;
	v27 =	vld [tilespmem:$0x1FF30];
	v37 =	vor.u32 v37, v34  }
0xd7: {  	v12 =	vmov v38;
	v30 =	vmov v29;
	v29 =	vld [tilespmem:$0x1FF50];
	v38 =	vor.u32 v38, v34  }
0xd8: {  	v13 =	vmov v39;
	v9 =	vmov v8;
	v8 =	vld [tilespmem:$0x1FFB0];
	v39 =	vor.u32 v39, v34  }
0xd9: {  	v14 =	vmov v41;
	v41 =	vor.u32 v41, v34;
	v40 =	vld.idx.msk [tilespmem:v35+s4+$0x0], $0xffff  }
0xda: {  	v15 =	vmov v43;
	v43 =	vor.u32 v43, v34;
	v42 =	vld.idx.msk [tilespmem:v36+s4+$0x0], $0xffff  }
0xdb: {  	v16 =	vmov v45;
	v45 =	vor.u32 v45, v34;
	v44 =	vld.idx.msk [tilespmem:v37+s4+$0x0], $0xffff  }
0xdc: {  	v7 =	vmov v46;
	v17 =	vmov v47;
	v47 =	vor.u32 v47, v34;
	v46 =	vld.idx.msk [tilespmem:v38+s4+$0x0], $0xffff  }
0xdd: {  	v18 =	vmov v49;
	v49 =	vor.u32 v49, v34;
	v48 =	vld.idx.msk [tilespmem:v39+s4+$0x0], $0xffff  }
0xde: {  	v19 =	vmov v51;
	v51 =	vor.u32 v51, v34;
	v50 =	vld.idx.msk [tilespmem:v41+s4+$0x0], $0xffff  }
0xdf: {  	v20 =	vmov v53;
	v53 =	vor.u32 v53, v34;
	v52 =	vld.idx.msk [tilespmem:v43+s4+$0x0], $0xffff  }
0xe0: {  	v21 =	vmov v55;
	v55 =	vor.u32 v55, v34;
	v54 =	vld.idx.msk [tilespmem:v45+s4+$0x0], $0xffff  }
0xe1: {  	v22 =	vmov v57;
	v57 =	vor.u32 v57, v34;
	v56 =	vld.idx.msk [tilespmem:v47+s4+$0x0], $0xffff  }
0xe2: {  	v23 =	vmov v59;
	v59 =	vor.u32 v59, v34;
	v58 =	vld.idx.msk [tilespmem:v49+s4+$0x0], $0xffff  }
0xe3: {  	v34 =	vor.u32 v61, v34;
	v60 =	vld.idx.msk [tilespmem:v51+s4+$0x0], $0xffff  }
0xe4: {  	v24 =	vmov v61;
	v61 =	vld.idx.msk [tilespmem:v53+s4+$0x0], $0xffff  }
0xe5: {  	v62 =	vld.idx.msk [tilespmem:v55+s4+$0x0], $0xffff  }
0xe6: {  	v31 =	vmov v63;
	v63 =	vld.idx.msk [tilespmem:v57+s4+$0x0], $0xffff  }
0xe7: {  	v0 =	vld.idx.msk [tilespmem:v59+s4+$0x0], $0xffff  }
0xe8: {  	v1 =	vld.idx.msk [tilespmem:v34+s4+$0x0], $0xffff  }
0xe9: {  	v35 =	vld.idx.msk [tilespmem:v35+s19+$0x0], $0xffff  }
0xea: {  	v36 =	vld.idx.msk [tilespmem:v36+s19+$0x0], $0xffff  }
0xeb: {  	v37 =	vld.idx.msk [tilespmem:v37+s19+$0x0], $0xffff  }
0xec: {  	v38 =	vld.idx.msk [tilespmem:v38+s19+$0x0], $0xffff  }
0xed: {  	v39 =	vld.idx.msk [tilespmem:v39+s19+$0x0], $0xffff  }
0xee: {  	v41 =	vld.idx.msk [tilespmem:v41+s19+$0x0], $0xffff  }
0xef: {  	v43 =	vld.idx.msk [tilespmem:v43+s19+$0x0], $0xffff  }
0xf0: {  	v45 =	vld.idx.msk [tilespmem:v45+s19+$0x0], $0xffff  }
0xf1: {  	v47 =	vld.idx.msk [tilespmem:v47+s19+$0x0], $0xffff  }
0xf2: {  	v49 =	vld.idx.msk [tilespmem:v49+s19+$0x0], $0xffff  }
0xf3: {  	v51 =	vld.idx.msk [tilespmem:v51+s19+$0x0], $0xffff  }
0xf4: {  	v2 =	vadd.s32 v5, v33;
	vm8 =	vge.f32 v35, $5.000000000e-01;
	v35 =	vld.idx.msk [tilespmem:v53+s19+$0x0], $0xffff;
	vm9 =	vge.f32 v36, $5.000000000e-01  }
0xf5: {  	vm1 =	vge.f32 v37, $5.000000000e-01;
	v36 =	vld.idx.msk [tilespmem:v55+s19+$0x0], $0xffff;
	v37 =	vnsel vm9, $0x0, v42;
	v42 =	vadd.s32 v25, v33  }
0xf6: {  	v53 =	vld.idx.msk [tilespmem:v57+s19+$0x0], $0xffff;
	v55 =	vadd.s32 v26, v33;
	vm10 =	vge.f32 v38, $5.000000000e-01;
	vm11 =	vge.f32 v39, $5.000000000e-01  }
0xf7: {  	v6 =	vmovc v32;
	v57 =	vadd.s32 v32, v33;
	v32 =	vld [tilespmem:$0x1FF80];
	v39 =	vnsel vm10, $0x0, v46;
	v46 =	vadd.s32 v27, v33  }
0xf8: {  	v34 =	vld.idx.msk [tilespmem:v34+s19+$0x0], $0xffff;
	v40 =	vnsel vm8, $0x0, v40  }
0xf9: {  	v38 =	vld.idx.msk [tilespmem:v59+s19+$0x0], $0xffff;
	[tilespmem:v2+s21+$0x0] =	vst.idx.msk $0xffff, v40;
	v40 =	vadd.s32 v28, v33  }
0xfa: {  	v44 =	vnsel vm1, $0x0, v44;
	[tilespmem:v42+s21+$0x0] =	vst.idx.msk $0xffff, v37;
	v37 =	vadd.s32 v29, v33  }
0xfb: {  	vm13 =	vge.f32 v43, $5.000000000e-01;
	v43 =	vadd.s32 v30, v33;
	[tilespmem:v55+s21+$0x0] =	vst.idx.msk $0xffff, v44  }
0xfc: {  	vm12 =	vge.f32 v41, $5.000000000e-01;
	v48 =	vnsel vm11, $0x0, v48;
	v59 =	vadd.s32 v32, v33;
	[tilespmem:v46+s21+$0x0] =	vst.idx.msk $0xffff, v39  }
0xfd: {  	v2 =	vnsel vm12, $0x0, v50;
	v50 =	vadd.s32 v31, v33;
	[tilespmem:v57+s21+$0x0] =	vst.idx.msk $0xffff, v48  }
0xfe: {  	vm14 =	vge.f32 v45, $5.000000000e-01;
	v41 =	vnsel vm13, $0x0, v52;
	[tilespmem:v40+s21+$0x0] =	vst.idx.msk $0xffff, v2;
	v2 =	vadd.s32 v8, v33  }
0xff: {  	vm15 =	vge.f32 v47, $5.000000000e-01;
	v42 =	vnsel vm14, $0x0, v54;
	v54 =	vld [tilespmem:$0x1FFA0];
	[tilespmem:v37+s21+$0x0] =	vst.idx.msk $0xffff, v41  }
0x100: {  	vm4 =	vge.f32 v49, $5.000000000e-01;
	v44 =	vnsel vm15, $0x0, v56;
	[tilespmem:v43+s21+$0x0] =	vst.idx.msk $0xffff, v42  }
0x101: {  	vm5 =	vge.f32 v51, $5.000000000e-01;
	v49 =	vnsel vm4, $0x0, v58;
	v58 =	vld [tilespmem:$0x1FFD0];
	[tilespmem:v59+s21+$0x0] =	vst.idx.msk $0xffff, v44  }
0x102: {  	s8 =	sadd.s32 $0x1, s7;
	v51 =	vnsel vm5, $0x0, v60;
	[tilespmem:v50+s21+$0x0] =	vst.idx.msk $0xffff, v49  }
0x103: {  	v52 =	vadd.s32 s8, v3;
	v60 =	vadd.s32 v7, v33;
	[tilespmem:v2+s21+$0x0] =	vst.idx.msk $0xffff, v51;
	v2 =	vld [tilespmem:$0x1FFE0]  }
0x104: {  	vm7 =	vlt.u32 v52, $0x20;
	v55 =	vadd.s32 s8, v4;
	v37 =	vadd.s32 v54, v33  }
0x105: {  	vm6 =	vge.f32 v35, $5.000000000e-01;
	v35 =	vsel vm7, v52, v55;
	v57 =	vadd.s32 v9, v33  }
0x106: {  	v39 =	vadd.s32 v58, v33;
	v40 =	vshll.u32 v35, $0x8;
	v59 =	vshll.u32 v35, $0x7  }
0x107: {  	vm8 =	vge.f32 v36, $5.000000000e-01;
	v40 =	vand.u32 $0xFFFFF800, v40;
	v43 =	vand.u32 $0x380, v59  }
0x108: {  	v56 =	vnsel vm6, $0x0, v61;
	v61 =	vor.u32 v43, v40;
	v2 =	vadd.s32 v2, v33  }
0x109: {  	vm9 =	vge.f32 v53, $5.000000000e-01;
	v36 =	vnsel vm8, $0x0, v62;
	[tilespmem:v37+s21+$0x0] =	vst.idx.msk $0xffff, v56;
	v37 =	vor.u32 v3, v61  }
0x10a: {  	vm10 =	vge.f32 v38, $5.000000000e-01;
	v51 =	vnsel vm9, $0x0, v63;
	v38 =	vor.u32 v10, v61;
	[tilespmem:v57+s21+$0x0] =	vst.idx.msk $0xffff, v36  }
0x10b: {  	vm11 =	vge.f32 v34, $5.000000000e-01;
	v0 =	vnsel vm10, $0x0, v0;
	v34 =	vor.u32 v11, v61;
	[tilespmem:v39+s21+$0x0] =	vst.idx.msk $0xffff, v51  }
0x10c: {  	[tilespmem:v60+s21+$0x0] =	vst.idx.msk $0xffff, v0;
	v0 =	vnsel vm11, $0x0, v1;
	v1 =	vor.u32 v12, v61  }
0x10d: {  	v36 =	vor.u32 v14, v61;
	[tilespmem:v2+s21+$0x0] =	vst.idx.msk $0xffff, v0  }
0x10e: {  	v40 =	vor.u32 v15, v61;
	v2 =	vld.idx.msk [tilespmem:v37+s4+$0x0], $0xffff  }
0x10f: {  	v42 =	vor.u32 v16, v61;
	v39 =	vld.idx.msk [tilespmem:v38+s4+$0x0], $0xffff  }
0x110: {  	v44 =	vor.u32 v17, v61;
	v41 =	vld.idx.msk [tilespmem:v34+s4+$0x0], $0xffff  }
0x111: {  	v46 =	vor.u32 v18, v61;
	v43 =	vld.idx.msk [tilespmem:v1+s4+$0x0], $0xffff  }
0x112: {  	v48 =	vor.u32 v19, v61;
	v47 =	vld.idx.msk [tilespmem:v36+s4+$0x0], $0xffff  }
0x113: {  	v50 =	vor.u32 v20, v61;
	v49 =	vld.idx.msk [tilespmem:v40+s4+$0x0], $0xffff  }
0x114: {  	v52 =	vor.u32 v21, v61;
	v51 =	vld.idx.msk [tilespmem:v42+s4+$0x0], $0xffff  }
0x115: {  	v54 =	vor.u32 v22, v61;
	v53 =	vld.idx.msk [tilespmem:v44+s4+$0x0], $0xffff  }
0x116: {  	v56 =	vor.u32 v23, v61;
	v55 =	vld.idx.msk [tilespmem:v46+s4+$0x0], $0xffff  }
0x117: {  	v33 =	vor.u32 v24, v61;
	v57 =	vld.idx.msk [tilespmem:v48+s4+$0x0], $0xffff  }
0x118: {  	v58 =	vld.idx.msk [tilespmem:v50+s4+$0x0], $0xffff  }
0x119: {  	v59 =	vld.idx.msk [tilespmem:v52+s4+$0x0], $0xffff  }
0x11a: {  	v60 =	vld.idx.msk [tilespmem:v54+s4+$0x0], $0xffff  }
0x11b: {  	v0 =	vor.u32 v13, v61;
	v61 =	vld.idx.msk [tilespmem:v56+s4+$0x0], $0xffff  }
0x11c: {  	v62 =	vld.idx.msk [tilespmem:v33+s4+$0x0], $0xffff  }
0x11d: {  	v37 =	vld.idx.msk [tilespmem:v37+s19+$0x0], $0xffff  }
0x11e: {  	v38 =	vld.idx.msk [tilespmem:v38+s19+$0x0], $0xffff  }
0x11f: {  	v34 =	vld.idx.msk [tilespmem:v34+s19+$0x0], $0xffff  }
0x120: {  	v1 =	vld.idx.msk [tilespmem:v1+s19+$0x0], $0xffff  }
0x121: {  	v36 =	vld.idx.msk [tilespmem:v36+s19+$0x0], $0xffff  }
0x122: {  	v40 =	vld.idx.msk [tilespmem:v40+s19+$0x0], $0xffff  }
0x123: {  	v42 =	vld.idx.msk [tilespmem:v42+s19+$0x0], $0xffff  }
0x124: {  	v44 =	vld.idx.msk [tilespmem:v44+s19+$0x0], $0xffff  }
0x125: {  	v46 =	vld.idx.msk [tilespmem:v46+s19+$0x0], $0xffff  }
0x126: {  	v48 =	vld.idx.msk [tilespmem:v48+s19+$0x0], $0xffff  }
0x127: {  	v50 =	vld.idx.msk [tilespmem:v50+s19+$0x0], $0xffff  }
0x128: {  	v63 =	vadd.s32 v5, v35;
	v52 =	vld.idx.msk [tilespmem:v52+s19+$0x0], $0xffff  }
0x129: {  	v3 =	vadd.s32 v25, v35;
	v45 =	vld.idx.msk [tilespmem:v0+s4+$0x0], $0xffff  }
0x12a: {  	v5 =	vmov v4;
	v4 =	vadd.s32 v26, v35;
	v0 =	vld.idx.msk [tilespmem:v0+s19+$0x0], $0xffff;
	vm12 =	vge.f32 v37, $5.000000000e-01  }
0x12b: {  	v54 =	vld.idx.msk [tilespmem:v54+s19+$0x0], $0xffff;
	v37 =	vadd.s32 v27, v35;
	vm13 =	vge.f32 v38, $5.000000000e-01;
	v38 =	vadd.s32 v6, v35  }
0x12c: {  	v56 =	vld.idx.msk [tilespmem:v56+s19+$0x0], $0xffff;
	vm14 =	vge.f32 v34, $5.000000000e-01;
	v34 =	vadd.s32 v28, v35;
	v2 =	vnsel vm12, $0x0, v2  }
0x12d: {  	v33 =	vld.idx.msk [tilespmem:v33+s19+$0x0], $0xffff;
	vm15 =	vge.f32 v1, $5.000000000e-01;
	v1 =	vadd.s32 v29, v35;
	[tilespmem:v63+s21+$0x0] =	vst.idx.msk $0xffff, v2;
	v2 =	vnsel vm13, $0x0, v39  }
0x12e: {  	vm5 =	vge.f32 v36, $5.000000000e-01;
	vm6 =	vge.f32 v40, $5.000000000e-01;
	v40 =	vld [tilespmem:$0x1FFA0];
	[tilespmem:v3+s21+$0x0] =	vst.idx.msk $0xffff, v2;
	v2 =	vnsel vm14, $0x0, v41  }
0x12f: {  	[tilespmem:v4+s21+$0x0] =	vst.idx.msk $0xffff, v2;
	v2 =	vnsel vm15, $0x0, v43;
	vm4 =	vge.f32 v0, $5.000000000e-01;
	v0 =	vadd.s32 v30, v35  }
0x130: {  	vm7 =	vge.f32 v42, $5.000000000e-01;
	v42 =	vld [tilespmem:$0x1FFD0];
	v3 =	vadd.s32 v32, v35;
	[tilespmem:v37+s21+$0x0] =	vst.idx.msk $0xffff, v2;
	v2 =	vnsel vm4, $0x0, v45  }
0x131: {  	v4 =	vadd.s32 v31, v35;
	[tilespmem:v38+s21+$0x0] =	vst.idx.msk $0xffff, v2;
	v2 =	vnsel vm5, $0x0, v47  }
0x132: {  	vm8 =	vge.f32 v44, $5.000000000e-01;
	v44 =	vld [tilespmem:$0x1FFE0];
	[tilespmem:v34+s21+$0x0] =	vst.idx.msk $0xffff, v2;
	v2 =	vnsel vm6, $0x0, v49;
	v34 =	vadd.s32 v8, v35  }
0x133: {  	v25 =	vmovc v26;
	v27 =	vmov v28;
	[tilespmem:v1+s21+$0x0] =	vst.idx.msk $0xffff, v2;
	v1 =	vnsel vm7, $0x0, v51;
	v2 =	vadd.s32 v40, v35  }
0x134: {  	v29 =	vmovc v30;
	vm9 =	vge.f32 v46, $5.000000000e-01;
	[tilespmem:v0+s21+$0x0] =	vst.idx.msk $0xffff, v1;
	v0 =	vnsel vm8, $0x0, v53;
	v1 =	vadd.s32 v9, v35  }
0x135: {  	v36 =	vmovc v10;
	vm10 =	vge.f32 v48, $5.000000000e-01;
	[tilespmem:v3+s21+$0x0] =	vst.idx.msk $0xffff, v0;
	v0 =	vnsel vm9, $0x0, v55;
	v3 =	vadd.s32 v42, v35  }
0x136: {  	v46 =	vmovc v7;
	vm11 =	vge.f32 v50, $5.000000000e-01;
	[tilespmem:v4+s21+$0x0] =	vst.idx.msk $0xffff, v0;
	v0 =	vnsel vm10, $0x0, v57;
	v4 =	vadd.s32 v7, v35  }
0x137: {  	p2 =	slt.u32 s7, $0x1E;
	vm12 =	vge.f32 v52, $5.000000000e-01;
	v63 =	vmovc v31;
	v52 =	vadd.s32 v44, v35;
	[tilespmem:v34+s21+$0x0] =	vst.idx.msk $0xffff, v0;
	v0 =	vnsel vm11, $0x0, v58  }
.Ltmp2:
0x138: {  	v39 =	vmovc v13;
	vm13 =	vge.f32 v54, $5.000000000e-01;
	v41 =	vmovc v14;
	v32 =	vmov v6;
	[tilespmem:v2+s21+$0x0] =	vst.idx.msk $0xffff, v0;
	v0 =	vnsel vm12, $0x0, v59;
	(pc) =	sbr.rel @p2 .LBB2_7-.Ltmp2, $4  }
0x139: {  	vm14 =	vge.f32 v56, $5.000000000e-01;
	v43 =	vmovc v15;
	vm15 =	vge.f32 v33, $5.000000000e-01;
	v37 =	vmovc v11;
	[tilespmem:v1+s21+$0x0] =	vst.idx.msk $0xffff, v0;
	v0 =	vnsel vm13, $0x0, v60  }
0x13a: {  	v45 =	vmovc v16;
	v38 =	vmovc v12;
	v47 =	vmov v17;
	v49 =	vmov v18;
	[tilespmem:v3+s21+$0x0] =	vst.idx.msk $0xffff, v0;
	v0 =	vnsel vm14, $0x0, v61  }
0x13b: {  	v8 =	vmovc v9;
	v51 =	vmovc v19;
	v53 =	vmov v20;
	v55 =	vmov v21;
	[tilespmem:v4+s21+$0x0] =	vst.idx.msk $0xffff, v0;
	v0 =	vnsel vm15, $0x0, v62  }
0x13c: {  	s7 =	sadd.s32 $0x2, s7;
	v57 =	vmovc v22;
	v59 =	vmovc v23;
	v3 =	vlaneseq.u32;
	v61 =	vmov v24;
	v4 =	vmov v5;
	[tilespmem:v52+s21+$0x0] =	vst.idx.msk $0xffff, v0  }
0x13d: {  	s0 =	sshll.u32 s0, $0xA  }
0x13e: {  	p2 =	seq.s32 s30, $0x3C;
	s7 =	sadd.s32 s5, s0  }
0x13f: {  	[hbm4b:s7+s4] =	stream.linear.scatter [tilespmem:s21], [sflag:$0x3], $0x2000, $0x38;
	[tilespmem:$0xC800] =	vst v63  }
0x140: {  	s8 =	sadd.s32 @!p2 s31, s14;
	s7 =	simm.s32 @!p2 $0x3  }
0x141: {  	s31 =	simm.s32 @!p2 $0x800;
	s8 =	sshll.u32 @!p2 s8, $0x8;
	_ =	swait.ge @!p2 [sflag:s7], $0x2000  }
0x142: {  	s9 =	simm.s32 @!p2 $0x7A1400;
	s8 =	sand.u32 @!p2 $0x1FFFFE00, s8;
	[sflag:s7] =	ssyncset.done @!p2 $0x0  }
0x143: {  	s3 =	simm.s32 @!p2 $0x0;
	[sflag:s7] =	ssyncadd.s32 @!p2 $0xFFFFE000;
	s7 =	sadd.s32 @!p2 s1, s8  }
0x144: {  	[tilespmem:s3], [sflag:$0x1] =	stream.strided.gather @!p2 [hbm4b:s7+s31], $0x2000, s9, s31, $0x38;
	[tilespmem:$0xC800] =	vst v63  }
0x145: {  	s3 =	sadd.s32 @!p2 s2, s8;
	s7 =	simm.s32 @!p2 $0x4000  }
0x146: {  	[tilespmem:s7], [sflag:$0x1] =	stream.strided.gather @!p2 [hbm4b:s3+s31], $0x2000, s9, s31, $0x38;
	[tilespmem:$0xC800] =	vst v63  }
0x147: {  	_ =	swait.ge [sflag:s25], $0x2000  }
0x148: {  	[sflag:s25] =	ssyncset.done $0x0  }
0x149: {  	[sflag:s25] =	ssyncadd.s32 $0xFFFFE000  }
0x14a: {  	_ =	swait.ge [sflag:s25], $0x2000  }
0x14b: {  	[sflag:s25] =	ssyncset.done $0x0  }
0x14c: {  	s7 =	simm.s32 $0x0;
	[sflag:s25] =	ssyncadd.s32 $0xFFFFE000  }
.LBB2_9:
0x14d: {  	v0 =	vadd.s32 s7, v3  }
0x14e: {  	v1 =	vadd.s32 s7, v4;
	vm0 =	vlt.u32 v0, $0x20  }
0x14f: {  	v0 =	vsel vm0, v0, v1  }
0x150: {  	v1 =	vshll.u32 v0, $0x8;
	v2 =	vshll.u32 v0, $0x7  }
0x151: {  	v1 =	vand.u32 $0xFFFFF800, v1;
	v2 =	vand.u32 $0x380, v2  }
0x152: {  	v1 =	vor.u32 v2, v1  }
0x153: {  	v2 =	vor.u32 v3, v1  }
0x154: {  	v63 =	vld [tilespmem:$0x1FE10];
	v3 =	vor.u32 v36, v1  }
0x155: {  	v25 =	vld [tilespmem:$0x1FF10];
	v4 =	vor.u32 v37, v1  }
0x156: {  	v27 =	vld [tilespmem:$0x1FF30];
	v33 =	vor.u32 v38, v1  }
0x157: {  	v29 =	vld [tilespmem:$0x1FF50];
	v34 =	vor.u32 v39, v1  }
0x158: {  	v36 =	vor.u32 v41, v1;
	v35 =	vld.idx.msk [tilespmem:v2+s23+$0x0], $0xffff  }
0x159: {  	v38 =	vor.u32 v43, v1;
	v37 =	vld.idx.msk [tilespmem:v3+s23+$0x0], $0xffff  }
0x15a: {  	v40 =	vor.u32 v45, v1;
	v39 =	vld.idx.msk [tilespmem:v4+s23+$0x0], $0xffff  }
0x15b: {  	v42 =	vor.u32 v47, v1;
	v41 =	vld.idx.msk [tilespmem:v33+s23+$0x0], $0xffff  }
0x15c: {  	v44 =	vor.u32 v49, v1;
	v43 =	vld.idx.msk [tilespmem:v34+s23+$0x0], $0xffff  }
0x15d: {  	v46 =	vor.u32 v51, v1;
	v45 =	vld.idx.msk [tilespmem:v36+s23+$0x0], $0xffff  }
0x15e: {  	v48 =	vor.u32 v53, v1;
	v47 =	vld.idx.msk [tilespmem:v38+s23+$0x0], $0xffff  }
0x15f: {  	v50 =	vor.u32 v55, v1;
	v49 =	vld.idx.msk [tilespmem:v40+s23+$0x0], $0xffff  }
0x160: {  	v52 =	vor.u32 v57, v1;
	v51 =	vld.idx.msk [tilespmem:v42+s23+$0x0], $0xffff  }
0x161: {  	v54 =	vor.u32 v59, v1;
	v53 =	vld.idx.msk [tilespmem:v44+s23+$0x0], $0xffff  }
0x162: {  	v1 =	vor.u32 v61, v1;
	v55 =	vld.idx.msk [tilespmem:v46+s23+$0x0], $0xffff  }
0x163: {  	v56 =	vld.idx.msk [tilespmem:v48+s23+$0x0], $0xffff  }
0x164: {  	v57 =	vld.idx.msk [tilespmem:v50+s23+$0x0], $0xffff  }
0x165: {  	v58 =	vld.idx.msk [tilespmem:v52+s23+$0x0], $0xffff  }
0x166: {  	v59 =	vld.idx.msk [tilespmem:v54+s23+$0x0], $0xffff  }
0x167: {  	v60 =	vld.idx.msk [tilespmem:v1+s23+$0x0], $0xffff  }
0x168: {  	v2 =	vld.idx.msk [tilespmem:v2+s24+$0x0], $0xffff  }
0x169: {  	v3 =	vld.idx.msk [tilespmem:v3+s24+$0x0], $0xffff  }
0x16a: {  	v4 =	vld.idx.msk [tilespmem:v4+s24+$0x0], $0xffff  }
0x16b: {  	v33 =	vld.idx.msk [tilespmem:v33+s24+$0x0], $0xffff  }
0x16c: {  	v34 =	vld.idx.msk [tilespmem:v34+s24+$0x0], $0xffff  }
0x16d: {  	v36 =	vld.idx.msk [tilespmem:v36+s24+$0x0], $0xffff  }
0x16e: {  	v38 =	vld.idx.msk [tilespmem:v38+s24+$0x0], $0xffff  }
0x16f: {  	v40 =	vld.idx.msk [tilespmem:v40+s24+$0x0], $0xffff  }
0x170: {  	v42 =	vld.idx.msk [tilespmem:v42+s24+$0x0], $0xffff  }
0x171: {  	v44 =	vld.idx.msk [tilespmem:v44+s24+$0x0], $0xffff  }
0x172: {  	v61 =	vadd.s32 v63, v0;
	v46 =	vld.idx.msk [tilespmem:v46+s24+$0x0], $0xffff;
	vm9 =	vge.f32 v3, $5.000000000e-01  }
0x173: {  	v1 =	vld.idx.msk [tilespmem:v1+s24+$0x0], $0xffff;
	vm1 =	vge.f32 v4, $5.000000000e-01;
	v4 =	vnsel vm9, $0x0, v37;
	v37 =	vadd.s32 v25, v0  }
0x174: {  	vm8 =	vge.f32 v2, $5.000000000e-01;
	v3 =	vld.idx.msk [tilespmem:v50+s24+$0x0], $0xffff;
	v50 =	vadd.s32 v26, v0;
	vm10 =	vge.f32 v33, $5.000000000e-01  }
0x175: {  	v2 =	vld.idx.msk [tilespmem:v48+s24+$0x0], $0xffff;
	vm11 =	vge.f32 v34, $5.000000000e-01;
	v34 =	vnsel vm10, $0x0, v41;
	v41 =	vadd.s32 v27, v0  }
0x176: {  	v48 =	vld.idx.msk [tilespmem:v52+s24+$0x0], $0xffff;
	v52 =	vadd.s32 v32, v0;
	v35 =	vnsel vm8, $0x0, v35  }
0x177: {  	v33 =	vld.idx.msk [tilespmem:v54+s24+$0x0], $0xffff;
	vm12 =	vge.f32 v36, $5.000000000e-01;
	v36 =	vadd.s32 v28, v0;
	[tilespmem:v61+s26+$0x0] =	vst.idx.msk $0xffff, v35  }
0x178: {  	v39 =	vnsel vm1, $0x0, v39;
	[tilespmem:v37+s26+$0x0] =	vst.idx.msk $0xffff, v4;
	v4 =	vadd.s32 v29, v0  }
0x179: {  	[tilespmem:v50+s26+$0x0] =	vst.idx.msk $0xffff, v39  }
0x17a: {  	v32 =	vld [tilespmem:$0x1FF80];
	v43 =	vnsel vm11, $0x0, v43;
	[tilespmem:v41+s26+$0x0] =	vst.idx.msk $0xffff, v34  }
0x17b: {  	v8 =	vld [tilespmem:$0x1FFB0];
	vm13 =	vge.f32 v38, $5.000000000e-01;
	v35 =	vnsel vm12, $0x0, v45;
	[tilespmem:v52+s26+$0x0] =	vst.idx.msk $0xffff, v43  }
0x17c: {  	v62 =	vlaneseq.u32;
	v38 =	vnsel vm13, $0x0, v47;
	[tilespmem:v36+s26+$0x0] =	vst.idx.msk $0xffff, v35  }
0x17d: {  	vm14 =	vge.f32 v40, $5.000000000e-01;
	vm15 =	vge.f32 v42, $5.000000000e-01;
	vm4 =	vge.f32 v44, $5.000000000e-01;
	[tilespmem:v4+s26+$0x0] =	vst.idx.msk $0xffff, v38;
	v4 =	vld [tilespmem:$0x1FFA0]  }
0x17e: {  	v54 =	vadd.s32 v30, v0;
	vm5 =	vge.f32 v46, $5.000000000e-01;
	v47 =	vnsel vm4, $0x0, v53  }
0x17f: {  	v61 =	vnsel vm15, $0x0, v51;
	v45 =	vadd.s32 v32, v0;
	v50 =	vnsel vm5, $0x0, v55;
	v55 =	vld [tilespmem:$0x1FFD0]  }
0x180: {  	s3 =	sadd.s32 $0x1, s7;
	v51 =	vadd.s32 v8, v0;
	v37 =	vnsel vm14, $0x0, v49;
	v49 =	vadd.s32 v31, v0  }
0x181: {  	vm6 =	vge.f32 v2, $5.000000000e-01;
	v2 =	vadd.s32 s3, v62;
	vm8 =	vge.f32 v3, $5.000000000e-01;
	v3 =	vld [tilespmem:$0x1FFE0]  }
0x182: {  	vm7 =	vlt.u32 v2, $0x20;
	v52 =	vadd.s32 s3, v5;
	v4 =	vadd.s32 v4, v0  }
0x183: {  	v53 =	vnsel vm6, $0x0, v56;
	v2 =	vsel vm7, v2, v52;
	[tilespmem:v54+s26+$0x0] =	vst.idx.msk $0xffff, v37;
	v54 =	vadd.s32 v9, v0  }
0x184: {  	v36 =	vshll.u32 v2, $0x8;
	v56 =	vshll.u32 v2, $0x7;
	v34 =	vadd.s32 v55, v0;
	[tilespmem:v45+s26+$0x0] =	vst.idx.msk $0xffff, v61  }
0x185: {  	v36 =	vand.u32 $0xFFFFF800, v36;
	v39 =	vand.u32 $0x380, v56;
	v61 =	vadd.s32 v7, v0;
	[tilespmem:v49+s26+$0x0] =	vst.idx.msk $0xffff, v47  }
0x186: {  	[tilespmem:v51+s26+$0x0] =	vst.idx.msk $0xffff, v50;
	v0 =	vadd.s32 v3, v0;
	v3 =	vor.u32 v39, v36  }
0x187: {  	vm9 =	vge.f32 v48, $5.000000000e-01;
	v35 =	vor.u32 v62, v3;
	[tilespmem:v4+s26+$0x0] =	vst.idx.msk $0xffff, v53;
	v4 =	vnsel vm8, $0x0, v57  }
0x188: {  	vm10 =	vge.f32 v33, $5.000000000e-01;
	v33 =	vor.u32 v10, v3;
	[tilespmem:v54+s26+$0x0] =	vst.idx.msk $0xffff, v4;
	v4 =	vnsel vm9, $0x0, v58  }
0x189: {  	vm11 =	vge.f32 v1, $5.000000000e-01;
	v1 =	vor.u32 v11, v3;
	[tilespmem:v34+s26+$0x0] =	vst.idx.msk $0xffff, v4;
	v4 =	vnsel vm10, $0x0, v59  }
0x18a: {  	v36 =	vor.u32 v14, v3;
	[tilespmem:v61+s26+$0x0] =	vst.idx.msk $0xffff, v4;
	v4 =	vnsel vm11, $0x0, v60  }
0x18b: {  	v38 =	vor.u32 v15, v3;
	[tilespmem:v0+s26+$0x0] =	vst.idx.msk $0xffff, v4  }
0x18c: {  	v40 =	vor.u32 v16, v3;
	v4 =	vld.idx.msk [tilespmem:v35+s23+$0x0], $0xffff  }
0x18d: {  	v42 =	vor.u32 v17, v3;
	v37 =	vld.idx.msk [tilespmem:v33+s23+$0x0], $0xffff  }
0x18e: {  	v44 =	vor.u32 v18, v3;
	v39 =	vld.idx.msk [tilespmem:v1+s23+$0x0], $0xffff  }
0x18f: {  	v46 =	vor.u32 v19, v3;
	v45 =	vld.idx.msk [tilespmem:v36+s23+$0x0], $0xffff  }
0x190: {  	v48 =	vor.u32 v20, v3;
	v47 =	vld.idx.msk [tilespmem:v38+s23+$0x0], $0xffff  }
0x191: {  	v50 =	vor.u32 v21, v3;
	v49 =	vld.idx.msk [tilespmem:v40+s23+$0x0], $0xffff  }
0x192: {  	v52 =	vor.u32 v22, v3;
	v51 =	vld.idx.msk [tilespmem:v42+s23+$0x0], $0xffff  }
0x193: {  	v53 =	vld.idx.msk [tilespmem:v44+s23+$0x0], $0xffff  }
0x194: {  	v55 =	vld.idx.msk [tilespmem:v46+s23+$0x0], $0xffff  }
0x195: {  	v56 =	vld.idx.msk [tilespmem:v48+s23+$0x0], $0xffff  }
0x196: {  	v57 =	vld.idx.msk [tilespmem:v50+s23+$0x0], $0xffff  }
0x197: {  	v58 =	vld.idx.msk [tilespmem:v52+s23+$0x0], $0xffff  }
0x198: {  	v35 =	vld.idx.msk [tilespmem:v35+s24+$0x0], $0xffff  }
0x199: {  	v33 =	vld.idx.msk [tilespmem:v33+s24+$0x0], $0xffff  }
0x19a: {  	v1 =	vld.idx.msk [tilespmem:v1+s24+$0x0], $0xffff  }
0x19b: {  	v36 =	vld.idx.msk [tilespmem:v36+s24+$0x0], $0xffff  }
0x19c: {  	v38 =	vld.idx.msk [tilespmem:v38+s24+$0x0], $0xffff  }
0x19d: {  	v40 =	vld.idx.msk [tilespmem:v40+s24+$0x0], $0xffff  }
0x19e: {  	v42 =	vld.idx.msk [tilespmem:v42+s24+$0x0], $0xffff  }
0x19f: {  	v54 =	vor.u32 v23, v3;
	v44 =	vld.idx.msk [tilespmem:v44+s24+$0x0], $0xffff  }
0x1a0: {  	v34 =	vor.u32 v12, v3;
	v46 =	vld.idx.msk [tilespmem:v46+s24+$0x0], $0xffff  }
0x1a1: {  	v48 =	vld.idx.msk [tilespmem:v48+s24+$0x0], $0xffff  }
0x1a2: {  	v0 =	vor.u32 v13, v3;
	v50 =	vld.idx.msk [tilespmem:v50+s24+$0x0], $0xffff  }
0x1a3: {  	v52 =	vld.idx.msk [tilespmem:v52+s24+$0x0], $0xffff  }
0x1a4: {  	v59 =	vld.idx.msk [tilespmem:v54+s23+$0x0], $0xffff  }
0x1a5: {  	v3 =	vor.u32 v24, v3;
	v41 =	vld.idx.msk [tilespmem:v34+s23+$0x0], $0xffff  }
0x1a6: {  	v61 =	vadd.s32 v63, v2;
	v34 =	vld.idx.msk [tilespmem:v34+s24+$0x0], $0xffff  }
0x1a7: {  	v62 =	vadd.s32 v25, v2;
	v43 =	vld.idx.msk [tilespmem:v0+s23+$0x0], $0xffff  }
0x1a8: {  	v63 =	vadd.s32 v26, v2;
	v0 =	vld.idx.msk [tilespmem:v0+s24+$0x0], $0xffff  }
0x1a9: {  	v54 =	vld.idx.msk [tilespmem:v54+s24+$0x0], $0xffff;
	vm12 =	vge.f32 v35, $5.000000000e-01;
	v35 =	vadd.s32 v27, v2  }
0x1aa: {  	v60 =	vld.idx.msk [tilespmem:v3+s23+$0x0], $0xffff;
	vm13 =	vge.f32 v33, $5.000000000e-01;
	v33 =	vadd.s32 v6, v2;
	v4 =	vnsel vm12, $0x0, v4  }
0x1ab: {  	v3 =	vld.idx.msk [tilespmem:v3+s24+$0x0], $0xffff;
	vm14 =	vge.f32 v1, $5.000000000e-01;
	v1 =	vadd.s32 v28, v2;
	[tilespmem:v61+s26+$0x0] =	vst.idx.msk $0xffff, v4;
	v4 =	vnsel vm13, $0x0, v37  }
0x1ac: {  	vm15 =	vge.f32 v34, $5.000000000e-01;
	[tilespmem:v62+s26+$0x0] =	vst.idx.msk $0xffff, v4;
	v4 =	vnsel vm14, $0x0, v39  }
0x1ad: {  	[tilespmem:v63+s26+$0x0] =	vst.idx.msk $0xffff, v4;
	v4 =	vnsel vm15, $0x0, v41;
	vm4 =	vge.f32 v0, $5.000000000e-01  }
0x1ae: {  	vm5 =	vge.f32 v36, $5.000000000e-01;
	v34 =	vadd.s32 v29, v2;
	[tilespmem:v35+s26+$0x0] =	vst.idx.msk $0xffff, v4;
	v4 =	vnsel vm4, $0x0, v43  }
0x1af: {  	v0 =	vadd.s32 v30, v2;
	[tilespmem:v33+s26+$0x0] =	vst.idx.msk $0xffff, v4;
	v4 =	vnsel vm5, $0x0, v45  }
0x1b0: {  	v62 =	vadd.s32 v32, v2;
	[tilespmem:v1+s26+$0x0] =	vst.idx.msk $0xffff, v4;
	v4 =	vadd.s32 v8, v2;
	v8 =	vld [tilespmem:$0x1FFD0]  }
0x1b1: {  	v25 =	vld [tilespmem:$0x1FFA0];
	vm6 =	vge.f32 v38, $5.000000000e-01  }
0x1b2: {  	vm7 =	vge.f32 v40, $5.000000000e-01;
	v1 =	vnsel vm6, $0x0, v47  }
0x1b3: {  	vm8 =	vge.f32 v42, $5.000000000e-01;
	[tilespmem:v34+s26+$0x0] =	vst.idx.msk $0xffff, v1;
	v1 =	vnsel vm7, $0x0, v49  }
0x1b4: {  	v63 =	vadd.s32 v31, v2;
	[tilespmem:v0+s26+$0x0] =	vst.idx.msk $0xffff, v1;
	v0 =	vnsel vm8, $0x0, v51  }
0x1b5: {  	[tilespmem:v62+s26+$0x0] =	vst.idx.msk $0xffff, v0;
	v62 =	vadd.s32 v8, v2;
	v8 =	vld [tilespmem:$0x1FFE0]  }
0x1b6: {  	v42 =	vadd.s32 v25, v2  }
0x1b7: {  	vm9 =	vge.f32 v44, $5.000000000e-01;
	v1 =	vadd.s32 v9, v2  }
0x1b8: {  	vm10 =	vge.f32 v46, $5.000000000e-01;
	v0 =	vnsel vm9, $0x0, v53  }
0x1b9: {  	vm11 =	vge.f32 v48, $5.000000000e-01;
	[tilespmem:v63+s26+$0x0] =	vst.idx.msk $0xffff, v0;
	v0 =	vnsel vm10, $0x0, v55;
	v63 =	vadd.s32 v7, v2  }
0x1ba: {  	p2 =	slt.u32 s7, $0x1E;
	vm12 =	vge.f32 v50, $5.000000000e-01;
	[tilespmem:v4+s26+$0x0] =	vst.idx.msk $0xffff, v0;
	v0 =	vnsel vm11, $0x0, v56;
	v2 =	vadd.s32 v8, v2  }
.Ltmp3:
0x1bb: {  	v36 =	vmovc v10;
	v38 =	vmovc v12;
	v61 =	vmov v24;
	vm13 =	vge.f32 v52, $5.000000000e-01;
	[tilespmem:v42+s26+$0x0] =	vst.idx.msk $0xffff, v0;
	v0 =	vnsel vm12, $0x0, v57;
	(pc) =	sbr.rel @p2 .LBB2_9-.Ltmp3, $4  }
0x1bc: {  	v37 =	vmovc v11;
	v39 =	vmovc v13;
	v32 =	vmov v6;
	vm14 =	vge.f32 v54, $5.000000000e-01;
	[tilespmem:v1+s26+$0x0] =	vst.idx.msk $0xffff, v0;
	v0 =	vnsel vm13, $0x0, v58  }
0x1bd: {  	v41 =	vmovc v14;
	vm15 =	vge.f32 v3, $5.000000000e-01;
	v3 =	vlaneseq.u32;
	v43 =	vmovc v15;
	[tilespmem:v62+s26+$0x0] =	vst.idx.msk $0xffff, v0;
	v0 =	vnsel vm14, $0x0, v59  }
0x1be: {  	v45 =	vmovc v16;
	v47 =	vmovc v17;
	v49 =	vmov v18;
	v51 =	vmov v19;
	[tilespmem:v63+s26+$0x0] =	vst.idx.msk $0xffff, v0;
	v0 =	vnsel vm15, $0x0, v60  }
0x1bf: {  	s7 =	sadd.s32 $0x2, s7;
	v53 =	vmovc v20;
	v55 =	vmovc v21;
	v4 =	vmov v5;
	v57 =	vmov v22;
	v59 =	vmov v23;
	[tilespmem:v2+s26+$0x0] =	vst.idx.msk $0xffff, v0  }
0x1c0: {  	s30 =	sadd.s32 $0x1, s30  }
0x1c1: {  	p2 =	sne.s32 s30, $0x3D  }
.Ltmp4:
0x1c2: {  	_ = 	snop;
	(pc) =	sbr.rel @p2 .LBB2_6-.Ltmp4, $3  }
0x1c3: {  	_ =	sdelay $0x1  }
0x1c4: {  	s0 =	sadd.s32 s0, s15  }
0x1c5: {  	[hbm4b:s0+s4] =	stream.linear.scatter [tilespmem:s26], [sflag:$0x4], $0x2000, $0x38;
	[tilespmem:$0xC800] =	vst v63  }
0x1c6: {  	_ =	swait.ge [sflag:s22], $0x2000  }
0x1c7: {  	[sflag:s22] =	ssyncset.done $0x0  }
0x1c8: {  	[sflag:s22] =	ssyncadd.s32 $0xFFFFE000  }
0x1c9: {  	_ =	swait.ge [sflag:s28], $0x2000  }
0x1ca: {  	v0 =	vld [tilespmem:$0x1FE10]  }
0x1cb: {  	v1 =	vld [tilespmem:$0x1FE20]  }
0x1cc: {  	v2 =	vld [tilespmem:$0x1FE30]  }
0x1cd: {  	v5 =	vld [tilespmem:$0x1FE40]  }
0x1ce: {  	v6 =	vld [tilespmem:$0x1FE50]  }
0x1cf: {  	v7 =	vld [tilespmem:$0x1FE60]  }
0x1d0: {  	v8 =	vld [tilespmem:$0x1FE70]  }
0x1d1: {  	v9 =	vld [tilespmem:$0x1FE80]  }
0x1d2: {  	v10 =	vld [tilespmem:$0x1FE90]  }
0x1d3: {  	v11 =	vld [tilespmem:$0x1FEA0]  }
0x1d4: {  	v12 =	vld [tilespmem:$0x1FEB0]  }
0x1d5: {  	v13 =	vld [tilespmem:$0x1FEC0]  }
0x1d6: {  	v14 =	vld [tilespmem:$0x1FED0]  }
0x1d7: {  	v15 =	vld [tilespmem:$0x1FEE0]  }
0x1d8: {  	v16 =	vld [tilespmem:$0x1FEF0]  }
0x1d9: {  	v17 =	vld [tilespmem:$0x1FF00]  }
0x1da: {  	v18 =	vld [tilespmem:$0x1FF10]  }
0x1db: {  	v19 =	vld [tilespmem:$0x1FF20]  }
0x1dc: {  	v20 =	vld [tilespmem:$0x1FF30]  }
0x1dd: {  	v21 =	vld [tilespmem:$0x1FF40]  }
0x1de: {  	v22 =	vld [tilespmem:$0x1FF50]  }
0x1df: {  	v23 =	vld [tilespmem:$0x1FF60]  }
0x1e0: {  	v24 =	vld [tilespmem:$0x1FF70]  }
0x1e1: {  	v25 =	vld [tilespmem:$0x1FF80]  }
0x1e2: {  	s29 =	sadd.s32 $0x1, s29;
	v26 =	vld [tilespmem:$0x1FF90]  }
0x1e3: {  	p2 =	sne.s32 s29, s16;
	v27 =	vld [tilespmem:$0x1FFA0]  }
.Ltmp5:
0x1e4: {  	v28 =	vld [tilespmem:$0x1FFB0];
	(pc) =	sbr.rel @p2 .LBB2_1-.Ltmp5, $4  }
0x1e5: {  	v29 =	vld [tilespmem:$0x1FFC0]  }
0x1e6: {  	v30 =	vld [tilespmem:$0x1FFD0]  }
0x1e7: {  	[sflag:s28] =	ssyncset.done $0x0;
	v31 =	vld [tilespmem:$0x1FFE0]  }
0x1e8: {  	v32 =	vld [tilespmem:$0x1FFF0];
	[sflag:s28] =	ssyncadd.s32 $0xFFFFE000  }
0x1e9: {  	_ =	sfence.sel $0x180000  }
0x1ea: {  	[bflag:$0x0] =	sbarrier.arrive $0xFFFF  }
0x1eb: {  	_ =	strace $0x90000047  }
0x1ec: {  	[bflag:$0x2] =	sbarrier.arrive $0xFFFF  }
0x1ed: {  	s0 =	rddreg [dreg:$0x4]  }
0x1ee: {  	s0 =	sadd.s32 @!p0 $0x100000, s0  }
0x1ef: {  	[sflag:s0] =	ssyncadd.tile.s32 @!p0 $0x1;
	_ =	shalt  }
.Lfunc_end2:
_tile_overlayer_lowered:
.L_overlay_start_2:
0x1f0: {  	(tag) =	ssettag $0x2  }
0x1f1: {  	s0 =	rddreg [dreg:$0x0];
	s2 =	stileid.u32  }
0x1f2: {  	s1 =	rddreg [dreg:$0x1];
	p0 =	sne.s32 s2, $0x0  }
0x1f3: {  	s3 =	rddreg [dreg:$0x2];
	[bflag:$0x3] =	sbarrier.arrive $0xFFFF;
	s2 =	simm.s32 @!p0 $0x1C05  }
0x1f4: {  	[timem:s3], [sflag:s2] =	dma.local @!p0 [hbm:s0], s1  }
0x1f5: {  	s0 =	simm.s32 @!p0 $0x5  }
0x1f6: {  	_ =	swait.ge @!p0 [sflag:s0], s1  }
0x1f7: {  	s1 =	ssub.s32 @!p0 $0x0, s1;
	[sflag:s0] =	ssyncset.done @!p0 $0x0  }
0x1f8: {  	[sflag:s0] =	ssyncadd.s32 @!p0 s1  }
0x1f9: {  	[bflag:$0x3] =	sbarrier.arrive $0xFFFF  }
0x1fa: {  	_ =	shalt  }

// kernel: kernel.7.cloned.1.call-start
scs
__scs_entry_jumppad:
0x0: {  	(pc) =	sbr.rel $0x88, $3  }
0x1: {  	(tag) =	ssettag $0x0;
	lr =	simm.s32 $0x1  }
0x2: {  	[smem:$0x3F9E] =	sst lr;
	_ =	strace $0xD0000000  }
0x3: {  	_ = 	snop  }
0x4: {  	_ = 	snop  }
0x5: {  	_ = 	snop  }
0x6: {  	_ = 	snop  }
0x7: {  	_ = 	snop  }
__scs_overlays_trampoline_lowered:
0x8: {  	[smem:$0x3FAD] =	sst s0  }
0x9: {  	[smem:$0x3FAE] =	sst s1  }
0xa: {  	[smem:$0x3FAF] =	sst s2  }
0xb: {  	[smem:$0x3FB0] =	sst s3  }
0xc: {  	[smem:$0x3FB1] =	sst s4  }
0xd: {  	[smem:$0x3FB2] =	sst s5  }
0xe: {  	[smem:$0x3FB3] =	sst s6  }
0xf: {  	[smem:$0x3FB4] =	sst s7  }
0x10: {  	[smem:$0x3FB5] =	sst s8  }
0x11: {  	[smem:$0x3FB6] =	sst s9;
	s0 =	simm.s32 @!p0 $0x0  }
0x12: {  	s1 =	sld [smem:$0x3F9C];
	s0 =	simm.s32 @p0 $0x1  }
0x13: {  	[smem:$0x3FB7] =	sst s0;
	s0 =	simm.s32 @!p1 $0x0  }
0x14: {  	s2 =	sld [smem:$0x3F9B];
	s0 =	simm.s32 @p1 $0x1  }
0x15: {  	[smem:$0x3FB8] =	sst s0;
	s0 =	simm.s32 @!p2 $0x0  }
0x16: {  	s3 =	sld [smem:$0x3FDB];
	s0 =	simm.s32 @p2 $0x1  }
0x17: {  	s4 =	simm.s32 $0x1BF5;
	[smem:$0x3FBA] =	sst s0  }
0x18: {  	s0 =	sld [smem:$0x3F9D];
	_ =	swait.ge [sflag:s4], $0x0  }
0x19: {  	s7 =	sld [smem:$0x3F9E]  }
0x1a: {  	s8 =	sadd.s32 $0xFFFFE003, lr  }
0x1b: {  	s9 =	sadd.s32 $0xFFFFFEF7, lr;
	s5 =	simm.s32 $0xFFFFFFFF;
	p2 =	slt.u32 s8, $0xFFFFF086  }
0x1c: {  	p1 =	slt.u32 s9, $0xF7A;
	s5 =	simm.s32 @!p2 $0x0  }
0x1d: {  	s5 =	simm.s32 @p1 $0x1;
	p0 =	seq.s32 s7, s2  }
0x1e: {  	s7 =	smul.u32 @!p0 $0xF7A, s2;
	p2 =	seq.s32 @!p0 s5, $0x0  }
0x1f: {  	s9 =	smul.u32 $0xF7A, s1;
	s8 =	simm.s32 @!p0 $0x1BF5;
	p2 =	por !p2, p0  }
0x20: {  	[sflag:s8] =	ssyncset.s32 @!p0 $0xFFFFF086;
	s6 =	sadd.s32 @!p0 s3, s7;
	s7 =	simm.s32 @!p0 $0x108  }
0x21: {  	s3 =	sadd.s32 s3, s9;
	s6 =	sadd.s32 @!p0 $0x88, s6;
	s7 =	simm.s32 @p2 $0x1082  }
0x22: {  	[simem:s7], [sflag:s8] =	dma.local @!p0 [hbm:s6], $0xF7A  }
0x23: {  	s9 =	sor.u32 $0xD0000000, s2;
	s6 =	simm.s32 $0x108;
	_ =	swait.ge @!p0 [sflag:s8], $0x0  }
0x24: {  	s3 =	sadd.s32 $0x88, s3;
	s6 =	simm.s32 @!p1 $0x1082;
	[sflag:s4] =	ssyncset.s32 $0xFFFFF086  }
0x25: {  	[simem:s6], [sflag:s4] =	dma.local [hbm:s3], $0xF7A  }
0x26: {  	[smem:$0x3F9E] =	sst s1;
	(tag) =	ssettag s2;
	_ =	strace s9  }
0x27: {  	s1 =	sld [smem:$0x3FAE]  }
0x28: {  	s2 =	sld [smem:$0x3FAF]  }
0x29: {  	s4 =	sld [smem:$0x3FB1]  }
0x2a: {  	p0 =	seq.s32 s5, $0x0;
	s5 =	sld [smem:$0x3FB2]  }
0x2b: {  	s6 =	sld [smem:$0x3FB3]  }
0x2c: {  	s7 =	sld [smem:$0x3FB4]  }
0x2d: {  	s3 =	simm.s32 $0x108;
	s8 =	sld [smem:$0x3FB5]  }
0x2e: {  	s3 =	simm.s32 @!p0 $0x1082;
	s9 =	sld [smem:$0x3FB6]  }
0x2f: {  	lr =	sadd.s32 s0, s3;
	s0 =	sld [smem:$0x3FAD]  }
0x30: {  	s3 =	sld [smem:$0x3FB0]  }
0x31: {  	[smem:$0x3FB9] =	sst s10  }
0x32: {  	s10 =	sld [smem:$0x3FB7];
	_ =	sdelay $0x3  }
0x33: {  	p0 =	seq.s32 s10, $0x1;
	s10 =	sld [smem:$0x3FB9];
	_ =	sdelay $0x3  }
0x34: {  	[smem:$0x3FB9] =	sst s10  }
0x35: {  	s10 =	sld [smem:$0x3FB8];
	_ =	sdelay $0x3  }
0x36: {  	p1 =	seq.s32 s10, $0x1;
	s10 =	sld [smem:$0x3FB9];
	_ =	sdelay $0x3  }
0x37: {  	[smem:$0x3FB9] =	sst s10  }
0x38: {  	s10 =	sld [smem:$0x3FBA]  }
0x39: {  	_ = 	snop;
	(pc) =	sbr.ind lr, $3  }
0x3a: {  	_ = 	snop  }
0x3b: {  	_ = 	snop  }
0x3c: {  	p2 =	seq.s32 s10, $0x1;
	s10 =	sld [smem:$0x3FB9]  }
0x3d: {  	_ =	shalt  }
0x3e: {  	_ =	shalt  }
0x3f: {  	_ =	shalt  }
0x40: {  	_ =	shalt  }
0x41: {  	_ =	shalt  }
0x42: {  	_ =	shalt  }
0x43: {  	_ =	shalt  }
0x44: {  	_ =	shalt  }
0x45: {  	_ =	shalt  }
0x46: {  	_ =	shalt  }
0x47: {  	_ =	shalt  }
0x48: {  	_ =	shalt  }
0x49: {  	_ =	shalt  }
0x4a: {  	_ =	shalt  }
0x4b: {  	_ =	shalt  }
0x4c: {  	_ =	shalt  }
0x4d: {  	_ =	shalt  }
0x4e: {  	_ =	shalt  }
0x4f: {  	_ =	shalt  }
0x50: {  	_ =	shalt  }
0x51: {  	_ =	shalt  }
0x52: {  	_ =	shalt  }
0x53: {  	_ =	shalt  }
0x54: {  	_ =	shalt  }
0x55: {  	_ =	shalt  }
0x56: {  	_ =	shalt  }
0x57: {  	_ =	shalt  }
0x58: {  	_ =	shalt  }
0x59: {  	_ =	shalt  }
0x5a: {  	_ =	shalt  }
0x5b: {  	_ =	shalt  }
0x5c: {  	_ =	shalt  }
0x5d: {  	_ =	shalt  }
0x5e: {  	_ =	shalt  }
0x5f: {  	_ =	shalt  }
0x60: {  	_ =	shalt  }
0x61: {  	_ =	shalt  }
0x62: {  	_ =	shalt  }
0x63: {  	_ =	shalt  }
0x64: {  	_ =	shalt  }
0x65: {  	_ =	shalt  }
0x66: {  	_ =	shalt  }
0x67: {  	_ =	shalt  }
0x68: {  	_ =	shalt  }
0x69: {  	_ =	shalt  }
0x6a: {  	_ =	shalt  }
0x6b: {  	_ =	shalt  }
0x6c: {  	_ =	shalt  }
0x6d: {  	_ =	shalt  }
0x6e: {  	_ =	shalt  }
0x6f: {  	_ =	shalt  }
0x70: {  	_ =	shalt  }
0x71: {  	_ =	shalt  }
0x72: {  	_ =	shalt  }
0x73: {  	_ =	shalt  }
0x74: {  	_ =	shalt  }
0x75: {  	_ =	shalt  }
0x76: {  	_ =	shalt  }
0x77: {  	_ =	shalt  }
0x78: {  	_ =	shalt  }
0x79: {  	_ =	shalt  }
0x7a: {  	_ =	shalt  }
0x7b: {  	_ =	shalt  }
0x7c: {  	_ =	shalt  }
0x7d: {  	_ =	shalt  }
0x7e: {  	_ =	shalt  }
0x7f: {  	_ =	shalt  }
0x80: {  	_ =	shalt  }
0x81: {  	_ =	shalt  }
0x82: {  	_ =	shalt  }
0x83: {  	_ =	shalt  }
0x84: {  	_ =	shalt  }
0x85: {  	_ =	shalt  }
0x86: {  	_ =	shalt  }
0x87: {  	_ =	shalt  }
.Lfunc_end0:
.L_simem_size_0:
called_computation.1_lowered:
.L_overlay_start_0:
0x88: {  	s2 =	sld [smem:$0x3FD9]  }
0x89: {  	s3 =	sld [smem:$0x3FFE];
	_ =	sdelay $0x1  }
0x8a: {  	s1 =	srdreg.scid  }
0x8b: {  	s0 =	sand.u32 $0x1, s1  }
0x8c: {  	s17 =	sshll.u32 s0, $0xA;
	s2 =	sadd.s32 s3, s2  }
0x8d: {  	s2 =	sadd.s32 s2, s17  }
0x8e: {  	[smem:$0x3FC5] =	sst s2  }
0x8f: {  	_ = 	snop  }
0x90: {  	s2 =	sld [smem:$0x3FD0];
	(tm) =	ssettm $0x1  }
0x91: {  	s18 =	sld [smem:$0x3FFB];
	_ =	sdelay $0x3  }
0x92: {  	_ =	strace s18  }
0x93: {  	s3 =	sld [smem:$0x3FFC];
	_ =	sdelay $0x3  }
0x94: {  	_ =	strace s3  }
0x95: {  	s3 =	sld [smem:$0x3FFD];
	_ =	sdelay $0x3  }
0x96: {  	_ =	strace s3  }
0x97: {  	_ =	strace $0x8FFFFFFF  }
0x98: {  	s19 =	sld [smem:$0x3FDB];
	_ =	sdelay $0x1  }
0x99: {  	s4 =	simm.s32 $_scs_section_size  }
0x9a: {  	s5 =	simm.s32 $_size__tile_overlayer_lowered;
	s6 =	simm.s32 $_tile_overlayer_lowered  }
0x9b: {  	s22 =	simm.s32 $0x1BFF;
	s21 =	sshll.u32 s6, $0x1;
	s3 =	sadd.s32 s4, s19  }
0x9c: {  	s7 =	simm.s32 $0x0;
	s20 =	sshll.u32 s5, $0x1;
	s5 =	sadd.s32 s21, s3  }
0x9d: {  	[timem:s7], [sflag:s22] =	dma.local [hbm:s5], s20  }
0x9e: {  	_ =	swait.ge [sflag:s22], s20  }
0x9f: {  	s4 =	ssub.s32 $0x0, s20;
	[sflag:s22] =	ssyncset.done $0x0  }
0xa0: {  	[sflag:s22] =	ssyncadd.s32 s4;
	_ =	sdelay $0x1  }
0xa1: {  	s23 =	simm.s32 $0x1B8B  }
0xa2: {  	_ =	swait.ge [sflag:s23], $0x1  }
0xa3: {  	[sflag:s23] =	ssyncset.done $0x0  }
0xa4: {  	s25 =	simm.s32 $0x1B8E;
	s24 =	sld [smem:$0x3FFE];
	[sflag:s23] =	ssyncadd.s32 $0xFFFFFFFF  }
0xa5: {  	s26 =	simm.s32 $execute0_lowered;
	[smem:$0x3FD2] =	sst s25  }
0xa6: {  	s5 =	sshll.u32 s26, $0x1;
	_ =	strace $0x80000049;
	[dreg:$0x1] =	wrdreg $0xFFFFFFFF  }
0xa7: {  	s28 =	simm.s32 $_size_execute0_lowered;
	s3 =	sadd.s32 s3, s5;
	[dreg:$0x0] =	wrdreg $0x0  }
0xa8: {  	s5 =	sshll.u32 s28, $0x1;
	[dreg:$0x2] =	wrdreg s3  }
0xa9: {  	[dreg:$0x3] =	wrdreg s5  }
0xaa: {  	[dreg:$0x4] =	wrdreg $0xC0  }
0xab: {  	_ =	task [dreg:s7], $0x5FFFF  }
0xac: {  	[dreg:$0x1] =	wrdreg $0xFFFFFFFF  }
0xad: {  	[dreg:$0x0] =	wrdreg $0x60  }
0xae: {  	[dreg:$0x2] =	wrdreg s24  }
0xaf: {  	[dreg:$0x3] =	wrdreg s2  }
0xb0: {  	[dreg:$0x4] =	wrdreg $0x9  }
0xb1: {  	_ =	task.clear_ibuf [dreg:s7], $0x5FFFF;
	_ =	strace $0x90000049  }
0xb2: {  	s29 =	simm.s32 $0x9;
	_ =	strace $0x8000004B  }
0xb3: {  	_ =	swait.ge [sflag:s29], $0x1  }
0xb4: {  	[sflag:s29] =	ssyncadd.s32 $0xFFFFFFFF  }
0xb5: {  	_ =	strace $0x9000004B  }
0xb6: {  	_ =	sfence  }
0xb7: {  	s30 =	sld [smem:$0x0];
	_ =	sdelay $0x2  }
0xb8: {  	s31 =	sshll.u32 s1, $0xD;
	s1 =	sshrl.u32 s1, $0x2  }
0xb9: {  	s3 =	sand.u32 $0x4000, s31;
	s1 =	sadd.s32 s1, s30  }
0xba: {  	s0 =	sor.u32 s3, s0;
	s1 =	sshll.u32 s1, $0x11  }
0xbb: {  	s0 =	sor.u32 s1, s0  }
0xbc: {  	s0 =	sadd.s32 $0x8F2B, s0  }
0xbd: {  	[sflag:s0] =	ssyncadd.remote.s32 $0x1  }
0xbe: {  	_ =	sfence.sel $0xFFFF  }
0xbf: {  	[dreg:$0x0] =	wrdreg $0xFFFFFFFF;
	(pc) =	sbr.abs _section_cstart, $3  }
0xc0: {  	[dreg:$0x1] =	wrdreg $0xFFFFFFFF  }
0xc1: {  	_ =	task.clear_ibuf [dreg:s7], $0x2FFFF;
	_ =	strace $0x9FFFFFFF  }
0xc2: {  	(tm) =	ssettm $0x7FFFFFFF  }
0xc3: {  	_ =	shalt  }
tec
execute0_lowered:
.L_overlay_start_1:
0x0: {  	(tag) =	ssettag $0x1  }
0x1: {  	s3 =	stileid.u32  }
0x2: {  	v13 =	vlaneseq.u32;
	s0 =	rddreg [dreg:$0x0];
	s4 =	sshll.u32 s3, $0x1;
	s3 =	simm.s32 $0x0  }
0x3: {  	v38 =	vor.u32 $0x40, v13;
	[smem:$0x7FF] =	sst s3  }
0x4: {  	s2 =	rddreg [dreg:$0x1];
	v50 =	vor.u32 $0x50, v13;
	_ =	strace $0x8000004A;
	[tilespmem:$0x1FC10] =	vst v38  }
0x5: {  	v51 =	vor.u32 $0x70, v13;
	[tilespmem:$0x1FC20] =	vst v50  }
0x6: {  	v53 =	vor.u32 $0x410, v13;
	[tilespmem:$0x1FC30] =	vst v51  }
0x7: {  	v54 =	vor.u32 $0x420, v13;
	[tilespmem:$0x1FC40] =	vst v53  }
0x8: {  	v55 =	vor.u32 $0x430, v13;
	[tilespmem:$0x1FC50] =	vst v54  }
0x9: {  	v56 =	vor.u32 $0x440, v13;
	[tilespmem:$0x1FC60] =	vst v55  }
0xa: {  	v57 =	vor.u32 $0x450, v13;
	[tilespmem:$0x1FC70] =	vst v56  }
0xb: {  	v58 =	vor.u32 $0x460, v13;
	[tilespmem:$0x1FC80] =	vst v57  }
0xc: {  	v61 =	vor.u32 $0x470, v13;
	[tilespmem:$0x1FC90] =	vst v58  }
0xd: {  	v62 =	vor.u32 $0xC50, v13;
	[tilespmem:$0x1FCA0] =	vst v61  }
0xe: {  	v63 =	vor.u32 $0xC60, v13;
	[tilespmem:$0x1FCB0] =	vst v62  }
0xf: {  	v36 =	vor.u32 $0x60, v13;
	[tilespmem:$0x1FCC0] =	vst v63  }
0x10: {  	v14 =	vor.u32 $0x800, v13;
	[tilespmem:$0x1FDA0] =	vst v36  }
0x11: {  	v15 =	vor.u32 $0x810, v13;
	[tilespmem:$0x1FDB0] =	vst v14  }
0x12: {  	v16 =	vor.u32 $0x820, v13;
	[tilespmem:$0x1FDC0] =	vst v15  }
0x13: {  	v17 =	vor.u32 $0x830, v13;
	[tilespmem:$0x1FDD0] =	vst v16  }
0x14: {  	v18 =	vor.u32 $0x840, v13;
	[tilespmem:$0x1FDE0] =	vst v17  }
0x15: {  	v19 =	vor.u32 $0x850, v13;
	[tilespmem:$0x1FDF0] =	vst v18  }
0x16: {  	v20 =	vor.u32 $0x860, v13;
	[tilespmem:$0x1FE00] =	vst v19  }
0x17: {  	v21 =	vor.u32 $0x870, v13;
	[tilespmem:$0x1FE10] =	vst v20  }
0x18: {  	v22 =	vor.u32 $0xC00, v13;
	[tilespmem:$0x1FE20] =	vst v21  }
0x19: {  	v23 =	vor.u32 $0xC10, v13;
	[tilespmem:$0x1FE30] =	vst v22  }
0x1a: {  	v24 =	vor.u32 $0xC20, v13;
	[tilespmem:$0x1FE40] =	vst v23  }
0x1b: {  	v25 =	vor.u32 $0xC30, v13;
	[tilespmem:$0x1FE50] =	vst v24  }
0x1c: {  	v26 =	vor.u32 $0xC40, v13;
	[tilespmem:$0x1FE60] =	vst v25  }
0x1d: {  	v40 =	vor.u32 $0x20, v13;
	[tilespmem:$0x1FE70] =	vst v26  }
0x1e: {  	v60 =	vor.u32 $0x10, v13;
	[tilespmem:$0x1FE80] =	vst v40  }
0x1f: {  	v0 =	vmul.u32 $0x20, v13;
	v2 =	vor.u32 $0xFFFFFFE0, v13;
	[tilespmem:$0x1FEA0] =	vst v60  }
0x20: {  	v37 =	vor.u32 $0x30, v13;
	[tilespmem:$0x1FEB0] =	vst v2  }
0x21: {  	v1 =	vor.u32 $0x1600, v0;
	[tilespmem:$0x1FFF0] =	vst v37  }
0x22: {  	v31 =	vor.u32 $0x1800, v0;
	[tilespmem:$0x1FCD0] =	vst v1  }
0x23: {  	v32 =	vor.u32 $0x1A00, v0;
	[tilespmem:$0x1FCE0] =	vst v31  }
0x24: {  	v35 =	vor.u32 $0x1C00, v0;
	[tilespmem:$0x1FCF0] =	vst v32  }
0x25: {  	v41 =	vor.u32 $0x1E00, v0;
	[tilespmem:$0x1FD00] =	vst v35  }
0x26: {  	v42 =	vor.u32 $0x2000, v0;
	[tilespmem:$0x1FD10] =	vst v41  }
0x27: {  	v43 =	vor.u32 $0x2200, v0;
	[tilespmem:$0x1FD20] =	vst v42  }
0x28: {  	v44 =	vor.u32 $0x2400, v0;
	[tilespmem:$0x1FD30] =	vst v43  }
0x29: {  	v45 =	vor.u32 $0x2600, v0;
	[tilespmem:$0x1FD40] =	vst v44  }
0x2a: {  	v46 =	vor.u32 $0x2800, v0;
	[tilespmem:$0x1FD50] =	vst v45  }
0x2b: {  	v47 =	vor.u32 $0x2A00, v0;
	[tilespmem:$0x1FD60] =	vst v46  }
0x2c: {  	v48 =	vor.u32 $0x2C00, v0;
	[tilespmem:$0x1FD70] =	vst v47  }
0x2d: {  	v49 =	vor.u32 $0x2E00, v0;
	[tilespmem:$0x1FD80] =	vst v48  }
0x2e: {  	v38 =	vor.u32 $0x400, v13;
	[tilespmem:$0x1FD90] =	vst v49  }
0x2f: {  	v59 =	vor.u32 $0x3E00, v0;
	[tilespmem:$0x1FE90] =	vst v38  }
0x30: {  	v12 =	vor.u32 $0x1400, v0;
	[tilespmem:$0x1FEC0] =	vst v59  }
0x31: {  	v3 =	vor.u32 $0x200, v0;
	[tilespmem:$0x1FED0] =	vst v12  }
0x32: {  	v4 =	vor.u32 $0x400, v0;
	[tilespmem:$0x1FEE0] =	vst v3  }
0x33: {  	v5 =	vor.u32 $0x600, v0;
	[tilespmem:$0x1FEF0] =	vst v4  }
0x34: {  	v6 =	vor.u32 $0x800, v0;
	[tilespmem:$0x1FF00] =	vst v5  }
0x35: {  	v7 =	vor.u32 $0xA00, v0;
	[tilespmem:$0x1FF10] =	vst v6  }
0x36: {  	s1 =	srdreg.scid;
	s14 =	simm.s32 $0x80;
	v8 =	vor.u32 $0xC00, v0;
	[tilespmem:$0x1FF20] =	vst v7  }
0x37: {  	s15 =	simm.s32 $0x3400;
	s16 =	simm.s32 $0x4400;
	s18 =	simm.s32 $0x5400;
	v9 =	vor.u32 $0xE00, v0;
	[tilespmem:$0x1FF30] =	vst v8  }
0x38: {  	s20 =	simm.s32 $0x6400;
	s21 =	simm.s32 $0x7400;
	s22 =	simm.s32 $0x8400;
	v10 =	vor.u32 $0x1000, v0;
	[tilespmem:$0x1FF40] =	vst v9  }
0x39: {  	s23 =	simm.s32 $0x9400;
	s24 =	simm.s32 $0xA400;
	s25 =	simm.s32 $0x1;
	v11 =	vor.u32 $0x1200, v0;
	[tilespmem:$0x1FF50] =	vst v10  }
0x3a: {  	s28 =	simm.s32 $0xC400;
	s29 =	simm.s32 $0xD400;
	s30 =	simm.s32 $0xE400;
	v39 =	vmov v0;
	[tilespmem:$0x1FF60] =	vst v11  }
0x3b: {  	s31 =	simm.s32 $0x2;
	s11 =	simm.s32 $0x10400;
	s12 =	simm.s32 $0x11400;
	v52 =	vor.u32 $0x3000, v0;
	[tilespmem:$0x1FF70] =	vst v39  }
0x3c: {  	s17 =	simm.s32 $0x12400;
	s10 =	simm.s32 $0x0;
	s1 =	sand.u32 $0x1, s1;
	v27 =	vor.u32 $0x3200, v0;
	[tilespmem:$0x1FF80] =	vst v52  }
0x3d: {  	s7 =	sadd.s32 $0x4000, s2;
	s8 =	sadd.s32 $0x8000, s2;
	s5 =	sor.u32 s1, s4;
	v28 =	vor.u32 $0x3400, v0;
	[tilespmem:$0x1FF90] =	vst v27  }
0x3e: {  	s9 =	sadd.s32 $0xC000, s2;
	s1 =	ssub.s32 $0x2, s1;
	s4 =	sshll.u32 s5, $0x6;
	v29 =	vor.u32 $0x3600, v0;
	[tilespmem:$0x1FFA0] =	vst v28  }
0x3f: {  	s26 =	sshrl.u32 s1, $0x1;
	v30 =	vor.u32 $0x3800, v0;
	s6 =	sadd.s32 s4, s0;
	s4 =	sadd.s32 $0xA00, s0;
	[tilespmem:$0x1FFB0] =	vst v29  }
0x40: {  	v33 =	vor.u32 $0x3A00, v0;
	s0 =	ssub.s32 s1, s26;
	s26 =	simm.s32 $0xB400;
	[tilespmem:$0x1FFC0] =	vst v30;
	s6 =	sadd.s32 $0x3D1400, s6  }
0x41: {  	v34 =	vor.u32 $0x3C00, v0;
	s1 =	simm.s32 $0x4;
	[tilespmem:$0x1FFD0] =	vst v33;
	s0 =	smax.u32 s0, $0x1;
	[dreg:$0x3] =	wrdreg s6  }
0x42: {  	[tilespmem:$0x1FFE0] =	vst v34;
	s6 =	sshll.u32 s5, $0xC;
	[dreg:$0x4] =	wrdreg s0;
	s0 =	simm.s32 $0xF400  }
.LBB2_1:
0x43: {  	[dreg:$0x5] =	wrdreg s10  }
0x44: {  	s5 =	rddreg [dreg:$0x3]  }
0x45: {  	s19 =	simm.s32 $0x200;
	s13 =	simm.s32 $0x4000;
	s10 =	simm.s32 $0x5  }
0x46: {  	[tilespmem:s3], [sflag:$0x5] =	stream.strided.gather [hbm4b:s5+s19], $0x3400, s13, s19, $0x38;
	[tilespmem:$0x13400] =	vst v63  }
0x47: {  	_ =	swait.ge [sflag:s10], $0x3400  }
0x48: {  	[sflag:s10] =	ssyncset.done $0x0  }
0x49: {  	[sflag:s10] =	ssyncadd.s32 $0xFFFFCC00  }
0x4a: {  	[tilespmem:s15], [sflag:$0x1] =	stream.indirect.gather [hbm4b:s4+s14], $0x20, s3, s14, $0xb8;
	[tilespmem:$0x13400] =	vst v63  }
0x4b: {  	_ = 	snop  }
0x4c: {  	[tilespmem:s16], [sflag:$0x1] =	stream.indirect.gather [hbm4b:s4+s14], $0x20, s14, s14, $0xb8;
	[tilespmem:$0x13400] =	vst v63  }
0x4d: {  	s13 =	simm.s32 $0x100  }
0x4e: {  	[tilespmem:s18], [sflag:$0x1] =	stream.indirect.gather [hbm4b:s4+s14], $0x20, s13, s14, $0xb8;
	[tilespmem:$0x13400] =	vst v63  }
0x4f: {  	s19 =	simm.s32 $0x180;
	s10 =	simm.s32 $0x0  }
0x50: {  	[tilespmem:s20], [sflag:$0x1] =	stream.indirect.gather [hbm4b:s4+s14], $0x20, s19, s14, $0xb8;
	[tilespmem:$0x13400] =	vst v63  }
.LBB2_2:
0x51: {  	s13 =	sshllo.u32 s10, $0x1  }
0x52: {  	s19 =	sshll.u32 s13, $0x9  }
0x53: {  	s19 =	sand.u32 $0x3FFFFE00, s19  }
0x54: {  	[tilespmem:s21], [sflag:$0x2] =	stream.indirect.gather [hbm4b:s4+s14], $0x20, s19, s14, $0xb8;
	[tilespmem:$0x13400] =	vst v63  }
0x55: {  	s5 =	sor.u32 $0x80, s19  }
0x56: {  	[tilespmem:s22], [sflag:$0x2] =	stream.indirect.gather [hbm4b:s4+s14], $0x20, s5, s14, $0xb8;
	[tilespmem:$0x13400] =	vst v63  }
0x57: {  	s5 =	sor.u32 $0x100, s19  }
0x58: {  	[tilespmem:s23], [sflag:$0x2] =	stream.indirect.gather [hbm4b:s4+s14], $0x20, s5, s14, $0xb8;
	[tilespmem:$0x13400] =	vst v63  }
0x59: {  	s19 =	sor.u32 $0x180, s19  }
0x5a: {  	[tilespmem:s24], [sflag:$0x2] =	stream.indirect.gather [hbm4b:s4+s14], $0x20, s19, s14, $0xb8;
	[tilespmem:$0x13400] =	vst v63  }
0x5b: {  	_ =	swait.ge [sflag:s25], $0x4000  }
0x5c: {  	p0 =	seq.s32 s10, $0x0;
	[sflag:s25] =	ssyncset.done $0x0  }
0x5d: {  	s5 =	simm.s32 @!p0 $0x3;
	[sflag:s25] =	ssyncadd.s32 $0xFFFFC000  }
0x5e: {  	_ =	swait.ge @!p0 [sflag:s5], $0x4000  }
0x5f: {  	[sflag:s5] =	ssyncset.done @!p0 $0x0  }
0x60: {  	s19 =	simm.s32 $0x0;
	[sflag:s5] =	ssyncadd.s32 @!p0 $0xFFFFC000  }
.LBB2_3:
0x61: {  	v0 =	vld [tilespmem:$0x1FEB0]  }
0x62: {  	v41 =	vld [tilespmem:$0x1FEE0]  }
0x63: {  	v42 =	vld [tilespmem:$0x1FEF0]  }
0x64: {  	v43 =	vld [tilespmem:$0x1FF00]  }
0x65: {  	v44 =	vld [tilespmem:$0x1FF10]  }
0x66: {  	v45 =	vld [tilespmem:$0x1FF20]  }
0x67: {  	v46 =	vld [tilespmem:$0x1FF30]  }
0x68: {  	v47 =	vld [tilespmem:$0x1FF40]  }
0x69: {  	v48 =	vld [tilespmem:$0x1FF50]  }
0x6a: {  	v49 =	vld [tilespmem:$0x1FF60]  }
0x6b: {  	v51 =	vld [tilespmem:$0x1FED0]  }
0x6c: {  	v61 =	vld [tilespmem:$0x1FD60]  }
0x6d: {  	v63 =	vld [tilespmem:$0x1FD70]  }
0x6e: {  	v1 =	vadd.s32 s19, v13;
	v35 =	vld [tilespmem:$0x1FEA0]  }
0x6f: {  	v36 =	vld [tilespmem:$0x1FE80];
	vm0 =	vlt.u32 v1, $0x20;
	v2 =	vadd.s32 s19, v0  }
0x70: {  	v0 =	vld [tilespmem:$0x1FCE0];
	v1 =	vsel vm0, v1, v2  }
0x71: {  	v50 =	vmov v39;
	v2 =	vadd.s32 v39, v1;
	v39 =	vld [tilespmem:$0x1FCD0]  }
0x72: {  	v12 =	vadd.s32 v51, v1;
	v51 =	vld [tilespmem:$0x1FCF0]  }
0x73: {  	v3 =	vadd.s32 v41, v1;
	v41 =	vld [tilespmem:$0x1FD00]  }
0x74: {  	v4 =	vadd.s32 v42, v1;
	v42 =	vld [tilespmem:$0x1FD10]  }
0x75: {  	v5 =	vadd.s32 v43, v1;
	v43 =	vld [tilespmem:$0x1FD20]  }
0x76: {  	v6 =	vadd.s32 v44, v1;
	v44 =	vld [tilespmem:$0x1FD30]  }
0x77: {  	v8 =	vadd.s32 v46, v1;
	v46 =	vld [tilespmem:$0x1FD40]  }
0x78: {  	v11 =	vadd.s32 v49, v1;
	v49 =	vld [tilespmem:$0x1FD50]  }
0x79: {  	v7 =	vadd.s32 v45, v1;
	v45 =	vld [tilespmem:$0x1FD80]  }
0x7a: {  	v10 =	vadd.s32 v48, v1;
	v48 =	vld [tilespmem:$0x1FD90]  }
0x7b: {  	v9 =	vadd.s32 v47, v1;
	v47 =	vmov v52;
	v26 =	vadd.s32 v52, v1;
	v52 =	vld [tilespmem:$0x1FC10]  }
0x7c: {  	v2 =	vld.idx.msk [tilespmem:v2+s15+$0x0], $0xffff  }
0x7d: {  	v3 =	vld.idx.msk [tilespmem:v3+s15+$0x0], $0xffff  }
0x7e: {  	v4 =	vld.idx.msk [tilespmem:v4+s15+$0x0], $0xffff  }
0x7f: {  	v5 =	vld.idx.msk [tilespmem:v5+s15+$0x0], $0xffff  }
0x80: {  	v6 =	vld.idx.msk [tilespmem:v6+s15+$0x0], $0xffff  }
0x81: {  	v7 =	vld.idx.msk [tilespmem:v7+s15+$0x0], $0xffff  }
0x82: {  	v22 =	vadd.s32 v61, v1;
	v8 =	vld.idx.msk [tilespmem:v8+s15+$0x0], $0xffff  }
0x83: {  	v23 =	vadd.s32 v63, v1;
	v9 =	vld.idx.msk [tilespmem:v9+s15+$0x0], $0xffff  }
0x84: {  	v10 =	vld.idx.msk [tilespmem:v10+s15+$0x0], $0xffff  }
0x85: {  	v40 =	vmov v27;
	v27 =	vadd.s32 v27, v1;
	v11 =	vld.idx.msk [tilespmem:v11+s15+$0x0], $0xffff  }
0x86: {  	v54 =	vmov v28;
	v28 =	vadd.s32 v28, v1;
	v12 =	vld.idx.msk [tilespmem:v12+s15+$0x0], $0xffff  }
0x87: {  	v55 =	vmov v29;
	v29 =	vadd.s32 v29, v1;
	v22 =	vld.idx.msk [tilespmem:v22+s15+$0x0], $0xffff  }
0x88: {  	v56 =	vmov v30;
	v30 =	vadd.s32 v30, v1;
	v23 =	vld.idx.msk [tilespmem:v23+s15+$0x0], $0xffff  }
0x89: {  	v53 =	vadd.s32 v33, v1;
	v26 =	vld.idx.msk [tilespmem:v26+s15+$0x0], $0xffff  }
0x8a: {  	v62 =	vadd.s32 v34, v1;
	v27 =	vld.idx.msk [tilespmem:v27+s15+$0x0], $0xffff  }
0x8b: {  	v28 =	vld.idx.msk [tilespmem:v28+s15+$0x0], $0xffff  }
0x8c: {  	v29 =	vld.idx.msk [tilespmem:v29+s15+$0x0], $0xffff  }
0x8d: {  	v57 =	vmov v33;
	v31 =	vshll.u32 v1, $0x9;
	v14 =	vadd.s32 v0, v1;
	v30 =	vld.idx.msk [tilespmem:v30+s15+$0x0], $0xffff  }
0x8e: {  	v58 =	vmovc v34;
	v32 =	vshll.u32 v1, $0x7;
	v13 =	vadd.s32 v39, v1;
	v15 =	vadd.s32 v51, v1;
	v33 =	vld.idx.msk [tilespmem:v53+s15+$0x0], $0xffff  }
0x8f: {  	v16 =	vadd.s32 v41, v1;
	v17 =	vadd.s32 v42, v1;
	v18 =	vadd.s32 v43, v1;
	v34 =	vld.idx.msk [tilespmem:v62+s15+$0x0], $0xffff  }
0x90: {  	v19 =	vadd.s32 v44, v1;
	v20 =	vadd.s32 v46, v1;
	v21 =	vadd.s32 v49, v1;
	v53 =	vld [tilespmem:$0x1FC20]  }
0x91: {  	v24 =	vadd.s32 v45, v1;
	v25 =	vadd.s32 v48, v1;
	v1 =	vadd.s32 v59, v1;
	v59 =	vld [tilespmem:$0x1FDA0]  }
0x92: {  	v14 =	vld.idx.msk [tilespmem:v14+s15+$0x0], $0xffff  }
0x93: {  	v13 =	vld.idx.msk [tilespmem:v13+s15+$0x0], $0xffff  }
0x94: {  	v15 =	vld.idx.msk [tilespmem:v15+s15+$0x0], $0xffff  }
0x95: {  	v16 =	vld.idx.msk [tilespmem:v16+s15+$0x0], $0xffff  }
0x96: {  	v17 =	vld.idx.msk [tilespmem:v17+s15+$0x0], $0xffff  }
0x97: {  	v31 =	vand.u32 $0xFFFFF000, v31;
	v32 =	vand.u32 $0x380, v32;
	v18 =	vld.idx.msk [tilespmem:v18+s15+$0x0], $0xffff  }
0x98: {  	v60 =	vlaneseq.u32;
	v31 =	vor.u32 v32, v31;
	v19 =	vld.idx.msk [tilespmem:v19+s15+$0x0], $0xffff  }
0x99: {  	v32 =	vor.u32 v60, v31;
	v20 =	vld.idx.msk [tilespmem:v20+s15+$0x0], $0xffff  }
0x9a: {  	v35 =	vor.u32 v35, v31;
	v21 =	vld.idx.msk [tilespmem:v21+s15+$0x0], $0xffff  }
0x9b: {  	v36 =	vor.u32 v36, v31;
	v24 =	vld.idx.msk [tilespmem:v24+s15+$0x0], $0xffff  }
0x9c: {  	v25 =	vld.idx.msk [tilespmem:v25+s15+$0x0], $0xffff  }
0x9d: {  	v38 =	vld.idx.msk [tilespmem:v1+s15+$0x0], $0xffff  }
0x9e: {  	v62 =	vmov v37;
	v37 =	vor.u32 v37, v31;
	[tilespmem:v32+s26+$0x0] =	vst.idx.msk $0xffff, v2;
	v32 =	vld [tilespmem:$0x1FC30]  }
0x9f: {  	[tilespmem:v35+s26+$0x0] =	vst.idx.msk $0xffff, v3;
	v35 =	vld [tilespmem:$0x1FE90]  }
0xa0: {  	v1 =	vor.u32 v52, v31;
	[tilespmem:v36+s26+$0x0] =	vst.idx.msk $0xffff, v4;
	v36 =	vld [tilespmem:$0x1FC40]  }
0xa1: {  	v2 =	vor.u32 v53, v31  }
0xa2: {  	v52 =	vld [tilespmem:$0x1FC60];
	v3 =	vor.u32 v59, v31  }
0xa3: {  	[tilespmem:v37+s26+$0x0] =	vst.idx.msk $0xffff, v5;
	v37 =	vld [tilespmem:$0x1FC50];
	v4 =	vor.u32 v32, v31  }
0xa4: {  	v53 =	vld [tilespmem:$0x1FC70];
	v5 =	vor.u32 v35, v31  }
0xa5: {  	v59 =	vld [tilespmem:$0x1FC80];
	[tilespmem:v1+s26+$0x0] =	vst.idx.msk $0xffff, v6;
	v1 =	vor.u32 v36, v31  }
0xa6: {  	v32 =	vld [tilespmem:$0x1FDD0];
	[tilespmem:v2+s26+$0x0] =	vst.idx.msk $0xffff, v7  }
0xa7: {  	[tilespmem:v3+s26+$0x0] =	vst.idx.msk $0xffff, v8;
	v8 =	vld [tilespmem:$0x1FC90]  }
0xa8: {  	v3 =	vor.u32 v52, v31;
	v52 =	vld [tilespmem:$0x1FCA0];
	v2 =	vor.u32 v37, v31;
	[tilespmem:v4+s26+$0x0] =	vst.idx.msk $0xffff, v9  }
0xa9: {  	[tilespmem:v5+s26+$0x0] =	vst.idx.msk $0xffff, v10;
	v10 =	vld [tilespmem:$0x1FDB0]  }
0xaa: {  	v4 =	vor.u32 v53, v31;
	[tilespmem:v1+s26+$0x0] =	vst.idx.msk $0xffff, v11;
	v11 =	vld [tilespmem:$0x1FDC0]  }
0xab: {  	v35 =	vld [tilespmem:$0x1FDE0];
	v5 =	vor.u32 v59, v31  }
0xac: {  	v36 =	vld [tilespmem:$0x1FDF0];
	v1 =	vor.u32 v8, v31  }
0xad: {  	v37 =	vld [tilespmem:$0x1FE00];
	v9 =	vor.u32 v52, v31;
	[tilespmem:v2+s26+$0x0] =	vst.idx.msk $0xffff, v12  }
0xae: {  	v53 =	vld [tilespmem:$0x1FE10];
	[tilespmem:v3+s26+$0x0] =	vst.idx.msk $0xffff, v13;
	v3 =	vor.u32 v10, v31  }
0xaf: {  	v59 =	vld [tilespmem:$0x1FE20];
	[tilespmem:v4+s26+$0x0] =	vst.idx.msk $0xffff, v14;
	v4 =	vor.u32 v11, v31  }
0xb0: {  	v8 =	vld [tilespmem:$0x1FE30];
	[tilespmem:v5+s26+$0x0] =	vst.idx.msk $0xffff, v15;
	v5 =	vor.u32 v32, v31  }
0xb1: {  	v10 =	vld [tilespmem:$0x1FE50];
	[tilespmem:v1+s26+$0x0] =	vst.idx.msk $0xffff, v16;
	v1 =	vor.u32 v35, v31  }
0xb2: {  	v2 =	vor.u32 v36, v31;
	[tilespmem:v9+s26+$0x0] =	vst.idx.msk $0xffff, v17;
	v9 =	vld [tilespmem:$0x1FE40]  }
0xb3: {  	v11 =	vld [tilespmem:$0x1FE60];
	[tilespmem:v3+s26+$0x0] =	vst.idx.msk $0xffff, v18;
	v3 =	vor.u32 v37, v31  }
0xb4: {  	v16 =	vld [tilespmem:$0x1FE70];
	[tilespmem:v4+s26+$0x0] =	vst.idx.msk $0xffff, v19;
	v4 =	vor.u32 v53, v31  }
0xb5: {  	v18 =	vld [tilespmem:$0x1FCC0];
	[tilespmem:v5+s26+$0x0] =	vst.idx.msk $0xffff, v20;
	v5 =	vor.u32 v59, v31  }
0xb6: {  	v59 =	vld [tilespmem:$0x1FCB0];
	[tilespmem:v1+s26+$0x0] =	vst.idx.msk $0xffff, v21;
	v1 =	vor.u32 v8, v31  }
0xb7: {  	v21 =	vld [tilespmem:$0x1FEB0];
	[tilespmem:v2+s26+$0x0] =	vst.idx.msk $0xffff, v22;
	v2 =	vor.u32 v9, v31  }
0xb8: {  	[tilespmem:v3+s26+$0x0] =	vst.idx.msk $0xffff, v23;
	v3 =	vor.u32 v10, v31  }
0xb9: {  	[tilespmem:v4+s26+$0x0] =	vst.idx.msk $0xffff, v24;
	v4 =	vor.u32 v11, v31  }
0xba: {  	s5 =	sadd.s32 $0x1, s19;
	v35 =	vld [tilespmem:$0x1FEE0];
	[tilespmem:v5+s26+$0x0] =	vst.idx.msk $0xffff, v25;
	v5 =	vor.u32 v16, v31  }
0xbb: {  	v37 =	vld [tilespmem:$0x1FEF0];
	v53 =	vor.u32 $0xC70, v60;
	v20 =	vadd.s32 s5, v60;
	v17 =	vor.u32 v59, v31;
	[tilespmem:v1+s26+$0x0] =	vst.idx.msk $0xffff, v26  }
0xbc: {  	vm15 =	vlt.u32 v20, $0x20;
	v19 =	vor.u32 v18, v31;
	v11 =	vld [tilespmem:$0x1FF00];
	v22 =	vadd.s32 s5, v21;
	[tilespmem:v2+s26+$0x0] =	vst.idx.msk $0xffff, v27  }
0xbd: {  	v23 =	vor.u32 v53, v31;
	v2 =	vsel vm15, v20, v22;
	v20 =	vld [tilespmem:$0x1FF30];
	[tilespmem:v3+s26+$0x0] =	vst.idx.msk $0xffff, v28  }
0xbe: {  	v22 =	vld [tilespmem:$0x1FF40];
	v32 =	vadd.s32 v50, v2;
	[tilespmem:v4+s26+$0x0] =	vst.idx.msk $0xffff, v29  }
0xbf: {  	v36 =	vadd.s32 v35, v2;
	v35 =	vld [tilespmem:$0x1FED0];
	[tilespmem:v5+s26+$0x0] =	vst.idx.msk $0xffff, v30  }
0xc0: {  	v50 =	vadd.s32 v37, v2;
	[tilespmem:v17+s26+$0x0] =	vst.idx.msk $0xffff, v33;
	v17 =	vld [tilespmem:$0x1FF10]  }
0xc1: {  	v16 =	vadd.s32 v11, v2;
	[tilespmem:v19+s26+$0x0] =	vst.idx.msk $0xffff, v34;
	v19 =	vld [tilespmem:$0x1FF20]  }
0xc2: {  	v34 =	vld [tilespmem:$0x1FF60];
	[tilespmem:v23+s26+$0x0] =	vst.idx.msk $0xffff, v38  }
0xc3: {  	v14 =	vadd.s32 v39, v2;
	v4 =	vld.idx.msk [tilespmem:v32+s15+$0x0], $0xffff  }
0xc4: {  	v15 =	vadd.s32 v0, v2;
	v5 =	vld.idx.msk [tilespmem:v36+s15+$0x0], $0xffff  }
0xc5: {  	v37 =	vadd.s32 v41, v2;
	v41 =	vadd.s32 v44, v2;
	v6 =	vld.idx.msk [tilespmem:v50+s15+$0x0], $0xffff  }
0xc6: {  	v39 =	vadd.s32 v43, v2;
	v43 =	vadd.s32 v49, v2;
	v7 =	vld.idx.msk [tilespmem:v16+s15+$0x0], $0xffff  }
0xc7: {  	v24 =	vadd.s32 v63, v2;
	v32 =	vld [tilespmem:$0x1FF50]  }
0xc8: {  	v25 =	vadd.s32 v45, v2;
	v14 =	vld.idx.msk [tilespmem:v14+s15+$0x0], $0xffff  }
0xc9: {  	v26 =	vadd.s32 v48, v2;
	v15 =	vld.idx.msk [tilespmem:v15+s15+$0x0], $0xffff  }
0xca: {  	v27 =	vadd.s32 v47, v2;
	v21 =	vadd.s32 v20, v2;
	v20 =	vld.idx.msk [tilespmem:v41+s15+$0x0], $0xffff  }
0xcb: {  	v28 =	vadd.s32 v40, v2;
	v23 =	vadd.s32 v22, v2;
	v22 =	vld.idx.msk [tilespmem:v43+s15+$0x0], $0xffff  }
0xcc: {  	v29 =	vadd.s32 v54, v2;
	v24 =	vld.idx.msk [tilespmem:v24+s15+$0x0], $0xffff  }
0xcd: {  	v25 =	vld.idx.msk [tilespmem:v25+s15+$0x0], $0xffff  }
0xce: {  	v26 =	vld.idx.msk [tilespmem:v26+s15+$0x0], $0xffff  }
0xcf: {  	v31 =	vadd.s32 v56, v2;
	v27 =	vld.idx.msk [tilespmem:v27+s15+$0x0], $0xffff  }
0xd0: {  	v49 =	vadd.s32 v58, v2;
	v28 =	vld.idx.msk [tilespmem:v28+s15+$0x0], $0xffff  }
0xd1: {  	v30 =	vadd.s32 v55, v2;
	v29 =	vld.idx.msk [tilespmem:v29+s15+$0x0], $0xffff  }
0xd2: {  	v50 =	vld [tilespmem:$0x1FEC0]  }
0xd3: {  	v36 =	vadd.s32 v51, v2;
	v51 =	vld [tilespmem:$0x1FEA0]  }
0xd4: {  	v31 =	vld.idx.msk [tilespmem:v31+s15+$0x0], $0xffff  }
0xd5: {  	v48 =	vadd.s32 v57, v2;
	v13 =	vadd.s32 v35, v2;
	v35 =	vld.idx.msk [tilespmem:v49+s15+$0x0], $0xffff  }
0xd6: {  	v30 =	vld.idx.msk [tilespmem:v30+s15+$0x0], $0xffff  }
0xd7: {  	v18 =	vadd.s32 v17, v2;
	v17 =	vld.idx.msk [tilespmem:v37+s15+$0x0], $0xffff  }
0xd8: {  	v9 =	vld.idx.msk [tilespmem:v21+s15+$0x0], $0xffff  }
0xd9: {  	v38 =	vadd.s32 v42, v2;
	v42 =	vadd.s32 v46, v2;
	v8 =	vadd.s32 v19, v2;
	v19 =	vld.idx.msk [tilespmem:v39+s15+$0x0], $0xffff  }
0xda: {  	v44 =	vadd.s32 v61, v2;
	v12 =	vadd.s32 v34, v2;
	v34 =	vld.idx.msk [tilespmem:v48+s15+$0x0], $0xffff  }
0xdb: {  	v48 =	vld [tilespmem:$0x1FC20]  }
0xdc: {  	v10 =	vld.idx.msk [tilespmem:v23+s15+$0x0], $0xffff  }
0xdd: {  	v13 =	vld.idx.msk [tilespmem:v13+s15+$0x0], $0xffff  }
0xde: {  	v21 =	vld.idx.msk [tilespmem:v42+s15+$0x0], $0xffff;
	v33 =	vadd.s32 v32, v2  }
0xdf: {  	v23 =	vld.idx.msk [tilespmem:v44+s15+$0x0], $0xffff  }
0xe0: {  	v42 =	vld [tilespmem:$0x1FE80]  }
0xe1: {  	v45 =	vshll.u32 v2, $0x9;
	v16 =	vld.idx.msk [tilespmem:v36+s15+$0x0], $0xffff  }
0xe2: {  	v46 =	vshll.u32 v2, $0x7;
	v32 =	vand.u32 $0xFFFFF000, v45;
	v45 =	vld [tilespmem:$0x1FC10]  }
0xe3: {  	v11 =	vld.idx.msk [tilespmem:v33+s15+$0x0], $0xffff;
	v33 =	vand.u32 $0x380, v46  }
0xe4: {  	v2 =	vadd.s32 v50, v2;
	v50 =	vld [tilespmem:$0x1FDA0];
	v32 =	vor.u32 v33, v32  }
0xe5: {  	v3 =	vld.idx.msk [tilespmem:v18+s15+$0x0], $0xffff;
	v33 =	vor.u32 v60, v32  }
0xe6: {  	v18 =	vld.idx.msk [tilespmem:v38+s15+$0x0], $0xffff  }
0xe7: {  	v8 =	vld.idx.msk [tilespmem:v8+s15+$0x0], $0xffff;
	v63 =	vor.u32 v51, v32  }
0xe8: {  	v12 =	vld.idx.msk [tilespmem:v12+s15+$0x0], $0xffff  }
0xe9: {  	v2 =	vld.idx.msk [tilespmem:v2+s15+$0x0], $0xffff;
	v43 =	vor.u32 v42, v32  }
0xea: {  	v44 =	vor.u32 v62, v32;
	[tilespmem:v33+s26+$0x0] =	vst.idx.msk $0xffff, v4;
	v33 =	vmov v57;
	v57 =	vld [tilespmem:$0x1FC30]  }
0xeb: {  	v61 =	vld [tilespmem:$0x1FE90]  }
0xec: {  	v46 =	vor.u32 v45, v32;
	[tilespmem:v63+s26+$0x0] =	vst.idx.msk $0xffff, v5;
	v63 =	vld [tilespmem:$0x1FC40]  }
0xed: {  	v38 =	vld [tilespmem:$0x1FC50];
	v49 =	vor.u32 v48, v32  }
0xee: {  	v51 =	vor.u32 v50, v32;
	v42 =	vld [tilespmem:$0x1FC60];
	[tilespmem:v43+s26+$0x0] =	vst.idx.msk $0xffff, v6  }
0xef: {  	[tilespmem:v44+s26+$0x0] =	vst.idx.msk $0xffff, v7;
	v44 =	vld [tilespmem:$0x1FC70];
	v60 =	vor.u32 v57, v32  }
0xf0: {  	v37 =	vmov v62;
	v62 =	vor.u32 v61, v32  }
0xf1: {  	[tilespmem:v46+s26+$0x0] =	vst.idx.msk $0xffff, v3;
	v36 =	vor.u32 v63, v32  }
0xf2: {  	v41 =	vor.u32 v38, v32;
	[tilespmem:v49+s26+$0x0] =	vst.idx.msk $0xffff, v8  }
0xf3: {  	v43 =	vor.u32 v42, v32;
	[tilespmem:v51+s26+$0x0] =	vst.idx.msk $0xffff, v9  }
0xf4: {  	v45 =	vor.u32 v44, v32;
	[tilespmem:v60+s26+$0x0] =	vst.idx.msk $0xffff, v10  }
0xf5: {  	v46 =	vld [tilespmem:$0x1FC80];
	[tilespmem:v62+s26+$0x0] =	vst.idx.msk $0xffff, v11  }
0xf6: {  	v49 =	vld [tilespmem:$0x1FC90];
	[tilespmem:v36+s26+$0x0] =	vst.idx.msk $0xffff, v12  }
0xf7: {  	[tilespmem:v41+s26+$0x0] =	vst.idx.msk $0xffff, v13  }
0xf8: {  	[tilespmem:v43+s26+$0x0] =	vst.idx.msk $0xffff, v14;
	v14 =	vld [tilespmem:$0x1FDB0]  }
0xf9: {  	[tilespmem:v45+s26+$0x0] =	vst.idx.msk $0xffff, v15;
	v15 =	vld [tilespmem:$0x1FDC0]  }
0xfa: {  	v48 =	vor.u32 v46, v32;
	v60 =	vld [tilespmem:$0x1FDD0]  }
0xfb: {  	v50 =	vor.u32 v49, v32;
	v62 =	vld [tilespmem:$0x1FDE0]  }
0xfc: {  	v51 =	vor.u32 v52, v32;
	v9 =	vld [tilespmem:$0x1FDF0]  }
0xfd: {  	v11 =	vld [tilespmem:$0x1FE00];
	v52 =	vor.u32 v14, v32  }
0xfe: {  	v38 =	vld [tilespmem:$0x1FE10];
	v57 =	vor.u32 v15, v32  }
0xff: {  	v42 =	vld [tilespmem:$0x1FE20];
	v61 =	vor.u32 v60, v32;
	[tilespmem:v48+s26+$0x0] =	vst.idx.msk $0xffff, v16  }
0x100: {  	v63 =	vor.u32 v62, v32;
	[tilespmem:v50+s26+$0x0] =	vst.idx.msk $0xffff, v17  }
0x101: {  	v10 =	vor.u32 v9, v32;
	[tilespmem:v51+s26+$0x0] =	vst.idx.msk $0xffff, v18  }
0x102: {  	v36 =	vor.u32 v11, v32;
	[tilespmem:v52+s26+$0x0] =	vst.idx.msk $0xffff, v19  }
0x103: {  	v41 =	vor.u32 v38, v32;
	[tilespmem:v57+s26+$0x0] =	vst.idx.msk $0xffff, v20  }
0x104: {  	v43 =	vor.u32 v42, v32;
	[tilespmem:v61+s26+$0x0] =	vst.idx.msk $0xffff, v21  }
0x105: {  	v44 =	vld [tilespmem:$0x1FE30];
	[tilespmem:v63+s26+$0x0] =	vst.idx.msk $0xffff, v22  }
0x106: {  	v46 =	vld [tilespmem:$0x1FE40];
	[tilespmem:v10+s26+$0x0] =	vst.idx.msk $0xffff, v23  }
0x107: {  	[tilespmem:v36+s26+$0x0] =	vst.idx.msk $0xffff, v24;
	v24 =	vld [tilespmem:$0x1FE50]  }
0x108: {  	[tilespmem:v41+s26+$0x0] =	vst.idx.msk $0xffff, v25;
	v25 =	vld [tilespmem:$0x1FE60]  }
0x109: {  	[tilespmem:v43+s26+$0x0] =	vst.idx.msk $0xffff, v26;
	v26 =	vld [tilespmem:$0x1FE70]  }
0x10a: {  	v45 =	vor.u32 v44, v32  }
0x10b: {  	v48 =	vor.u32 v46, v32;
	v61 =	vld [tilespmem:$0x1FCC0]  }
0x10c: {  	v49 =	vor.u32 v24, v32  }
0x10d: {  	v50 =	vor.u32 v25, v32  }
0x10e: {  	[tilespmem:$0x1FC00] =	vst v53;
	v57 =	vor.u32 v26, v32  }
0x10f: {  	v60 =	vor.u32 v59, v32;
	[tilespmem:v45+s26+$0x0] =	vst.idx.msk $0xffff, v27  }
0x110: {  	v62 =	vor.u32 v61, v32;
	[tilespmem:v48+s26+$0x0] =	vst.idx.msk $0xffff, v28  }
0x111: {  	p1 =	slt.u32 s19, $0x1E;
	v63 =	vor.u32 v53, v32;
	[tilespmem:v49+s26+$0x0] =	vst.idx.msk $0xffff, v29  }
.Ltmp0:
0x112: {  	[tilespmem:v50+s26+$0x0] =	vst.idx.msk $0xffff, v30;
	(pc) =	sbr.rel @p1 .LBB2_3-.Ltmp0, $4  }
0x113: {  	[tilespmem:v57+s26+$0x0] =	vst.idx.msk $0xffff, v31  }
0x114: {  	[tilespmem:v60+s26+$0x0] =	vst.idx.msk $0xffff, v34  }
0x115: {  	v39 =	vld [tilespmem:$0x1FF70];
	v13 =	vlaneseq.u32;
	v52 =	vmov v47;
	[tilespmem:v62+s26+$0x0] =	vst.idx.msk $0xffff, v35  }
0x116: {  	s19 =	sadd.s32 $0x2, s19;
	v59 =	vld [tilespmem:$0x1FEC0];
	v27 =	vmovc v40;
	v28 =	vmovc v54;
	v29 =	vmov v55;
	v30 =	vmov v56;
	v34 =	vmov v58;
	[tilespmem:v63+s26+$0x0] =	vst.idx.msk $0xffff, v2  }
0x117: {  	s5 =	sshll.u32 s10, $0x14  }
0x118: {  	s5 =	sor.u32 s6, s5  }
0x119: {  	s5 =	sshrl.u32 s5, $0x3  }
0x11a: {  	s19 =	sadd.s32 s2, s5  }
0x11b: {  	[hbm4b:s19+s3] =	stream.linear.scatter [tilespmem:s26], [sflag:$0x3], $0x1000, $0x38;
	[tilespmem:$0x13400] =	vst v63  }
0x11c: {  	p1 =	sne.s32 s10, $0xC;
	s19 =	sadd.s32 s5, s7  }
0x11d: {  	[hbm4b:s19+s3] =	stream.linear.scatter [tilespmem:s28], [sflag:$0x3], $0x1000, $0x38;
	[tilespmem:$0x13400] =	vst v63  }
.Ltmp1:
0x11e: {  	_ = 	snop;
	(pc) =	sbr.rel @p1 .LBB2_6-.Ltmp1, $4  }
0x11f: {  	s19 =	sadd.s32 s5, s8  }
0x120: {  	[hbm4b:s19+s3] =	stream.linear.scatter [tilespmem:s29], [sflag:$0x3], $0x1000, $0x38;
	[tilespmem:$0x13400] =	vst v63  }
0x121: {  	s5 =	sadd.s32 s5, s9  }
0x122: {  	[hbm4b:s5+s3] =	stream.linear.scatter [tilespmem:s30], [sflag:$0x3], $0x1000, $0x38;
	[tilespmem:$0x13400] =	vst v63  }
.Ltmp2:
0x123: {  	(pc) =	sbr.rel .LBB2_7-.Ltmp2, $4  }
0x124: {  	_ = 	snop  }
0x125: {  	_ =	swait.ge [sflag:s31], $0x4000  }
0x126: {  	[sflag:s31] =	ssyncset.done $0x0  }
0x127: {  	[sflag:s31] =	ssyncadd.s32 $0xFFFFC000  }
.LBB2_6:
0x128: {  	s5 =	sshll.u32 s10, $0xA  }
0x129: {  	s5 =	sand.u32 $0x3FFFFC00, s5  }
0x12a: {  	s19 =	sadd.s32 $0x400, s5  }
0x12b: {  	[tilespmem:s15], [sflag:$0x1] =	stream.indirect.gather [hbm4b:s4+s14], $0x20, s19, s14, $0xb8;
	[tilespmem:$0x13400] =	vst v63  }
0x12c: {  	s19 =	sadd.s32 $0x480, s5  }
0x12d: {  	[tilespmem:s16], [sflag:$0x1] =	stream.indirect.gather [hbm4b:s4+s14], $0x20, s19, s14, $0xb8;
	[tilespmem:$0x13400] =	vst v63  }
0x12e: {  	s19 =	sadd.s32 $0x500, s5  }
0x12f: {  	[tilespmem:s18], [sflag:$0x1] =	stream.indirect.gather [hbm4b:s4+s14], $0x20, s19, s14, $0xb8;
	[tilespmem:$0x13400] =	vst v63  }
.Ltmp3:
0x130: {  	s5 =	sadd.s32 $0x580, s5;
	(pc) =	sbr.rel @p0 .LBB2_8-.Ltmp3, $4  }
0x131: {  	[tilespmem:s20], [sflag:$0x1] =	stream.indirect.gather [hbm4b:s4+s14], $0x20, s5, s14, $0xb8;
	[tilespmem:$0x13400] =	vst v63  }
0x132: {  	_ =	swait.ge [sflag:s31], $0x4000  }
0x133: {  	[sflag:s31] =	ssyncset.done $0x0  }
0x134: {  	[sflag:s31] =	ssyncadd.s32 $0xFFFFC000  }
.LBB2_7:
0x135: {  	_ =	swait.ge [sflag:s1], $0x4000  }
0x136: {  	[sflag:s1] =	ssyncset.done $0x0  }
0x137: {  	[sflag:s1] =	ssyncadd.s32 $0xFFFFC000  }
.LBB2_8:
0x138: {  	s19 =	simm.s32 $0x0  }
.LBB2_9:
0x139: {  	v63 =	vld [tilespmem:$0x1FEB0]  }
0x13a: {  	v54 =	vld [tilespmem:$0x1FEE0]  }
0x13b: {  	v55 =	vld [tilespmem:$0x1FEF0]  }
0x13c: {  	v56 =	vld [tilespmem:$0x1FF00]  }
0x13d: {  	v57 =	vld [tilespmem:$0x1FF10]  }
0x13e: {  	v58 =	vld [tilespmem:$0x1FF20]  }
0x13f: {  	v60 =	vld [tilespmem:$0x1FF30]  }
0x140: {  	v40 =	vld [tilespmem:$0x1FF40]  }
0x141: {  	v61 =	vld [tilespmem:$0x1FF50]  }
0x142: {  	v62 =	vld [tilespmem:$0x1FF60]  }
0x143: {  	v59 =	vld [tilespmem:$0x1FED0]  }
0x144: {  	v0 =	vld [tilespmem:$0x1FCD0]  }
0x145: {  	v52 =	vld [tilespmem:$0x1FCE0]  }
0x146: {  	v24 =	vld [tilespmem:$0x1FCF0]  }
0x147: {  	v25 =	vld [tilespmem:$0x1FD00]  }
0x148: {  	v26 =	vld [tilespmem:$0x1FD10]  }
0x149: {  	v27 =	vld [tilespmem:$0x1FD20]  }
0x14a: {  	v28 =	vld [tilespmem:$0x1FD30]  }
0x14b: {  	v29 =	vld [tilespmem:$0x1FD40]  }
0x14c: {  	v30 =	vld [tilespmem:$0x1FD50]  }
0x14d: {  	v31 =	vld [tilespmem:$0x1FD60]  }
0x14e: {  	v32 =	vld [tilespmem:$0x1FD70]  }
0x14f: {  	v33 =	vld [tilespmem:$0x1FD80]  }
0x150: {  	v34 =	vld [tilespmem:$0x1FD90]  }
0x151: {  	v35 =	vld [tilespmem:$0x1FF80]  }
0x152: {  	v36 =	vld [tilespmem:$0x1FF90]  }
0x153: {  	v37 =	vld [tilespmem:$0x1FFA0]  }
0x154: {  	v38 =	vld [tilespmem:$0x1FFB0]  }
0x155: {  	v41 =	vld [tilespmem:$0x1FFD0]  }
0x156: {  	v42 =	vld [tilespmem:$0x1FFE0]  }
0x157: {  	v43 =	vld [tilespmem:$0x1FEC0]  }
0x158: {  	v51 =	vld [tilespmem:$0x1FEA0]  }
0x159: {  	v45 =	vld [tilespmem:$0x1FE80]  }
0x15a: {  	v2 =	vadd.s32 s19, v13;
	v48 =	vld [tilespmem:$0x1FFF0]  }
0x15b: {  	v50 =	vld [tilespmem:$0x1FDA0];
	vm0 =	vlt.u32 v2, $0x20;
	v3 =	vadd.s32 s19, v63  }
0x15c: {  	v1 =	vld [tilespmem:$0x1FE90];
	v2 =	vsel vm0, v2, v3  }
0x15d: {  	v49 =	vld [tilespmem:$0x1FC40];
	v3 =	vadd.s32 v39, v2  }
0x15e: {  	v4 =	vadd.s32 v54, v2;
	v5 =	vadd.s32 v55, v2;
	v39 =	vld [tilespmem:$0x1FFC0]  }
0x15f: {  	v19 =	vadd.s32 v27, v2;
	v27 =	vadd.s32 v35, v2;
	v35 =	vadd.s32 v42, v2;
	v42 =	vld [tilespmem:$0x1FC10]  }
0x160: {  	v6 =	vadd.s32 v56, v2;
	v7 =	vadd.s32 v57, v2;
	v14 =	vadd.s32 v0, v2;
	v0 =	vld [tilespmem:$0x1FC20]  }
0x161: {  	v18 =	vadd.s32 v26, v2;
	v26 =	vadd.s32 v34, v2;
	v34 =	vadd.s32 v41, v2;
	v41 =	vld [tilespmem:$0x1FC30]  }
0x162: {  	v8 =	vadd.s32 v58, v2;
	v3 =	vld.idx.msk [tilespmem:v3+s21+$0x0], $0xffff  }
0x163: {  	v9 =	vadd.s32 v60, v2;
	v4 =	vld.idx.msk [tilespmem:v4+s21+$0x0], $0xffff  }
0x164: {  	v10 =	vadd.s32 v40, v2;
	v5 =	vld.idx.msk [tilespmem:v5+s21+$0x0], $0xffff  }
0x165: {  	v11 =	vadd.s32 v61, v2;
	v6 =	vld.idx.msk [tilespmem:v6+s21+$0x0], $0xffff  }
0x166: {  	v12 =	vadd.s32 v62, v2;
	v7 =	vld.idx.msk [tilespmem:v7+s21+$0x0], $0xffff  }
0x167: {  	v13 =	vadd.s32 v59, v2;
	v8 =	vld.idx.msk [tilespmem:v8+s21+$0x0], $0xffff  }
0x168: {  	v9 =	vld.idx.msk [tilespmem:v9+s21+$0x0], $0xffff  }
0x169: {  	v15 =	vadd.s32 v52, v2;
	v10 =	vld.idx.msk [tilespmem:v10+s21+$0x0], $0xffff  }
0x16a: {  	v16 =	vadd.s32 v24, v2;
	v11 =	vld.idx.msk [tilespmem:v11+s21+$0x0], $0xffff  }
0x16b: {  	v17 =	vadd.s32 v25, v2;
	v12 =	vld.idx.msk [tilespmem:v12+s21+$0x0], $0xffff  }
0x16c: {  	v13 =	vld.idx.msk [tilespmem:v13+s21+$0x0], $0xffff  }
0x16d: {  	v14 =	vld.idx.msk [tilespmem:v14+s21+$0x0], $0xffff  }
0x16e: {  	v20 =	vadd.s32 v28, v2;
	v15 =	vld.idx.msk [tilespmem:v15+s21+$0x0], $0xffff  }
0x16f: {  	v21 =	vadd.s32 v29, v2;
	v16 =	vld.idx.msk [tilespmem:v16+s21+$0x0], $0xffff  }
0x170: {  	v22 =	vadd.s32 v30, v2;
	v17 =	vld.idx.msk [tilespmem:v17+s21+$0x0], $0xffff  }
0x171: {  	v23 =	vadd.s32 v31, v2;
	v18 =	vld.idx.msk [tilespmem:v18+s21+$0x0], $0xffff  }
0x172: {  	v24 =	vadd.s32 v32, v2;
	v19 =	vld.idx.msk [tilespmem:v19+s21+$0x0], $0xffff  }
0x173: {  	v25 =	vadd.s32 v33, v2;
	v20 =	vld.idx.msk [tilespmem:v20+s21+$0x0], $0xffff  }
0x174: {  	v21 =	vld.idx.msk [tilespmem:v21+s21+$0x0], $0xffff  }
0x175: {  	v22 =	vld.idx.msk [tilespmem:v22+s21+$0x0], $0xffff  }
0x176: {  	v28 =	vadd.s32 v36, v2;
	v23 =	vld.idx.msk [tilespmem:v23+s21+$0x0], $0xffff  }
0x177: {  	v29 =	vadd.s32 v37, v2;
	v24 =	vld.idx.msk [tilespmem:v24+s21+$0x0], $0xffff  }
0x178: {  	v30 =	vadd.s32 v38, v2;
	v25 =	vld.idx.msk [tilespmem:v25+s21+$0x0], $0xffff  }
0x179: {  	v32 =	vshll.u32 v2, $0x9;
	v33 =	vshll.u32 v2, $0x7;
	v26 =	vld.idx.msk [tilespmem:v26+s21+$0x0], $0xffff  }
0x17a: {  	v32 =	vand.u32 $0xFFFFF000, v32;
	v33 =	vand.u32 $0x380, v33;
	v27 =	vld.idx.msk [tilespmem:v27+s21+$0x0], $0xffff  }
0x17b: {  	v44 =	vlaneseq.u32;
	v32 =	vor.u32 v33, v32;
	v31 =	vadd.s32 v39, v2;
	v28 =	vld.idx.msk [tilespmem:v28+s21+$0x0], $0xffff  }
0x17c: {  	v33 =	vor.u32 v44, v32;
	v29 =	vld.idx.msk [tilespmem:v29+s21+$0x0], $0xffff;
	v2 =	vadd.s32 v43, v2  }
0x17d: {  	v36 =	vor.u32 v51, v32;
	v30 =	vld.idx.msk [tilespmem:v30+s21+$0x0], $0xffff  }
0x17e: {  	v37 =	vor.u32 v45, v32;
	v34 =	vld.idx.msk [tilespmem:v34+s21+$0x0], $0xffff  }
0x17f: {  	v38 =	vor.u32 v48, v32;
	v35 =	vld.idx.msk [tilespmem:v35+s21+$0x0], $0xffff  }
0x180: {  	v46 =	vor.u32 v42, v32;
	v31 =	vld.idx.msk [tilespmem:v31+s21+$0x0], $0xffff  }
0x181: {  	v2 =	vld.idx.msk [tilespmem:v2+s21+$0x0], $0xffff;
	[tilespmem:v33+s0+$0x0] =	vst.idx.msk $0xffff, v3  }
0x182: {  	v47 =	vor.u32 v0, v32;
	v43 =	vld [tilespmem:$0x1FC50];
	[tilespmem:v36+s0+$0x0] =	vst.idx.msk $0xffff, v4  }
0x183: {  	v44 =	vld [tilespmem:$0x1FC60];
	v4 =	vor.u32 v50, v32;
	[tilespmem:v37+s0+$0x0] =	vst.idx.msk $0xffff, v5  }
0x184: {  	v45 =	vld [tilespmem:$0x1FC70];
	v53 =	vor.u32 v41, v32;
	[tilespmem:v38+s0+$0x0] =	vst.idx.msk $0xffff, v6  }
0x185: {  	v6 =	vor.u32 v1, v32;
	[tilespmem:v46+s0+$0x0] =	vst.idx.msk $0xffff, v7;
	v46 =	vld [tilespmem:$0x1FC80]  }
0x186: {  	v33 =	vor.u32 v49, v32  }
0x187: {  	v36 =	vor.u32 v43, v32;
	[tilespmem:v47+s0+$0x0] =	vst.idx.msk $0xffff, v8  }
0x188: {  	v37 =	vor.u32 v44, v32;
	v47 =	vld [tilespmem:$0x1FC90];
	[tilespmem:v4+s0+$0x0] =	vst.idx.msk $0xffff, v9  }
0x189: {  	v38 =	vor.u32 v45, v32;
	[tilespmem:v53+s0+$0x0] =	vst.idx.msk $0xffff, v10;
	v53 =	vld [tilespmem:$0x1FCA0]  }
0x18a: {  	v10 =	vld [tilespmem:$0x1FDB0];
	[tilespmem:v6+s0+$0x0] =	vst.idx.msk $0xffff, v11;
	v39 =	vor.u32 v46, v32  }
0x18b: {  	v11 =	vld [tilespmem:$0x1FDC0];
	[tilespmem:v33+s0+$0x0] =	vst.idx.msk $0xffff, v12  }
0x18c: {  	v33 =	vld [tilespmem:$0x1FE40];
	[tilespmem:v36+s0+$0x0] =	vst.idx.msk $0xffff, v13  }
0x18d: {  	v50 =	vor.u32 v47, v32;
	v36 =	vld [tilespmem:$0x1FE50];
	[tilespmem:v37+s0+$0x0] =	vst.idx.msk $0xffff, v14  }
0x18e: {  	v37 =	vld [tilespmem:$0x1FE60];
	v9 =	vor.u32 v53, v32;
	[tilespmem:v38+s0+$0x0] =	vst.idx.msk $0xffff, v15  }
0x18f: {  	v4 =	vor.u32 v10, v32;
	[tilespmem:v39+s0+$0x0] =	vst.idx.msk $0xffff, v16;
	v16 =	vld [tilespmem:$0x1FDD0]  }
0x190: {  	v14 =	vld [tilespmem:$0x1FCD0];
	v5 =	vor.u32 v11, v32  }
0x191: {  	v38 =	vld [tilespmem:$0x1FE70]  }
0x192: {  	[tilespmem:v50+s0+$0x0] =	vst.idx.msk $0xffff, v17;
	v17 =	vld [tilespmem:$0x1FDE0]  }
0x193: {  	[tilespmem:v9+s0+$0x0] =	vst.idx.msk $0xffff, v18;
	v18 =	vld [tilespmem:$0x1FDF0]  }
0x194: {  	v50 =	vld [tilespmem:$0x1FCB0];
	[tilespmem:v4+s0+$0x0] =	vst.idx.msk $0xffff, v19;
	v6 =	vor.u32 v16, v32  }
0x195: {  	[tilespmem:v5+s0+$0x0] =	vst.idx.msk $0xffff, v20;
	v20 =	vld [tilespmem:$0x1FE10]  }
0x196: {  	s5 =	sadd.s32 $0x1, s19;
	v1 =	vlaneseq.u32;
	v19 =	vld [tilespmem:$0x1FE00]  }
0x197: {  	v16 =	vadd.s32 s5, v1;
	v1 =	vld [tilespmem:$0x1FCC0]  }
0x198: {  	v7 =	vor.u32 v17, v32;
	v3 =	vor.u32 v18, v32;
	v18 =	vadd.s32 s5, v63;
	v63 =	vld [tilespmem:$0x1FC00]  }
0x199: {  	vm15 =	vlt.u32 v16, $0x20;
	[tilespmem:v6+s0+$0x0] =	vst.idx.msk $0xffff, v21;
	v21 =	vld [tilespmem:$0x1FE20]  }
0x19a: {  	v8 =	vsel vm15, v16, v18;
	v5 =	vor.u32 v20, v32;
	v20 =	vld [tilespmem:$0x1FF70]  }
0x19b: {  	v4 =	vor.u32 v19, v32;
	v15 =	vadd.s32 v52, v8;
	v52 =	vld [tilespmem:$0x1FFA0]  }
0x19c: {  	v13 =	vadd.s32 v59, v8;
	v59 =	vld [tilespmem:$0x1FFE0]  }
0x19d: {  	[tilespmem:v7+s0+$0x0] =	vst.idx.msk $0xffff, v22;
	v22 =	vld [tilespmem:$0x1FE30]  }
0x19e: {  	v9 =	vadd.s32 v60, v8;
	v60 =	vld [tilespmem:$0x1FEC0]  }
0x19f: {  	[tilespmem:v3+s0+$0x0] =	vst.idx.msk $0xffff, v23;
	v3 =	vor.u32 v33, v32;
	v33 =	vld [tilespmem:$0x1FD40]  }
0x1a0: {  	[tilespmem:v4+s0+$0x0] =	vst.idx.msk $0xffff, v24;
	v4 =	vor.u32 v36, v32;
	v36 =	vld [tilespmem:$0x1FD70];
	v6 =	vor.u32 v21, v32  }
0x1a1: {  	[tilespmem:v5+s0+$0x0] =	vst.idx.msk $0xffff, v25;
	v5 =	vor.u32 v37, v32;
	v37 =	vld [tilespmem:$0x1FD80]  }
0x1a2: {  	v21 =	vadd.s32 v54, v8;
	v54 =	vld [tilespmem:$0x1FFB0];
	v7 =	vor.u32 v22, v32  }
0x1a3: {  	v25 =	vadd.s32 v58, v8;
	v58 =	vld [tilespmem:$0x1FFD0]  }
0x1a4: {  	v39 =	vor.u32 v50, v32;
	v17 =	vor.u32 v1, v32;
	v22 =	vadd.s32 v55, v8;
	v55 =	vld [tilespmem:$0x1FFC0]  }
0x1a5: {  	v19 =	vor.u32 v63, v32;
	[tilespmem:v6+s0+$0x0] =	vst.idx.msk $0xffff, v26;
	v6 =	vor.u32 v38, v32;
	v32 =	vld [tilespmem:$0x1FD30]  }
0x1a6: {  	v38 =	vld [tilespmem:$0x1FD90]  }
0x1a7: {  	v26 =	vadd.s32 v40, v8;
	v40 =	vld [tilespmem:$0x1FF90];
	[tilespmem:v7+s0+$0x0] =	vst.idx.msk $0xffff, v27  }
0x1a8: {  	[tilespmem:v3+s0+$0x0] =	vst.idx.msk $0xffff, v28;
	v28 =	vld [tilespmem:$0x1FCF0]  }
0x1a9: {  	[tilespmem:v4+s0+$0x0] =	vst.idx.msk $0xffff, v29;
	v29 =	vld [tilespmem:$0x1FD00]  }
0x1aa: {  	[tilespmem:v5+s0+$0x0] =	vst.idx.msk $0xffff, v30;
	v30 =	vld [tilespmem:$0x1FD10]  }
0x1ab: {  	v5 =	vadd.s32 v20, v8;
	[tilespmem:v6+s0+$0x0] =	vst.idx.msk $0xffff, v31;
	v31 =	vld [tilespmem:$0x1FD20]  }
0x1ac: {  	[tilespmem:v39+s0+$0x0] =	vst.idx.msk $0xffff, v34;
	v34 =	vld [tilespmem:$0x1FD50]  }
0x1ad: {  	v39 =	vld [tilespmem:$0x1FF80]  }
0x1ae: {  	v23 =	vadd.s32 v56, v8;
	v24 =	vadd.s32 v57, v8;
	[tilespmem:v17+s0+$0x0] =	vst.idx.msk $0xffff, v35;
	v35 =	vld [tilespmem:$0x1FD60]  }
0x1af: {  	v16 =	vadd.s32 v28, v8;
	v28 =	vadd.s32 v40, v8;
	v40 =	vld [tilespmem:$0x1FE80];
	[tilespmem:v19+s0+$0x0] =	vst.idx.msk $0xffff, v2  }
0x1b0: {  	v4 =	vld.idx.msk [tilespmem:v5+s21+$0x0], $0xffff  }
0x1b1: {  	v6 =	vld.idx.msk [tilespmem:v21+s21+$0x0], $0xffff  }
0x1b2: {  	v7 =	vld.idx.msk [tilespmem:v22+s21+$0x0], $0xffff  }
0x1b3: {  	v27 =	vadd.s32 v61, v8;
	v3 =	vld.idx.msk [tilespmem:v23+s21+$0x0], $0xffff  }
0x1b4: {  	v12 =	vadd.s32 v62, v8;
	v2 =	vld.idx.msk [tilespmem:v24+s21+$0x0], $0xffff  }
0x1b5: {  	v5 =	vld.idx.msk [tilespmem:v25+s21+$0x0], $0xffff  }
0x1b6: {  	v14 =	vadd.s32 v14, v8;
	v9 =	vld.idx.msk [tilespmem:v9+s21+$0x0], $0xffff  }
0x1b7: {  	v10 =	vld.idx.msk [tilespmem:v26+s21+$0x0], $0xffff  }
0x1b8: {  	v11 =	vld.idx.msk [tilespmem:v27+s21+$0x0], $0xffff  }
0x1b9: {  	v12 =	vld.idx.msk [tilespmem:v12+s21+$0x0], $0xffff  }
0x1ba: {  	v20 =	vadd.s32 v32, v8;
	v13 =	vld.idx.msk [tilespmem:v13+s21+$0x0], $0xffff  }
0x1bb: {  	v14 =	vld.idx.msk [tilespmem:v14+s21+$0x0], $0xffff  }
0x1bc: {  	v57 =	vshll.u32 v8, $0x7;
	v15 =	vld.idx.msk [tilespmem:v15+s21+$0x0], $0xffff  }
0x1bd: {  	v17 =	vadd.s32 v29, v8;
	v18 =	vadd.s32 v30, v8;
	v30 =	vadd.s32 v54, v8;
	v54 =	vld [tilespmem:$0x1FDA0]  }
0x1be: {  	v29 =	vadd.s32 v52, v8;
	v21 =	vadd.s32 v33, v8;
	v33 =	vand.u32 $0x380, v57;
	v57 =	vld [tilespmem:$0x1FE90]  }
0x1bf: {  	v20 =	vld.idx.msk [tilespmem:v20+s21+$0x0], $0xffff  }
0x1c0: {  	v16 =	vld.idx.msk [tilespmem:v16+s21+$0x0], $0xffff  }
0x1c1: {  	v24 =	vadd.s32 v36, v8;
	v28 =	vld.idx.msk [tilespmem:v28+s21+$0x0], $0xffff  }
0x1c2: {  	v25 =	vadd.s32 v37, v8;
	v17 =	vld.idx.msk [tilespmem:v17+s21+$0x0], $0xffff  }
0x1c3: {  	v26 =	vadd.s32 v38, v8;
	v29 =	vld.idx.msk [tilespmem:v29+s21+$0x0], $0xffff  }
0x1c4: {  	v18 =	vld.idx.msk [tilespmem:v18+s21+$0x0], $0xffff  }
0x1c5: {  	v19 =	vadd.s32 v31, v8;
	v21 =	vld.idx.msk [tilespmem:v21+s21+$0x0], $0xffff  }
0x1c6: {  	v31 =	vadd.s32 v55, v8;
	v24 =	vld.idx.msk [tilespmem:v24+s21+$0x0], $0xffff  }
0x1c7: {  	v22 =	vadd.s32 v34, v8;
	v25 =	vld.idx.msk [tilespmem:v25+s21+$0x0], $0xffff  }
0x1c8: {  	v27 =	vadd.s32 v39, v8;
	v26 =	vld.idx.msk [tilespmem:v26+s21+$0x0], $0xffff  }
0x1c9: {  	v56 =	vshll.u32 v8, $0x9;
	v34 =	vadd.s32 v58, v8;
	v30 =	vld.idx.msk [tilespmem:v30+s21+$0x0], $0xffff  }
0x1ca: {  	v32 =	vand.u32 $0xFFFFF000, v56;
	v23 =	vadd.s32 v35, v8;
	v19 =	vld.idx.msk [tilespmem:v19+s21+$0x0], $0xffff  }
0x1cb: {  	v61 =	vlaneseq.u32;
	v32 =	vor.u32 v33, v32;
	v35 =	vadd.s32 v59, v8;
	v31 =	vld.idx.msk [tilespmem:v31+s21+$0x0], $0xffff  }
0x1cc: {  	v33 =	vor.u32 v61, v32;
	v8 =	vadd.s32 v60, v8;
	v22 =	vld.idx.msk [tilespmem:v22+s21+$0x0], $0xffff  }
0x1cd: {  	v62 =	vor.u32 v51, v32;
	v27 =	vld.idx.msk [tilespmem:v27+s21+$0x0], $0xffff  }
0x1ce: {  	v37 =	vor.u32 v40, v32;
	v34 =	vld.idx.msk [tilespmem:v34+s21+$0x0], $0xffff  }
0x1cf: {  	v48 =	vor.u32 v48, v32;
	v23 =	vld.idx.msk [tilespmem:v23+s21+$0x0], $0xffff  }
0x1d0: {  	v51 =	vor.u32 v42, v32;
	v35 =	vld.idx.msk [tilespmem:v35+s21+$0x0], $0xffff  }
0x1d1: {  	v52 =	vor.u32 v0, v32;
	v8 =	vld.idx.msk [tilespmem:v8+s21+$0x0], $0xffff;
	[tilespmem:v33+s0+$0x0] =	vst.idx.msk $0xffff, v4  }
0x1d2: {  	v55 =	vor.u32 v54, v32;
	[tilespmem:v62+s0+$0x0] =	vst.idx.msk $0xffff, v6  }
0x1d3: {  	v56 =	vor.u32 v41, v32;
	[tilespmem:v37+s0+$0x0] =	vst.idx.msk $0xffff, v7  }
0x1d4: {  	v58 =	vor.u32 v57, v32;
	[tilespmem:v48+s0+$0x0] =	vst.idx.msk $0xffff, v3  }
0x1d5: {  	v59 =	vor.u32 v49, v32;
	[tilespmem:v51+s0+$0x0] =	vst.idx.msk $0xffff, v2  }
0x1d6: {  	v60 =	vor.u32 v43, v32;
	[tilespmem:v52+s0+$0x0] =	vst.idx.msk $0xffff, v5  }
0x1d7: {  	v61 =	vor.u32 v44, v32;
	[tilespmem:v55+s0+$0x0] =	vst.idx.msk $0xffff, v9  }
0x1d8: {  	v62 =	vor.u32 v45, v32;
	[tilespmem:v56+s0+$0x0] =	vst.idx.msk $0xffff, v10  }
0x1d9: {  	[tilespmem:v58+s0+$0x0] =	vst.idx.msk $0xffff, v11  }
0x1da: {  	[tilespmem:v59+s0+$0x0] =	vst.idx.msk $0xffff, v12  }
0x1db: {  	[tilespmem:v60+s0+$0x0] =	vst.idx.msk $0xffff, v13  }
0x1dc: {  	[tilespmem:v61+s0+$0x0] =	vst.idx.msk $0xffff, v14;
	v14 =	vld [tilespmem:$0x1FDB0]  }
0x1dd: {  	[tilespmem:v62+s0+$0x0] =	vst.idx.msk $0xffff, v15;
	v15 =	vld [tilespmem:$0x1FDC0]  }
0x1de: {  	v37 =	vld [tilespmem:$0x1FDD0];
	v9 =	vor.u32 v46, v32  }
0x1df: {  	v40 =	vld [tilespmem:$0x1FDE0];
	v10 =	vor.u32 v47, v32  }
0x1e0: {  	v42 =	vld [tilespmem:$0x1FDF0];
	v11 =	vor.u32 v53, v32  }
0x1e1: {  	v44 =	vld [tilespmem:$0x1FE00];
	v33 =	vor.u32 v14, v32  }
0x1e2: {  	v46 =	vld [tilespmem:$0x1FE10];
	v36 =	vor.u32 v15, v32  }
0x1e3: {  	v48 =	vld [tilespmem:$0x1FE20];
	v38 =	vor.u32 v37, v32;
	[tilespmem:v9+s0+$0x0] =	vst.idx.msk $0xffff, v16  }
0x1e4: {  	v41 =	vor.u32 v40, v32;
	v51 =	vld [tilespmem:$0x1FE30];
	[tilespmem:v10+s0+$0x0] =	vst.idx.msk $0xffff, v17  }
0x1e5: {  	v43 =	vor.u32 v42, v32;
	v53 =	vld [tilespmem:$0x1FE40];
	[tilespmem:v11+s0+$0x0] =	vst.idx.msk $0xffff, v18  }
0x1e6: {  	v45 =	vor.u32 v44, v32;
	v55 =	vld [tilespmem:$0x1FE50];
	[tilespmem:v33+s0+$0x0] =	vst.idx.msk $0xffff, v19  }
0x1e7: {  	v57 =	vld [tilespmem:$0x1FE60];
	v47 =	vor.u32 v46, v32;
	[tilespmem:v36+s0+$0x0] =	vst.idx.msk $0xffff, v20  }
0x1e8: {  	v49 =	vor.u32 v48, v32;
	v59 =	vld [tilespmem:$0x1FE70];
	[tilespmem:v38+s0+$0x0] =	vst.idx.msk $0xffff, v21  }
0x1e9: {  	v52 =	vor.u32 v51, v32;
	[tilespmem:v41+s0+$0x0] =	vst.idx.msk $0xffff, v22  }
0x1ea: {  	v54 =	vor.u32 v53, v32;
	[tilespmem:v43+s0+$0x0] =	vst.idx.msk $0xffff, v23  }
0x1eb: {  	v56 =	vor.u32 v55, v32;
	[tilespmem:v45+s0+$0x0] =	vst.idx.msk $0xffff, v24  }
0x1ec: {  	v58 =	vor.u32 v57, v32;
	[tilespmem:v47+s0+$0x0] =	vst.idx.msk $0xffff, v25  }
0x1ed: {  	v60 =	vor.u32 v59, v32;
	[tilespmem:v49+s0+$0x0] =	vst.idx.msk $0xffff, v26  }
0x1ee: {  	v61 =	vor.u32 v50, v32;
	[tilespmem:v52+s0+$0x0] =	vst.idx.msk $0xffff, v27  }
0x1ef: {  	v62 =	vor.u32 v1, v32;
	[tilespmem:v54+s0+$0x0] =	vst.idx.msk $0xffff, v28  }
0x1f0: {  	p0 =	slt.u32 s19, $0x1E;
	v63 =	vor.u32 v63, v32;
	[tilespmem:v56+s0+$0x0] =	vst.idx.msk $0xffff, v29  }
.Ltmp4:
0x1f1: {  	[tilespmem:v58+s0+$0x0] =	vst.idx.msk $0xffff, v30;
	(pc) =	sbr.rel @p0 .LBB2_9-.Ltmp4, $4  }
0x1f2: {  	[tilespmem:v60+s0+$0x0] =	vst.idx.msk $0xffff, v31  }
0x1f3: {  	[tilespmem:v61+s0+$0x0] =	vst.idx.msk $0xffff, v34  }
0x1f4: {  	[tilespmem:v62+s0+$0x0] =	vst.idx.msk $0xffff, v35  }
0x1f5: {  	s19 =	sadd.s32 $0x2, s19;
	v39 =	vld [tilespmem:$0x1FF70];
	v13 =	vlaneseq.u32;
	[tilespmem:v63+s0+$0x0] =	vst.idx.msk $0xffff, v8  }
0x1f6: {  	s5 =	sshll.u32 s13, $0x13  }
0x1f7: {  	s5 =	sor.u32 s6, s5  }
0x1f8: {  	s5 =	sshrl.u32 s5, $0x3  }
0x1f9: {  	s10 =	sadd.s32 $0x1, s10;
	v52 =	vld [tilespmem:$0x1FF80];
	s19 =	sadd.s32 s2, s5  }
0x1fa: {  	v27 =	vld [tilespmem:$0x1FF90];
	[hbm4b:s19+s3] =	stream.linear.scatter [tilespmem:s0], [sflag:$0x4], $0x1000, $0x38  }
0x1fb: {  	v28 =	vld [tilespmem:$0x1FFA0];
	p0 =	sne.s32 s10, $0xD;
	s19 =	sadd.s32 s5, s7  }
0x1fc: {  	v29 =	vld [tilespmem:$0x1FFB0];
	[hbm4b:s19+s3] =	stream.linear.scatter [tilespmem:s11], [sflag:$0x4], $0x1000, $0x38  }
.Ltmp5:
0x1fd: {  	v30 =	vld [tilespmem:$0x1FFC0];
	(pc) =	sbr.rel @p0 .LBB2_2-.Ltmp5, $4  }
0x1fe: {  	v33 =	vld [tilespmem:$0x1FFD0];
	s19 =	sadd.s32 s5, s8  }
0x1ff: {  	v34 =	vld [tilespmem:$0x1FFE0];
	[hbm4b:s19+s3] =	stream.linear.scatter [tilespmem:s12], [sflag:$0x4], $0x1000, $0x38  }
0x200: {  	v59 =	vld [tilespmem:$0x1FEC0];
	s5 =	sadd.s32 s5, s9  }
0x201: {  	v37 =	vld [tilespmem:$0x1FFF0];
	[hbm4b:s5+s3] =	stream.linear.scatter [tilespmem:s17], [sflag:$0x4], $0x1000, $0x38  }
0x202: {  	s5 =	simm.s32 $0x3  }
0x203: {  	_ =	swait.ge [sflag:s5], $0x4000  }
0x204: {  	[sflag:s5] =	ssyncset.done $0x0  }
0x205: {  	[sflag:s5] =	ssyncadd.s32 $0xFFFFC000  }
0x206: {  	_ =	swait.ge [sflag:s1], $0x4000  }
0x207: {  	s10 =	rddreg [dreg:$0x5]  }
0x208: {  	s19 =	rddreg [dreg:$0x4];
	s10 =	sadd.s32 $0x1, s10  }
0x209: {  	p0 =	sne.s32 s10, s19  }
.Ltmp6:
0x20a: {  	_ = 	snop;
	(pc) =	sbr.rel @p0 .LBB2_1-.Ltmp6, $3  }
0x20b: {  	_ =	sdelay $0x1  }
0x20c: {  	[sflag:s1] =	ssyncset.done $0x0  }
0x20d: {  	[sflag:s1] =	ssyncadd.s32 $0xFFFFC000  }
0x20e: {  	_ =	sfence.sel $0x180000  }
0x20f: {  	[bflag:$0x0] =	sbarrier.arrive $0xFFFF  }
0x210: {  	_ =	strace $0x9000004A  }
0x211: {  	s0 =	stileid.u32;
	[bflag:$0x2] =	sbarrier.arrive $0xFFFF  }
0x212: {  	p0 =	sne.s32 s0, $0x0;
	s0 =	rddreg [dreg:$0x2]  }
0x213: {  	s0 =	sadd.s32 @!p0 $0x100000, s0  }
0x214: {  	[sflag:s0] =	ssyncadd.tile.s32 @!p0 $0x1;
	_ =	shalt  }
.Lfunc_end2:
_tile_overlayer_lowered:
.L_overlay_start_2:
0x215: {  	(tag) =	ssettag $0x2  }
0x216: {  	s0 =	rddreg [dreg:$0x0];
	s2 =	stileid.u32  }
0x217: {  	s1 =	rddreg [dreg:$0x1];
	p0 =	sne.s32 s2, $0x0  }
0x218: {  	s3 =	rddreg [dreg:$0x2];
	[bflag:$0x3] =	sbarrier.arrive $0xFFFF;
	s2 =	simm.s32 @!p0 $0x1C05  }
0x219: {  	[timem:s3], [sflag:s2] =	dma.local @!p0 [hbm:s0], s1  }
0x21a: {  	s0 =	simm.s32 @!p0 $0x5  }
0x21b: {  	_ =	swait.ge @!p0 [sflag:s0], s1  }
0x21c: {  	s1 =	ssub.s32 @!p0 $0x0, s1;
	[sflag:s0] =	ssyncset.done @!p0 $0x0  }
0x21d: {  	[sflag:s0] =	ssyncadd.s32 @!p0 s1  }
0x21e: {  	[bflag:$0x3] =	sbarrier.arrive $0xFFFF  }
0x21f: {  	_ =	shalt  }

</sc_bundles>
